<compile_context>
chip_gen: v7x
topology: tpu7x:2x2x1
jax: 0.10.2.dev20260603
libtpu: 0.0.44.dev20260713+nightly
codegen_flags: <defaults>
</compile_context>

<pallas_src>
import functools

import jax
import jax.numpy as jnp
from jax import lax
from jax.experimental import pallas as pl
from jax.experimental.pallas import tpu as pltpu
from jax.experimental.pallas import tpu_sc as plsc

N = 10000
D = 128
CHUNK = 128
NC = 2
NS = 16
NW = NC * NS
N_PAD = 10112
RPT = N_PAD // NS

_mesh = plsc.VectorSubcoreMesh(core_axis_name="c", subcore_axis_name="s")


def _fill(ref, rows, width, value):
    vec = jnp.full((16,), value, jnp.float32)

    def row(i, _):
        for j in range(width // 16):
            ref[i, pl.ds(16 * j, 16)] = vec
        return 0

    lax.fori_loop(0, rows, row, 0)


def _zero_spmem_slice(sh_ref, zbuf, base, rows, width):
    full, rem = rows // 128, rows % 128
    for k in range(full):
        pltpu.sync_copy(zbuf, sh_ref.at[pl.ds(base + 128 * k, 128)])
    if rem:
        pltpu.sync_copy(zbuf.at[pl.ds(0, rem)],
                        sh_ref.at[pl.ds(base + 128 * full, rem)])


def _make_deg_kernel(cpt):

    @functools.partial(
        pl.kernel,
        mesh=_mesh,
        out_type=jax.ShapeDtypeStruct((NC, N_PAD, D), jnp.float32),
        scratch_types=[
            pltpu.VMEM((cpt, CHUNK), jnp.int32),
            pltpu.VMEM((CHUNK, D), jnp.float32),
            pltpu.VMEM_SHARED((N_PAD, D), jnp.float32),
        ],
    )
    def deg_kernel(dst_hbm, out_hbm, dstv, buf, deg_sh):
        cid = lax.axis_index("c")
        sid = lax.axis_index("s")
        wid = sid * NC + cid
        base = sid * RPT
        pltpu.sync_copy(dst_hbm.at[pl.ds(wid * cpt, cpt)], dstv)
        _fill(buf, CHUNK, D, 0.0)
        _zero_spmem_slice(deg_sh, buf, base, RPT, D)
        _fill(buf, CHUNK, D, 1.0)
        plsc.subcore_barrier()

        def body(j, _):
            pltpu.sync_copy(buf, deg_sh.at[dstv.at[j]], add=True)
            return 0

        lax.fori_loop(0, cpt, body, 0)
        plsc.subcore_barrier()
        pltpu.sync_copy(deg_sh.at[pl.ds(base, RPT)],
                        out_hbm.at[cid, pl.ds(base, RPT)])

    return deg_kernel


def _make_agg_kernel(cpt):

    IDXB = 16
    assert cpt % IDXB == 0
    nblk = cpt // IDXB

    @functools.partial(
        pl.kernel,
        mesh=_mesh,
        out_type=jax.ShapeDtypeStruct((NC, N_PAD, D), jnp.float32),
        scratch_types=[
            pltpu.VMEM((2, 2, IDXB, CHUNK), jnp.int32),
            pltpu.VMEM((2, CHUNK, D), jnp.float32),
            pltpu.VMEM_SHARED((N_PAD, D), jnp.float32),
            pltpu.SemaphoreType.DMA,
            pltpu.SemaphoreType.DMA,
            pltpu.SemaphoreType.DMA,
            pltpu.SemaphoreType.DMA,
            pltpu.SemaphoreType.DMA,
        ],
    )
    def agg_kernel(y_hbm, src_hbm, dst_hbm, out_hbm, idxv, rows, z_sh,
                   sem_i, sem_g0, sem_g1, sem_s0, sem_s1):
        cid = lax.axis_index("c")
        sid = lax.axis_index("s")
        wid = sid * NC + cid
        base = sid * RPT
        gsem = (sem_g0, sem_g1)
        ssem = (sem_s0, sem_s1)

        def iload(blk, p):
            start = wid * cpt + blk * IDXB
            pltpu.async_copy(src_hbm.at[pl.ds(start, IDXB)], idxv.at[p, 0],
                             sem_i)
            pltpu.async_copy(dst_hbm.at[pl.ds(start, IDXB)], idxv.at[p, 1],
                             sem_i)

        def iwait(blk, p):
            start = wid * cpt + blk * IDXB
            pltpu.make_async_copy(src_hbm.at[pl.ds(start, IDXB)],
                                  idxv.at[p, 0], sem_i).wait()
            pltpu.make_async_copy(dst_hbm.at[pl.ds(start, IDXB)],
                                  idxv.at[p, 1], sem_i).wait()

        def swait(b):
            pltpu.make_async_copy(rows.at[b], z_sh.at[idxv.at[0, 1, 0]],
                                  ssem[b]).wait()

        iload(0, 0)
        _fill(rows.at[0], CHUNK, D, 0.0)
        _zero_spmem_slice(z_sh, rows.at[0], base, RPT, D)
        plsc.subcore_barrier()

        def blk_body(blk, _):
            p = blk % 2
            iwait(blk, p)

            @pl.when(blk + 1 < nblk)
            def _():
                iload(blk + 1, 1 - p)

            @pl.when(blk > 0)
            def _():
                swait(0)
            pltpu.async_copy(y_hbm.at[idxv.at[p, 0, 0]], rows.at[0], sem_g0)
            for jj in range(IDXB):
                b = jj % 2
                if jj + 1 < IDXB:
                    if jj == 0:
                        @pl.when(blk > 0)
                        def _():
                            swait(1)
                    else:
                        swait(1 - b)
                    pltpu.async_copy(y_hbm.at[idxv.at[p, 0, jj + 1]],
                                     rows.at[1 - b], gsem[1 - b])
                pltpu.make_async_copy(y_hbm.at[idxv.at[p, 0, jj]],
                                      rows.at[b], gsem[b]).wait()
                pltpu.async_copy(rows.at[b], z_sh.at[idxv.at[p, 1, jj]],
                                 ssem[b], add=True)
            return 0

        lax.fori_loop(0, nblk, blk_body, 0)
        swait(0)
        swait(1)
        plsc.subcore_barrier()
        pltpu.sync_copy(z_sh.at[pl.ds(base, RPT)],
                        out_hbm.at[cid, pl.ds(base, RPT)])

    return agg_kernel


def _mm_body(x_ref, w_ref, o_ref):
    o_ref[...] = jnp.dot(x_ref[...], w_ref[...],
                         preferred_element_type=jnp.float32)


def _scale_body(xw_ref, deg_ref, y_ref, dinv_ref):
    deg = deg_ref[0, :, 0:1] + deg_ref[1, :, 0:1] + 1.0
    dinv = lax.rsqrt(deg)[:N]
    dinv_ref[...] = dinv
    y_ref[...] = xw_ref[...] * dinv


def _mid_body(z_ref, y_ref, dinv_ref, w_ref, b_ref, o_ref):
    dinv = dinv_ref[...]
    z = z_ref[0, :N, :] + z_ref[1, :N, :] + y_ref[...]
    h = jnp.maximum(z * dinv + b_ref[...], 0.0)
    o_ref[...] = jnp.dot(h, w_ref[...],
                         preferred_element_type=jnp.float32) * dinv


def _fin_body(z_ref, y_ref, dinv_ref, b_ref, o_ref):
    z = z_ref[0, :N, :] + z_ref[1, :N, :] + y_ref[...]
    o_ref[...] = z * dinv_ref[...] + b_ref[...]


def kernel(x, edge_index, W1, b1, W2, b2):
    src = edge_index[0].astype(jnp.int32)
    dst = edge_index[1].astype(jnp.int32)
    E = src.shape[0]
    cpt = -(-E // (NW * CHUNK))
    cpt = -(-cpt // 8) * 8
    E_pad = cpt * NW * CHUNK
    pad = E_pad - E
    pad_idx = jnp.arange(pad, dtype=jnp.int32)
    src_p = jnp.concatenate([src, pad_idx % N])
    dst_p = jnp.concatenate([dst, N + pad_idx % (N_PAD - N)])
    src_p = src_p.reshape(NW * cpt, CHUNK)
    dst_p = dst_p.reshape(NW * cpt, CHUNK)

    degpart = _make_deg_kernel(cpt)(dst_p)
    agg = _make_agg_kernel(cpt)

    f32 = jnp.float32
    xw1 = pl.pallas_call(
        _mm_body, out_shape=jax.ShapeDtypeStruct((N, D), f32),
    )(x, W1)
    y1, dinv = pl.pallas_call(
        _scale_body,
        out_shape=(jax.ShapeDtypeStruct((N, D), f32),
                   jax.ShapeDtypeStruct((N, 1), f32)),
    )(xw1, degpart)
    z1 = agg(y1, src_p, dst_p)
    y2 = pl.pallas_call(
        _mid_body, out_shape=jax.ShapeDtypeStruct((N, D), f32),
    )(z1, y1, dinv, W2, b1.reshape(1, D))
    z2 = agg(y2, src_p, dst_p)
    out = pl.pallas_call(
        _fin_body, out_shape=jax.ShapeDtypeStruct((N, D), f32),
    )(z2, y2, dinv, b2.reshape(1, D))
    return out

# --- scband reference (transcript-rebuilt; emitter-appended) ---
"""Pipeline reference for scband-gcn-57114475102223 (READ-ONLY COPY).

The authoritative reference and input builder live on the scoring server;
editing this copy changes nothing except your own understanding.
"""

import jax, jax.numpy as jnp
import numpy as np

N_NODES = 10000


def gcn_conv(x, edge_index, W, b):
    N = x.shape[0]
    src = edge_index[0]
    dst = edge_index[1]
    # add self-loops (PyG GCNConv default)
    loop = jnp.arange(N, dtype=edge_index.dtype)
    src = jnp.concatenate([src, loop])
    dst = jnp.concatenate([dst, loop])
    # linear transform first (PyG order)
    xw = x @ W
    # symmetric normalization deg^-1/2 A deg^-1/2 (deg computed on dst incl. self-loops)
    deg = jnp.zeros((N,), dtype=x.dtype).at[dst].add(1.0)
    dinv = jnp.where(deg > 0, deg ** -0.5, 0.0)
    norm = dinv[src] * dinv[dst]
    msgs = xw[src] * norm[:, None]
    out = jnp.zeros_like(xw).at[dst].add(msgs)
    return out + b


def setup_inputs(seed: int = 0) -> dict:
    key = jax.random.key(seed)
    k1, k2, k3, k4, k5, k6 = jax.random.split(key, 6)
    x = jax.random.normal(k1, (N_NODES, 128), dtype=jnp.float32)
    edge_index = jax.random.randint(k2, (2, 320000), 0, N_NODES, dtype=jnp.int64)
    s1 = 1.0 / np.sqrt(128.0)
    W1 = jax.random.uniform(k3, (128, 128), dtype=jnp.float32, minval=-s1, maxval=s1)
    b1 = jax.random.uniform(k4, (128,), dtype=jnp.float32, minval=-s1, maxval=s1)
    W2 = jax.random.uniform(k5, (128, 128), dtype=jnp.float32, minval=-s1, maxval=s1)
    b2 = jax.random.uniform(k6, (128,), dtype=jnp.float32, minval=-s1, maxval=s1)
    return {"x": x, "edge_index": edge_index, "W1": W1, "b1": b1, "W2": W2, "b2": b2}


def reference(x, edge_index, W1, b1, W2, b2):
    h = jax.nn.relu(gcn_conv(x, edge_index, W1, b1))
    out = gcn_conv(h, edge_index, W2, b2)
    return out

if __name__ == "__main__":
    import jax
    _d = setup_inputs()
    print(jax.jit(kernel)(*tuple(_d.values())))

</pallas_src>

<mosaic_0001>
#map = affine_map<(d0, d1) -> (0, 0)>
#map1 = affine_map<(d0, d1) -> (0, 0, 0)>
module attributes {stable_mosaic.version = 14 : i64} {
  func.func @agg_kernel(%arg0: i32, %arg1: i32, %arg2: memref<10000x128xf32, #tpu.memory_space<hbm>>, %arg3: memref<2560x128xi32, #tpu.memory_space<hbm>>, %arg4: memref<2560x128xi32, #tpu.memory_space<hbm>>, %arg5: memref<2x10112x128xf32, #tpu.memory_space<hbm>>, %arg6: memref<2x2x16x128xi32, #tpu.memory_space<vmem>>, %arg7: memref<2x128x128xf32, #tpu.memory_space<vmem>>, %arg8: memref<10112x128xf32, #tpu.memory_space<vmem_shared>>, %arg9: memref<!tpu.dma_semaphore, #tpu.memory_space<semaphore_mem>>, %arg10: memref<!tpu.dma_semaphore, #tpu.memory_space<semaphore_mem>>, %arg11: memref<!tpu.dma_semaphore, #tpu.memory_space<semaphore_mem>>, %arg12: memref<!tpu.dma_semaphore, #tpu.memory_space<semaphore_mem>>, %arg13: memref<!tpu.dma_semaphore, #tpu.memory_space<semaphore_mem>>) attributes {dimension_semantics = [#tpu.dimension_semantics<core_parallel>, #tpu.dimension_semantics<subcore_parallel>], iteration_bounds = array<i64: 2, 16>, scalar_prefetch = 0 : i64, scratch_operands = 8 : i64, tpu.core_type = #tpu.core_type<sc_vector_subcore>, window_params = [{transform_indices = #map}, {transform_indices = #map}, {transform_indices = #map}, {transform_indices = #map1}]} {
    %mul3A = arith.constant 2 : i32
    %mul3A_0 = arith.muli %arg1, %mul3A : i32
    %add3A = arith.addi %mul3A_0, %arg0 : i32
    %mul3A_1 = arith.constant 632 : i32
    %mul3A_2 = arith.muli %arg1, %mul3A_1 : i32
    %mul3A_3 = arith.constant 80 : i32
    %mul3A_4 = arith.muli %add3A, %mul3A_3 : i32
    %add3A_5 = arith.constant 0 : i32
    %add3A_6 = arith.addi %mul3A_4, %add3A_5 : i32
    %dma_start3A = arith.constant 0 : i32
    %dma_start3A_7 = arith.constant 0 : i32
    %dma_start3A_8 = arith.constant 0 : i32
    %dma_start3A_9 = arith.constant 0 : i32
    %dma_start3A_10 = tpu.memref_slice %arg6[%dma_start3A, %dma_start3A_7, %dma_start3A_8, %dma_start3A_9] : memref<2x2x16x128xi32, #tpu.memory_space<vmem>> -> memref<1x1x16x128xi32, #tpu.memory_space<vmem>>
    %dma_start3A_11 = tpu.memref_squeeze %dma_start3A_10 : memref<1x1x16x128xi32, #tpu.memory_space<vmem>> -> memref<16x128xi32, #tpu.memory_space<vmem>>
    %dma_start3A_12 = arith.constant 0 : i32
    %dma_start3A_13 = tpu.memref_slice %arg3[%add3A_6, %dma_start3A_12] : memref<2560x128xi32, #tpu.memory_space<hbm>> -> memref<16x128xi32, #tpu.memory_space<hbm>>
    %dma_start3A_14 = arith.constant 0 : i32
    %dma_start3A_15 = arith.constant 0 : i32
    %dma_start3A_16 = tpu.memref_slice %arg6[%dma_start3A, %dma_start3A_7, %dma_start3A_14, %dma_start3A_15] : memref<2x2x16x128xi32, #tpu.memory_space<vmem>> -> memref<1x1x16x128xi32, #tpu.memory_space<vmem>>
    %dma_start3A_17 = tpu.memref_squeeze %dma_start3A_16 : memref<1x1x16x128xi32, #tpu.memory_space<vmem>> -> memref<16x128xi32, #tpu.memory_space<vmem>>
    %dma_start3A_18 = arith.constant 0 : i32
    %dma_start3A_19 = tpu.memref_slice %arg3[%add3A_6, %dma_start3A_18] : memref<2560x128xi32, #tpu.memory_space<hbm>> -> memref<16x128xi32, #tpu.memory_space<hbm>>
    tpu.enqueue_dma source(%dma_start3A_19 : memref<16x128xi32, #tpu.memory_space<hbm>>) target(%dma_start3A_17 : memref<16x128xi32, #tpu.memory_space<vmem>>) target_semaphore(%arg9 : memref<!tpu.dma_semaphore, #tpu.memory_space<semaphore_mem>>)
    %dma_start3A_20 = arith.constant 0 : i32
    %dma_start3A_21 = arith.constant 1 : i32
    %dma_start3A_22 = arith.constant 0 : i32
    %dma_start3A_23 = arith.constant 0 : i32
    %dma_start3A_24 = tpu.memref_slice %arg6[%dma_start3A_20, %dma_start3A_21, %dma_start3A_22, %dma_start3A_23] : memref<2x2x16x128xi32, #tpu.memory_space<vmem>> -> memref<1x1x16x128xi32, #tpu.memory_space<vmem>>
    %dma_start3A_25 = tpu.memref_squeeze %dma_start3A_24 : memref<1x1x16x128xi32, #tpu.memory_space<vmem>> -> memref<16x128xi32, #tpu.memory_space<vmem>>
    %dma_start3A_26 = arith.constant 0 : i32
    %dma_start3A_27 = tpu.memref_slice %arg4[%add3A_6, %dma_start3A_26] : memref<2560x128xi32, #tpu.memory_space<hbm>> -> memref<16x128xi32, #tpu.memory_space<hbm>>
    %dma_start3A_28 = arith.constant 0 : i32
    %dma_start3A_29 = arith.constant 0 : i32
    %dma_start3A_30 = tpu.memref_slice %arg6[%dma_start3A_20, %dma_start3A_21, %dma_start3A_28, %dma_start3A_29] : memref<2x2x16x128xi32, #tpu.memory_space<vmem>> -> memref<1x1x16x128xi32, #tpu.memory_space<vmem>>
    %dma_start3A_31 = tpu.memref_squeeze %dma_start3A_30 : memref<1x1x16x128xi32, #tpu.memory_space<vmem>> -> memref<16x128xi32, #tpu.memory_space<vmem>>
    %dma_start3A_32 = arith.constant 0 : i32
    %dma_start3A_33 = tpu.memref_slice %arg4[%add3A_6, %dma_start3A_32] : memref<2560x128xi32, #tpu.memory_space<hbm>> -> memref<16x128xi32, #tpu.memory_space<hbm>>
    tpu.enqueue_dma source(%dma_start3A_33 : memref<16x128xi32, #tpu.memory_space<hbm>>) target(%dma_start3A_31 : memref<16x128xi32, #tpu.memory_space<vmem>>) target_semaphore(%arg9 : memref<!tpu.dma_semaphore, #tpu.memory_space<semaphore_mem>>)
    %broadcast_in_dim3A = arith.constant 0.000000e+00 : f32
    %broadcast_in_dim3A_34 = vector.broadcast %broadcast_in_dim3A : f32 to vector<16xf32>
    %scan3A = arith.constant 0 : i32
    %scan3A_35 = arith.constant 0 : i32
    %scan3A_36 = arith.constant 0 : i32
    %scan3A_37 = arith.constant 128 : i32
    %scan3A_38 = arith.addi %scan3A_36, %scan3A_37 : i32
    %scan3A_39 = arith.constant 1 : i32
    %scan3A_40 = scf.for %scan3A_91 = %scan3A_36 to %scan3A_38 step %scan3A_39 iter_args(%scan3A_92 = %scan3A_35) -> (i32)  : i32 {
      %swap3A = arith.constant 0 : i32
      %swap3A_93 = arith.constant 0 : i32
      %swap3A_94 = tpu.memref_slice %arg7[%scan3A, %swap3A, %swap3A_93] : memref<2x128x128xf32, #tpu.memory_space<vmem>> -> memref<1x128x128xf32, #tpu.memory_space<vmem>>
      %swap3A_95 = tpu.memref_squeeze %swap3A_94 : memref<1x128x128xf32, #tpu.memory_space<vmem>> -> memref<128x128xf32, #tpu.memory_space<vmem>>
      %swap3A_96 = arith.index_cast %scan3A_91 : i32 to index
      %swap3A_97 = arith.constant 0 : index
      %swap3A_98 = tpu.vector_load %swap3A_95[%swap3A_96, %swap3A_97] {strides = array<i32>} : memref<128x128xf32, #tpu.memory_space<vmem>>, vector<1x16xf32>,
      %swap3A_99 = vector.shape_cast %swap3A_98 : vector<1x16xf32> to vector<16xf32>
      %swap3A_100 = vector.shape_cast %broadcast_in_dim3A_34 : vector<16xf32> to vector<1x16xf32>
      tpu.vector_store %swap3A_95[%swap3A_96, %swap3A_97], %swap3A_100 {strides = array<i32>} : memref<128x128xf32, #tpu.memory_space<vmem>>, vector<1x16xf32>,
      %swap3A_101 = arith.constant 0 : i32
      %swap3A_102 = arith.constant 0 : i32
      %swap3A_103 = tpu.memref_slice %arg7[%scan3A, %swap3A_101, %swap3A_102] : memref<2x128x128xf32, #tpu.memory_space<vmem>> -> memref<1x128x128xf32, #tpu.memory_space<vmem>>
      %swap3A_104 = tpu.memref_squeeze %swap3A_103 : memref<1x128x128xf32, #tpu.memory_space<vmem>> -> memref<128x128xf32, #tpu.memory_space<vmem>>
      %swap3A_105 = arith.index_cast %scan3A_91 : i32 to index
      %swap3A_106 = arith.constant 16 : index
      %swap3A_107 = tpu.vector_load %swap3A_104[%swap3A_105, %swap3A_106] {strides = array<i32>} : memref<128x128xf32, #tpu.memory_space<vmem>>, vector<1x16xf32>,
      %swap3A_108 = vector.shape_cast %swap3A_107 : vector<1x16xf32> to vector<16xf32>
      %swap3A_109 = vector.shape_cast %broadcast_in_dim3A_34 : vector<16xf32> to vector<1x16xf32>
      tpu.vector_store %swap3A_104[%swap3A_105, %swap3A_106], %swap3A_109 {strides = array<i32>} : memref<128x128xf32, #tpu.memory_space<vmem>>, vector<1x16xf32>,
      %swap3A_110 = arith.constant 0 : i32
      %swap3A_111 = arith.constant 0 : i32
      %swap3A_112 = tpu.memref_slice %arg7[%scan3A, %swap3A_110, %swap3A_111] : memref<2x128x128xf32, #tpu.memory_space<vmem>> -> memref<1x128x128xf32, #tpu.memory_space<vmem>>
      %swap3A_113 = tpu.memref_squeeze %swap3A_112 : memref<1x128x128xf32, #tpu.memory_space<vmem>> -> memref<128x128xf32, #tpu.memory_space<vmem>>
      %swap3A_114 = arith.index_cast %scan3A_91 : i32 to index
      %swap3A_115 = arith.constant 32 : index
      %swap3A_116 = tpu.vector_load %swap3A_113[%swap3A_114, %swap3A_115] {strides = array<i32>} : memref<128x128xf32, #tpu.memory_space<vmem>>, vector<1x16xf32>,
      %swap3A_117 = vector.shape_cast %swap3A_116 : vector<1x16xf32> to vector<16xf32>
      %swap3A_118 = vector.shape_cast %broadcast_in_dim3A_34 : vector<16xf32> to vector<1x16xf32>
      tpu.vector_store %swap3A_113[%swap3A_114, %swap3A_115], %swap3A_118 {strides = array<i32>} : memref<128x128xf32, #tpu.memory_space<vmem>>, vector<1x16xf32>,
      %swap3A_119 = arith.constant 0 : i32
      %swap3A_120 = arith.constant 0 : i32
      %swap3A_121 = tpu.memref_slice %arg7[%scan3A, %swap3A_119, %swap3A_120] : memref<2x128x128xf32, #tpu.memory_space<vmem>> -> memref<1x128x128xf32, #tpu.memory_space<vmem>>
      %swap3A_122 = tpu.memref_squeeze %swap3A_121 : memref<1x128x128xf32, #tpu.memory_space<vmem>> -> memref<128x128xf32, #tpu.memory_space<vmem>>
      %swap3A_123 = arith.index_cast %scan3A_91 : i32 to index
      %swap3A_124 = arith.constant 48 : index
      %swap3A_125 = tpu.vector_load %swap3A_122[%swap3A_123, %swap3A_124] {strides = array<i32>} : memref<128x128xf32, #tpu.memory_space<vmem>>, vector<1x16xf32>,
      %swap3A_126 = vector.shape_cast %swap3A_125 : vector<1x16xf32> to vector<16xf32>
      %swap3A_127 = vector.shape_cast %broadcast_in_dim3A_34 : vector<16xf32> to vector<1x16xf32>
      tpu.vector_store %swap3A_122[%swap3A_123, %swap3A_124], %swap3A_127 {strides = array<i32>} : memref<128x128xf32, #tpu.memory_space<vmem>>, vector<1x16xf32>,
      %swap3A_128 = arith.constant 0 : i32
      %swap3A_129 = arith.constant 0 : i32
      %swap3A_130 = tpu.memref_slice %arg7[%scan3A, %swap3A_128, %swap3A_129] : memref<2x128x128xf32, #tpu.memory_space<vmem>> -> memref<1x128x128xf32, #tpu.memory_space<vmem>>
      %swap3A_131 = tpu.memref_squeeze %swap3A_130 : memref<1x128x128xf32, #tpu.memory_space<vmem>> -> memref<128x128xf32, #tpu.memory_space<vmem>>
      %swap3A_132 = arith.index_cast %scan3A_91 : i32 to index
      %swap3A_133 = arith.constant 64 : index
      %swap3A_134 = tpu.vector_load %swap3A_131[%swap3A_132, %swap3A_133] {strides = array<i32>} : memref<128x128xf32, #tpu.memory_space<vmem>>, vector<1x16xf32>,
      %swap3A_135 = vector.shape_cast %swap3A_134 : vector<1x16xf32> to vector<16xf32>
      %swap3A_136 = vector.shape_cast %broadcast_in_dim3A_34 : vector<16xf32> to vector<1x16xf32>
      tpu.vector_store %swap3A_131[%swap3A_132, %swap3A_133], %swap3A_136 {strides = array<i32>} : memref<128x128xf32, #tpu.memory_space<vmem>>, vector<1x16xf32>,
      %swap3A_137 = arith.constant 0 : i32
      %swap3A_138 = arith.constant 0 : i32
      %swap3A_139 = tpu.memref_slice %arg7[%scan3A, %swap3A_137, %swap3A_138] : memref<2x128x128xf32, #tpu.memory_space<vmem>> -> memref<1x128x128xf32, #tpu.memory_space<vmem>>
      %swap3A_140 = tpu.memref_squeeze %swap3A_139 : memref<1x128x128xf32, #tpu.memory_space<vmem>> -> memref<128x128xf32, #tpu.memory_space<vmem>>
      %swap3A_141 = arith.index_cast %scan3A_91 : i32 to index
      %swap3A_142 = arith.constant 80 : index
      %swap3A_143 = tpu.vector_load %swap3A_140[%swap3A_141, %swap3A_142] {strides = array<i32>} : memref<128x128xf32, #tpu.memory_space<vmem>>, vector<1x16xf32>,
      %swap3A_144 = vector.shape_cast %swap3A_143 : vector<1x16xf32> to vector<16xf32>
      %swap3A_145 = vector.shape_cast %broadcast_in_dim3A_34 : vector<16xf32> to vector<1x16xf32>
      tpu.vector_store %swap3A_140[%swap3A_141, %swap3A_142], %swap3A_145 {strides = array<i32>} : memref<128x128xf32, #tpu.memory_space<vmem>>, vector<1x16xf32>,
      %swap3A_146 = arith.constant 0 : i32
      %swap3A_147 = arith.constant 0 : i32
      %swap3A_148 = tpu.memref_slice %arg7[%scan3A, %swap3A_146, %swap3A_147] : memref<2x128x128xf32, #tpu.memory_space<vmem>> -> memref<1x128x128xf32, #tpu.memory_space<vmem>>
      %swap3A_149 = tpu.memref_squeeze %swap3A_148 : memref<1x128x128xf32, #tpu.memory_space<vmem>> -> memref<128x128xf32, #tpu.memory_space<vmem>>
      %swap3A_150 = arith.index_cast %scan3A_91 : i32 to index
      %swap3A_151 = arith.constant 96 : index
      %swap3A_152 = tpu.vector_load %swap3A_149[%swap3A_150, %swap3A_151] {strides = array<i32>} : memref<128x128xf32, #tpu.memory_space<vmem>>, vector<1x16xf32>,
      %swap3A_153 = vector.shape_cast %swap3A_152 : vector<1x16xf32> to vector<16xf32>
      %swap3A_154 = vector.shape_cast %broadcast_in_dim3A_34 : vector<16xf32> to vector<1x16xf32>
      tpu.vector_store %swap3A_149[%swap3A_150, %swap3A_151], %swap3A_154 {strides = array<i32>} : memref<128x128xf32, #tpu.memory_space<vmem>>, vector<1x16xf32>,
      %swap3A_155 = arith.constant 0 : i32
      %swap3A_156 = arith.constant 0 : i32
      %swap3A_157 = tpu.memref_slice %arg7[%scan3A, %swap3A_155, %swap3A_156] : memref<2x128x128xf32, #tpu.memory_space<vmem>> -> memref<1x128x128xf32, #tpu.memory_space<vmem>>
      %swap3A_158 = tpu.memref_squeeze %swap3A_157 : memref<1x128x128xf32, #tpu.memory_space<vmem>> -> memref<128x128xf32, #tpu.memory_space<vmem>>
      %swap3A_159 = arith.index_cast %scan3A_91 : i32 to index
      %swap3A_160 = arith.constant 112 : index
      %swap3A_161 = tpu.vector_load %swap3A_158[%swap3A_159, %swap3A_160] {strides = array<i32>} : memref<128x128xf32, #tpu.memory_space<vmem>>, vector<1x16xf32>,
      %swap3A_162 = vector.shape_cast %swap3A_161 : vector<1x16xf32> to vector<16xf32>
      %swap3A_163 = vector.shape_cast %broadcast_in_dim3A_34 : vector<16xf32> to vector<1x16xf32>
      tpu.vector_store %swap3A_158[%swap3A_159, %swap3A_160], %swap3A_163 {strides = array<i32>} : memref<128x128xf32, #tpu.memory_space<vmem>>, vector<1x16xf32>,
      %scan3A_164 = arith.constant 0 : i32
      scf.yield %scan3A_164 : i32
    }
    %scan3A_41 = arith.constant 128 : i32
    %add3A_42 = arith.constant 0 : i32
    %add3A_43 = arith.addi %mul3A_2, %add3A_42 : i32
    %run_scoped3A = arith.constant 0 : i32
    "tpu.region"() ({
      %run_scoped3A_91 = tpu.sem_alloc : memref<!tpu.dma_semaphore, #tpu.memory_space<semaphore_mem>>
      %dma_start3A_92 = arith.constant 0 : i32
      %dma_start3A_93 = arith.constant 0 : i32
      %dma_start3A_94 = tpu.memref_slice %arg7[%run_scoped3A, %dma_start3A_92, %dma_start3A_93] : memref<2x128x128xf32, #tpu.memory_space<vmem>> -> memref<1x128x128xf32, #tpu.memory_space<vmem>>
      %dma_start3A_95 = tpu.memref_squeeze %dma_start3A_94 : memref<1x128x128xf32, #tpu.memory_space<vmem>> -> memref<128x128xf32, #tpu.memory_space<vmem>>
      %dma_start3A_96 = arith.constant 0 : i32
      %dma_start3A_97 = tpu.memref_slice %arg8[%add3A_43, %dma_start3A_96] : memref<10112x128xf32, #tpu.memory_space<vmem_shared>> -> memref<128x128xf32, #tpu.memory_space<vmem_shared>>
      %dma_start3A_98 = arith.constant 0 : i32
      %dma_start3A_99 = tpu.memref_slice %arg8[%add3A_43, %dma_start3A_98] : memref<10112x128xf32, #tpu.memory_space<vmem_shared>> -> memref<128x128xf32, #tpu.memory_space<vmem_shared>>
      %dma_start3A_100 = arith.constant 0 : i32
      %dma_start3A_101 = arith.constant 0 : i32
      %dma_start3A_102 = tpu.memref_slice %arg7[%run_scoped3A, %dma_start3A_100, %dma_start3A_101] : memref<2x128x128xf32, #tpu.memory_space<vmem>> -> memref<1x128x128xf32, #tpu.memory_space<vmem>>
      %dma_start3A_103 = tpu.memref_squeeze %dma_start3A_102 : memref<1x128x128xf32, #tpu.memory_space<vmem>> -> memref<128x128xf32, #tpu.memory_space<vmem>>
      tpu.enqueue_dma source(%dma_start3A_103 : memref<128x128xf32, #tpu.memory_space<vmem>>) target(%dma_start3A_99 : memref<128x128xf32, #tpu.memory_space<vmem_shared>>) target_semaphore(%run_scoped3A_91 : memref<!tpu.dma_semaphore, #tpu.memory_space<semaphore_mem>>)
      %dma_wait3A_104 = arith.constant 0 : i32
      %dma_wait3A_105 = arith.constant 0 : i32
      %dma_wait3A_106 = tpu.memref_slice %arg7[%run_scoped3A, %dma_wait3A_104, %dma_wait3A_105] : memref<2x128x128xf32, #tpu.memory_space<vmem>> -> memref<1x128x128xf32, #tpu.memory_space<vmem>>
      %dma_wait3A_107 = tpu.memref_squeeze %dma_wait3A_106 : memref<1x128x128xf32, #tpu.memory_space<vmem>> -> memref<128x128xf32, #tpu.memory_space<vmem>>
      %dma_wait3A_108 = arith.constant 0 : i32
      %dma_wait3A_109 = tpu.memref_slice %arg8[%add3A_43, %dma_wait3A_108] : memref<10112x128xf32, #tpu.memory_space<vmem_shared>> -> memref<128x128xf32, #tpu.memory_space<vmem_shared>>
      %dma_wait3A_110 = arith.constant 0 : i32
      %dma_wait3A_111 = tpu.memref_slice %arg8[%add3A_43, %dma_wait3A_110] : memref<10112x128xf32, #tpu.memory_space<vmem_shared>> -> memref<128x128xf32, #tpu.memory_space<vmem_shared>>
      %dma_wait3A_112 = arith.constant 0 : i32
      %dma_wait3A_113 = arith.constant 0 : i32
      %dma_wait3A_114 = tpu.memref_slice %arg7[%run_scoped3A, %dma_wait3A_112, %dma_wait3A_113] : memref<2x128x128xf32, #tpu.memory_space<vmem>> -> memref<1x128x128xf32, #tpu.memory_space<vmem>>
      %dma_wait3A_115 = tpu.memref_squeeze %dma_wait3A_114 : memref<1x128x128xf32, #tpu.memory_space<vmem>> -> memref<128x128xf32, #tpu.memory_space<vmem>>
      tpu.wait_dma2 semaphore(%run_scoped3A_91 : memref<!tpu.dma_semaphore, #tpu.memory_space<semaphore_mem>>) src(%dma_wait3A_115 : memref<128x128xf32, #tpu.memory_space<vmem>>) dst(%dma_wait3A_111 : memref<128x128xf32, #tpu.memory_space<vmem_shared>>)
      tpu.yield
    }) : () -> ()
    %add3A_44 = arith.constant 128 : i32
    %add3A_45 = arith.addi %mul3A_2, %add3A_44 : i32
    %run_scoped3A_46 = arith.constant 0 : i32
    "tpu.region"() ({
      %run_scoped3A_91 = tpu.sem_alloc : memref<!tpu.dma_semaphore, #tpu.memory_space<semaphore_mem>>
      %dma_start3A_92 = arith.constant 0 : i32
      %dma_start3A_93 = arith.constant 0 : i32
      %dma_start3A_94 = tpu.memref_slice %arg7[%run_scoped3A_46, %dma_start3A_92, %dma_start3A_93] : memref<2x128x128xf32, #tpu.memory_space<vmem>> -> memref<1x128x128xf32, #tpu.memory_space<vmem>>
      %dma_start3A_95 = tpu.memref_squeeze %dma_start3A_94 : memref<1x128x128xf32, #tpu.memory_space<vmem>> -> memref<128x128xf32, #tpu.memory_space<vmem>>
      %dma_start3A_96 = arith.constant 0 : i32
      %dma_start3A_97 = tpu.memref_slice %arg8[%add3A_45, %dma_start3A_96] : memref<10112x128xf32, #tpu.memory_space<vmem_shared>> -> memref<128x128xf32, #tpu.memory_space<vmem_shared>>
      %dma_start3A_98 = arith.constant 0 : i32
      %dma_start3A_99 = tpu.memref_slice %arg8[%add3A_45, %dma_start3A_98] : memref<10112x128xf32, #tpu.memory_space<vmem_shared>> -> memref<128x128xf32, #tpu.memory_space<vmem_shared>>
      %dma_start3A_100 = arith.constant 0 : i32
      %dma_start3A_101 = arith.constant 0 : i32
      %dma_start3A_102 = tpu.memref_slice %arg7[%run_scoped3A_46, %dma_start3A_100, %dma_start3A_101] : memref<2x128x128xf32, #tpu.memory_space<vmem>> -> memref<1x128x128xf32, #tpu.memory_space<vmem>>
      %dma_start3A_103 = tpu.memref_squeeze %dma_start3A_102 : memref<1x128x128xf32, #tpu.memory_space<vmem>> -> memref<128x128xf32, #tpu.memory_space<vmem>>
      tpu.enqueue_dma source(%dma_start3A_103 : memref<128x128xf32, #tpu.memory_space<vmem>>) target(%dma_start3A_99 : memref<128x128xf32, #tpu.memory_space<vmem_shared>>) target_semaphore(%run_scoped3A_91 : memref<!tpu.dma_semaphore, #tpu.memory_space<semaphore_mem>>)
      %dma_wait3A_104 = arith.constant 0 : i32
      %dma_wait3A_105 = arith.constant 0 : i32
      %dma_wait3A_106 = tpu.memref_slice %arg7[%run_scoped3A_46, %dma_wait3A_104, %dma_wait3A_105] : memref<2x128x128xf32, #tpu.memory_space<vmem>> -> memref<1x128x128xf32, #tpu.memory_space<vmem>>
      %dma_wait3A_107 = tpu.memref_squeeze %dma_wait3A_106 : memref<1x128x128xf32, #tpu.memory_space<vmem>> -> memref<128x128xf32, #tpu.memory_space<vmem>>
      %dma_wait3A_108 = arith.constant 0 : i32
      %dma_wait3A_109 = tpu.memref_slice %arg8[%add3A_45, %dma_wait3A_108] : memref<10112x128xf32, #tpu.memory_space<vmem_shared>> -> memref<128x128xf32, #tpu.memory_space<vmem_shared>>
      %dma_wait3A_110 = arith.constant 0 : i32
      %dma_wait3A_111 = tpu.memref_slice %arg8[%add3A_45, %dma_wait3A_110] : memref<10112x128xf32, #tpu.memory_space<vmem_shared>> -> memref<128x128xf32, #tpu.memory_space<vmem_shared>>
      %dma_wait3A_112 = arith.constant 0 : i32
      %dma_wait3A_113 = arith.constant 0 : i32
      %dma_wait3A_114 = tpu.memref_slice %arg7[%run_scoped3A_46, %dma_wait3A_112, %dma_wait3A_113] : memref<2x128x128xf32, #tpu.memory_space<vmem>> -> memref<1x128x128xf32, #tpu.memory_space<vmem>>
      %dma_wait3A_115 = tpu.memref_squeeze %dma_wait3A_114 : memref<1x128x128xf32, #tpu.memory_space<vmem>> -> memref<128x128xf32, #tpu.memory_space<vmem>>
      tpu.wait_dma2 semaphore(%run_scoped3A_91 : memref<!tpu.dma_semaphore, #tpu.memory_space<semaphore_mem>>) src(%dma_wait3A_115 : memref<128x128xf32, #tpu.memory_space<vmem>>) dst(%dma_wait3A_111 : memref<128x128xf32, #tpu.memory_space<vmem_shared>>)
      tpu.yield
    }) : () -> ()
    %add3A_47 = arith.constant 256 : i32
    %add3A_48 = arith.addi %mul3A_2, %add3A_47 : i32
    %run_scoped3A_49 = arith.constant 0 : i32
    "tpu.region"() ({
      %run_scoped3A_91 = tpu.sem_alloc : memref<!tpu.dma_semaphore, #tpu.memory_space<semaphore_mem>>
      %dma_start3A_92 = arith.constant 0 : i32
      %dma_start3A_93 = arith.constant 0 : i32
      %dma_start3A_94 = tpu.memref_slice %arg7[%run_scoped3A_49, %dma_start3A_92, %dma_start3A_93] : memref<2x128x128xf32, #tpu.memory_space<vmem>> -> memref<1x128x128xf32, #tpu.memory_space<vmem>>
      %dma_start3A_95 = tpu.memref_squeeze %dma_start3A_94 : memref<1x128x128xf32, #tpu.memory_space<vmem>> -> memref<128x128xf32, #tpu.memory_space<vmem>>
      %dma_start3A_96 = arith.constant 0 : i32
      %dma_start3A_97 = tpu.memref_slice %arg8[%add3A_48, %dma_start3A_96] : memref<10112x128xf32, #tpu.memory_space<vmem_shared>> -> memref<128x128xf32, #tpu.memory_space<vmem_shared>>
      %dma_start3A_98 = arith.constant 0 : i32
      %dma_start3A_99 = tpu.memref_slice %arg8[%add3A_48, %dma_start3A_98] : memref<10112x128xf32, #tpu.memory_space<vmem_shared>> -> memref<128x128xf32, #tpu.memory_space<vmem_shared>>
      %dma_start3A_100 = arith.constant 0 : i32
      %dma_start3A_101 = arith.constant 0 : i32
      %dma_start3A_102 = tpu.memref_slice %arg7[%run_scoped3A_49, %dma_start3A_100, %dma_start3A_101] : memref<2x128x128xf32, #tpu.memory_space<vmem>> -> memref<1x128x128xf32, #tpu.memory_space<vmem>>
      %dma_start3A_103 = tpu.memref_squeeze %dma_start3A_102 : memref<1x128x128xf32, #tpu.memory_space<vmem>> -> memref<128x128xf32, #tpu.memory_space<vmem>>
      tpu.enqueue_dma source(%dma_start3A_103 : memref<128x128xf32, #tpu.memory_space<vmem>>) target(%dma_start3A_99 : memref<128x128xf32, #tpu.memory_space<vmem_shared>>) target_semaphore(%run_scoped3A_91 : memref<!tpu.dma_semaphore, #tpu.memory_space<semaphore_mem>>)
      %dma_wait3A_104 = arith.constant 0 : i32
      %dma_wait3A_105 = arith.constant 0 : i32
      %dma_wait3A_106 = tpu.memref_slice %arg7[%run_scoped3A_49, %dma_wait3A_104, %dma_wait3A_105] : memref<2x128x128xf32, #tpu.memory_space<vmem>> -> memref<1x128x128xf32, #tpu.memory_space<vmem>>
      %dma_wait3A_107 = tpu.memref_squeeze %dma_wait3A_106 : memref<1x128x128xf32, #tpu.memory_space<vmem>> -> memref<128x128xf32, #tpu.memory_space<vmem>>
      %dma_wait3A_108 = arith.constant 0 : i32
      %dma_wait3A_109 = tpu.memref_slice %arg8[%add3A_48, %dma_wait3A_108] : memref<10112x128xf32, #tpu.memory_space<vmem_shared>> -> memref<128x128xf32, #tpu.memory_space<vmem_shared>>
      %dma_wait3A_110 = arith.constant 0 : i32
      %dma_wait3A_111 = tpu.memref_slice %arg8[%add3A_48, %dma_wait3A_110] : memref<10112x128xf32, #tpu.memory_space<vmem_shared>> -> memref<128x128xf32, #tpu.memory_space<vmem_shared>>
      %dma_wait3A_112 = arith.constant 0 : i32
      %dma_wait3A_113 = arith.constant 0 : i32
      %dma_wait3A_114 = tpu.memref_slice %arg7[%run_scoped3A_49, %dma_wait3A_112, %dma_wait3A_113] : memref<2x128x128xf32, #tpu.memory_space<vmem>> -> memref<1x128x128xf32, #tpu.memory_space<vmem>>
      %dma_wait3A_115 = tpu.memref_squeeze %dma_wait3A_114 : memref<1x128x128xf32, #tpu.memory_space<vmem>> -> memref<128x128xf32, #tpu.memory_space<vmem>>
      tpu.wait_dma2 semaphore(%run_scoped3A_91 : memref<!tpu.dma_semaphore, #tpu.memory_space<semaphore_mem>>) src(%dma_wait3A_115 : memref<128x128xf32, #tpu.memory_space<vmem>>) dst(%dma_wait3A_111 : memref<128x128xf32, #tpu.memory_space<vmem_shared>>)
      tpu.yield
    }) : () -> ()
    %add3A_50 = arith.constant 384 : i32
    %add3A_51 = arith.addi %mul3A_2, %add3A_50 : i32
    %run_scoped3A_52 = arith.constant 0 : i32
    "tpu.region"() ({
      %run_scoped3A_91 = tpu.sem_alloc : memref<!tpu.dma_semaphore, #tpu.memory_space<semaphore_mem>>
      %dma_start3A_92 = arith.constant 0 : i32
      %dma_start3A_93 = arith.constant 0 : i32
      %dma_start3A_94 = tpu.memref_slice %arg7[%run_scoped3A_52, %dma_start3A_92, %dma_start3A_93] : memref<2x128x128xf32, #tpu.memory_space<vmem>> -> memref<1x128x128xf32, #tpu.memory_space<vmem>>
      %dma_start3A_95 = tpu.memref_squeeze %dma_start3A_94 : memref<1x128x128xf32, #tpu.memory_space<vmem>> -> memref<128x128xf32, #tpu.memory_space<vmem>>
      %dma_start3A_96 = arith.constant 0 : i32
      %dma_start3A_97 = tpu.memref_slice %arg8[%add3A_51, %dma_start3A_96] : memref<10112x128xf32, #tpu.memory_space<vmem_shared>> -> memref<128x128xf32, #tpu.memory_space<vmem_shared>>
      %dma_start3A_98 = arith.constant 0 : i32
      %dma_start3A_99 = tpu.memref_slice %arg8[%add3A_51, %dma_start3A_98] : memref<10112x128xf32, #tpu.memory_space<vmem_shared>> -> memref<128x128xf32, #tpu.memory_space<vmem_shared>>
      %dma_start3A_100 = arith.constant 0 : i32
      %dma_start3A_101 = arith.constant 0 : i32
      %dma_start3A_102 = tpu.memref_slice %arg7[%run_scoped3A_52, %dma_start3A_100, %dma_start3A_101] : memref<2x128x128xf32, #tpu.memory_space<vmem>> -> memref<1x128x128xf32, #tpu.memory_space<vmem>>
      %dma_start3A_103 = tpu.memref_squeeze %dma_start3A_102 : memref<1x128x128xf32, #tpu.memory_space<vmem>> -> memref<128x128xf32, #tpu.memory_space<vmem>>
      tpu.enqueue_dma source(%dma_start3A_103 : memref<128x128xf32, #tpu.memory_space<vmem>>) target(%dma_start3A_99 : memref<128x128xf32, #tpu.memory_space<vmem_shared>>) target_semaphore(%run_scoped3A_91 : memref<!tpu.dma_semaphore, #tpu.memory_space<semaphore_mem>>)
      %dma_wait3A_104 = arith.constant 0 : i32
      %dma_wait3A_105 = arith.constant 0 : i32
      %dma_wait3A_106 = tpu.memref_slice %arg7[%run_scoped3A_52, %dma_wait3A_104, %dma_wait3A_105] : memref<2x128x128xf32, #tpu.memory_space<vmem>> -> memref<1x128x128xf32, #tpu.memory_space<vmem>>
      %dma_wait3A_107 = tpu.memref_squeeze %dma_wait3A_106 : memref<1x128x128xf32, #tpu.memory_space<vmem>> -> memref<128x128xf32, #tpu.memory_space<vmem>>
      %dma_wait3A_108 = arith.constant 0 : i32
      %dma_wait3A_109 = tpu.memref_slice %arg8[%add3A_51, %dma_wait3A_108] : memref<10112x128xf32, #tpu.memory_space<vmem_shared>> -> memref<128x128xf32, #tpu.memory_space<vmem_shared>>
      %dma_wait3A_110 = arith.constant 0 : i32
      %dma_wait3A_111 = tpu.memref_slice %arg8[%add3A_51, %dma_wait3A_110] : memref<10112x128xf32, #tpu.memory_space<vmem_shared>> -> memref<128x128xf32, #tpu.memory_space<vmem_shared>>
      %dma_wait3A_112 = arith.constant 0 : i32
      %dma_wait3A_113 = arith.constant 0 : i32
      %dma_wait3A_114 = tpu.memref_slice %arg7[%run_scoped3A_52, %dma_wait3A_112, %dma_wait3A_113] : memref<2x128x128xf32, #tpu.memory_space<vmem>> -> memref<1x128x128xf32, #tpu.memory_space<vmem>>
      %dma_wait3A_115 = tpu.memref_squeeze %dma_wait3A_114 : memref<1x128x128xf32, #tpu.memory_space<vmem>> -> memref<128x128xf32, #tpu.memory_space<vmem>>
      tpu.wait_dma2 semaphore(%run_scoped3A_91 : memref<!tpu.dma_semaphore, #tpu.memory_space<semaphore_mem>>) src(%dma_wait3A_115 : memref<128x128xf32, #tpu.memory_space<vmem>>) dst(%dma_wait3A_111 : memref<128x128xf32, #tpu.memory_space<vmem_shared>>)
      tpu.yield
    }) : () -> ()
    %add3A_53 = arith.constant 512 : i32
    %add3A_54 = arith.addi %mul3A_2, %add3A_53 : i32
    %run_scoped3A_55 = arith.constant 0 : i32
    "tpu.region"() ({
      %run_scoped3A_91 = tpu.sem_alloc : memref<!tpu.dma_semaphore, #tpu.memory_space<semaphore_mem>>
      %dma_start3A_92 = arith.constant 0 : i32
      %dma_start3A_93 = arith.constant 0 : i32
      %dma_start3A_94 = tpu.memref_slice %arg7[%run_scoped3A_55, %dma_start3A_92, %dma_start3A_93] : memref<2x128x128xf32, #tpu.memory_space<vmem>> -> memref<1x128x128xf32, #tpu.memory_space<vmem>>
      %dma_start3A_95 = tpu.memref_squeeze %dma_start3A_94 : memref<1x128x128xf32, #tpu.memory_space<vmem>> -> memref<128x128xf32, #tpu.memory_space<vmem>>
      %dma_start3A_96 = arith.constant 0 : i32
      %dma_start3A_97 = arith.constant 0 : i32
      %dma_start3A_98 = tpu.memref_slice %dma_start3A_95[%dma_start3A_96, %dma_start3A_97] : memref<128x128xf32, #tpu.memory_space<vmem>> -> memref<120x128xf32, #tpu.memory_space<vmem>>
      %dma_start3A_99 = arith.constant 0 : i32
      %dma_start3A_100 = tpu.memref_slice %arg8[%add3A_54, %dma_start3A_99] : memref<10112x128xf32, #tpu.memory_space<vmem_shared>> -> memref<120x128xf32, #tpu.memory_space<vmem_shared>>
      %dma_start3A_101 = arith.constant 0 : i32
      %dma_start3A_102 = tpu.memref_slice %arg8[%add3A_54, %dma_start3A_101] : memref<10112x128xf32, #tpu.memory_space<vmem_shared>> -> memref<120x128xf32, #tpu.memory_space<vmem_shared>>
      %dma_start3A_103 = arith.constant 0 : i32
      %dma_start3A_104 = arith.constant 0 : i32
      %dma_start3A_105 = tpu.memref_slice %arg7[%run_scoped3A_55, %dma_start3A_103, %dma_start3A_104] : memref<2x128x128xf32, #tpu.memory_space<vmem>> -> memref<1x128x128xf32, #tpu.memory_space<vmem>>
      %dma_start3A_106 = tpu.memref_squeeze %dma_start3A_105 : memref<1x128x128xf32, #tpu.memory_space<vmem>> -> memref<128x128xf32, #tpu.memory_space<vmem>>
      %dma_start3A_107 = arith.constant 0 : i32
      %dma_start3A_108 = arith.constant 0 : i32
      %dma_start3A_109 = tpu.memref_slice %dma_start3A_106[%dma_start3A_107, %dma_start3A_108] : memref<128x128xf32, #tpu.memory_space<vmem>> -> memref<120x128xf32, #tpu.memory_space<vmem>>
      tpu.enqueue_dma source(%dma_start3A_109 : memref<120x128xf32, #tpu.memory_space<vmem>>) target(%dma_start3A_102 : memref<120x128xf32, #tpu.memory_space<vmem_shared>>) target_semaphore(%run_scoped3A_91 : memref<!tpu.dma_semaphore, #tpu.memory_space<semaphore_mem>>)
      %dma_wait3A_110 = arith.constant 0 : i32
      %dma_wait3A_111 = arith.constant 0 : i32
      %dma_wait3A_112 = tpu.memref_slice %arg7[%run_scoped3A_55, %dma_wait3A_110, %dma_wait3A_111] : memref<2x128x128xf32, #tpu.memory_space<vmem>> -> memref<1x128x128xf32, #tpu.memory_space<vmem>>
      %dma_wait3A_113 = tpu.memref_squeeze %dma_wait3A_112 : memref<1x128x128xf32, #tpu.memory_space<vmem>> -> memref<128x128xf32, #tpu.memory_space<vmem>>
      %dma_wait3A_114 = arith.constant 0 : i32
      %dma_wait3A_115 = arith.constant 0 : i32
      %dma_wait3A_116 = tpu.memref_slice %dma_wait3A_113[%dma_wait3A_114, %dma_wait3A_115] : memref<128x128xf32, #tpu.memory_space<vmem>> -> memref<120x128xf32, #tpu.memory_space<vmem>>
      %dma_wait3A_117 = arith.constant 0 : i32
      %dma_wait3A_118 = tpu.memref_slice %arg8[%add3A_54, %dma_wait3A_117] : memref<10112x128xf32, #tpu.memory_space<vmem_shared>> -> memref<120x128xf32, #tpu.memory_space<vmem_shared>>
      %dma_wait3A_119 = arith.constant 0 : i32
      %dma_wait3A_120 = tpu.memref_slice %arg8[%add3A_54, %dma_wait3A_119] : memref<10112x128xf32, #tpu.memory_space<vmem_shared>> -> memref<120x128xf32, #tpu.memory_space<vmem_shared>>
      %dma_wait3A_121 = arith.constant 0 : i32
      %dma_wait3A_122 = arith.constant 0 : i32
      %dma_wait3A_123 = tpu.memref_slice %arg7[%run_scoped3A_55, %dma_wait3A_121, %dma_wait3A_122] : memref<2x128x128xf32, #tpu.memory_space<vmem>> -> memref<1x128x128xf32, #tpu.memory_space<vmem>>
      %dma_wait3A_124 = tpu.memref_squeeze %dma_wait3A_123 : memref<1x128x128xf32, #tpu.memory_space<vmem>> -> memref<128x128xf32, #tpu.memory_space<vmem>>
      %dma_wait3A_125 = arith.constant 0 : i32
      %dma_wait3A_126 = arith.constant 0 : i32
      %dma_wait3A_127 = tpu.memref_slice %dma_wait3A_124[%dma_wait3A_125, %dma_wait3A_126] : memref<128x128xf32, #tpu.memory_space<vmem>> -> memref<120x128xf32, #tpu.memory_space<vmem>>
      tpu.wait_dma2 semaphore(%run_scoped3A_91 : memref<!tpu.dma_semaphore, #tpu.memory_space<semaphore_mem>>) src(%dma_wait3A_127 : memref<120x128xf32, #tpu.memory_space<vmem>>) dst(%dma_wait3A_120 : memref<120x128xf32, #tpu.memory_space<vmem_shared>>)
      tpu.yield
    }) : () -> ()
    %barrier3A = arith.constant 0 : index
    tpu.barrier barrier_id(%barrier3A)
    %scan3A_56 = arith.constant 0 : i32
    %scan3A_57 = arith.constant 0 : i32
    %scan3A_58 = arith.constant 5 : i32
    %scan3A_59 = arith.addi %scan3A_57, %scan3A_58 : i32
    %scan3A_60 = arith.constant 1 : i32
    %scan3A_61 = scf.for %scan3A_91 = %scan3A_57 to %scan3A_59 step %scan3A_60 iter_args(%scan3A_92 = %scan3A_56) -> (i32)  : i32 {
      %jit3A = arith.constant 2 : i32
      %eq3A = arith.constant 0 : i32
      %eq3A_93 = arith.cmpi eq, %jit3A, %eq3A : i32
      %jit3A_94 = arith.constant 1 : i32
      %select_n3A = arith.select %eq3A_93, %jit3A_94, %jit3A : i32
      %rem3A = arith.remsi %scan3A_91, %select_n3A : i32
      %ne3A = arith.constant 0 : i32
      %ne3A_95 = arith.cmpi ne, %rem3A, %ne3A : i32
      %lt3A = arith.constant 0 : i32
      %lt3A_96 = arith.cmpi slt, %rem3A, %lt3A : i32
      %lt3A_97 = arith.constant 0 : i32
      %lt3A_98 = arith.cmpi slt, %select_n3A, %lt3A_97 : i32
      %ne3A_99 = arith.xori %lt3A_96, %lt3A_98 : i1
      %and3A = arith.andi %ne3A_99, %ne3A_95 : i1
      %add3A_100 = arith.addi %rem3A, %select_n3A : i32
      %select_n3A_101 = arith.select %and3A, %add3A_100, %rem3A : i32
      %mul3A_102 = arith.constant 80 : i32
      %mul3A_103 = arith.muli %add3A, %mul3A_102 : i32
      %mul3A_104 = arith.constant 16 : i32
      %mul3A_105 = arith.muli %scan3A_91, %mul3A_104 : i32
      %add3A_106 = arith.addi %mul3A_103, %mul3A_105 : i32
      %dma_wait3A_107 = arith.constant 0 : i32
      %dma_wait3A_108 = arith.constant 0 : i32
      %dma_wait3A_109 = arith.constant 0 : i32
      %dma_wait3A_110 = tpu.memref_slice %arg6[%select_n3A_101, %dma_wait3A_107, %dma_wait3A_108, %dma_wait3A_109] : memref<2x2x16x128xi32, #tpu.memory_space<vmem>> -> memref<1x1x16x128xi32, #tpu.memory_space<vmem>>
      %dma_wait3A_111 = tpu.memref_squeeze %dma_wait3A_110 : memref<1x1x16x128xi32, #tpu.memory_space<vmem>> -> memref<16x128xi32, #tpu.memory_space<vmem>>
      %dma_wait3A_112 = arith.constant 0 : i32
      %dma_wait3A_113 = tpu.memref_slice %arg3[%add3A_106, %dma_wait3A_112] : memref<2560x128xi32, #tpu.memory_space<hbm>> -> memref<16x128xi32, #tpu.memory_space<hbm>>
      %dma_wait3A_114 = arith.constant 0 : i32
      %dma_wait3A_115 = arith.constant 0 : i32
      %dma_wait3A_116 = tpu.memref_slice %arg6[%select_n3A_101, %dma_wait3A_107, %dma_wait3A_114, %dma_wait3A_115] : memref<2x2x16x128xi32, #tpu.memory_space<vmem>> -> memref<1x1x16x128xi32, #tpu.memory_space<vmem>>
      %dma_wait3A_117 = tpu.memref_squeeze %dma_wait3A_116 : memref<1x1x16x128xi32, #tpu.memory_space<vmem>> -> memref<16x128xi32, #tpu.memory_space<vmem>>
      %dma_wait3A_118 = arith.constant 0 : i32
      %dma_wait3A_119 = tpu.memref_slice %arg3[%add3A_106, %dma_wait3A_118] : memref<2560x128xi32, #tpu.memory_space<hbm>> -> memref<16x128xi32, #tpu.memory_space<hbm>>
      tpu.wait_dma2 semaphore(%arg9 : memref<!tpu.dma_semaphore, #tpu.memory_space<semaphore_mem>>) src(%dma_wait3A_119 : memref<16x128xi32, #tpu.memory_space<hbm>>) dst(%dma_wait3A_117 : memref<16x128xi32, #tpu.memory_space<vmem>>)
      %dma_wait3A_120 = arith.constant 1 : i32
      %dma_wait3A_121 = arith.constant 0 : i32
      %dma_wait3A_122 = arith.constant 0 : i32
      %dma_wait3A_123 = tpu.memref_slice %arg6[%select_n3A_101, %dma_wait3A_120, %dma_wait3A_121, %dma_wait3A_122] : memref<2x2x16x128xi32, #tpu.memory_space<vmem>> -> memref<1x1x16x128xi32, #tpu.memory_space<vmem>>
      %dma_wait3A_124 = tpu.memref_squeeze %dma_wait3A_123 : memref<1x1x16x128xi32, #tpu.memory_space<vmem>> -> memref<16x128xi32, #tpu.memory_space<vmem>>
      %dma_wait3A_125 = arith.constant 0 : i32
      %dma_wait3A_126 = tpu.memref_slice %arg4[%add3A_106, %dma_wait3A_125] : memref<2560x128xi32, #tpu.memory_space<hbm>> -> memref<16x128xi32, #tpu.memory_space<hbm>>
      %dma_wait3A_127 = arith.constant 0 : i32
      %dma_wait3A_128 = arith.constant 0 : i32
      %dma_wait3A_129 = tpu.memref_slice %arg6[%select_n3A_101, %dma_wait3A_120, %dma_wait3A_127, %dma_wait3A_128] : memref<2x2x16x128xi32, #tpu.memory_space<vmem>> -> memref<1x1x16x128xi32, #tpu.memory_space<vmem>>
      %dma_wait3A_130 = tpu.memref_squeeze %dma_wait3A_129 : memref<1x1x16x128xi32, #tpu.memory_space<vmem>> -> memref<16x128xi32, #tpu.memory_space<vmem>>
      %dma_wait3A_131 = arith.constant 0 : i32
      %dma_wait3A_132 = tpu.memref_slice %arg4[%add3A_106, %dma_wait3A_131] : memref<2560x128xi32, #tpu.memory_space<hbm>> -> memref<16x128xi32, #tpu.memory_space<hbm>>
      tpu.wait_dma2 semaphore(%arg9 : memref<!tpu.dma_semaphore, #tpu.memory_space<semaphore_mem>>) src(%dma_wait3A_132 : memref<16x128xi32, #tpu.memory_space<hbm>>) dst(%dma_wait3A_130 : memref<16x128xi32, #tpu.memory_space<vmem>>)
      %add3A_133 = arith.constant 1 : i32
      %add3A_134 = arith.addi %scan3A_91, %add3A_133 : i32
      %lt3A_135 = arith.constant 5 : i32
      %lt3A_136 = arith.cmpi slt, %add3A_134, %lt3A_135 : i32
      %convert_element_type3A = arith.extui %lt3A_136 : i1 to i32
      %cond3A = arith.constant 0 : i32
      %cond3A_137 = arith.cmpi ne, %convert_element_type3A, %cond3A : i32
      scf.if %cond3A_137 {
        %add3A_968 = arith.constant 1 : i32
        %add3A_969 = arith.addi %scan3A_91, %add3A_968 : i32
        %sub3A = arith.constant 1 : i32
        %sub3A_970 = arith.subi %sub3A, %select_n3A_101 : i32
        %mul3A_971 = arith.constant 80 : i32
        %mul3A_972 = arith.muli %add3A, %mul3A_971 : i32
        %mul3A_973 = arith.constant 16 : i32
        %mul3A_974 = arith.muli %add3A_969, %mul3A_973 : i32
        %add3A_975 = arith.addi %mul3A_972, %mul3A_974 : i32
        %dma_start3A_976 = arith.constant 0 : i32
        %dma_start3A_977 = arith.constant 0 : i32
        %dma_start3A_978 = arith.constant 0 : i32
        %dma_start3A_979 = tpu.memref_slice %arg6[%sub3A_970, %dma_start3A_976, %dma_start3A_977, %dma_start3A_978] : memref<2x2x16x128xi32, #tpu.memory_space<vmem>> -> memref<1x1x16x128xi32, #tpu.memory_space<vmem>>
        %dma_start3A_980 = tpu.memref_squeeze %dma_start3A_979 : memref<1x1x16x128xi32, #tpu.memory_space<vmem>> -> memref<16x128xi32, #tpu.memory_space<vmem>>
        %dma_start3A_981 = arith.constant 0 : i32
        %dma_start3A_982 = tpu.memref_slice %arg3[%add3A_975, %dma_start3A_981] : memref<2560x128xi32, #tpu.memory_space<hbm>> -> memref<16x128xi32, #tpu.memory_space<hbm>>
        %dma_start3A_983 = arith.constant 0 : i32
        %dma_start3A_984 = arith.constant 0 : i32
        %dma_start3A_985 = tpu.memref_slice %arg6[%sub3A_970, %dma_start3A_976, %dma_start3A_983, %dma_start3A_984] : memref<2x2x16x128xi32, #tpu.memory_space<vmem>> -> memref<1x1x16x128xi32, #tpu.memory_space<vmem>>
        %dma_start3A_986 = tpu.memref_squeeze %dma_start3A_985 : memref<1x1x16x128xi32, #tpu.memory_space<vmem>> -> memref<16x128xi32, #tpu.memory_space<vmem>>
        %dma_start3A_987 = arith.constant 0 : i32
        %dma_start3A_988 = tpu.memref_slice %arg3[%add3A_975, %dma_start3A_987] : memref<2560x128xi32, #tpu.memory_space<hbm>> -> memref<16x128xi32, #tpu.memory_space<hbm>>
        tpu.enqueue_dma source(%dma_start3A_988 : memref<16x128xi32, #tpu.memory_space<hbm>>) target(%dma_start3A_986 : memref<16x128xi32, #tpu.memory_space<vmem>>) target_semaphore(%arg9 : memref<!tpu.dma_semaphore, #tpu.memory_space<semaphore_mem>>)
        %dma_start3A_989 = arith.constant 1 : i32
        %dma_start3A_990 = arith.constant 0 : i32
        %dma_start3A_991 = arith.constant 0 : i32
        %dma_start3A_992 = tpu.memref_slice %arg6[%sub3A_970, %dma_start3A_989, %dma_start3A_990, %dma_start3A_991] : memref<2x2x16x128xi32, #tpu.memory_space<vmem>> -> memref<1x1x16x128xi32, #tpu.memory_space<vmem>>
        %dma_start3A_993 = tpu.memref_squeeze %dma_start3A_992 : memref<1x1x16x128xi32, #tpu.memory_space<vmem>> -> memref<16x128xi32, #tpu.memory_space<vmem>>
        %dma_start3A_994 = arith.constant 0 : i32
        %dma_start3A_995 = tpu.memref_slice %arg4[%add3A_975, %dma_start3A_994] : memref<2560x128xi32, #tpu.memory_space<hbm>> -> memref<16x128xi32, #tpu.memory_space<hbm>>
        %dma_start3A_996 = arith.constant 0 : i32
        %dma_start3A_997 = arith.constant 0 : i32
        %dma_start3A_998 = tpu.memref_slice %arg6[%sub3A_970, %dma_start3A_989, %dma_start3A_996, %dma_start3A_997] : memref<2x2x16x128xi32, #tpu.memory_space<vmem>> -> memref<1x1x16x128xi32, #tpu.memory_space<vmem>>
        %dma_start3A_999 = tpu.memref_squeeze %dma_start3A_998 : memref<1x1x16x128xi32, #tpu.memory_space<vmem>> -> memref<16x128xi32, #tpu.memory_space<vmem>>
        %dma_start3A_1000 = arith.constant 0 : i32
        %dma_start3A_1001 = tpu.memref_slice %arg4[%add3A_975, %dma_start3A_1000] : memref<2560x128xi32, #tpu.memory_space<hbm>> -> memref<16x128xi32, #tpu.memory_space<hbm>>
        tpu.enqueue_dma source(%dma_start3A_1001 : memref<16x128xi32, #tpu.memory_space<hbm>>) target(%dma_start3A_999 : memref<16x128xi32, #tpu.memory_space<vmem>>) target_semaphore(%arg9 : memref<!tpu.dma_semaphore, #tpu.memory_space<semaphore_mem>>)
      } else {
      }
      %gt3A = arith.constant 0 : i32
      %gt3A_138 = arith.cmpi sgt, %scan3A_91, %gt3A : i32
      %convert_element_type3A_139 = arith.extui %gt3A_138 : i1 to i32
      %cond3A_140 = arith.constant 0 : i32
      %cond3A_141 = arith.cmpi ne, %convert_element_type3A_139, %cond3A_140 : i32
      scf.if %cond3A_141 {
        %dma_wait3A_968 = arith.constant 0 : i32
        %dma_wait3A_969 = arith.constant 0 : i32
        %dma_wait3A_970 = arith.constant 1 : i32
        %dma_wait3A_971 = arith.constant 0 : i32
        %dma_wait3A_972 = arith.constant 0 : i32
        %dma_wait3A_973 = arith.constant 0 : i32
        %dma_wait3A_974 = tpu.memref_slice %arg7[%dma_wait3A_968, %dma_wait3A_972, %dma_wait3A_973] : memref<2x128x128xf32, #tpu.memory_space<vmem>> -> memref<1x128x128xf32, #tpu.memory_space<vmem>>
        %dma_wait3A_975 = tpu.memref_squeeze %dma_wait3A_974 : memref<1x128x128xf32, #tpu.memory_space<vmem>> -> memref<128x128xf32, #tpu.memory_space<vmem>>
        %dma_wait3A_976 = arith.constant 0 : i32
        %dma_wait3A_977 = tpu.memref_slice %arg6[%dma_wait3A_969, %dma_wait3A_970, %dma_wait3A_971, %dma_wait3A_976] : memref<2x2x16x128xi32, #tpu.memory_space<vmem>> -> memref<1x1x1x128xi32, #tpu.memory_space<vmem>>
        %dma_wait3A_978 = tpu.memref_squeeze %dma_wait3A_977 : memref<1x1x1x128xi32, #tpu.memory_space<vmem>> -> memref<128xi32, #tpu.memory_space<vmem>>
        %dma_wait3A_979 = arith.constant 0 : i32
        %dma_wait3A_980 = arith.constant 0 : i32
        %dma_wait3A_981 = tpu.memref_slice %arg8[%dma_wait3A_979, %dma_wait3A_980] : memref<10112x128xf32, #tpu.memory_space<vmem_shared>> -> memref<10112x128xf32, #tpu.memory_space<vmem_shared>>
        tpu.wait_indirect_dma semaphore(%arg12 : memref<!tpu.dma_semaphore, #tpu.memory_space<semaphore_mem>>) src(%dma_wait3A_975 : memref<128x128xf32, #tpu.memory_space<vmem>>) dst(%dma_wait3A_981 : memref<10112x128xf32, #tpu.memory_space<vmem_shared>>)
      } else {
      }
      %dma_start3A_142 = arith.constant 0 : i32
      %dma_start3A_143 = arith.constant 0 : i32
      %dma_start3A_144 = arith.constant 0 : i32
      %dma_start3A_145 = arith.constant 0 : i32
      %dma_start3A_146 = arith.constant 0 : i32
      %dma_start3A_147 = tpu.memref_slice %arg7[%dma_start3A_144, %dma_start3A_145, %dma_start3A_146] : memref<2x128x128xf32, #tpu.memory_space<vmem>> -> memref<1x128x128xf32, #tpu.memory_space<vmem>>
      %dma_start3A_148 = tpu.memref_squeeze %dma_start3A_147 : memref<1x128x128xf32, #tpu.memory_space<vmem>> -> memref<128x128xf32, #tpu.memory_space<vmem>>
      %dma_start3A_149 = arith.constant 0 : i32
      %dma_start3A_150 = tpu.memref_slice %arg6[%select_n3A_101, %dma_start3A_142, %dma_start3A_143, %dma_start3A_149] : memref<2x2x16x128xi32, #tpu.memory_space<vmem>> -> memref<1x1x1x128xi32, #tpu.memory_space<vmem>>
      %dma_start3A_151 = tpu.memref_squeeze %dma_start3A_150 : memref<1x1x1x128xi32, #tpu.memory_space<vmem>> -> memref<128xi32, #tpu.memory_space<vmem>>
      %dma_start3A_152 = arith.constant 0 : i32
      %dma_start3A_153 = arith.constant 0 : i32
      %dma_start3A_154 = tpu.memref_slice %arg2[%dma_start3A_152, %dma_start3A_153] : memref<10000x128xf32, #tpu.memory_space<hbm>> -> memref<10000x128xf32, #tpu.memory_space<hbm>>
      tpu.enqueue_indirect_dma source(%dma_start3A_154 : memref<10000x128xf32, #tpu.memory_space<hbm>>) target(%dma_start3A_148 : memref<128x128xf32, #tpu.memory_space<vmem>>) offsets(%dma_start3A_151 : memref<128xi32, #tpu.memory_space<vmem>>) semaphore(%arg10 : memref<!tpu.dma_semaphore, #tpu.memory_space<semaphore_mem>>)
      %gt3A_155 = arith.constant 0 : i32
      %gt3A_156 = arith.cmpi sgt, %scan3A_91, %gt3A_155 : i32
      %convert_element_type3A_157 = arith.extui %gt3A_156 : i1 to i32
      %cond3A_158 = arith.constant 0 : i32
      %cond3A_159 = arith.cmpi ne, %convert_element_type3A_157, %cond3A_158 : i32
      scf.if %cond3A_159 {
        %dma_wait3A_968 = arith.constant 1 : i32
        %dma_wait3A_969 = arith.constant 0 : i32
        %dma_wait3A_970 = arith.constant 1 : i32
        %dma_wait3A_971 = arith.constant 0 : i32
        %dma_wait3A_972 = arith.constant 0 : i32
        %dma_wait3A_973 = arith.constant 0 : i32
        %dma_wait3A_974 = tpu.memref_slice %arg7[%dma_wait3A_968, %dma_wait3A_972, %dma_wait3A_973] : memref<2x128x128xf32, #tpu.memory_space<vmem>> -> memref<1x128x128xf32, #tpu.memory_space<vmem>>
        %dma_wait3A_975 = tpu.memref_squeeze %dma_wait3A_974 : memref<1x128x128xf32, #tpu.memory_space<vmem>> -> memref<128x128xf32, #tpu.memory_space<vmem>>
        %dma_wait3A_976 = arith.constant 0 : i32
        %dma_wait3A_977 = tpu.memref_slice %arg6[%dma_wait3A_969, %dma_wait3A_970, %dma_wait3A_971, %dma_wait3A_976] : memref<2x2x16x128xi32, #tpu.memory_space<vmem>> -> memref<1x1x1x128xi32, #tpu.memory_space<vmem>>
        %dma_wait3A_978 = tpu.memref_squeeze %dma_wait3A_977 : memref<1x1x1x128xi32, #tpu.memory_space<vmem>> -> memref<128xi32, #tpu.memory_space<vmem>>
        %dma_wait3A_979 = arith.constant 0 : i32
        %dma_wait3A_980 = arith.constant 0 : i32
        %dma_wait3A_981 = tpu.memref_slice %arg8[%dma_wait3A_979, %dma_wait3A_980] : memref<10112x128xf32, #tpu.memory_space<vmem_shared>> -> memref<10112x128xf32, #tpu.memory_space<vmem_shared>>
        tpu.wait_indirect_dma semaphore(%arg13 : memref<!tpu.dma_semaphore, #tpu.memory_space<semaphore_mem>>) src(%dma_wait3A_975 : memref<128x128xf32, #tpu.memory_space<vmem>>) dst(%dma_wait3A_981 : memref<10112x128xf32, #tpu.memory_space<vmem_shared>>)
      } else {
      }
      %dma_start3A_160 = arith.constant 0 : i32
      %dma_start3A_161 = arith.constant 1 : i32
      %dma_start3A_162 = arith.constant 1 : i32
      %dma_start3A_163 = arith.constant 0 : i32
      %dma_start3A_164 = arith.constant 0 : i32
      %dma_start3A_165 = tpu.memref_slice %arg7[%dma_start3A_162, %dma_start3A_163, %dma_start3A_164] : memref<2x128x128xf32, #tpu.memory_space<vmem>> -> memref<1x128x128xf32, #tpu.memory_space<vmem>>
      %dma_start3A_166 = tpu.memref_squeeze %dma_start3A_165 : memref<1x128x128xf32, #tpu.memory_space<vmem>> -> memref<128x128xf32, #tpu.memory_space<vmem>>
      %dma_start3A_167 = arith.constant 0 : i32
      %dma_start3A_168 = tpu.memref_slice %arg6[%select_n3A_101, %dma_start3A_160, %dma_start3A_161, %dma_start3A_167] : memref<2x2x16x128xi32, #tpu.memory_space<vmem>> -> memref<1x1x1x128xi32, #tpu.memory_space<vmem>>
      %dma_start3A_169 = tpu.memref_squeeze %dma_start3A_168 : memref<1x1x1x128xi32, #tpu.memory_space<vmem>> -> memref<128xi32, #tpu.memory_space<vmem>>
      %dma_start3A_170 = arith.constant 0 : i32
      %dma_start3A_171 = arith.constant 0 : i32
      %dma_start3A_172 = tpu.memref_slice %arg2[%dma_start3A_170, %dma_start3A_171] : memref<10000x128xf32, #tpu.memory_space<hbm>> -> memref<10000x128xf32, #tpu.memory_space<hbm>>
      tpu.enqueue_indirect_dma source(%dma_start3A_172 : memref<10000x128xf32, #tpu.memory_space<hbm>>) target(%dma_start3A_166 : memref<128x128xf32, #tpu.memory_space<vmem>>) offsets(%dma_start3A_169 : memref<128xi32, #tpu.memory_space<vmem>>) semaphore(%arg11 : memref<!tpu.dma_semaphore, #tpu.memory_space<semaphore_mem>>)
      %dma_wait3A_173 = arith.constant 0 : i32
      %dma_wait3A_174 = arith.constant 0 : i32
      %dma_wait3A_175 = arith.constant 0 : i32
      %dma_wait3A_176 = arith.constant 0 : i32
      %dma_wait3A_177 = arith.constant 0 : i32
      %dma_wait3A_178 = tpu.memref_slice %arg7[%dma_wait3A_175, %dma_wait3A_176, %dma_wait3A_177] : memref<2x128x128xf32, #tpu.memory_space<vmem>> -> memref<1x128x128xf32, #tpu.memory_space<vmem>>
      %dma_wait3A_179 = tpu.memref_squeeze %dma_wait3A_178 : memref<1x128x128xf32, #tpu.memory_space<vmem>> -> memref<128x128xf32, #tpu.memory_space<vmem>>
      %dma_wait3A_180 = arith.constant 0 : i32
      %dma_wait3A_181 = tpu.memref_slice %arg6[%select_n3A_101, %dma_wait3A_173, %dma_wait3A_174, %dma_wait3A_180] : memref<2x2x16x128xi32, #tpu.memory_space<vmem>> -> memref<1x1x1x128xi32, #tpu.memory_space<vmem>>
      %dma_wait3A_182 = tpu.memref_squeeze %dma_wait3A_181 : memref<1x1x1x128xi32, #tpu.memory_space<vmem>> -> memref<128xi32, #tpu.memory_space<vmem>>
      %dma_wait3A_183 = arith.constant 0 : i32
      %dma_wait3A_184 = arith.constant 0 : i32
      %dma_wait3A_185 = tpu.memref_slice %arg2[%dma_wait3A_183, %dma_wait3A_184] : memref<10000x128xf32, #tpu.memory_space<hbm>> -> memref<10000x128xf32, #tpu.memory_space<hbm>>
      tpu.wait_indirect_dma semaphore(%arg10 : memref<!tpu.dma_semaphore, #tpu.memory_space<semaphore_mem>>) src(%dma_wait3A_185 : memref<10000x128xf32, #tpu.memory_space<hbm>>) dst(%dma_wait3A_179 : memref<128x128xf32, #tpu.memory_space<vmem>>)
      %dma_start3A_186 = arith.constant 0 : i32
      %dma_start3A_187 = arith.constant 1 : i32
      %dma_start3A_188 = arith.constant 0 : i32
      %dma_start3A_189 = arith.constant 0 : i32
      %dma_start3A_190 = arith.constant 0 : i32
      %dma_start3A_191 = tpu.memref_slice %arg7[%dma_start3A_186, %dma_start3A_189, %dma_start3A_190] : memref<2x128x128xf32, #tpu.memory_space<vmem>> -> memref<1x128x128xf32, #tpu.memory_space<vmem>>
      %dma_start3A_192 = tpu.memref_squeeze %dma_start3A_191 : memref<1x128x128xf32, #tpu.memory_space<vmem>> -> memref<128x128xf32, #tpu.memory_space<vmem>>
      %dma_start3A_193 = arith.constant 0 : i32
      %dma_start3A_194 = tpu.memref_slice %arg6[%select_n3A_101, %dma_start3A_187, %dma_start3A_188, %dma_start3A_193] : memref<2x2x16x128xi32, #tpu.memory_space<vmem>> -> memref<1x1x1x128xi32, #tpu.memory_space<vmem>>
      %dma_start3A_195 = tpu.memref_squeeze %dma_start3A_194 : memref<1x1x1x128xi32, #tpu.memory_space<vmem>> -> memref<128xi32, #tpu.memory_space<vmem>>
      %dma_start3A_196 = arith.constant 0 : i32
      %dma_start3A_197 = arith.constant 0 : i32
      %dma_start3A_198 = tpu.memref_slice %arg8[%dma_start3A_196, %dma_start3A_197] : memref<10112x128xf32, #tpu.memory_space<vmem_shared>> -> memref<10112x128xf32, #tpu.memory_space<vmem_shared>>
      tpu.enqueue_indirect_dma source(%dma_start3A_192 : memref<128x128xf32, #tpu.memory_space<vmem>>) target(%dma_start3A_198 : memref<10112x128xf32, #tpu.memory_space<vmem_shared>>) offsets(%dma_start3A_195 : memref<128xi32, #tpu.memory_space<vmem>>) semaphore(%arg12 : memref<!tpu.dma_semaphore, #tpu.memory_space<semaphore_mem>>) {add = true}
      %dma_wait3A_199 = arith.constant 0 : i32
      %dma_wait3A_200 = arith.constant 0 : i32
      %dma_wait3A_201 = arith.constant 1 : i32
      %dma_wait3A_202 = arith.constant 0 : i32
      %dma_wait3A_203 = arith.constant 0 : i32
      %dma_wait3A_204 = arith.constant 0 : i32
      %dma_wait3A_205 = tpu.memref_slice %arg7[%dma_wait3A_199, %dma_wait3A_203, %dma_wait3A_204] : memref<2x128x128xf32, #tpu.memory_space<vmem>> -> memref<1x128x128xf32, #tpu.memory_space<vmem>>
      %dma_wait3A_206 = tpu.memref_squeeze %dma_wait3A_205 : memref<1x128x128xf32, #tpu.memory_space<vmem>> -> memref<128x128xf32, #tpu.memory_space<vmem>>
      %dma_wait3A_207 = arith.constant 0 : i32
      %dma_wait3A_208 = tpu.memref_slice %arg6[%dma_wait3A_200, %dma_wait3A_201, %dma_wait3A_202, %dma_wait3A_207] : memref<2x2x16x128xi32, #tpu.memory_space<vmem>> -> memref<1x1x1x128xi32, #tpu.memory_space<vmem>>
      %dma_wait3A_209 = tpu.memref_squeeze %dma_wait3A_208 : memref<1x1x1x128xi32, #tpu.memory_space<vmem>> -> memref<128xi32, #tpu.memory_space<vmem>>
      %dma_wait3A_210 = arith.constant 0 : i32
      %dma_wait3A_211 = arith.constant 0 : i32
      %dma_wait3A_212 = tpu.memref_slice %arg8[%dma_wait3A_210, %dma_wait3A_211] : memref<10112x128xf32, #tpu.memory_space<vmem_shared>> -> memref<10112x128xf32, #tpu.memory_space<vmem_shared>>
      tpu.wait_indirect_dma semaphore(%arg12 : memref<!tpu.dma_semaphore, #tpu.memory_space<semaphore_mem>>) src(%dma_wait3A_206 : memref<128x128xf32, #tpu.memory_space<vmem>>) dst(%dma_wait3A_212 : memref<10112x128xf32, #tpu.memory_space<vmem_shared>>)
      %dma_start3A_213 = arith.constant 0 : i32
      %dma_start3A_214 = arith.constant 2 : i32
      %dma_start3A_215 = arith.constant 0 : i32
      %dma_start3A_216 = arith.constant 0 : i32
      %dma_start3A_217 = arith.constant 0 : i32
      %dma_start3A_218 = tpu.memref_slice %arg7[%dma_start3A_215, %dma_start3A_216, %dma_start3A_217] : memref<2x128x128xf32, #tpu.memory_space<vmem>> -> memref<1x128x128xf32, #tpu.memory_space<vmem>>
      %dma_start3A_219 = tpu.memref_squeeze %dma_start3A_218 : memref<1x128x128xf32, #tpu.memory_space<vmem>> -> memref<128x128xf32, #tpu.memory_space<vmem>>
      %dma_start3A_220 = arith.constant 0 : i32
      %dma_start3A_221 = tpu.memref_slice %arg6[%select_n3A_101, %dma_start3A_213, %dma_start3A_214, %dma_start3A_220] : memref<2x2x16x128xi32, #tpu.memory_space<vmem>> -> memref<1x1x1x128xi32, #tpu.memory_space<vmem>>
      %dma_start3A_222 = tpu.memref_squeeze %dma_start3A_221 : memref<1x1x1x128xi32, #tpu.memory_space<vmem>> -> memref<128xi32, #tpu.memory_space<vmem>>
      %dma_start3A_223 = arith.constant 0 : i32
      %dma_start3A_224 = arith.constant 0 : i32
      %dma_start3A_225 = tpu.memref_slice %arg2[%dma_start3A_223, %dma_start3A_224] : memref<10000x128xf32, #tpu.memory_space<hbm>> -> memref<10000x128xf32, #tpu.memory_space<hbm>>
      tpu.enqueue_indirect_dma source(%dma_start3A_225 : memref<10000x128xf32, #tpu.memory_space<hbm>>) target(%dma_start3A_219 : memref<128x128xf32, #tpu.memory_space<vmem>>) offsets(%dma_start3A_222 : memref<128xi32, #tpu.memory_space<vmem>>) semaphore(%arg10 : memref<!tpu.dma_semaphore, #tpu.memory_space<semaphore_mem>>)
      %dma_wait3A_226 = arith.constant 0 : i32
      %dma_wait3A_227 = arith.constant 1 : i32
      %dma_wait3A_228 = arith.constant 1 : i32
      %dma_wait3A_229 = arith.constant 0 : i32
      %dma_wait3A_230 = arith.constant 0 : i32
      %dma_wait3A_231 = tpu.memref_slice %arg7[%dma_wait3A_228, %dma_wait3A_229, %dma_wait3A_230] : memref<2x128x128xf32, #tpu.memory_space<vmem>> -> memref<1x128x128xf32, #tpu.memory_space<vmem>>
      %dma_wait3A_232 = tpu.memref_squeeze %dma_wait3A_231 : memref<1x128x128xf32, #tpu.memory_space<vmem>> -> memref<128x128xf32, #tpu.memory_space<vmem>>
      %dma_wait3A_233 = arith.constant 0 : i32
      %dma_wait3A_234 = tpu.memref_slice %arg6[%select_n3A_101, %dma_wait3A_226, %dma_wait3A_227, %dma_wait3A_233] : memref<2x2x16x128xi32, #tpu.memory_space<vmem>> -> memref<1x1x1x128xi32, #tpu.memory_space<vmem>>
      %dma_wait3A_235 = tpu.memref_squeeze %dma_wait3A_234 : memref<1x1x1x128xi32, #tpu.memory_space<vmem>> -> memref<128xi32, #tpu.memory_space<vmem>>
      %dma_wait3A_236 = arith.constant 0 : i32
      %dma_wait3A_237 = arith.constant 0 : i32
      %dma_wait3A_238 = tpu.memref_slice %arg2[%dma_wait3A_236, %dma_wait3A_237] : memref<10000x128xf32, #tpu.memory_space<hbm>> -> memref<10000x128xf32, #tpu.memory_space<hbm>>
      tpu.wait_indirect_dma semaphore(%arg11 : memref<!tpu.dma_semaphore, #tpu.memory_space<semaphore_mem>>) src(%dma_wait3A_238 : memref<10000x128xf32, #tpu.memory_space<hbm>>) dst(%dma_wait3A_232 : memref<128x128xf32, #tpu.memory_space<vmem>>)
      %dma_start3A_239 = arith.constant 1 : i32
      %dma_start3A_240 = arith.constant 1 : i32
      %dma_start3A_241 = arith.constant 1 : i32
      %dma_start3A_242 = arith.constant 0 : i32
      %dma_start3A_243 = arith.constant 0 : i32
      %dma_start3A_244 = tpu.memref_slice %arg7[%dma_start3A_239, %dma_start3A_242, %dma_start3A_243] : memref<2x128x128xf32, #tpu.memory_space<vmem>> -> memref<1x128x128xf32, #tpu.memory_space<vmem>>
      %dma_start3A_245 = tpu.memref_squeeze %dma_start3A_244 : memref<1x128x128xf32, #tpu.memory_space<vmem>> -> memref<128x128xf32, #tpu.memory_space<vmem>>
      %dma_start3A_246 = arith.constant 0 : i32
      %dma_start3A_247 = tpu.memref_slice %arg6[%select_n3A_101, %dma_start3A_240, %dma_start3A_241, %dma_start3A_246] : memref<2x2x16x128xi32, #tpu.memory_space<vmem>> -> memref<1x1x1x128xi32, #tpu.memory_space<vmem>>
      %dma_start3A_248 = tpu.memref_squeeze %dma_start3A_247 : memref<1x1x1x128xi32, #tpu.memory_space<vmem>> -> memref<128xi32, #tpu.memory_space<vmem>>
      %dma_start3A_249 = arith.constant 0 : i32
      %dma_start3A_250 = arith.constant 0 : i32
      %dma_start3A_251 = tpu.memref_slice %arg8[%dma_start3A_249, %dma_start3A_250] : memref<10112x128xf32, #tpu.memory_space<vmem_shared>> -> memref<10112x128xf32, #tpu.memory_space<vmem_shared>>
      tpu.enqueue_indirect_dma source(%dma_start3A_245 : memref<128x128xf32, #tpu.memory_space<vmem>>) target(%dma_start3A_251 : memref<10112x128xf32, #tpu.memory_space<vmem_shared>>) offsets(%dma_start3A_248 : memref<128xi32, #tpu.memory_space<vmem>>) semaphore(%arg13 : memref<!tpu.dma_semaphore, #tpu.memory_space<semaphore_mem>>) {add = true}
      %dma_wait3A_252 = arith.constant 1 : i32
      %dma_wait3A_253 = arith.constant 0 : i32
      %dma_wait3A_254 = arith.constant 1 : i32
      %dma_wait3A_255 = arith.constant 0 : i32
      %dma_wait3A_256 = arith.constant 0 : i32
      %dma_wait3A_257 = arith.constant 0 : i32
      %dma_wait3A_258 = tpu.memref_slice %arg7[%dma_wait3A_252, %dma_wait3A_256, %dma_wait3A_257] : memref<2x128x128xf32, #tpu.memory_space<vmem>> -> memref<1x128x128xf32, #tpu.memory_space<vmem>>
      %dma_wait3A_259 = tpu.memref_squeeze %dma_wait3A_258 : memref<1x128x128xf32, #tpu.memory_space<vmem>> -> memref<128x128xf32, #tpu.memory_space<vmem>>
      %dma_wait3A_260 = arith.constant 0 : i32
      %dma_wait3A_261 = tpu.memref_slice %arg6[%dma_wait3A_253, %dma_wait3A_254, %dma_wait3A_255, %dma_wait3A_260] : memref<2x2x16x128xi32, #tpu.memory_space<vmem>> -> memref<1x1x1x128xi32, #tpu.memory_space<vmem>>
      %dma_wait3A_262 = tpu.memref_squeeze %dma_wait3A_261 : memref<1x1x1x128xi32, #tpu.memory_space<vmem>> -> memref<128xi32, #tpu.memory_space<vmem>>
      %dma_wait3A_263 = arith.constant 0 : i32
      %dma_wait3A_264 = arith.constant 0 : i32
      %dma_wait3A_265 = tpu.memref_slice %arg8[%dma_wait3A_263, %dma_wait3A_264] : memref<10112x128xf32, #tpu.memory_space<vmem_shared>> -> memref<10112x128xf32, #tpu.memory_space<vmem_shared>>
      tpu.wait_indirect_dma semaphore(%arg13 : memref<!tpu.dma_semaphore, #tpu.memory_space<semaphore_mem>>) src(%dma_wait3A_259 : memref<128x128xf32, #tpu.memory_space<vmem>>) dst(%dma_wait3A_265 : memref<10112x128xf32, #tpu.memory_space<vmem_shared>>)
      %dma_start3A_266 = arith.constant 0 : i32
      %dma_start3A_267 = arith.constant 3 : i32
      %dma_start3A_268 = arith.constant 1 : i32
      %dma_start3A_269 = arith.constant 0 : i32
      %dma_start3A_270 = arith.constant 0 : i32
      %dma_start3A_271 = tpu.memref_slice %arg7[%dma_start3A_268, %dma_start3A_269, %dma_start3A_270] : memref<2x128x128xf32, #tpu.memory_space<vmem>> -> memref<1x128x128xf32, #tpu.memory_space<vmem>>
      %dma_start3A_272 = tpu.memref_squeeze %dma_start3A_271 : memref<1x128x128xf32, #tpu.memory_space<vmem>> -> memref<128x128xf32, #tpu.memory_space<vmem>>
      %dma_start3A_273 = arith.constant 0 : i32
      %dma_start3A_274 = tpu.memref_slice %arg6[%select_n3A_101, %dma_start3A_266, %dma_start3A_267, %dma_start3A_273] : memref<2x2x16x128xi32, #tpu.memory_space<vmem>> -> memref<1x1x1x128xi32, #tpu.memory_space<vmem>>
      %dma_start3A_275 = tpu.memref_squeeze %dma_start3A_274 : memref<1x1x1x128xi32, #tpu.memory_space<vmem>> -> memref<128xi32, #tpu.memory_space<vmem>>
      %dma_start3A_276 = arith.constant 0 : i32
      %dma_start3A_277 = arith.constant 0 : i32
      %dma_start3A_278 = tpu.memref_slice %arg2[%dma_start3A_276, %dma_start3A_277] : memref<10000x128xf32, #tpu.memory_space<hbm>> -> memref<10000x128xf32, #tpu.memory_space<hbm>>
      tpu.enqueue_indirect_dma source(%dma_start3A_278 : memref<10000x128xf32, #tpu.memory_space<hbm>>) target(%dma_start3A_272 : memref<128x128xf32, #tpu.memory_space<vmem>>) offsets(%dma_start3A_275 : memref<128xi32, #tpu.memory_space<vmem>>) semaphore(%arg11 : memref<!tpu.dma_semaphore, #tpu.memory_space<semaphore_mem>>)
      %dma_wait3A_279 = arith.constant 0 : i32
      %dma_wait3A_280 = arith.constant 2 : i32
      %dma_wait3A_281 = arith.constant 0 : i32
      %dma_wait3A_282 = arith.constant 0 : i32
      %dma_wait3A_283 = arith.constant 0 : i32
      %dma_wait3A_284 = tpu.memref_slice %arg7[%dma_wait3A_281, %dma_wait3A_282, %dma_wait3A_283] : memref<2x128x128xf32, #tpu.memory_space<vmem>> -> memref<1x128x128xf32, #tpu.memory_space<vmem>>
      %dma_wait3A_285 = tpu.memref_squeeze %dma_wait3A_284 : memref<1x128x128xf32, #tpu.memory_space<vmem>> -> memref<128x128xf32, #tpu.memory_space<vmem>>
      %dma_wait3A_286 = arith.constant 0 : i32
      %dma_wait3A_287 = tpu.memref_slice %arg6[%select_n3A_101, %dma_wait3A_279, %dma_wait3A_280, %dma_wait3A_286] : memref<2x2x16x128xi32, #tpu.memory_space<vmem>> -> memref<1x1x1x128xi32, #tpu.memory_space<vmem>>
      %dma_wait3A_288 = tpu.memref_squeeze %dma_wait3A_287 : memref<1x1x1x128xi32, #tpu.memory_space<vmem>> -> memref<128xi32, #tpu.memory_space<vmem>>
      %dma_wait3A_289 = arith.constant 0 : i32
      %dma_wait3A_290 = arith.constant 0 : i32
      %dma_wait3A_291 = tpu.memref_slice %arg2[%dma_wait3A_289, %dma_wait3A_290] : memref<10000x128xf32, #tpu.memory_space<hbm>> -> memref<10000x128xf32, #tpu.memory_space<hbm>>
      tpu.wait_indirect_dma semaphore(%arg10 : memref<!tpu.dma_semaphore, #tpu.memory_space<semaphore_mem>>) src(%dma_wait3A_291 : memref<10000x128xf32, #tpu.memory_space<hbm>>) dst(%dma_wait3A_285 : memref<128x128xf32, #tpu.memory_space<vmem>>)
      %dma_start3A_292 = arith.constant 0 : i32
      %dma_start3A_293 = arith.constant 1 : i32
      %dma_start3A_294 = arith.constant 2 : i32
      %dma_start3A_295 = arith.constant 0 : i32
      %dma_start3A_296 = arith.constant 0 : i32
      %dma_start3A_297 = tpu.memref_slice %arg7[%dma_start3A_292, %dma_start3A_295, %dma_start3A_296] : memref<2x128x128xf32, #tpu.memory_space<vmem>> -> memref<1x128x128xf32, #tpu.memory_space<vmem>>
      %dma_start3A_298 = tpu.memref_squeeze %dma_start3A_297 : memref<1x128x128xf32, #tpu.memory_space<vmem>> -> memref<128x128xf32, #tpu.memory_space<vmem>>
      %dma_start3A_299 = arith.constant 0 : i32
      %dma_start3A_300 = tpu.memref_slice %arg6[%select_n3A_101, %dma_start3A_293, %dma_start3A_294, %dma_start3A_299] : memref<2x2x16x128xi32, #tpu.memory_space<vmem>> -> memref<1x1x1x128xi32, #tpu.memory_space<vmem>>
      %dma_start3A_301 = tpu.memref_squeeze %dma_start3A_300 : memref<1x1x1x128xi32, #tpu.memory_space<vmem>> -> memref<128xi32, #tpu.memory_space<vmem>>
      %dma_start3A_302 = arith.constant 0 : i32
      %dma_start3A_303 = arith.constant 0 : i32
      %dma_start3A_304 = tpu.memref_slice %arg8[%dma_start3A_302, %dma_start3A_303] : memref<10112x128xf32, #tpu.memory_space<vmem_shared>> -> memref<10112x128xf32, #tpu.memory_space<vmem_shared>>
      tpu.enqueue_indirect_dma source(%dma_start3A_298 : memref<128x128xf32, #tpu.memory_space<vmem>>) target(%dma_start3A_304 : memref<10112x128xf32, #tpu.memory_space<vmem_shared>>) offsets(%dma_start3A_301 : memref<128xi32, #tpu.memory_space<vmem>>) semaphore(%arg12 : memref<!tpu.dma_semaphore, #tpu.memory_space<semaphore_mem>>) {add = true}
      %dma_wait3A_305 = arith.constant 0 : i32
      %dma_wait3A_306 = arith.constant 0 : i32
      %dma_wait3A_307 = arith.constant 1 : i32
      %dma_wait3A_308 = arith.constant 0 : i32
      %dma_wait3A_309 = arith.constant 0 : i32
      %dma_wait3A_310 = arith.constant 0 : i32
      %dma_wait3A_311 = tpu.memref_slice %arg7[%dma_wait3A_305, %dma_wait3A_309, %dma_wait3A_310] : memref<2x128x128xf32, #tpu.memory_space<vmem>> -> memref<1x128x128xf32, #tpu.memory_space<vmem>>
      %dma_wait3A_312 = tpu.memref_squeeze %dma_wait3A_311 : memref<1x128x128xf32, #tpu.memory_space<vmem>> -> memref<128x128xf32, #tpu.memory_space<vmem>>
      %dma_wait3A_313 = arith.constant 0 : i32
      %dma_wait3A_314 = tpu.memref_slice %arg6[%dma_wait3A_306, %dma_wait3A_307, %dma_wait3A_308, %dma_wait3A_313] : memref<2x2x16x128xi32, #tpu.memory_space<vmem>> -> memref<1x1x1x128xi32, #tpu.memory_space<vmem>>
      %dma_wait3A_315 = tpu.memref_squeeze %dma_wait3A_314 : memref<1x1x1x128xi32, #tpu.memory_space<vmem>> -> memref<128xi32, #tpu.memory_space<vmem>>
      %dma_wait3A_316 = arith.constant 0 : i32
      %dma_wait3A_317 = arith.constant 0 : i32
      %dma_wait3A_318 = tpu.memref_slice %arg8[%dma_wait3A_316, %dma_wait3A_317] : memref<10112x128xf32, #tpu.memory_space<vmem_shared>> -> memref<10112x128xf32, #tpu.memory_space<vmem_shared>>
      tpu.wait_indirect_dma semaphore(%arg12 : memref<!tpu.dma_semaphore, #tpu.memory_space<semaphore_mem>>) src(%dma_wait3A_312 : memref<128x128xf32, #tpu.memory_space<vmem>>) dst(%dma_wait3A_318 : memref<10112x128xf32, #tpu.memory_space<vmem_shared>>)
      %dma_start3A_319 = arith.constant 0 : i32
      %dma_start3A_320 = arith.constant 4 : i32
      %dma_start3A_321 = arith.constant 0 : i32
      %dma_start3A_322 = arith.constant 0 : i32
      %dma_start3A_323 = arith.constant 0 : i32
      %dma_start3A_324 = tpu.memref_slice %arg7[%dma_start3A_321, %dma_start3A_322, %dma_start3A_323] : memref<2x128x128xf32, #tpu.memory_space<vmem>> -> memref<1x128x128xf32, #tpu.memory_space<vmem>>
      %dma_start3A_325 = tpu.memref_squeeze %dma_start3A_324 : memref<1x128x128xf32, #tpu.memory_space<vmem>> -> memref<128x128xf32, #tpu.memory_space<vmem>>
      %dma_start3A_326 = arith.constant 0 : i32
      %dma_start3A_327 = tpu.memref_slice %arg6[%select_n3A_101, %dma_start3A_319, %dma_start3A_320, %dma_start3A_326] : memref<2x2x16x128xi32, #tpu.memory_space<vmem>> -> memref<1x1x1x128xi32, #tpu.memory_space<vmem>>
      %dma_start3A_328 = tpu.memref_squeeze %dma_start3A_327 : memref<1x1x1x128xi32, #tpu.memory_space<vmem>> -> memref<128xi32, #tpu.memory_space<vmem>>
      %dma_start3A_329 = arith.constant 0 : i32
      %dma_start3A_330 = arith.constant 0 : i32
      %dma_start3A_331 = tpu.memref_slice %arg2[%dma_start3A_329, %dma_start3A_330] : memref<10000x128xf32, #tpu.memory_space<hbm>> -> memref<10000x128xf32, #tpu.memory_space<hbm>>
      tpu.enqueue_indirect_dma source(%dma_start3A_331 : memref<10000x128xf32, #tpu.memory_space<hbm>>) target(%dma_start3A_325 : memref<128x128xf32, #tpu.memory_space<vmem>>) offsets(%dma_start3A_328 : memref<128xi32, #tpu.memory_space<vmem>>) semaphore(%arg10 : memref<!tpu.dma_semaphore, #tpu.memory_space<semaphore_mem>>)
      %dma_wait3A_332 = arith.constant 0 : i32
      %dma_wait3A_333 = arith.constant 3 : i32
      %dma_wait3A_334 = arith.constant 1 : i32
      %dma_wait3A_335 = arith.constant 0 : i32
      %dma_wait3A_336 = arith.constant 0 : i32
      %dma_wait3A_337 = tpu.memref_slice %arg7[%dma_wait3A_334, %dma_wait3A_335, %dma_wait3A_336] : memref<2x128x128xf32, #tpu.memory_space<vmem>> -> memref<1x128x128xf32, #tpu.memory_space<vmem>>
      %dma_wait3A_338 = tpu.memref_squeeze %dma_wait3A_337 : memref<1x128x128xf32, #tpu.memory_space<vmem>> -> memref<128x128xf32, #tpu.memory_space<vmem>>
      %dma_wait3A_339 = arith.constant 0 : i32
      %dma_wait3A_340 = tpu.memref_slice %arg6[%select_n3A_101, %dma_wait3A_332, %dma_wait3A_333, %dma_wait3A_339] : memref<2x2x16x128xi32, #tpu.memory_space<vmem>> -> memref<1x1x1x128xi32, #tpu.memory_space<vmem>>
      %dma_wait3A_341 = tpu.memref_squeeze %dma_wait3A_340 : memref<1x1x1x128xi32, #tpu.memory_space<vmem>> -> memref<128xi32, #tpu.memory_space<vmem>>
      %dma_wait3A_342 = arith.constant 0 : i32
      %dma_wait3A_343 = arith.constant 0 : i32
      %dma_wait3A_344 = tpu.memref_slice %arg2[%dma_wait3A_342, %dma_wait3A_343] : memref<10000x128xf32, #tpu.memory_space<hbm>> -> memref<10000x128xf32, #tpu.memory_space<hbm>>
      tpu.wait_indirect_dma semaphore(%arg11 : memref<!tpu.dma_semaphore, #tpu.memory_space<semaphore_mem>>) src(%dma_wait3A_344 : memref<10000x128xf32, #tpu.memory_space<hbm>>) dst(%dma_wait3A_338 : memref<128x128xf32, #tpu.memory_space<vmem>>)
      %dma_start3A_345 = arith.constant 1 : i32
      %dma_start3A_346 = arith.constant 1 : i32
      %dma_start3A_347 = arith.constant 3 : i32
      %dma_start3A_348 = arith.constant 0 : i32
      %dma_start3A_349 = arith.constant 0 : i32
      %dma_start3A_350 = tpu.memref_slice %arg7[%dma_start3A_345, %dma_start3A_348, %dma_start3A_349] : memref<2x128x128xf32, #tpu.memory_space<vmem>> -> memref<1x128x128xf32, #tpu.memory_space<vmem>>
      %dma_start3A_351 = tpu.memref_squeeze %dma_start3A_350 : memref<1x128x128xf32, #tpu.memory_space<vmem>> -> memref<128x128xf32, #tpu.memory_space<vmem>>
      %dma_start3A_352 = arith.constant 0 : i32
      %dma_start3A_353 = tpu.memref_slice %arg6[%select_n3A_101, %dma_start3A_346, %dma_start3A_347, %dma_start3A_352] : memref<2x2x16x128xi32, #tpu.memory_space<vmem>> -> memref<1x1x1x128xi32, #tpu.memory_space<vmem>>
      %dma_start3A_354 = tpu.memref_squeeze %dma_start3A_353 : memref<1x1x1x128xi32, #tpu.memory_space<vmem>> -> memref<128xi32, #tpu.memory_space<vmem>>
      %dma_start3A_355 = arith.constant 0 : i32
      %dma_start3A_356 = arith.constant 0 : i32
      %dma_start3A_357 = tpu.memref_slice %arg8[%dma_start3A_355, %dma_start3A_356] : memref<10112x128xf32, #tpu.memory_space<vmem_shared>> -> memref<10112x128xf32, #tpu.memory_space<vmem_shared>>
      tpu.enqueue_indirect_dma source(%dma_start3A_351 : memref<128x128xf32, #tpu.memory_space<vmem>>) target(%dma_start3A_357 : memref<10112x128xf32, #tpu.memory_space<vmem_shared>>) offsets(%dma_start3A_354 : memref<128xi32, #tpu.memory_space<vmem>>) semaphore(%arg13 : memref<!tpu.dma_semaphore, #tpu.memory_space<semaphore_mem>>) {add = true}
      %dma_wait3A_358 = arith.constant 1 : i32
      %dma_wait3A_359 = arith.constant 0 : i32
      %dma_wait3A_360 = arith.constant 1 : i32
      %dma_wait3A_361 = arith.constant 0 : i32
      %dma_wait3A_362 = arith.constant 0 : i32
      %dma_wait3A_363 = arith.constant 0 : i32
      %dma_wait3A_364 = tpu.memref_slice %arg7[%dma_wait3A_358, %dma_wait3A_362, %dma_wait3A_363] : memref<2x128x128xf32, #tpu.memory_space<vmem>> -> memref<1x128x128xf32, #tpu.memory_space<vmem>>
      %dma_wait3A_365 = tpu.memref_squeeze %dma_wait3A_364 : memref<1x128x128xf32, #tpu.memory_space<vmem>> -> memref<128x128xf32, #tpu.memory_space<vmem>>
      %dma_wait3A_366 = arith.constant 0 : i32
      %dma_wait3A_367 = tpu.memref_slice %arg6[%dma_wait3A_359, %dma_wait3A_360, %dma_wait3A_361, %dma_wait3A_366] : memref<2x2x16x128xi32, #tpu.memory_space<vmem>> -> memref<1x1x1x128xi32, #tpu.memory_space<vmem>>
      %dma_wait3A_368 = tpu.memref_squeeze %dma_wait3A_367 : memref<1x1x1x128xi32, #tpu.memory_space<vmem>> -> memref<128xi32, #tpu.memory_space<vmem>>
      %dma_wait3A_369 = arith.constant 0 : i32
      %dma_wait3A_370 = arith.constant 0 : i32
      %dma_wait3A_371 = tpu.memref_slice %arg8[%dma_wait3A_369, %dma_wait3A_370] : memref<10112x128xf32, #tpu.memory_space<vmem_shared>> -> memref<10112x128xf32, #tpu.memory_space<vmem_shared>>
      tpu.wait_indirect_dma semaphore(%arg13 : memref<!tpu.dma_semaphore, #tpu.memory_space<semaphore_mem>>) src(%dma_wait3A_365 : memref<128x128xf32, #tpu.memory_space<vmem>>) dst(%dma_wait3A_371 : memref<10112x128xf32, #tpu.memory_space<vmem_shared>>)
      %dma_start3A_372 = arith.constant 0 : i32
      %dma_start3A_373 = arith.constant 5 : i32
      %dma_start3A_374 = arith.constant 1 : i32
      %dma_start3A_375 = arith.constant 0 : i32
      %dma_start3A_376 = arith.constant 0 : i32
      %dma_start3A_377 = tpu.memref_slice %arg7[%dma_start3A_374, %dma_start3A_375, %dma_start3A_376] : memref<2x128x128xf32, #tpu.memory_space<vmem>> -> memref<1x128x128xf32, #tpu.memory_space<vmem>>
      %dma_start3A_378 = tpu.memref_squeeze %dma_start3A_377 : memref<1x128x128xf32, #tpu.memory_space<vmem>> -> memref<128x128xf32, #tpu.memory_space<vmem>>
      %dma_start3A_379 = arith.constant 0 : i32
      %dma_start3A_380 = tpu.memref_slice %arg6[%select_n3A_101, %dma_start3A_372, %dma_start3A_373, %dma_start3A_379] : memref<2x2x16x128xi32, #tpu.memory_space<vmem>> -> memref<1x1x1x128xi32, #tpu.memory_space<vmem>>
      %dma_start3A_381 = tpu.memref_squeeze %dma_start3A_380 : memref<1x1x1x128xi32, #tpu.memory_space<vmem>> -> memref<128xi32, #tpu.memory_space<vmem>>
      %dma_start3A_382 = arith.constant 0 : i32
      %dma_start3A_383 = arith.constant 0 : i32
      %dma_start3A_384 = tpu.memref_slice %arg2[%dma_start3A_382, %dma_start3A_383] : memref<10000x128xf32, #tpu.memory_space<hbm>> -> memref<10000x128xf32, #tpu.memory_space<hbm>>
      tpu.enqueue_indirect_dma source(%dma_start3A_384 : memref<10000x128xf32, #tpu.memory_space<hbm>>) target(%dma_start3A_378 : memref<128x128xf32, #tpu.memory_space<vmem>>) offsets(%dma_start3A_381 : memref<128xi32, #tpu.memory_space<vmem>>) semaphore(%arg11 : memref<!tpu.dma_semaphore, #tpu.memory_space<semaphore_mem>>)
      %dma_wait3A_385 = arith.constant 0 : i32
      %dma_wait3A_386 = arith.constant 4 : i32
      %dma_wait3A_387 = arith.constant 0 : i32
      %dma_wait3A_388 = arith.constant 0 : i32
      %dma_wait3A_389 = arith.constant 0 : i32
      %dma_wait3A_390 = tpu.memref_slice %arg7[%dma_wait3A_387, %dma_wait3A_388, %dma_wait3A_389] : memref<2x128x128xf32, #tpu.memory_space<vmem>> -> memref<1x128x128xf32, #tpu.memory_space<vmem>>
      %dma_wait3A_391 = tpu.memref_squeeze %dma_wait3A_390 : memref<1x128x128xf32, #tpu.memory_space<vmem>> -> memref<128x128xf32, #tpu.memory_space<vmem>>
      %dma_wait3A_392 = arith.constant 0 : i32
      %dma_wait3A_393 = tpu.memref_slice %arg6[%select_n3A_101, %dma_wait3A_385, %dma_wait3A_386, %dma_wait3A_392] : memref<2x2x16x128xi32, #tpu.memory_space<vmem>> -> memref<1x1x1x128xi32, #tpu.memory_space<vmem>>
      %dma_wait3A_394 = tpu.memref_squeeze %dma_wait3A_393 : memref<1x1x1x128xi32, #tpu.memory_space<vmem>> -> memref<128xi32, #tpu.memory_space<vmem>>
      %dma_wait3A_395 = arith.constant 0 : i32
      %dma_wait3A_396 = arith.constant 0 : i32
      %dma_wait3A_397 = tpu.memref_slice %arg2[%dma_wait3A_395, %dma_wait3A_396] : memref<10000x128xf32, #tpu.memory_space<hbm>> -> memref<10000x128xf32, #tpu.memory_space<hbm>>
      tpu.wait_indirect_dma semaphore(%arg10 : memref<!tpu.dma_semaphore, #tpu.memory_space<semaphore_mem>>) src(%dma_wait3A_397 : memref<10000x128xf32, #tpu.memory_space<hbm>>) dst(%dma_wait3A_391 : memref<128x128xf32, #tpu.memory_space<vmem>>)
      %dma_start3A_398 = arith.constant 0 : i32
      %dma_start3A_399 = arith.constant 1 : i32
      %dma_start3A_400 = arith.constant 4 : i32
      %dma_start3A_401 = arith.constant 0 : i32
      %dma_start3A_402 = arith.constant 0 : i32
      %dma_start3A_403 = tpu.memref_slice %arg7[%dma_start3A_398, %dma_start3A_401, %dma_start3A_402] : memref<2x128x128xf32, #tpu.memory_space<vmem>> -> memref<1x128x128xf32, #tpu.memory_space<vmem>>
      %dma_start3A_404 = tpu.memref_squeeze %dma_start3A_403 : memref<1x128x128xf32, #tpu.memory_space<vmem>> -> memref<128x128xf32, #tpu.memory_space<vmem>>
      %dma_start3A_405 = arith.constant 0 : i32
      %dma_start3A_406 = tpu.memref_slice %arg6[%select_n3A_101, %dma_start3A_399, %dma_start3A_400, %dma_start3A_405] : memref<2x2x16x128xi32, #tpu.memory_space<vmem>> -> memref<1x1x1x128xi32, #tpu.memory_space<vmem>>
      %dma_start3A_407 = tpu.memref_squeeze %dma_start3A_406 : memref<1x1x1x128xi32, #tpu.memory_space<vmem>> -> memref<128xi32, #tpu.memory_space<vmem>>
      %dma_start3A_408 = arith.constant 0 : i32
      %dma_start3A_409 = arith.constant 0 : i32
      %dma_start3A_410 = tpu.memref_slice %arg8[%dma_start3A_408, %dma_start3A_409] : memref<10112x128xf32, #tpu.memory_space<vmem_shared>> -> memref<10112x128xf32, #tpu.memory_space<vmem_shared>>
      tpu.enqueue_indirect_dma source(%dma_start3A_404 : memref<128x128xf32, #tpu.memory_space<vmem>>) target(%dma_start3A_410 : memref<10112x128xf32, #tpu.memory_space<vmem_shared>>) offsets(%dma_start3A_407 : memref<128xi32, #tpu.memory_space<vmem>>) semaphore(%arg12 : memref<!tpu.dma_semaphore, #tpu.memory_space<semaphore_mem>>) {add = true}
      %dma_wait3A_411 = arith.constant 0 : i32
      %dma_wait3A_412 = arith.constant 0 : i32
      %dma_wait3A_413 = arith.constant 1 : i32
      %dma_wait3A_414 = arith.constant 0 : i32
      %dma_wait3A_415 = arith.constant 0 : i32
      %dma_wait3A_416 = arith.constant 0 : i32
      %dma_wait3A_417 = tpu.memref_slice %arg7[%dma_wait3A_411, %dma_wait3A_415, %dma_wait3A_416] : memref<2x128x128xf32, #tpu.memory_space<vmem>> -> memref<1x128x128xf32, #tpu.memory_space<vmem>>
      %dma_wait3A_418 = tpu.memref_squeeze %dma_wait3A_417 : memref<1x128x128xf32, #tpu.memory_space<vmem>> -> memref<128x128xf32, #tpu.memory_space<vmem>>
      %dma_wait3A_419 = arith.constant 0 : i32
      %dma_wait3A_420 = tpu.memref_slice %arg6[%dma_wait3A_412, %dma_wait3A_413, %dma_wait3A_414, %dma_wait3A_419] : memref<2x2x16x128xi32, #tpu.memory_space<vmem>> -> memref<1x1x1x128xi32, #tpu.memory_space<vmem>>
      %dma_wait3A_421 = tpu.memref_squeeze %dma_wait3A_420 : memref<1x1x1x128xi32, #tpu.memory_space<vmem>> -> memref<128xi32, #tpu.memory_space<vmem>>
      %dma_wait3A_422 = arith.constant 0 : i32
      %dma_wait3A_423 = arith.constant 0 : i32
      %dma_wait3A_424 = tpu.memref_slice %arg8[%dma_wait3A_422, %dma_wait3A_423] : memref<10112x128xf32, #tpu.memory_space<vmem_shared>> -> memref<10112x128xf32, #tpu.memory_space<vmem_shared>>
      tpu.wait_indirect_dma semaphore(%arg12 : memref<!tpu.dma_semaphore, #tpu.memory_space<semaphore_mem>>) src(%dma_wait3A_418 : memref<128x128xf32, #tpu.memory_space<vmem>>) dst(%dma_wait3A_424 : memref<10112x128xf32, #tpu.memory_space<vmem_shared>>)
      %dma_start3A_425 = arith.constant 0 : i32
      %dma_start3A_426 = arith.constant 6 : i32
      %dma_start3A_427 = arith.constant 0 : i32
      %dma_start3A_428 = arith.constant 0 : i32
      %dma_start3A_429 = arith.constant 0 : i32
      %dma_start3A_430 = tpu.memref_slice %arg7[%dma_start3A_427, %dma_start3A_428, %dma_start3A_429] : memref<2x128x128xf32, #tpu.memory_space<vmem>> -> memref<1x128x128xf32, #tpu.memory_space<vmem>>
      %dma_start3A_431 = tpu.memref_squeeze %dma_start3A_430 : memref<1x128x128xf32, #tpu.memory_space<vmem>> -> memref<128x128xf32, #tpu.memory_space<vmem>>
      %dma_start3A_432 = arith.constant 0 : i32
      %dma_start3A_433 = tpu.memref_slice %arg6[%select_n3A_101, %dma_start3A_425, %dma_start3A_426, %dma_start3A_432] : memref<2x2x16x128xi32, #tpu.memory_space<vmem>> -> memref<1x1x1x128xi32, #tpu.memory_space<vmem>>
      %dma_start3A_434 = tpu.memref_squeeze %dma_start3A_433 : memref<1x1x1x128xi32, #tpu.memory_space<vmem>> -> memref<128xi32, #tpu.memory_space<vmem>>
      %dma_start3A_435 = arith.constant 0 : i32
      %dma_start3A_436 = arith.constant 0 : i32
      %dma_start3A_437 = tpu.memref_slice %arg2[%dma_start3A_435, %dma_start3A_436] : memref<10000x128xf32, #tpu.memory_space<hbm>> -> memref<10000x128xf32, #tpu.memory_space<hbm>>
      tpu.enqueue_indirect_dma source(%dma_start3A_437 : memref<10000x128xf32, #tpu.memory_space<hbm>>) target(%dma_start3A_431 : memref<128x128xf32, #tpu.memory_space<vmem>>) offsets(%dma_start3A_434 : memref<128xi32, #tpu.memory_space<vmem>>) semaphore(%arg10 : memref<!tpu.dma_semaphore, #tpu.memory_space<semaphore_mem>>)
      %dma_wait3A_438 = arith.constant 0 : i32
      %dma_wait3A_439 = arith.constant 5 : i32
      %dma_wait3A_440 = arith.constant 1 : i32
      %dma_wait3A_441 = arith.constant 0 : i32
      %dma_wait3A_442 = arith.constant 0 : i32
      %dma_wait3A_443 = tpu.memref_slice %arg7[%dma_wait3A_440, %dma_wait3A_441, %dma_wait3A_442] : memref<2x128x128xf32, #tpu.memory_space<vmem>> -> memref<1x128x128xf32, #tpu.memory_space<vmem>>
      %dma_wait3A_444 = tpu.memref_squeeze %dma_wait3A_443 : memref<1x128x128xf32, #tpu.memory_space<vmem>> -> memref<128x128xf32, #tpu.memory_space<vmem>>
      %dma_wait3A_445 = arith.constant 0 : i32
      %dma_wait3A_446 = tpu.memref_slice %arg6[%select_n3A_101, %dma_wait3A_438, %dma_wait3A_439, %dma_wait3A_445] : memref<2x2x16x128xi32, #tpu.memory_space<vmem>> -> memref<1x1x1x128xi32, #tpu.memory_space<vmem>>
      %dma_wait3A_447 = tpu.memref_squeeze %dma_wait3A_446 : memref<1x1x1x128xi32, #tpu.memory_space<vmem>> -> memref<128xi32, #tpu.memory_space<vmem>>
      %dma_wait3A_448 = arith.constant 0 : i32
      %dma_wait3A_449 = arith.constant 0 : i32
      %dma_wait3A_450 = tpu.memref_slice %arg2[%dma_wait3A_448, %dma_wait3A_449] : memref<10000x128xf32, #tpu.memory_space<hbm>> -> memref<10000x128xf32, #tpu.memory_space<hbm>>
      tpu.wait_indirect_dma semaphore(%arg11 : memref<!tpu.dma_semaphore, #tpu.memory_space<semaphore_mem>>) src(%dma_wait3A_450 : memref<10000x128xf32, #tpu.memory_space<hbm>>) dst(%dma_wait3A_444 : memref<128x128xf32, #tpu.memory_space<vmem>>)
      %dma_start3A_451 = arith.constant 1 : i32
      %dma_start3A_452 = arith.constant 1 : i32
      %dma_start3A_453 = arith.constant 5 : i32
      %dma_start3A_454 = arith.constant 0 : i32
      %dma_start3A_455 = arith.constant 0 : i32
      %dma_start3A_456 = tpu.memref_slice %arg7[%dma_start3A_451, %dma_start3A_454, %dma_start3A_455] : memref<2x128x128xf32, #tpu.memory_space<vmem>> -> memref<1x128x128xf32, #tpu.memory_space<vmem>>
      %dma_start3A_457 = tpu.memref_squeeze %dma_start3A_456 : memref<1x128x128xf32, #tpu.memory_space<vmem>> -> memref<128x128xf32, #tpu.memory_space<vmem>>
      %dma_start3A_458 = arith.constant 0 : i32
      %dma_start3A_459 = tpu.memref_slice %arg6[%select_n3A_101, %dma_start3A_452, %dma_start3A_453, %dma_start3A_458] : memref<2x2x16x128xi32, #tpu.memory_space<vmem>> -> memref<1x1x1x128xi32, #tpu.memory_space<vmem>>
      %dma_start3A_460 = tpu.memref_squeeze %dma_start3A_459 : memref<1x1x1x128xi32, #tpu.memory_space<vmem>> -> memref<128xi32, #tpu.memory_space<vmem>>
      %dma_start3A_461 = arith.constant 0 : i32
      %dma_start3A_462 = arith.constant 0 : i32
      %dma_start3A_463 = tpu.memref_slice %arg8[%dma_start3A_461, %dma_start3A_462] : memref<10112x128xf32, #tpu.memory_space<vmem_shared>> -> memref<10112x128xf32, #tpu.memory_space<vmem_shared>>
      tpu.enqueue_indirect_dma source(%dma_start3A_457 : memref<128x128xf32, #tpu.memory_space<vmem>>) target(%dma_start3A_463 : memref<10112x128xf32, #tpu.memory_space<vmem_shared>>) offsets(%dma_start3A_460 : memref<128xi32, #tpu.memory_space<vmem>>) semaphore(%arg13 : memref<!tpu.dma_semaphore, #tpu.memory_space<semaphore_mem>>) {add = true}
      %dma_wait3A_464 = arith.constant 1 : i32
      %dma_wait3A_465 = arith.constant 0 : i32
      %dma_wait3A_466 = arith.constant 1 : i32
      %dma_wait3A_467 = arith.constant 0 : i32
      %dma_wait3A_468 = arith.constant 0 : i32
      %dma_wait3A_469 = arith.constant 0 : i32
      %dma_wait3A_470 = tpu.memref_slice %arg7[%dma_wait3A_464, %dma_wait3A_468, %dma_wait3A_469] : memref<2x128x128xf32, #tpu.memory_space<vmem>> -> memref<1x128x128xf32, #tpu.memory_space<vmem>>
      %dma_wait3A_471 = tpu.memref_squeeze %dma_wait3A_470 : memref<1x128x128xf32, #tpu.memory_space<vmem>> -> memref<128x128xf32, #tpu.memory_space<vmem>>
      %dma_wait3A_472 = arith.constant 0 : i32
      %dma_wait3A_473 = tpu.memref_slice %arg6[%dma_wait3A_465, %dma_wait3A_466, %dma_wait3A_467, %dma_wait3A_472] : memref<2x2x16x128xi32, #tpu.memory_space<vmem>> -> memref<1x1x1x128xi32, #tpu.memory_space<vmem>>
      %dma_wait3A_474 = tpu.memref_squeeze %dma_wait3A_473 : memref<1x1x1x128xi32, #tpu.memory_space<vmem>> -> memref<128xi32, #tpu.memory_space<vmem>>
      %dma_wait3A_475 = arith.constant 0 : i32
      %dma_wait3A_476 = arith.constant 0 : i32
      %dma_wait3A_477 = tpu.memref_slice %arg8[%dma_wait3A_475, %dma_wait3A_476] : memref<10112x128xf32, #tpu.memory_space<vmem_shared>> -> memref<10112x128xf32, #tpu.memory_space<vmem_shared>>
      tpu.wait_indirect_dma semaphore(%arg13 : memref<!tpu.dma_semaphore, #tpu.memory_space<semaphore_mem>>) src(%dma_wait3A_471 : memref<128x128xf32, #tpu.memory_space<vmem>>) dst(%dma_wait3A_477 : memref<10112x128xf32, #tpu.memory_space<vmem_shared>>)
      %dma_start3A_478 = arith.constant 0 : i32
      %dma_start3A_479 = arith.constant 7 : i32
      %dma_start3A_480 = arith.constant 1 : i32
      %dma_start3A_481 = arith.constant 0 : i32
      %dma_start3A_482 = arith.constant 0 : i32
      %dma_start3A_483 = tpu.memref_slice %arg7[%dma_start3A_480, %dma_start3A_481, %dma_start3A_482] : memref<2x128x128xf32, #tpu.memory_space<vmem>> -> memref<1x128x128xf32, #tpu.memory_space<vmem>>
      %dma_start3A_484 = tpu.memref_squeeze %dma_start3A_483 : memref<1x128x128xf32, #tpu.memory_space<vmem>> -> memref<128x128xf32, #tpu.memory_space<vmem>>
      %dma_start3A_485 = arith.constant 0 : i32
      %dma_start3A_486 = tpu.memref_slice %arg6[%select_n3A_101, %dma_start3A_478, %dma_start3A_479, %dma_start3A_485] : memref<2x2x16x128xi32, #tpu.memory_space<vmem>> -> memref<1x1x1x128xi32, #tpu.memory_space<vmem>>
      %dma_start3A_487 = tpu.memref_squeeze %dma_start3A_486 : memref<1x1x1x128xi32, #tpu.memory_space<vmem>> -> memref<128xi32, #tpu.memory_space<vmem>>
      %dma_start3A_488 = arith.constant 0 : i32
      %dma_start3A_489 = arith.constant 0 : i32
      %dma_start3A_490 = tpu.memref_slice %arg2[%dma_start3A_488, %dma_start3A_489] : memref<10000x128xf32, #tpu.memory_space<hbm>> -> memref<10000x128xf32, #tpu.memory_space<hbm>>
      tpu.enqueue_indirect_dma source(%dma_start3A_490 : memref<10000x128xf32, #tpu.memory_space<hbm>>) target(%dma_start3A_484 : memref<128x128xf32, #tpu.memory_space<vmem>>) offsets(%dma_start3A_487 : memref<128xi32, #tpu.memory_space<vmem>>) semaphore(%arg11 : memref<!tpu.dma_semaphore, #tpu.memory_space<semaphore_mem>>)
      %dma_wait3A_491 = arith.constant 0 : i32
      %dma_wait3A_492 = arith.constant 6 : i32
      %dma_wait3A_493 = arith.constant 0 : i32
      %dma_wait3A_494 = arith.constant 0 : i32
      %dma_wait3A_495 = arith.constant 0 : i32
      %dma_wait3A_496 = tpu.memref_slice %arg7[%dma_wait3A_493, %dma_wait3A_494, %dma_wait3A_495] : memref<2x128x128xf32, #tpu.memory_space<vmem>> -> memref<1x128x128xf32, #tpu.memory_space<vmem>>
      %dma_wait3A_497 = tpu.memref_squeeze %dma_wait3A_496 : memref<1x128x128xf32, #tpu.memory_space<vmem>> -> memref<128x128xf32, #tpu.memory_space<vmem>>
      %dma_wait3A_498 = arith.constant 0 : i32
      %dma_wait3A_499 = tpu.memref_slice %arg6[%select_n3A_101, %dma_wait3A_491, %dma_wait3A_492, %dma_wait3A_498] : memref<2x2x16x128xi32, #tpu.memory_space<vmem>> -> memref<1x1x1x128xi32, #tpu.memory_space<vmem>>
      %dma_wait3A_500 = tpu.memref_squeeze %dma_wait3A_499 : memref<1x1x1x128xi32, #tpu.memory_space<vmem>> -> memref<128xi32, #tpu.memory_space<vmem>>
      %dma_wait3A_501 = arith.constant 0 : i32
      %dma_wait3A_502 = arith.constant 0 : i32
      %dma_wait3A_503 = tpu.memref_slice %arg2[%dma_wait3A_501, %dma_wait3A_502] : memref<10000x128xf32, #tpu.memory_space<hbm>> -> memref<10000x128xf32, #tpu.memory_space<hbm>>
      tpu.wait_indirect_dma semaphore(%arg10 : memref<!tpu.dma_semaphore, #tpu.memory_space<semaphore_mem>>) src(%dma_wait3A_503 : memref<10000x128xf32, #tpu.memory_space<hbm>>) dst(%dma_wait3A_497 : memref<128x128xf32, #tpu.memory_space<vmem>>)
      %dma_start3A_504 = arith.constant 0 : i32
      %dma_start3A_505 = arith.constant 1 : i32
      %dma_start3A_506 = arith.constant 6 : i32
      %dma_start3A_507 = arith.constant 0 : i32
      %dma_start3A_508 = arith.constant 0 : i32
      %dma_start3A_509 = tpu.memref_slice %arg7[%dma_start3A_504, %dma_start3A_507, %dma_start3A_508] : memref<2x128x128xf32, #tpu.memory_space<vmem>> -> memref<1x128x128xf32, #tpu.memory_space<vmem>>
      %dma_start3A_510 = tpu.memref_squeeze %dma_start3A_509 : memref<1x128x128xf32, #tpu.memory_space<vmem>> -> memref<128x128xf32, #tpu.memory_space<vmem>>
      %dma_start3A_511 = arith.constant 0 : i32
      %dma_start3A_512 = tpu.memref_slice %arg6[%select_n3A_101, %dma_start3A_505, %dma_start3A_506, %dma_start3A_511] : memref<2x2x16x128xi32, #tpu.memory_space<vmem>> -> memref<1x1x1x128xi32, #tpu.memory_space<vmem>>
      %dma_start3A_513 = tpu.memref_squeeze %dma_start3A_512 : memref<1x1x1x128xi32, #tpu.memory_space<vmem>> -> memref<128xi32, #tpu.memory_space<vmem>>
      %dma_start3A_514 = arith.constant 0 : i32
      %dma_start3A_515 = arith.constant 0 : i32
      %dma_start3A_516 = tpu.memref_slice %arg8[%dma_start3A_514, %dma_start3A_515] : memref<10112x128xf32, #tpu.memory_space<vmem_shared>> -> memref<10112x128xf32, #tpu.memory_space<vmem_shared>>
      tpu.enqueue_indirect_dma source(%dma_start3A_510 : memref<128x128xf32, #tpu.memory_space<vmem>>) target(%dma_start3A_516 : memref<10112x128xf32, #tpu.memory_space<vmem_shared>>) offsets(%dma_start3A_513 : memref<128xi32, #tpu.memory_space<vmem>>) semaphore(%arg12 : memref<!tpu.dma_semaphore, #tpu.memory_space<semaphore_mem>>) {add = true}
      %dma_wait3A_517 = arith.constant 0 : i32
      %dma_wait3A_518 = arith.constant 0 : i32
      %dma_wait3A_519 = arith.constant 1 : i32
      %dma_wait3A_520 = arith.constant 0 : i32
      %dma_wait3A_521 = arith.constant 0 : i32
      %dma_wait3A_522 = arith.constant 0 : i32
      %dma_wait3A_523 = tpu.memref_slice %arg7[%dma_wait3A_517, %dma_wait3A_521, %dma_wait3A_522] : memref<2x128x128xf32, #tpu.memory_space<vmem>> -> memref<1x128x128xf32, #tpu.memory_space<vmem>>
      %dma_wait3A_524 = tpu.memref_squeeze %dma_wait3A_523 : memref<1x128x128xf32, #tpu.memory_space<vmem>> -> memref<128x128xf32, #tpu.memory_space<vmem>>
      %dma_wait3A_525 = arith.constant 0 : i32
      %dma_wait3A_526 = tpu.memref_slice %arg6[%dma_wait3A_518, %dma_wait3A_519, %dma_wait3A_520, %dma_wait3A_525] : memref<2x2x16x128xi32, #tpu.memory_space<vmem>> -> memref<1x1x1x128xi32, #tpu.memory_space<vmem>>
      %dma_wait3A_527 = tpu.memref_squeeze %dma_wait3A_526 : memref<1x1x1x128xi32, #tpu.memory_space<vmem>> -> memref<128xi32, #tpu.memory_space<vmem>>
      %dma_wait3A_528 = arith.constant 0 : i32
      %dma_wait3A_529 = arith.constant 0 : i32
      %dma_wait3A_530 = tpu.memref_slice %arg8[%dma_wait3A_528, %dma_wait3A_529] : memref<10112x128xf32, #tpu.memory_space<vmem_shared>> -> memref<10112x128xf32, #tpu.memory_space<vmem_shared>>
      tpu.wait_indirect_dma semaphore(%arg12 : memref<!tpu.dma_semaphore, #tpu.memory_space<semaphore_mem>>) src(%dma_wait3A_524 : memref<128x128xf32, #tpu.memory_space<vmem>>) dst(%dma_wait3A_530 : memref<10112x128xf32, #tpu.memory_space<vmem_shared>>)
      %dma_start3A_531 = arith.constant 0 : i32
      %dma_start3A_532 = arith.constant 8 : i32
      %dma_start3A_533 = arith.constant 0 : i32
      %dma_start3A_534 = arith.constant 0 : i32
      %dma_start3A_535 = arith.constant 0 : i32
      %dma_start3A_536 = tpu.memref_slice %arg7[%dma_start3A_533, %dma_start3A_534, %dma_start3A_535] : memref<2x128x128xf32, #tpu.memory_space<vmem>> -> memref<1x128x128xf32, #tpu.memory_space<vmem>>
      %dma_start3A_537 = tpu.memref_squeeze %dma_start3A_536 : memref<1x128x128xf32, #tpu.memory_space<vmem>> -> memref<128x128xf32, #tpu.memory_space<vmem>>
      %dma_start3A_538 = arith.constant 0 : i32
      %dma_start3A_539 = tpu.memref_slice %arg6[%select_n3A_101, %dma_start3A_531, %dma_start3A_532, %dma_start3A_538] : memref<2x2x16x128xi32, #tpu.memory_space<vmem>> -> memref<1x1x1x128xi32, #tpu.memory_space<vmem>>
      %dma_start3A_540 = tpu.memref_squeeze %dma_start3A_539 : memref<1x1x1x128xi32, #tpu.memory_space<vmem>> -> memref<128xi32, #tpu.memory_space<vmem>>
      %dma_start3A_541 = arith.constant 0 : i32
      %dma_start3A_542 = arith.constant 0 : i32
      %dma_start3A_543 = tpu.memref_slice %arg2[%dma_start3A_541, %dma_start3A_542] : memref<10000x128xf32, #tpu.memory_space<hbm>> -> memref<10000x128xf32, #tpu.memory_space<hbm>>
      tpu.enqueue_indirect_dma source(%dma_start3A_543 : memref<10000x128xf32, #tpu.memory_space<hbm>>) target(%dma_start3A_537 : memref<128x128xf32, #tpu.memory_space<vmem>>) offsets(%dma_start3A_540 : memref<128xi32, #tpu.memory_space<vmem>>) semaphore(%arg10 : memref<!tpu.dma_semaphore, #tpu.memory_space<semaphore_mem>>)
      %dma_wait3A_544 = arith.constant 0 : i32
      %dma_wait3A_545 = arith.constant 7 : i32
      %dma_wait3A_546 = arith.constant 1 : i32
      %dma_wait3A_547 = arith.constant 0 : i32
      %dma_wait3A_548 = arith.constant 0 : i32
      %dma_wait3A_549 = tpu.memref_slice %arg7[%dma_wait3A_546, %dma_wait3A_547, %dma_wait3A_548] : memref<2x128x128xf32, #tpu.memory_space<vmem>> -> memref<1x128x128xf32, #tpu.memory_space<vmem>>
      %dma_wait3A_550 = tpu.memref_squeeze %dma_wait3A_549 : memref<1x128x128xf32, #tpu.memory_space<vmem>> -> memref<128x128xf32, #tpu.memory_space<vmem>>
      %dma_wait3A_551 = arith.constant 0 : i32
      %dma_wait3A_552 = tpu.memref_slice %arg6[%select_n3A_101, %dma_wait3A_544, %dma_wait3A_545, %dma_wait3A_551] : memref<2x2x16x128xi32, #tpu.memory_space<vmem>> -> memref<1x1x1x128xi32, #tpu.memory_space<vmem>>
      %dma_wait3A_553 = tpu.memref_squeeze %dma_wait3A_552 : memref<1x1x1x128xi32, #tpu.memory_space<vmem>> -> memref<128xi32, #tpu.memory_space<vmem>>
      %dma_wait3A_554 = arith.constant 0 : i32
      %dma_wait3A_555 = arith.constant 0 : i32
      %dma_wait3A_556 = tpu.memref_slice %arg2[%dma_wait3A_554, %dma_wait3A_555] : memref<10000x128xf32, #tpu.memory_space<hbm>> -> memref<10000x128xf32, #tpu.memory_space<hbm>>
      tpu.wait_indirect_dma semaphore(%arg11 : memref<!tpu.dma_semaphore, #tpu.memory_space<semaphore_mem>>) src(%dma_wait3A_556 : memref<10000x128xf32, #tpu.memory_space<hbm>>) dst(%dma_wait3A_550 : memref<128x128xf32, #tpu.memory_space<vmem>>)
      %dma_start3A_557 = arith.constant 1 : i32
      %dma_start3A_558 = arith.constant 1 : i32
      %dma_start3A_559 = arith.constant 7 : i32
      %dma_start3A_560 = arith.constant 0 : i32
      %dma_start3A_561 = arith.constant 0 : i32
      %dma_start3A_562 = tpu.memref_slice %arg7[%dma_start3A_557, %dma_start3A_560, %dma_start3A_561] : memref<2x128x128xf32, #tpu.memory_space<vmem>> -> memref<1x128x128xf32, #tpu.memory_space<vmem>>
      %dma_start3A_563 = tpu.memref_squeeze %dma_start3A_562 : memref<1x128x128xf32, #tpu.memory_space<vmem>> -> memref<128x128xf32, #tpu.memory_space<vmem>>
      %dma_start3A_564 = arith.constant 0 : i32
      %dma_start3A_565 = tpu.memref_slice %arg6[%select_n3A_101, %dma_start3A_558, %dma_start3A_559, %dma_start3A_564] : memref<2x2x16x128xi32, #tpu.memory_space<vmem>> -> memref<1x1x1x128xi32, #tpu.memory_space<vmem>>
      %dma_start3A_566 = tpu.memref_squeeze %dma_start3A_565 : memref<1x1x1x128xi32, #tpu.memory_space<vmem>> -> memref<128xi32, #tpu.memory_space<vmem>>
      %dma_start3A_567 = arith.constant 0 : i32
      %dma_start3A_568 = arith.constant 0 : i32
      %dma_start3A_569 = tpu.memref_slice %arg8[%dma_start3A_567, %dma_start3A_568] : memref<10112x128xf32, #tpu.memory_space<vmem_shared>> -> memref<10112x128xf32, #tpu.memory_space<vmem_shared>>
      tpu.enqueue_indirect_dma source(%dma_start3A_563 : memref<128x128xf32, #tpu.memory_space<vmem>>) target(%dma_start3A_569 : memref<10112x128xf32, #tpu.memory_space<vmem_shared>>) offsets(%dma_start3A_566 : memref<128xi32, #tpu.memory_space<vmem>>) semaphore(%arg13 : memref<!tpu.dma_semaphore, #tpu.memory_space<semaphore_mem>>) {add = true}
      %dma_wait3A_570 = arith.constant 1 : i32
      %dma_wait3A_571 = arith.constant 0 : i32
      %dma_wait3A_572 = arith.constant 1 : i32
      %dma_wait3A_573 = arith.constant 0 : i32
      %dma_wait3A_574 = arith.constant 0 : i32
      %dma_wait3A_575 = arith.constant 0 : i32
      %dma_wait3A_576 = tpu.memref_slice %arg7[%dma_wait3A_570, %dma_wait3A_574, %dma_wait3A_575] : memref<2x128x128xf32, #tpu.memory_space<vmem>> -> memref<1x128x128xf32, #tpu.memory_space<vmem>>
      %dma_wait3A_577 = tpu.memref_squeeze %dma_wait3A_576 : memref<1x128x128xf32, #tpu.memory_space<vmem>> -> memref<128x128xf32, #tpu.memory_space<vmem>>
      %dma_wait3A_578 = arith.constant 0 : i32
      %dma_wait3A_579 = tpu.memref_slice %arg6[%dma_wait3A_571, %dma_wait3A_572, %dma_wait3A_573, %dma_wait3A_578] : memref<2x2x16x128xi32, #tpu.memory_space<vmem>> -> memref<1x1x1x128xi32, #tpu.memory_space<vmem>>
      %dma_wait3A_580 = tpu.memref_squeeze %dma_wait3A_579 : memref<1x1x1x128xi32, #tpu.memory_space<vmem>> -> memref<128xi32, #tpu.memory_space<vmem>>
      %dma_wait3A_581 = arith.constant 0 : i32
      %dma_wait3A_582 = arith.constant 0 : i32
      %dma_wait3A_583 = tpu.memref_slice %arg8[%dma_wait3A_581, %dma_wait3A_582] : memref<10112x128xf32, #tpu.memory_space<vmem_shared>> -> memref<10112x128xf32, #tpu.memory_space<vmem_shared>>
      tpu.wait_indirect_dma semaphore(%arg13 : memref<!tpu.dma_semaphore, #tpu.memory_space<semaphore_mem>>) src(%dma_wait3A_577 : memref<128x128xf32, #tpu.memory_space<vmem>>) dst(%dma_wait3A_583 : memref<10112x128xf32, #tpu.memory_space<vmem_shared>>)
      %dma_start3A_584 = arith.constant 0 : i32
      %dma_start3A_585 = arith.constant 9 : i32
      %dma_start3A_586 = arith.constant 1 : i32
      %dma_start3A_587 = arith.constant 0 : i32
      %dma_start3A_588 = arith.constant 0 : i32
      %dma_start3A_589 = tpu.memref_slice %arg7[%dma_start3A_586, %dma_start3A_587, %dma_start3A_588] : memref<2x128x128xf32, #tpu.memory_space<vmem>> -> memref<1x128x128xf32, #tpu.memory_space<vmem>>
      %dma_start3A_590 = tpu.memref_squeeze %dma_start3A_589 : memref<1x128x128xf32, #tpu.memory_space<vmem>> -> memref<128x128xf32, #tpu.memory_space<vmem>>
      %dma_start3A_591 = arith.constant 0 : i32
      %dma_start3A_592 = tpu.memref_slice %arg6[%select_n3A_101, %dma_start3A_584, %dma_start3A_585, %dma_start3A_591] : memref<2x2x16x128xi32, #tpu.memory_space<vmem>> -> memref<1x1x1x128xi32, #tpu.memory_space<vmem>>
      %dma_start3A_593 = tpu.memref_squeeze %dma_start3A_592 : memref<1x1x1x128xi32, #tpu.memory_space<vmem>> -> memref<128xi32, #tpu.memory_space<vmem>>
      %dma_start3A_594 = arith.constant 0 : i32
      %dma_start3A_595 = arith.constant 0 : i32
      %dma_start3A_596 = tpu.memref_slice %arg2[%dma_start3A_594, %dma_start3A_595] : memref<10000x128xf32, #tpu.memory_space<hbm>> -> memref<10000x128xf32, #tpu.memory_space<hbm>>
      tpu.enqueue_indirect_dma source(%dma_start3A_596 : memref<10000x128xf32, #tpu.memory_space<hbm>>) target(%dma_start3A_590 : memref<128x128xf32, #tpu.memory_space<vmem>>) offsets(%dma_start3A_593 : memref<128xi32, #tpu.memory_space<vmem>>) semaphore(%arg11 : memref<!tpu.dma_semaphore, #tpu.memory_space<semaphore_mem>>)
      %dma_wait3A_597 = arith.constant 0 : i32
      %dma_wait3A_598 = arith.constant 8 : i32
      %dma_wait3A_599 = arith.constant 0 : i32
      %dma_wait3A_600 = arith.constant 0 : i32
      %dma_wait3A_601 = arith.constant 0 : i32
      %dma_wait3A_602 = tpu.memref_slice %arg7[%dma_wait3A_599, %dma_wait3A_600, %dma_wait3A_601] : memref<2x128x128xf32, #tpu.memory_space<vmem>> -> memref<1x128x128xf32, #tpu.memory_space<vmem>>
      %dma_wait3A_603 = tpu.memref_squeeze %dma_wait3A_602 : memref<1x128x128xf32, #tpu.memory_space<vmem>> -> memref<128x128xf32, #tpu.memory_space<vmem>>
      %dma_wait3A_604 = arith.constant 0 : i32
      %dma_wait3A_605 = tpu.memref_slice %arg6[%select_n3A_101, %dma_wait3A_597, %dma_wait3A_598, %dma_wait3A_604] : memref<2x2x16x128xi32, #tpu.memory_space<vmem>> -> memref<1x1x1x128xi32, #tpu.memory_space<vmem>>
      %dma_wait3A_606 = tpu.memref_squeeze %dma_wait3A_605 : memref<1x1x1x128xi32, #tpu.memory_space<vmem>> -> memref<128xi32, #tpu.memory_space<vmem>>
      %dma_wait3A_607 = arith.constant 0 : i32
      %dma_wait3A_608 = arith.constant 0 : i32
      %dma_wait3A_609 = tpu.memref_slice %arg2[%dma_wait3A_607, %dma_wait3A_608] : memref<10000x128xf32, #tpu.memory_space<hbm>> -> memref<10000x128xf32, #tpu.memory_space<hbm>>
      tpu.wait_indirect_dma semaphore(%arg10 : memref<!tpu.dma_semaphore, #tpu.memory_space<semaphore_mem>>) src(%dma_wait3A_609 : memref<10000x128xf32, #tpu.memory_space<hbm>>) dst(%dma_wait3A_603 : memref<128x128xf32, #tpu.memory_space<vmem>>)
      %dma_start3A_610 = arith.constant 0 : i32
      %dma_start3A_611 = arith.constant 1 : i32
      %dma_start3A_612 = arith.constant 8 : i32
      %dma_start3A_613 = arith.constant 0 : i32
      %dma_start3A_614 = arith.constant 0 : i32
      %dma_start3A_615 = tpu.memref_slice %arg7[%dma_start3A_610, %dma_start3A_613, %dma_start3A_614] : memref<2x128x128xf32, #tpu.memory_space<vmem>> -> memref<1x128x128xf32, #tpu.memory_space<vmem>>
      %dma_start3A_616 = tpu.memref_squeeze %dma_start3A_615 : memref<1x128x128xf32, #tpu.memory_space<vmem>> -> memref<128x128xf32, #tpu.memory_space<vmem>>
      %dma_start3A_617 = arith.constant 0 : i32
      %dma_start3A_618 = tpu.memref_slice %arg6[%select_n3A_101, %dma_start3A_611, %dma_start3A_612, %dma_start3A_617] : memref<2x2x16x128xi32, #tpu.memory_space<vmem>> -> memref<1x1x1x128xi32, #tpu.memory_space<vmem>>
      %dma_start3A_619 = tpu.memref_squeeze %dma_start3A_618 : memref<1x1x1x128xi32, #tpu.memory_space<vmem>> -> memref<128xi32, #tpu.memory_space<vmem>>
      %dma_start3A_620 = arith.constant 0 : i32
      %dma_start3A_621 = arith.constant 0 : i32
      %dma_start3A_622 = tpu.memref_slice %arg8[%dma_start3A_620, %dma_start3A_621] : memref<10112x128xf32, #tpu.memory_space<vmem_shared>> -> memref<10112x128xf32, #tpu.memory_space<vmem_shared>>
      tpu.enqueue_indirect_dma source(%dma_start3A_616 : memref<128x128xf32, #tpu.memory_space<vmem>>) target(%dma_start3A_622 : memref<10112x128xf32, #tpu.memory_space<vmem_shared>>) offsets(%dma_start3A_619 : memref<128xi32, #tpu.memory_space<vmem>>) semaphore(%arg12 : memref<!tpu.dma_semaphore, #tpu.memory_space<semaphore_mem>>) {add = true}
      %dma_wait3A_623 = arith.constant 0 : i32
      %dma_wait3A_624 = arith.constant 0 : i32
      %dma_wait3A_625 = arith.constant 1 : i32
      %dma_wait3A_626 = arith.constant 0 : i32
      %dma_wait3A_627 = arith.constant 0 : i32
      %dma_wait3A_628 = arith.constant 0 : i32
      %dma_wait3A_629 = tpu.memref_slice %arg7[%dma_wait3A_623, %dma_wait3A_627, %dma_wait3A_628] : memref<2x128x128xf32, #tpu.memory_space<vmem>> -> memref<1x128x128xf32, #tpu.memory_space<vmem>>
      %dma_wait3A_630 = tpu.memref_squeeze %dma_wait3A_629 : memref<1x128x128xf32, #tpu.memory_space<vmem>> -> memref<128x128xf32, #tpu.memory_space<vmem>>
      %dma_wait3A_631 = arith.constant 0 : i32
      %dma_wait3A_632 = tpu.memref_slice %arg6[%dma_wait3A_624, %dma_wait3A_625, %dma_wait3A_626, %dma_wait3A_631] : memref<2x2x16x128xi32, #tpu.memory_space<vmem>> -> memref<1x1x1x128xi32, #tpu.memory_space<vmem>>
      %dma_wait3A_633 = tpu.memref_squeeze %dma_wait3A_632 : memref<1x1x1x128xi32, #tpu.memory_space<vmem>> -> memref<128xi32, #tpu.memory_space<vmem>>
      %dma_wait3A_634 = arith.constant 0 : i32
      %dma_wait3A_635 = arith.constant 0 : i32
      %dma_wait3A_636 = tpu.memref_slice %arg8[%dma_wait3A_634, %dma_wait3A_635] : memref<10112x128xf32, #tpu.memory_space<vmem_shared>> -> memref<10112x128xf32, #tpu.memory_space<vmem_shared>>
      tpu.wait_indirect_dma semaphore(%arg12 : memref<!tpu.dma_semaphore, #tpu.memory_space<semaphore_mem>>) src(%dma_wait3A_630 : memref<128x128xf32, #tpu.memory_space<vmem>>) dst(%dma_wait3A_636 : memref<10112x128xf32, #tpu.memory_space<vmem_shared>>)
      %dma_start3A_637 = arith.constant 0 : i32
      %dma_start3A_638 = arith.constant 10 : i32
      %dma_start3A_639 = arith.constant 0 : i32
      %dma_start3A_640 = arith.constant 0 : i32
      %dma_start3A_641 = arith.constant 0 : i32
      %dma_start3A_642 = tpu.memref_slice %arg7[%dma_start3A_639, %dma_start3A_640, %dma_start3A_641] : memref<2x128x128xf32, #tpu.memory_space<vmem>> -> memref<1x128x128xf32, #tpu.memory_space<vmem>>
      %dma_start3A_643 = tpu.memref_squeeze %dma_start3A_642 : memref<1x128x128xf32, #tpu.memory_space<vmem>> -> memref<128x128xf32, #tpu.memory_space<vmem>>
      %dma_start3A_644 = arith.constant 0 : i32
      %dma_start3A_645 = tpu.memref_slice %arg6[%select_n3A_101, %dma_start3A_637, %dma_start3A_638, %dma_start3A_644] : memref<2x2x16x128xi32, #tpu.memory_space<vmem>> -> memref<1x1x1x128xi32, #tpu.memory_space<vmem>>
      %dma_start3A_646 = tpu.memref_squeeze %dma_start3A_645 : memref<1x1x1x128xi32, #tpu.memory_space<vmem>> -> memref<128xi32, #tpu.memory_space<vmem>>
      %dma_start3A_647 = arith.constant 0 : i32
      %dma_start3A_648 = arith.constant 0 : i32
      %dma_start3A_649 = tpu.memref_slice %arg2[%dma_start3A_647, %dma_start3A_648] : memref<10000x128xf32, #tpu.memory_space<hbm>> -> memref<10000x128xf32, #tpu.memory_space<hbm>>
      tpu.enqueue_indirect_dma source(%dma_start3A_649 : memref<10000x128xf32, #tpu.memory_space<hbm>>) target(%dma_start3A_643 : memref<128x128xf32, #tpu.memory_space<vmem>>) offsets(%dma_start3A_646 : memref<128xi32, #tpu.memory_space<vmem>>) semaphore(%arg10 : memref<!tpu.dma_semaphore, #tpu.memory_space<semaphore_mem>>)
      %dma_wait3A_650 = arith.constant 0 : i32
      %dma_wait3A_651 = arith.constant 9 : i32
      %dma_wait3A_652 = arith.constant 1 : i32
      %dma_wait3A_653 = arith.constant 0 : i32
      %dma_wait3A_654 = arith.constant 0 : i32
      %dma_wait3A_655 = tpu.memref_slice %arg7[%dma_wait3A_652, %dma_wait3A_653, %dma_wait3A_654] : memref<2x128x128xf32, #tpu.memory_space<vmem>> -> memref<1x128x128xf32, #tpu.memory_space<vmem>>
      %dma_wait3A_656 = tpu.memref_squeeze %dma_wait3A_655 : memref<1x128x128xf32, #tpu.memory_space<vmem>> -> memref<128x128xf32, #tpu.memory_space<vmem>>
      %dma_wait3A_657 = arith.constant 0 : i32
      %dma_wait3A_658 = tpu.memref_slice %arg6[%select_n3A_101, %dma_wait3A_650, %dma_wait3A_651, %dma_wait3A_657] : memref<2x2x16x128xi32, #tpu.memory_space<vmem>> -> memref<1x1x1x128xi32, #tpu.memory_space<vmem>>
      %dma_wait3A_659 = tpu.memref_squeeze %dma_wait3A_658 : memref<1x1x1x128xi32, #tpu.memory_space<vmem>> -> memref<128xi32, #tpu.memory_space<vmem>>
      %dma_wait3A_660 = arith.constant 0 : i32
      %dma_wait3A_661 = arith.constant 0 : i32
      %dma_wait3A_662 = tpu.memref_slice %arg2[%dma_wait3A_660, %dma_wait3A_661] : memref<10000x128xf32, #tpu.memory_space<hbm>> -> memref<10000x128xf32, #tpu.memory_space<hbm>>
      tpu.wait_indirect_dma semaphore(%arg11 : memref<!tpu.dma_semaphore, #tpu.memory_space<semaphore_mem>>) src(%dma_wait3A_662 : memref<10000x128xf32, #tpu.memory_space<hbm>>) dst(%dma_wait3A_656 : memref<128x128xf32, #tpu.memory_space<vmem>>)
      %dma_start3A_663 = arith.constant 1 : i32
      %dma_start3A_664 = arith.constant 1 : i32
      %dma_start3A_665 = arith.constant 9 : i32
      %dma_start3A_666 = arith.constant 0 : i32
      %dma_start3A_667 = arith.constant 0 : i32
      %dma_start3A_668 = tpu.memref_slice %arg7[%dma_start3A_663, %dma_start3A_666, %dma_start3A_667] : memref<2x128x128xf32, #tpu.memory_space<vmem>> -> memref<1x128x128xf32, #tpu.memory_space<vmem>>
      %dma_start3A_669 = tpu.memref_squeeze %dma_start3A_668 : memref<1x128x128xf32, #tpu.memory_space<vmem>> -> memref<128x128xf32, #tpu.memory_space<vmem>>
      %dma_start3A_670 = arith.constant 0 : i32
      %dma_start3A_671 = tpu.memref_slice %arg6[%select_n3A_101, %dma_start3A_664, %dma_start3A_665, %dma_start3A_670] : memref<2x2x16x128xi32, #tpu.memory_space<vmem>> -> memref<1x1x1x128xi32, #tpu.memory_space<vmem>>
      %dma_start3A_672 = tpu.memref_squeeze %dma_start3A_671 : memref<1x1x1x128xi32, #tpu.memory_space<vmem>> -> memref<128xi32, #tpu.memory_space<vmem>>
      %dma_start3A_673 = arith.constant 0 : i32
      %dma_start3A_674 = arith.constant 0 : i32
      %dma_start3A_675 = tpu.memref_slice %arg8[%dma_start3A_673, %dma_start3A_674] : memref<10112x128xf32, #tpu.memory_space<vmem_shared>> -> memref<10112x128xf32, #tpu.memory_space<vmem_shared>>
      tpu.enqueue_indirect_dma source(%dma_start3A_669 : memref<128x128xf32, #tpu.memory_space<vmem>>) target(%dma_start3A_675 : memref<10112x128xf32, #tpu.memory_space<vmem_shared>>) offsets(%dma_start3A_672 : memref<128xi32, #tpu.memory_space<vmem>>) semaphore(%arg13 : memref<!tpu.dma_semaphore, #tpu.memory_space<semaphore_mem>>) {add = true}
      %dma_wait3A_676 = arith.constant 1 : i32
      %dma_wait3A_677 = arith.constant 0 : i32
      %dma_wait3A_678 = arith.constant 1 : i32
      %dma_wait3A_679 = arith.constant 0 : i32
      %dma_wait3A_680 = arith.constant 0 : i32
      %dma_wait3A_681 = arith.constant 0 : i32
      %dma_wait3A_682 = tpu.memref_slice %arg7[%dma_wait3A_676, %dma_wait3A_680, %dma_wait3A_681] : memref<2x128x128xf32, #tpu.memory_space<vmem>> -> memref<1x128x128xf32, #tpu.memory_space<vmem>>
      %dma_wait3A_683 = tpu.memref_squeeze %dma_wait3A_682 : memref<1x128x128xf32, #tpu.memory_space<vmem>> -> memref<128x128xf32, #tpu.memory_space<vmem>>
      %dma_wait3A_684 = arith.constant 0 : i32
      %dma_wait3A_685 = tpu.memref_slice %arg6[%dma_wait3A_677, %dma_wait3A_678, %dma_wait3A_679, %dma_wait3A_684] : memref<2x2x16x128xi32, #tpu.memory_space<vmem>> -> memref<1x1x1x128xi32, #tpu.memory_space<vmem>>
      %dma_wait3A_686 = tpu.memref_squeeze %dma_wait3A_685 : memref<1x1x1x128xi32, #tpu.memory_space<vmem>> -> memref<128xi32, #tpu.memory_space<vmem>>
      %dma_wait3A_687 = arith.constant 0 : i32
      %dma_wait3A_688 = arith.constant 0 : i32
      %dma_wait3A_689 = tpu.memref_slice %arg8[%dma_wait3A_687, %dma_wait3A_688] : memref<10112x128xf32, #tpu.memory_space<vmem_shared>> -> memref<10112x128xf32, #tpu.memory_space<vmem_shared>>
      tpu.wait_indirect_dma semaphore(%arg13 : memref<!tpu.dma_semaphore, #tpu.memory_space<semaphore_mem>>) src(%dma_wait3A_683 : memref<128x128xf32, #tpu.memory_space<vmem>>) dst(%dma_wait3A_689 : memref<10112x128xf32, #tpu.memory_space<vmem_shared>>)
      %dma_start3A_690 = arith.constant 0 : i32
      %dma_start3A_691 = arith.constant 11 : i32
      %dma_start3A_692 = arith.constant 1 : i32
      %dma_start3A_693 = arith.constant 0 : i32
      %dma_start3A_694 = arith.constant 0 : i32
      %dma_start3A_695 = tpu.memref_slice %arg7[%dma_start3A_692, %dma_start3A_693, %dma_start3A_694] : memref<2x128x128xf32, #tpu.memory_space<vmem>> -> memref<1x128x128xf32, #tpu.memory_space<vmem>>
      %dma_start3A_696 = tpu.memref_squeeze %dma_start3A_695 : memref<1x128x128xf32, #tpu.memory_space<vmem>> -> memref<128x128xf32, #tpu.memory_space<vmem>>
      %dma_start3A_697 = arith.constant 0 : i32
      %dma_start3A_698 = tpu.memref_slice %arg6[%select_n3A_101, %dma_start3A_690, %dma_start3A_691, %dma_start3A_697] : memref<2x2x16x128xi32, #tpu.memory_space<vmem>> -> memref<1x1x1x128xi32, #tpu.memory_space<vmem>>
      %dma_start3A_699 = tpu.memref_squeeze %dma_start3A_698 : memref<1x1x1x128xi32, #tpu.memory_space<vmem>> -> memref<128xi32, #tpu.memory_space<vmem>>
      %dma_start3A_700 = arith.constant 0 : i32
      %dma_start3A_701 = arith.constant 0 : i32
      %dma_start3A_702 = tpu.memref_slice %arg2[%dma_start3A_700, %dma_start3A_701] : memref<10000x128xf32, #tpu.memory_space<hbm>> -> memref<10000x128xf32, #tpu.memory_space<hbm>>
      tpu.enqueue_indirect_dma source(%dma_start3A_702 : memref<10000x128xf32, #tpu.memory_space<hbm>>) target(%dma_start3A_696 : memref<128x128xf32, #tpu.memory_space<vmem>>) offsets(%dma_start3A_699 : memref<128xi32, #tpu.memory_space<vmem>>) semaphore(%arg11 : memref<!tpu.dma_semaphore, #tpu.memory_space<semaphore_mem>>)
      %dma_wait3A_703 = arith.constant 0 : i32
      %dma_wait3A_704 = arith.constant 10 : i32
      %dma_wait3A_705 = arith.constant 0 : i32
      %dma_wait3A_706 = arith.constant 0 : i32
      %dma_wait3A_707 = arith.constant 0 : i32
      %dma_wait3A_708 = tpu.memref_slice %arg7[%dma_wait3A_705, %dma_wait3A_706, %dma_wait3A_707] : memref<2x128x128xf32, #tpu.memory_space<vmem>> -> memref<1x128x128xf32, #tpu.memory_space<vmem>>
      %dma_wait3A_709 = tpu.memref_squeeze %dma_wait3A_708 : memref<1x128x128xf32, #tpu.memory_space<vmem>> -> memref<128x128xf32, #tpu.memory_space<vmem>>
      %dma_wait3A_710 = arith.constant 0 : i32
      %dma_wait3A_711 = tpu.memref_slice %arg6[%select_n3A_101, %dma_wait3A_703, %dma_wait3A_704, %dma_wait3A_710] : memref<2x2x16x128xi32, #tpu.memory_space<vmem>> -> memref<1x1x1x128xi32, #tpu.memory_space<vmem>>
      %dma_wait3A_712 = tpu.memref_squeeze %dma_wait3A_711 : memref<1x1x1x128xi32, #tpu.memory_space<vmem>> -> memref<128xi32, #tpu.memory_space<vmem>>
      %dma_wait3A_713 = arith.constant 0 : i32
      %dma_wait3A_714 = arith.constant 0 : i32
      %dma_wait3A_715 = tpu.memref_slice %arg2[%dma_wait3A_713, %dma_wait3A_714] : memref<10000x128xf32, #tpu.memory_space<hbm>> -> memref<10000x128xf32, #tpu.memory_space<hbm>>
      tpu.wait_indirect_dma semaphore(%arg10 : memref<!tpu.dma_semaphore, #tpu.memory_space<semaphore_mem>>) src(%dma_wait3A_715 : memref<10000x128xf32, #tpu.memory_space<hbm>>) dst(%dma_wait3A_709 : memref<128x128xf32, #tpu.memory_space<vmem>>)
      %dma_start3A_716 = arith.constant 0 : i32
      %dma_start3A_717 = arith.constant 1 : i32
      %dma_start3A_718 = arith.constant 10 : i32
      %dma_start3A_719 = arith.constant 0 : i32
      %dma_start3A_720 = arith.constant 0 : i32
      %dma_start3A_721 = tpu.memref_slice %arg7[%dma_start3A_716, %dma_start3A_719, %dma_start3A_720] : memref<2x128x128xf32, #tpu.memory_space<vmem>> -> memref<1x128x128xf32, #tpu.memory_space<vmem>>
      %dma_start3A_722 = tpu.memref_squeeze %dma_start3A_721 : memref<1x128x128xf32, #tpu.memory_space<vmem>> -> memref<128x128xf32, #tpu.memory_space<vmem>>
      %dma_start3A_723 = arith.constant 0 : i32
      %dma_start3A_724 = tpu.memref_slice %arg6[%select_n3A_101, %dma_start3A_717, %dma_start3A_718, %dma_start3A_723] : memref<2x2x16x128xi32, #tpu.memory_space<vmem>> -> memref<1x1x1x128xi32, #tpu.memory_space<vmem>>
      %dma_start3A_725 = tpu.memref_squeeze %dma_start3A_724 : memref<1x1x1x128xi32, #tpu.memory_space<vmem>> -> memref<128xi32, #tpu.memory_space<vmem>>
      %dma_start3A_726 = arith.constant 0 : i32
      %dma_start3A_727 = arith.constant 0 : i32
      %dma_start3A_728 = tpu.memref_slice %arg8[%dma_start3A_726, %dma_start3A_727] : memref<10112x128xf32, #tpu.memory_space<vmem_shared>> -> memref<10112x128xf32, #tpu.memory_space<vmem_shared>>
      tpu.enqueue_indirect_dma source(%dma_start3A_722 : memref<128x128xf32, #tpu.memory_space<vmem>>) target(%dma_start3A_728 : memref<10112x128xf32, #tpu.memory_space<vmem_shared>>) offsets(%dma_start3A_725 : memref<128xi32, #tpu.memory_space<vmem>>) semaphore(%arg12 : memref<!tpu.dma_semaphore, #tpu.memory_space<semaphore_mem>>) {add = true}
      %dma_wait3A_729 = arith.constant 0 : i32
      %dma_wait3A_730 = arith.constant 0 : i32
      %dma_wait3A_731 = arith.constant 1 : i32
      %dma_wait3A_732 = arith.constant 0 : i32
      %dma_wait3A_733 = arith.constant 0 : i32
      %dma_wait3A_734 = arith.constant 0 : i32
      %dma_wait3A_735 = tpu.memref_slice %arg7[%dma_wait3A_729, %dma_wait3A_733, %dma_wait3A_734] : memref<2x128x128xf32, #tpu.memory_space<vmem>> -> memref<1x128x128xf32, #tpu.memory_space<vmem>>
      %dma_wait3A_736 = tpu.memref_squeeze %dma_wait3A_735 : memref<1x128x128xf32, #tpu.memory_space<vmem>> -> memref<128x128xf32, #tpu.memory_space<vmem>>
      %dma_wait3A_737 = arith.constant 0 : i32
      %dma_wait3A_738 = tpu.memref_slice %arg6[%dma_wait3A_730, %dma_wait3A_731, %dma_wait3A_732, %dma_wait3A_737] : memref<2x2x16x128xi32, #tpu.memory_space<vmem>> -> memref<1x1x1x128xi32, #tpu.memory_space<vmem>>
      %dma_wait3A_739 = tpu.memref_squeeze %dma_wait3A_738 : memref<1x1x1x128xi32, #tpu.memory_space<vmem>> -> memref<128xi32, #tpu.memory_space<vmem>>
      %dma_wait3A_740 = arith.constant 0 : i32
      %dma_wait3A_741 = arith.constant 0 : i32
      %dma_wait3A_742 = tpu.memref_slice %arg8[%dma_wait3A_740, %dma_wait3A_741] : memref<10112x128xf32, #tpu.memory_space<vmem_shared>> -> memref<10112x128xf32, #tpu.memory_space<vmem_shared>>
      tpu.wait_indirect_dma semaphore(%arg12 : memref<!tpu.dma_semaphore, #tpu.memory_space<semaphore_mem>>) src(%dma_wait3A_736 : memref<128x128xf32, #tpu.memory_space<vmem>>) dst(%dma_wait3A_742 : memref<10112x128xf32, #tpu.memory_space<vmem_shared>>)
      %dma_start3A_743 = arith.constant 0 : i32
      %dma_start3A_744 = arith.constant 12 : i32
      %dma_start3A_745 = arith.constant 0 : i32
      %dma_start3A_746 = arith.constant 0 : i32
      %dma_start3A_747 = arith.constant 0 : i32
      %dma_start3A_748 = tpu.memref_slice %arg7[%dma_start3A_745, %dma_start3A_746, %dma_start3A_747] : memref<2x128x128xf32, #tpu.memory_space<vmem>> -> memref<1x128x128xf32, #tpu.memory_space<vmem>>
      %dma_start3A_749 = tpu.memref_squeeze %dma_start3A_748 : memref<1x128x128xf32, #tpu.memory_space<vmem>> -> memref<128x128xf32, #tpu.memory_space<vmem>>
      %dma_start3A_750 = arith.constant 0 : i32
      %dma_start3A_751 = tpu.memref_slice %arg6[%select_n3A_101, %dma_start3A_743, %dma_start3A_744, %dma_start3A_750] : memref<2x2x16x128xi32, #tpu.memory_space<vmem>> -> memref<1x1x1x128xi32, #tpu.memory_space<vmem>>
      %dma_start3A_752 = tpu.memref_squeeze %dma_start3A_751 : memref<1x1x1x128xi32, #tpu.memory_space<vmem>> -> memref<128xi32, #tpu.memory_space<vmem>>
      %dma_start3A_753 = arith.constant 0 : i32
      %dma_start3A_754 = arith.constant 0 : i32
      %dma_start3A_755 = tpu.memref_slice %arg2[%dma_start3A_753, %dma_start3A_754] : memref<10000x128xf32, #tpu.memory_space<hbm>> -> memref<10000x128xf32, #tpu.memory_space<hbm>>
      tpu.enqueue_indirect_dma source(%dma_start3A_755 : memref<10000x128xf32, #tpu.memory_space<hbm>>) target(%dma_start3A_749 : memref<128x128xf32, #tpu.memory_space<vmem>>) offsets(%dma_start3A_752 : memref<128xi32, #tpu.memory_space<vmem>>) semaphore(%arg10 : memref<!tpu.dma_semaphore, #tpu.memory_space<semaphore_mem>>)
      %dma_wait3A_756 = arith.constant 0 : i32
      %dma_wait3A_757 = arith.constant 11 : i32
      %dma_wait3A_758 = arith.constant 1 : i32
      %dma_wait3A_759 = arith.constant 0 : i32
      %dma_wait3A_760 = arith.constant 0 : i32
      %dma_wait3A_761 = tpu.memref_slice %arg7[%dma_wait3A_758, %dma_wait3A_759, %dma_wait3A_760] : memref<2x128x128xf32, #tpu.memory_space<vmem>> -> memref<1x128x128xf32, #tpu.memory_space<vmem>>
      %dma_wait3A_762 = tpu.memref_squeeze %dma_wait3A_761 : memref<1x128x128xf32, #tpu.memory_space<vmem>> -> memref<128x128xf32, #tpu.memory_space<vmem>>
      %dma_wait3A_763 = arith.constant 0 : i32
      %dma_wait3A_764 = tpu.memref_slice %arg6[%select_n3A_101, %dma_wait3A_756, %dma_wait3A_757, %dma_wait3A_763] : memref<2x2x16x128xi32, #tpu.memory_space<vmem>> -> memref<1x1x1x128xi32, #tpu.memory_space<vmem>>
      %dma_wait3A_765 = tpu.memref_squeeze %dma_wait3A_764 : memref<1x1x1x128xi32, #tpu.memory_space<vmem>> -> memref<128xi32, #tpu.memory_space<vmem>>
      %dma_wait3A_766 = arith.constant 0 : i32
      %dma_wait3A_767 = arith.constant 0 : i32
      %dma_wait3A_768 = tpu.memref_slice %arg2[%dma_wait3A_766, %dma_wait3A_767] : memref<10000x128xf32, #tpu.memory_space<hbm>> -> memref<10000x128xf32, #tpu.memory_space<hbm>>
      tpu.wait_indirect_dma semaphore(%arg11 : memref<!tpu.dma_semaphore, #tpu.memory_space<semaphore_mem>>) src(%dma_wait3A_768 : memref<10000x128xf32, #tpu.memory_space<hbm>>) dst(%dma_wait3A_762 : memref<128x128xf32, #tpu.memory_space<vmem>>)
      %dma_start3A_769 = arith.constant 1 : i32
      %dma_start3A_770 = arith.constant 1 : i32
      %dma_start3A_771 = arith.constant 11 : i32
      %dma_start3A_772 = arith.constant 0 : i32
      %dma_start3A_773 = arith.constant 0 : i32
      %dma_start3A_774 = tpu.memref_slice %arg7[%dma_start3A_769, %dma_start3A_772, %dma_start3A_773] : memref<2x128x128xf32, #tpu.memory_space<vmem>> -> memref<1x128x128xf32, #tpu.memory_space<vmem>>
      %dma_start3A_775 = tpu.memref_squeeze %dma_start3A_774 : memref<1x128x128xf32, #tpu.memory_space<vmem>> -> memref<128x128xf32, #tpu.memory_space<vmem>>
      %dma_start3A_776 = arith.constant 0 : i32
      %dma_start3A_777 = tpu.memref_slice %arg6[%select_n3A_101, %dma_start3A_770, %dma_start3A_771, %dma_start3A_776] : memref<2x2x16x128xi32, #tpu.memory_space<vmem>> -> memref<1x1x1x128xi32, #tpu.memory_space<vmem>>
      %dma_start3A_778 = tpu.memref_squeeze %dma_start3A_777 : memref<1x1x1x128xi32, #tpu.memory_space<vmem>> -> memref<128xi32, #tpu.memory_space<vmem>>
      %dma_start3A_779 = arith.constant 0 : i32
      %dma_start3A_780 = arith.constant 0 : i32
      %dma_start3A_781 = tpu.memref_slice %arg8[%dma_start3A_779, %dma_start3A_780] : memref<10112x128xf32, #tpu.memory_space<vmem_shared>> -> memref<10112x128xf32, #tpu.memory_space<vmem_shared>>
      tpu.enqueue_indirect_dma source(%dma_start3A_775 : memref<128x128xf32, #tpu.memory_space<vmem>>) target(%dma_start3A_781 : memref<10112x128xf32, #tpu.memory_space<vmem_shared>>) offsets(%dma_start3A_778 : memref<128xi32, #tpu.memory_space<vmem>>) semaphore(%arg13 : memref<!tpu.dma_semaphore, #tpu.memory_space<semaphore_mem>>) {add = true}
      %dma_wait3A_782 = arith.constant 1 : i32
      %dma_wait3A_783 = arith.constant 0 : i32
      %dma_wait3A_784 = arith.constant 1 : i32
      %dma_wait3A_785 = arith.constant 0 : i32
      %dma_wait3A_786 = arith.constant 0 : i32
      %dma_wait3A_787 = arith.constant 0 : i32
      %dma_wait3A_788 = tpu.memref_slice %arg7[%dma_wait3A_782, %dma_wait3A_786, %dma_wait3A_787] : memref<2x128x128xf32, #tpu.memory_space<vmem>> -> memref<1x128x128xf32, #tpu.memory_space<vmem>>
      %dma_wait3A_789 = tpu.memref_squeeze %dma_wait3A_788 : memref<1x128x128xf32, #tpu.memory_space<vmem>> -> memref<128x128xf32, #tpu.memory_space<vmem>>
      %dma_wait3A_790 = arith.constant 0 : i32
      %dma_wait3A_791 = tpu.memref_slice %arg6[%dma_wait3A_783, %dma_wait3A_784, %dma_wait3A_785, %dma_wait3A_790] : memref<2x2x16x128xi32, #tpu.memory_space<vmem>> -> memref<1x1x1x128xi32, #tpu.memory_space<vmem>>
      %dma_wait3A_792 = tpu.memref_squeeze %dma_wait3A_791 : memref<1x1x1x128xi32, #tpu.memory_space<vmem>> -> memref<128xi32, #tpu.memory_space<vmem>>
      %dma_wait3A_793 = arith.constant 0 : i32
      %dma_wait3A_794 = arith.constant 0 : i32
      %dma_wait3A_795 = tpu.memref_slice %arg8[%dma_wait3A_793, %dma_wait3A_794] : memref<10112x128xf32, #tpu.memory_space<vmem_shared>> -> memref<10112x128xf32, #tpu.memory_space<vmem_shared>>
      tpu.wait_indirect_dma semaphore(%arg13 : memref<!tpu.dma_semaphore, #tpu.memory_space<semaphore_mem>>) src(%dma_wait3A_789 : memref<128x128xf32, #tpu.memory_space<vmem>>) dst(%dma_wait3A_795 : memref<10112x128xf32, #tpu.memory_space<vmem_shared>>)
      %dma_start3A_796 = arith.constant 0 : i32
      %dma_start3A_797 = arith.constant 13 : i32
      %dma_start3A_798 = arith.constant 1 : i32
      %dma_start3A_799 = arith.constant 0 : i32
      %dma_start3A_800 = arith.constant 0 : i32
      %dma_start3A_801 = tpu.memref_slice %arg7[%dma_start3A_798, %dma_start3A_799, %dma_start3A_800] : memref<2x128x128xf32, #tpu.memory_space<vmem>> -> memref<1x128x128xf32, #tpu.memory_space<vmem>>
      %dma_start3A_802 = tpu.memref_squeeze %dma_start3A_801 : memref<1x128x128xf32, #tpu.memory_space<vmem>> -> memref<128x128xf32, #tpu.memory_space<vmem>>
      %dma_start3A_803 = arith.constant 0 : i32
      %dma_start3A_804 = tpu.memref_slice %arg6[%select_n3A_101, %dma_start3A_796, %dma_start3A_797, %dma_start3A_803] : memref<2x2x16x128xi32, #tpu.memory_space<vmem>> -> memref<1x1x1x128xi32, #tpu.memory_space<vmem>>
      %dma_start3A_805 = tpu.memref_squeeze %dma_start3A_804 : memref<1x1x1x128xi32, #tpu.memory_space<vmem>> -> memref<128xi32, #tpu.memory_space<vmem>>
      %dma_start3A_806 = arith.constant 0 : i32
      %dma_start3A_807 = arith.constant 0 : i32
      %dma_start3A_808 = tpu.memref_slice %arg2[%dma_start3A_806, %dma_start3A_807] : memref<10000x128xf32, #tpu.memory_space<hbm>> -> memref<10000x128xf32, #tpu.memory_space<hbm>>
      tpu.enqueue_indirect_dma source(%dma_start3A_808 : memref<10000x128xf32, #tpu.memory_space<hbm>>) target(%dma_start3A_802 : memref<128x128xf32, #tpu.memory_space<vmem>>) offsets(%dma_start3A_805 : memref<128xi32, #tpu.memory_space<vmem>>) semaphore(%arg11 : memref<!tpu.dma_semaphore, #tpu.memory_space<semaphore_mem>>)
      %dma_wait3A_809 = arith.constant 0 : i32
      %dma_wait3A_810 = arith.constant 12 : i32
      %dma_wait3A_811 = arith.constant 0 : i32
      %dma_wait3A_812 = arith.constant 0 : i32
      %dma_wait3A_813 = arith.constant 0 : i32
      %dma_wait3A_814 = tpu.memref_slice %arg7[%dma_wait3A_811, %dma_wait3A_812, %dma_wait3A_813] : memref<2x128x128xf32, #tpu.memory_space<vmem>> -> memref<1x128x128xf32, #tpu.memory_space<vmem>>
      %dma_wait3A_815 = tpu.memref_squeeze %dma_wait3A_814 : memref<1x128x128xf32, #tpu.memory_space<vmem>> -> memref<128x128xf32, #tpu.memory_space<vmem>>
      %dma_wait3A_816 = arith.constant 0 : i32
      %dma_wait3A_817 = tpu.memref_slice %arg6[%select_n3A_101, %dma_wait3A_809, %dma_wait3A_810, %dma_wait3A_816] : memref<2x2x16x128xi32, #tpu.memory_space<vmem>> -> memref<1x1x1x128xi32, #tpu.memory_space<vmem>>
      %dma_wait3A_818 = tpu.memref_squeeze %dma_wait3A_817 : memref<1x1x1x128xi32, #tpu.memory_space<vmem>> -> memref<128xi32, #tpu.memory_space<vmem>>
      %dma_wait3A_819 = arith.constant 0 : i32
      %dma_wait3A_820 = arith.constant 0 : i32
      %dma_wait3A_821 = tpu.memref_slice %arg2[%dma_wait3A_819, %dma_wait3A_820] : memref<10000x128xf32, #tpu.memory_space<hbm>> -> memref<10000x128xf32, #tpu.memory_space<hbm>>
      tpu.wait_indirect_dma semaphore(%arg10 : memref<!tpu.dma_semaphore, #tpu.memory_space<semaphore_mem>>) src(%dma_wait3A_821 : memref<10000x128xf32, #tpu.memory_space<hbm>>) dst(%dma_wait3A_815 : memref<128x128xf32, #tpu.memory_space<vmem>>)
      %dma_start3A_822 = arith.constant 0 : i32
      %dma_start3A_823 = arith.constant 1 : i32
      %dma_start3A_824 = arith.constant 12 : i32
      %dma_start3A_825 = arith.constant 0 : i32
      %dma_start3A_826 = arith.constant 0 : i32
      %dma_start3A_827 = tpu.memref_slice %arg7[%dma_start3A_822, %dma_start3A_825, %dma_start3A_826] : memref<2x128x128xf32, #tpu.memory_space<vmem>> -> memref<1x128x128xf32, #tpu.memory_space<vmem>>
      %dma_start3A_828 = tpu.memref_squeeze %dma_start3A_827 : memref<1x128x128xf32, #tpu.memory_space<vmem>> -> memref<128x128xf32, #tpu.memory_space<vmem>>
      %dma_start3A_829 = arith.constant 0 : i32
      %dma_start3A_830 = tpu.memref_slice %arg6[%select_n3A_101, %dma_start3A_823, %dma_start3A_824, %dma_start3A_829] : memref<2x2x16x128xi32, #tpu.memory_space<vmem>> -> memref<1x1x1x128xi32, #tpu.memory_space<vmem>>
      %dma_start3A_831 = tpu.memref_squeeze %dma_start3A_830 : memref<1x1x1x128xi32, #tpu.memory_space<vmem>> -> memref<128xi32, #tpu.memory_space<vmem>>
      %dma_start3A_832 = arith.constant 0 : i32
      %dma_start3A_833 = arith.constant 0 : i32
      %dma_start3A_834 = tpu.memref_slice %arg8[%dma_start3A_832, %dma_start3A_833] : memref<10112x128xf32, #tpu.memory_space<vmem_shared>> -> memref<10112x128xf32, #tpu.memory_space<vmem_shared>>
      tpu.enqueue_indirect_dma source(%dma_start3A_828 : memref<128x128xf32, #tpu.memory_space<vmem>>) target(%dma_start3A_834 : memref<10112x128xf32, #tpu.memory_space<vmem_shared>>) offsets(%dma_start3A_831 : memref<128xi32, #tpu.memory_space<vmem>>) semaphore(%arg12 : memref<!tpu.dma_semaphore, #tpu.memory_space<semaphore_mem>>) {add = true}
      %dma_wait3A_835 = arith.constant 0 : i32
      %dma_wait3A_836 = arith.constant 0 : i32
      %dma_wait3A_837 = arith.constant 1 : i32
      %dma_wait3A_838 = arith.constant 0 : i32
      %dma_wait3A_839 = arith.constant 0 : i32
      %dma_wait3A_840 = arith.constant 0 : i32
      %dma_wait3A_841 = tpu.memref_slice %arg7[%dma_wait3A_835, %dma_wait3A_839, %dma_wait3A_840] : memref<2x128x128xf32, #tpu.memory_space<vmem>> -> memref<1x128x128xf32, #tpu.memory_space<vmem>>
      %dma_wait3A_842 = tpu.memref_squeeze %dma_wait3A_841 : memref<1x128x128xf32, #tpu.memory_space<vmem>> -> memref<128x128xf32, #tpu.memory_space<vmem>>
      %dma_wait3A_843 = arith.constant 0 : i32
      %dma_wait3A_844 = tpu.memref_slice %arg6[%dma_wait3A_836, %dma_wait3A_837, %dma_wait3A_838, %dma_wait3A_843] : memref<2x2x16x128xi32, #tpu.memory_space<vmem>> -> memref<1x1x1x128xi32, #tpu.memory_space<vmem>>
      %dma_wait3A_845 = tpu.memref_squeeze %dma_wait3A_844 : memref<1x1x1x128xi32, #tpu.memory_space<vmem>> -> memref<128xi32, #tpu.memory_space<vmem>>
      %dma_wait3A_846 = arith.constant 0 : i32
      %dma_wait3A_847 = arith.constant 0 : i32
      %dma_wait3A_848 = tpu.memref_slice %arg8[%dma_wait3A_846, %dma_wait3A_847] : memref<10112x128xf32, #tpu.memory_space<vmem_shared>> -> memref<10112x128xf32, #tpu.memory_space<vmem_shared>>
      tpu.wait_indirect_dma semaphore(%arg12 : memref<!tpu.dma_semaphore, #tpu.memory_space<semaphore_mem>>) src(%dma_wait3A_842 : memref<128x128xf32, #tpu.memory_space<vmem>>) dst(%dma_wait3A_848 : memref<10112x128xf32, #tpu.memory_space<vmem_shared>>)
      %dma_start3A_849 = arith.constant 0 : i32
      %dma_start3A_850 = arith.constant 14 : i32
      %dma_start3A_851 = arith.constant 0 : i32
      %dma_start3A_852 = arith.constant 0 : i32
      %dma_start3A_853 = arith.constant 0 : i32
      %dma_start3A_854 = tpu.memref_slice %arg7[%dma_start3A_851, %dma_start3A_852, %dma_start3A_853] : memref<2x128x128xf32, #tpu.memory_space<vmem>> -> memref<1x128x128xf32, #tpu.memory_space<vmem>>
      %dma_start3A_855 = tpu.memref_squeeze %dma_start3A_854 : memref<1x128x128xf32, #tpu.memory_space<vmem>> -> memref<128x128xf32, #tpu.memory_space<vmem>>
      %dma_start3A_856 = arith.constant 0 : i32
      %dma_start3A_857 = tpu.memref_slice %arg6[%select_n3A_101, %dma_start3A_849, %dma_start3A_850, %dma_start3A_856] : memref<2x2x16x128xi32, #tpu.memory_space<vmem>> -> memref<1x1x1x128xi32, #tpu.memory_space<vmem>>
      %dma_start3A_858 = tpu.memref_squeeze %dma_start3A_857 : memref<1x1x1x128xi32, #tpu.memory_space<vmem>> -> memref<128xi32, #tpu.memory_space<vmem>>
      %dma_start3A_859 = arith.constant 0 : i32
      %dma_start3A_860 = arith.constant 0 : i32
      %dma_start3A_861 = tpu.memref_slice %arg2[%dma_start3A_859, %dma_start3A_860] : memref<10000x128xf32, #tpu.memory_space<hbm>> -> memref<10000x128xf32, #tpu.memory_space<hbm>>
      tpu.enqueue_indirect_dma source(%dma_start3A_861 : memref<10000x128xf32, #tpu.memory_space<hbm>>) target(%dma_start3A_855 : memref<128x128xf32, #tpu.memory_space<vmem>>) offsets(%dma_start3A_858 : memref<128xi32, #tpu.memory_space<vmem>>) semaphore(%arg10 : memref<!tpu.dma_semaphore, #tpu.memory_space<semaphore_mem>>)
      %dma_wait3A_862 = arith.constant 0 : i32
      %dma_wait3A_863 = arith.constant 13 : i32
      %dma_wait3A_864 = arith.constant 1 : i32
      %dma_wait3A_865 = arith.constant 0 : i32
      %dma_wait3A_866 = arith.constant 0 : i32
      %dma_wait3A_867 = tpu.memref_slice %arg7[%dma_wait3A_864, %dma_wait3A_865, %dma_wait3A_866] : memref<2x128x128xf32, #tpu.memory_space<vmem>> -> memref<1x128x128xf32, #tpu.memory_space<vmem>>
      %dma_wait3A_868 = tpu.memref_squeeze %dma_wait3A_867 : memref<1x128x128xf32, #tpu.memory_space<vmem>> -> memref<128x128xf32, #tpu.memory_space<vmem>>
      %dma_wait3A_869 = arith.constant 0 : i32
      %dma_wait3A_870 = tpu.memref_slice %arg6[%select_n3A_101, %dma_wait3A_862, %dma_wait3A_863, %dma_wait3A_869] : memref<2x2x16x128xi32, #tpu.memory_space<vmem>> -> memref<1x1x1x128xi32, #tpu.memory_space<vmem>>
      %dma_wait3A_871 = tpu.memref_squeeze %dma_wait3A_870 : memref<1x1x1x128xi32, #tpu.memory_space<vmem>> -> memref<128xi32, #tpu.memory_space<vmem>>
      %dma_wait3A_872 = arith.constant 0 : i32
      %dma_wait3A_873 = arith.constant 0 : i32
      %dma_wait3A_874 = tpu.memref_slice %arg2[%dma_wait3A_872, %dma_wait3A_873] : memref<10000x128xf32, #tpu.memory_space<hbm>> -> memref<10000x128xf32, #tpu.memory_space<hbm>>
      tpu.wait_indirect_dma semaphore(%arg11 : memref<!tpu.dma_semaphore, #tpu.memory_space<semaphore_mem>>) src(%dma_wait3A_874 : memref<10000x128xf32, #tpu.memory_space<hbm>>) dst(%dma_wait3A_868 : memref<128x128xf32, #tpu.memory_space<vmem>>)
      %dma_start3A_875 = arith.constant 1 : i32
      %dma_start3A_876 = arith.constant 1 : i32
      %dma_start3A_877 = arith.constant 13 : i32
      %dma_start3A_878 = arith.constant 0 : i32
      %dma_start3A_879 = arith.constant 0 : i32
      %dma_start3A_880 = tpu.memref_slice %arg7[%dma_start3A_875, %dma_start3A_878, %dma_start3A_879] : memref<2x128x128xf32, #tpu.memory_space<vmem>> -> memref<1x128x128xf32, #tpu.memory_space<vmem>>
      %dma_start3A_881 = tpu.memref_squeeze %dma_start3A_880 : memref<1x128x128xf32, #tpu.memory_space<vmem>> -> memref<128x128xf32, #tpu.memory_space<vmem>>
      %dma_start3A_882 = arith.constant 0 : i32
      %dma_start3A_883 = tpu.memref_slice %arg6[%select_n3A_101, %dma_start3A_876, %dma_start3A_877, %dma_start3A_882] : memref<2x2x16x128xi32, #tpu.memory_space<vmem>> -> memref<1x1x1x128xi32, #tpu.memory_space<vmem>>
      %dma_start3A_884 = tpu.memref_squeeze %dma_start3A_883 : memref<1x1x1x128xi32, #tpu.memory_space<vmem>> -> memref<128xi32, #tpu.memory_space<vmem>>
      %dma_start3A_885 = arith.constant 0 : i32
      %dma_start3A_886 = arith.constant 0 : i32
      %dma_start3A_887 = tpu.memref_slice %arg8[%dma_start3A_885, %dma_start3A_886] : memref<10112x128xf32, #tpu.memory_space<vmem_shared>> -> memref<10112x128xf32, #tpu.memory_space<vmem_shared>>
      tpu.enqueue_indirect_dma source(%dma_start3A_881 : memref<128x128xf32, #tpu.memory_space<vmem>>) target(%dma_start3A_887 : memref<10112x128xf32, #tpu.memory_space<vmem_shared>>) offsets(%dma_start3A_884 : memref<128xi32, #tpu.memory_space<vmem>>) semaphore(%arg13 : memref<!tpu.dma_semaphore, #tpu.memory_space<semaphore_mem>>) {add = true}
      %dma_wait3A_888 = arith.constant 1 : i32
      %dma_wait3A_889 = arith.constant 0 : i32
      %dma_wait3A_890 = arith.constant 1 : i32
      %dma_wait3A_891 = arith.constant 0 : i32
      %dma_wait3A_892 = arith.constant 0 : i32
      %dma_wait3A_893 = arith.constant 0 : i32
      %dma_wait3A_894 = tpu.memref_slice %arg7[%dma_wait3A_888, %dma_wait3A_892, %dma_wait3A_893] : memref<2x128x128xf32, #tpu.memory_space<vmem>> -> memref<1x128x128xf32, #tpu.memory_space<vmem>>
      %dma_wait3A_895 = tpu.memref_squeeze %dma_wait3A_894 : memref<1x128x128xf32, #tpu.memory_space<vmem>> -> memref<128x128xf32, #tpu.memory_space<vmem>>
      %dma_wait3A_896 = arith.constant 0 : i32
      %dma_wait3A_897 = tpu.memref_slice %arg6[%dma_wait3A_889, %dma_wait3A_890, %dma_wait3A_891, %dma_wait3A_896] : memref<2x2x16x128xi32, #tpu.memory_space<vmem>> -> memref<1x1x1x128xi32, #tpu.memory_space<vmem>>
      %dma_wait3A_898 = tpu.memref_squeeze %dma_wait3A_897 : memref<1x1x1x128xi32, #tpu.memory_space<vmem>> -> memref<128xi32, #tpu.memory_space<vmem>>
      %dma_wait3A_899 = arith.constant 0 : i32
      %dma_wait3A_900 = arith.constant 0 : i32
      %dma_wait3A_901 = tpu.memref_slice %arg8[%dma_wait3A_899, %dma_wait3A_900] : memref<10112x128xf32, #tpu.memory_space<vmem_shared>> -> memref<10112x128xf32, #tpu.memory_space<vmem_shared>>
      tpu.wait_indirect_dma semaphore(%arg13 : memref<!tpu.dma_semaphore, #tpu.memory_space<semaphore_mem>>) src(%dma_wait3A_895 : memref<128x128xf32, #tpu.memory_space<vmem>>) dst(%dma_wait3A_901 : memref<10112x128xf32, #tpu.memory_space<vmem_shared>>)
      %dma_start3A_902 = arith.constant 0 : i32
      %dma_start3A_903 = arith.constant 15 : i32
      %dma_start3A_904 = arith.constant 1 : i32
      %dma_start3A_905 = arith.constant 0 : i32
      %dma_start3A_906 = arith.constant 0 : i32
      %dma_start3A_907 = tpu.memref_slice %arg7[%dma_start3A_904, %dma_start3A_905, %dma_start3A_906] : memref<2x128x128xf32, #tpu.memory_space<vmem>> -> memref<1x128x128xf32, #tpu.memory_space<vmem>>
      %dma_start3A_908 = tpu.memref_squeeze %dma_start3A_907 : memref<1x128x128xf32, #tpu.memory_space<vmem>> -> memref<128x128xf32, #tpu.memory_space<vmem>>
      %dma_start3A_909 = arith.constant 0 : i32
      %dma_start3A_910 = tpu.memref_slice %arg6[%select_n3A_101, %dma_start3A_902, %dma_start3A_903, %dma_start3A_909] : memref<2x2x16x128xi32, #tpu.memory_space<vmem>> -> memref<1x1x1x128xi32, #tpu.memory_space<vmem>>
      %dma_start3A_911 = tpu.memref_squeeze %dma_start3A_910 : memref<1x1x1x128xi32, #tpu.memory_space<vmem>> -> memref<128xi32, #tpu.memory_space<vmem>>
      %dma_start3A_912 = arith.constant 0 : i32
      %dma_start3A_913 = arith.constant 0 : i32
      %dma_start3A_914 = tpu.memref_slice %arg2[%dma_start3A_912, %dma_start3A_913] : memref<10000x128xf32, #tpu.memory_space<hbm>> -> memref<10000x128xf32, #tpu.memory_space<hbm>>
      tpu.enqueue_indirect_dma source(%dma_start3A_914 : memref<10000x128xf32, #tpu.memory_space<hbm>>) target(%dma_start3A_908 : memref<128x128xf32, #tpu.memory_space<vmem>>) offsets(%dma_start3A_911 : memref<128xi32, #tpu.memory_space<vmem>>) semaphore(%arg11 : memref<!tpu.dma_semaphore, #tpu.memory_space<semaphore_mem>>)
      %dma_wait3A_915 = arith.constant 0 : i32
      %dma_wait3A_916 = arith.constant 14 : i32
      %dma_wait3A_917 = arith.constant 0 : i32
      %dma_wait3A_918 = arith.constant 0 : i32
      %dma_wait3A_919 = arith.constant 0 : i32
      %dma_wait3A_920 = tpu.memref_slice %arg7[%dma_wait3A_917, %dma_wait3A_918, %dma_wait3A_919] : memref<2x128x128xf32, #tpu.memory_space<vmem>> -> memref<1x128x128xf32, #tpu.memory_space<vmem>>
      %dma_wait3A_921 = tpu.memref_squeeze %dma_wait3A_920 : memref<1x128x128xf32, #tpu.memory_space<vmem>> -> memref<128x128xf32, #tpu.memory_space<vmem>>
      %dma_wait3A_922 = arith.constant 0 : i32
      %dma_wait3A_923 = tpu.memref_slice %arg6[%select_n3A_101, %dma_wait3A_915, %dma_wait3A_916, %dma_wait3A_922] : memref<2x2x16x128xi32, #tpu.memory_space<vmem>> -> memref<1x1x1x128xi32, #tpu.memory_space<vmem>>
      %dma_wait3A_924 = tpu.memref_squeeze %dma_wait3A_923 : memref<1x1x1x128xi32, #tpu.memory_space<vmem>> -> memref<128xi32, #tpu.memory_space<vmem>>
      %dma_wait3A_925 = arith.constant 0 : i32
      %dma_wait3A_926 = arith.constant 0 : i32
      %dma_wait3A_927 = tpu.memref_slice %arg2[%dma_wait3A_925, %dma_wait3A_926] : memref<10000x128xf32, #tpu.memory_space<hbm>> -> memref<10000x128xf32, #tpu.memory_space<hbm>>
      tpu.wait_indirect_dma semaphore(%arg10 : memref<!tpu.dma_semaphore, #tpu.memory_space<semaphore_mem>>) src(%dma_wait3A_927 : memref<10000x128xf32, #tpu.memory_space<hbm>>) dst(%dma_wait3A_921 : memref<128x128xf32, #tpu.memory_space<vmem>>)
      %dma_start3A_928 = arith.constant 0 : i32
      %dma_start3A_929 = arith.constant 1 : i32
      %dma_start3A_930 = arith.constant 14 : i32
      %dma_start3A_931 = arith.constant 0 : i32
      %dma_start3A_932 = arith.constant 0 : i32
      %dma_start3A_933 = tpu.memref_slice %arg7[%dma_start3A_928, %dma_start3A_931, %dma_start3A_932] : memref<2x128x128xf32, #tpu.memory_space<vmem>> -> memref<1x128x128xf32, #tpu.memory_space<vmem>>
      %dma_start3A_934 = tpu.memref_squeeze %dma_start3A_933 : memref<1x128x128xf32, #tpu.memory_space<vmem>> -> memref<128x128xf32, #tpu.memory_space<vmem>>
      %dma_start3A_935 = arith.constant 0 : i32
      %dma_start3A_936 = tpu.memref_slice %arg6[%select_n3A_101, %dma_start3A_929, %dma_start3A_930, %dma_start3A_935] : memref<2x2x16x128xi32, #tpu.memory_space<vmem>> -> memref<1x1x1x128xi32, #tpu.memory_space<vmem>>
      %dma_start3A_937 = tpu.memref_squeeze %dma_start3A_936 : memref<1x1x1x128xi32, #tpu.memory_space<vmem>> -> memref<128xi32, #tpu.memory_space<vmem>>
      %dma_start3A_938 = arith.constant 0 : i32
      %dma_start3A_939 = arith.constant 0 : i32
      %dma_start3A_940 = tpu.memref_slice %arg8[%dma_start3A_938, %dma_start3A_939] : memref<10112x128xf32, #tpu.memory_space<vmem_shared>> -> memref<10112x128xf32, #tpu.memory_space<vmem_shared>>
      tpu.enqueue_indirect_dma source(%dma_start3A_934 : memref<128x128xf32, #tpu.memory_space<vmem>>) target(%dma_start3A_940 : memref<10112x128xf32, #tpu.memory_space<vmem_shared>>) offsets(%dma_start3A_937 : memref<128xi32, #tpu.memory_space<vmem>>) semaphore(%arg12 : memref<!tpu.dma_semaphore, #tpu.memory_space<semaphore_mem>>) {add = true}
      %dma_wait3A_941 = arith.constant 0 : i32
      %dma_wait3A_942 = arith.constant 15 : i32
      %dma_wait3A_943 = arith.constant 1 : i32
      %dma_wait3A_944 = arith.constant 0 : i32
      %dma_wait3A_945 = arith.constant 0 : i32
      %dma_wait3A_946 = tpu.memref_slice %arg7[%dma_wait3A_943, %dma_wait3A_944, %dma_wait3A_945] : memref<2x128x128xf32, #tpu.memory_space<vmem>> -> memref<1x128x128xf32, #tpu.memory_space<vmem>>
      %dma_wait3A_947 = tpu.memref_squeeze %dma_wait3A_946 : memref<1x128x128xf32, #tpu.memory_space<vmem>> -> memref<128x128xf32, #tpu.memory_space<vmem>>
      %dma_wait3A_948 = arith.constant 0 : i32
      %dma_wait3A_949 = tpu.memref_slice %arg6[%select_n3A_101, %dma_wait3A_941, %dma_wait3A_942, %dma_wait3A_948] : memref<2x2x16x128xi32, #tpu.memory_space<vmem>> -> memref<1x1x1x128xi32, #tpu.memory_space<vmem>>
      %dma_wait3A_950 = tpu.memref_squeeze %dma_wait3A_949 : memref<1x1x1x128xi32, #tpu.memory_space<vmem>> -> memref<128xi32, #tpu.memory_space<vmem>>
      %dma_wait3A_951 = arith.constant 0 : i32
      %dma_wait3A_952 = arith.constant 0 : i32
      %dma_wait3A_953 = tpu.memref_slice %arg2[%dma_wait3A_951, %dma_wait3A_952] : memref<10000x128xf32, #tpu.memory_space<hbm>> -> memref<10000x128xf32, #tpu.memory_space<hbm>>
      tpu.wait_indirect_dma semaphore(%arg11 : memref<!tpu.dma_semaphore, #tpu.memory_space<semaphore_mem>>) src(%dma_wait3A_953 : memref<10000x128xf32, #tpu.memory_space<hbm>>) dst(%dma_wait3A_947 : memref<128x128xf32, #tpu.memory_space<vmem>>)
      %dma_start3A_954 = arith.constant 1 : i32
      %dma_start3A_955 = arith.constant 1 : i32
      %dma_start3A_956 = arith.constant 15 : i32
      %dma_start3A_957 = arith.constant 0 : i32
      %dma_start3A_958 = arith.constant 0 : i32
      %dma_start3A_959 = tpu.memref_slice %arg7[%dma_start3A_954, %dma_start3A_957, %dma_start3A_958] : memref<2x128x128xf32, #tpu.memory_space<vmem>> -> memref<1x128x128xf32, #tpu.memory_space<vmem>>
      %dma_start3A_960 = tpu.memref_squeeze %dma_start3A_959 : memref<1x128x128xf32, #tpu.memory_space<vmem>> -> memref<128x128xf32, #tpu.memory_space<vmem>>
      %dma_start3A_961 = arith.constant 0 : i32
      %dma_start3A_962 = tpu.memref_slice %arg6[%select_n3A_101, %dma_start3A_955, %dma_start3A_956, %dma_start3A_961] : memref<2x2x16x128xi32, #tpu.memory_space<vmem>> -> memref<1x1x1x128xi32, #tpu.memory_space<vmem>>
      %dma_start3A_963 = tpu.memref_squeeze %dma_start3A_962 : memref<1x1x1x128xi32, #tpu.memory_space<vmem>> -> memref<128xi32, #tpu.memory_space<vmem>>
      %dma_start3A_964 = arith.constant 0 : i32
      %dma_start3A_965 = arith.constant 0 : i32
      %dma_start3A_966 = tpu.memref_slice %arg8[%dma_start3A_964, %dma_start3A_965] : memref<10112x128xf32, #tpu.memory_space<vmem_shared>> -> memref<10112x128xf32, #tpu.memory_space<vmem_shared>>
      tpu.enqueue_indirect_dma source(%dma_start3A_960 : memref<128x128xf32, #tpu.memory_space<vmem>>) target(%dma_start3A_966 : memref<10112x128xf32, #tpu.memory_space<vmem_shared>>) offsets(%dma_start3A_963 : memref<128xi32, #tpu.memory_space<vmem>>) semaphore(%arg13 : memref<!tpu.dma_semaphore, #tpu.memory_space<semaphore_mem>>) {add = true}
      %scan3A_967 = arith.constant 0 : i32
      scf.yield %scan3A_967 : i32
    }
    %scan3A_62 = arith.constant 5 : i32
    %dma_wait3A = arith.constant 0 : i32
    %dma_wait3A_63 = arith.constant 0 : i32
    %dma_wait3A_64 = arith.constant 1 : i32
    %dma_wait3A_65 = arith.constant 0 : i32
    %dma_wait3A_66 = arith.constant 0 : i32
    %dma_wait3A_67 = arith.constant 0 : i32
    %dma_wait3A_68 = tpu.memref_slice %arg7[%dma_wait3A, %dma_wait3A_66, %dma_wait3A_67] : memref<2x128x128xf32, #tpu.memory_space<vmem>> -> memref<1x128x128xf32, #tpu.memory_space<vmem>>
    %dma_wait3A_69 = tpu.memref_squeeze %dma_wait3A_68 : memref<1x128x128xf32, #tpu.memory_space<vmem>> -> memref<128x128xf32, #tpu.memory_space<vmem>>
    %dma_wait3A_70 = arith.constant 0 : i32
    %dma_wait3A_71 = tpu.memref_slice %arg6[%dma_wait3A_63, %dma_wait3A_64, %dma_wait3A_65, %dma_wait3A_70] : memref<2x2x16x128xi32, #tpu.memory_space<vmem>> -> memref<1x1x1x128xi32, #tpu.memory_space<vmem>>
    %dma_wait3A_72 = tpu.memref_squeeze %dma_wait3A_71 : memref<1x1x1x128xi32, #tpu.memory_space<vmem>> -> memref<128xi32, #tpu.memory_space<vmem>>
    %dma_wait3A_73 = arith.constant 0 : i32
    %dma_wait3A_74 = arith.constant 0 : i32
    %dma_wait3A_75 = tpu.memref_slice %arg8[%dma_wait3A_73, %dma_wait3A_74] : memref<10112x128xf32, #tpu.memory_space<vmem_shared>> -> memref<10112x128xf32, #tpu.memory_space<vmem_shared>>
    tpu.wait_indirect_dma semaphore(%arg12 : memref<!tpu.dma_semaphore, #tpu.memory_space<semaphore_mem>>) src(%dma_wait3A_69 : memref<128x128xf32, #tpu.memory_space<vmem>>) dst(%dma_wait3A_75 : memref<10112x128xf32, #tpu.memory_space<vmem_shared>>)
    %dma_wait3A_76 = arith.constant 1 : i32
    %dma_wait3A_77 = arith.constant 0 : i32
    %dma_wait3A_78 = arith.constant 1 : i32
    %dma_wait3A_79 = arith.constant 0 : i32
    %dma_wait3A_80 = arith.constant 0 : i32
    %dma_wait3A_81 = arith.constant 0 : i32
    %dma_wait3A_82 = tpu.memref_slice %arg7[%dma_wait3A_76, %dma_wait3A_80, %dma_wait3A_81] : memref<2x128x128xf32, #tpu.memory_space<vmem>> -> memref<1x128x128xf32, #tpu.memory_space<vmem>>
    %dma_wait3A_83 = tpu.memref_squeeze %dma_wait3A_82 : memref<1x128x128xf32, #tpu.memory_space<vmem>> -> memref<128x128xf32, #tpu.memory_space<vmem>>
    %dma_wait3A_84 = arith.constant 0 : i32
    %dma_wait3A_85 = tpu.memref_slice %arg6[%dma_wait3A_77, %dma_wait3A_78, %dma_wait3A_79, %dma_wait3A_84] : memref<2x2x16x128xi32, #tpu.memory_space<vmem>> -> memref<1x1x1x128xi32, #tpu.memory_space<vmem>>
    %dma_wait3A_86 = tpu.memref_squeeze %dma_wait3A_85 : memref<1x1x1x128xi32, #tpu.memory_space<vmem>> -> memref<128xi32, #tpu.memory_space<vmem>>
    %dma_wait3A_87 = arith.constant 0 : i32
    %dma_wait3A_88 = arith.constant 0 : i32
    %dma_wait3A_89 = tpu.memref_slice %arg8[%dma_wait3A_87, %dma_wait3A_88] : memref<10112x128xf32, #tpu.memory_space<vmem_shared>> -> memref<10112x128xf32, #tpu.memory_space<vmem_shared>>
    tpu.wait_indirect_dma semaphore(%arg13 : memref<!tpu.dma_semaphore, #tpu.memory_space<semaphore_mem>>) src(%dma_wait3A_83 : memref<128x128xf32, #tpu.memory_space<vmem>>) dst(%dma_wait3A_89 : memref<10112x128xf32, #tpu.memory_space<vmem_shared>>)
    %barrier3A_90 = arith.constant 0 : index
    tpu.barrier barrier_id(%barrier3A_90)
    "tpu.region"() ({
      %run_scoped3A_91 = tpu.sem_alloc : memref<!tpu.dma_semaphore, #tpu.memory_space<semaphore_mem>>
      %dma_start3A_92 = arith.constant 0 : i32
      %dma_start3A_93 = tpu.memref_slice %arg5[%arg0, %mul3A_2, %dma_start3A_92] : memref<2x10112x128xf32, #tpu.memory_space<hbm>> -> memref<1x632x128xf32, #tpu.memory_space<hbm>>
      %dma_start3A_94 = tpu.memref_squeeze %dma_start3A_93 : memref<1x632x128xf32, #tpu.memory_space<hbm>> -> memref<632x128xf32, #tpu.memory_space<hbm>>
      %dma_start3A_95 = arith.constant 0 : i32
      %dma_start3A_96 = tpu.memref_slice %arg8[%mul3A_2, %dma_start3A_95] : memref<10112x128xf32, #tpu.memory_space<vmem_shared>> -> memref<632x128xf32, #tpu.memory_space<vmem_shared>>
      tpu.enqueue_dma source(%dma_start3A_96 : memref<632x128xf32, #tpu.memory_space<vmem_shared>>) target(%dma_start3A_94 : memref<632x128xf32, #tpu.memory_space<hbm>>) target_semaphore(%run_scoped3A_91 : memref<!tpu.dma_semaphore, #tpu.memory_space<semaphore_mem>>)
      %dma_wait3A_97 = arith.constant 0 : i32
      %dma_wait3A_98 = tpu.memref_slice %arg5[%arg0, %mul3A_2, %dma_wait3A_97] : memref<2x10112x128xf32, #tpu.memory_space<hbm>> -> memref<1x632x128xf32, #tpu.memory_space<hbm>>
      %dma_wait3A_99 = tpu.memref_squeeze %dma_wait3A_98 : memref<1x632x128xf32, #tpu.memory_space<hbm>> -> memref<632x128xf32, #tpu.memory_space<hbm>>
      %dma_wait3A_100 = arith.constant 0 : i32
      %dma_wait3A_101 = tpu.memref_slice %arg8[%mul3A_2, %dma_wait3A_100] : memref<10112x128xf32, #tpu.memory_space<vmem_shared>> -> memref<632x128xf32, #tpu.memory_space<vmem_shared>>
      tpu.wait_dma2 semaphore(%run_scoped3A_91 : memref<!tpu.dma_semaphore, #tpu.memory_space<semaphore_mem>>) src(%dma_wait3A_101 : memref<632x128xf32, #tpu.memory_space<vmem_shared>>) dst(%dma_wait3A_99 : memref<632x128xf32, #tpu.memory_space<hbm>>)
      tpu.yield
    }) : () -> ()
    return
  }
}

#map = affine_map<(d0, d1) -> (0, 0)>
#map1 = affine_map<(d0, d1) -> (0, 0, 0)>
module attributes {stable_mosaic.version = 14 : i64} {
  func.func @deg_kernel(%arg0: i32, %arg1: i32, %arg2: memref<2560x128xi32, #tpu.memory_space<hbm>>, %arg3: memref<2x10112x128xf32, #tpu.memory_space<hbm>>, %arg4: memref<80x128xi32, #tpu.memory_space<vmem>>, %arg5: memref<128x128xf32, #tpu.memory_space<vmem>>, %arg6: memref<10112x128xf32, #tpu.memory_space<vmem_shared>>) attributes {dimension_semantics = [#tpu.dimension_semantics<core_parallel>, #tpu.dimension_semantics<subcore_parallel>], iteration_bounds = array<i64: 2, 16>, scalar_prefetch = 0 : i64, scratch_operands = 3 : i64, tpu.core_type = #tpu.core_type<sc_vector_subcore>, window_params = [{transform_indices = #map}, {transform_indices = #map1}]} {
    %mul3A = arith.constant 2 : i32
    %mul3A_0 = arith.muli %arg1, %mul3A : i32
    %add3A = arith.addi %mul3A_0, %arg0 : i32
    %mul3A_1 = arith.constant 632 : i32
    %mul3A_2 = arith.muli %arg1, %mul3A_1 : i32
    %mul3A_3 = arith.constant 80 : i32
    %mul3A_4 = arith.muli %add3A, %mul3A_3 : i32
    "tpu.region"() ({
      %run_scoped3A = tpu.sem_alloc : memref<!tpu.dma_semaphore, #tpu.memory_space<semaphore_mem>>
      %dma_start3A = arith.constant 0 : i32
      %dma_start3A_39 = tpu.memref_slice %arg2[%mul3A_4, %dma_start3A] : memref<2560x128xi32, #tpu.memory_space<hbm>> -> memref<80x128xi32, #tpu.memory_space<hbm>>
      %dma_start3A_40 = arith.constant 0 : i32
      %dma_start3A_41 = tpu.memref_slice %arg2[%mul3A_4, %dma_start3A_40] : memref<2560x128xi32, #tpu.memory_space<hbm>> -> memref<80x128xi32, #tpu.memory_space<hbm>>
      tpu.enqueue_dma source(%dma_start3A_41 : memref<80x128xi32, #tpu.memory_space<hbm>>) target(%arg4 : memref<80x128xi32, #tpu.memory_space<vmem>>) target_semaphore(%run_scoped3A : memref<!tpu.dma_semaphore, #tpu.memory_space<semaphore_mem>>)
      %dma_wait3A = arith.constant 0 : i32
      %dma_wait3A_42 = tpu.memref_slice %arg2[%mul3A_4, %dma_wait3A] : memref<2560x128xi32, #tpu.memory_space<hbm>> -> memref<80x128xi32, #tpu.memory_space<hbm>>
      %dma_wait3A_43 = arith.constant 0 : i32
      %dma_wait3A_44 = tpu.memref_slice %arg2[%mul3A_4, %dma_wait3A_43] : memref<2560x128xi32, #tpu.memory_space<hbm>> -> memref<80x128xi32, #tpu.memory_space<hbm>>
      tpu.wait_dma2 semaphore(%run_scoped3A : memref<!tpu.dma_semaphore, #tpu.memory_space<semaphore_mem>>) src(%dma_wait3A_44 : memref<80x128xi32, #tpu.memory_space<hbm>>) dst(%arg4 : memref<80x128xi32, #tpu.memory_space<vmem>>)
      tpu.yield
    }) : () -> ()
    %broadcast_in_dim3A = arith.constant 0.000000e+00 : f32
    %broadcast_in_dim3A_5 = vector.broadcast %broadcast_in_dim3A : f32 to vector<16xf32>
    %scan3A = arith.constant 0 : i32
    %scan3A_6 = arith.constant 0 : i32
    %scan3A_7 = arith.constant 128 : i32
    %scan3A_8 = arith.addi %scan3A_6, %scan3A_7 : i32
    %scan3A_9 = arith.constant 1 : i32
    %scan3A_10 = scf.for %scan3A_39 = %scan3A_6 to %scan3A_8 step %scan3A_9 iter_args(%scan3A_40 = %scan3A) -> (i32)  : i32 {
      %swap3A = arith.index_cast %scan3A_39 : i32 to index
      %swap3A_41 = arith.constant 0 : index
      %swap3A_42 = tpu.vector_load %arg5[%swap3A, %swap3A_41] {strides = array<i32>} : memref<128x128xf32, #tpu.memory_space<vmem>>, vector<1x16xf32>,
      %swap3A_43 = vector.shape_cast %swap3A_42 : vector<1x16xf32> to vector<16xf32>
      %swap3A_44 = vector.shape_cast %broadcast_in_dim3A_5 : vector<16xf32> to vector<1x16xf32>
      tpu.vector_store %arg5[%swap3A, %swap3A_41], %swap3A_44 {strides = array<i32>} : memref<128x128xf32, #tpu.memory_space<vmem>>, vector<1x16xf32>,
      %swap3A_45 = arith.index_cast %scan3A_39 : i32 to index
      %swap3A_46 = arith.constant 16 : index
      %swap3A_47 = tpu.vector_load %arg5[%swap3A_45, %swap3A_46] {strides = array<i32>} : memref<128x128xf32, #tpu.memory_space<vmem>>, vector<1x16xf32>,
      %swap3A_48 = vector.shape_cast %swap3A_47 : vector<1x16xf32> to vector<16xf32>
      %swap3A_49 = vector.shape_cast %broadcast_in_dim3A_5 : vector<16xf32> to vector<1x16xf32>
      tpu.vector_store %arg5[%swap3A_45, %swap3A_46], %swap3A_49 {strides = array<i32>} : memref<128x128xf32, #tpu.memory_space<vmem>>, vector<1x16xf32>,
      %swap3A_50 = arith.index_cast %scan3A_39 : i32 to index
      %swap3A_51 = arith.constant 32 : index
      %swap3A_52 = tpu.vector_load %arg5[%swap3A_50, %swap3A_51] {strides = array<i32>} : memref<128x128xf32, #tpu.memory_space<vmem>>, vector<1x16xf32>,
      %swap3A_53 = vector.shape_cast %swap3A_52 : vector<1x16xf32> to vector<16xf32>
      %swap3A_54 = vector.shape_cast %broadcast_in_dim3A_5 : vector<16xf32> to vector<1x16xf32>
      tpu.vector_store %arg5[%swap3A_50, %swap3A_51], %swap3A_54 {strides = array<i32>} : memref<128x128xf32, #tpu.memory_space<vmem>>, vector<1x16xf32>,
      %swap3A_55 = arith.index_cast %scan3A_39 : i32 to index
      %swap3A_56 = arith.constant 48 : index
      %swap3A_57 = tpu.vector_load %arg5[%swap3A_55, %swap3A_56] {strides = array<i32>} : memref<128x128xf32, #tpu.memory_space<vmem>>, vector<1x16xf32>,
      %swap3A_58 = vector.shape_cast %swap3A_57 : vector<1x16xf32> to vector<16xf32>
      %swap3A_59 = vector.shape_cast %broadcast_in_dim3A_5 : vector<16xf32> to vector<1x16xf32>
      tpu.vector_store %arg5[%swap3A_55, %swap3A_56], %swap3A_59 {strides = array<i32>} : memref<128x128xf32, #tpu.memory_space<vmem>>, vector<1x16xf32>,
      %swap3A_60 = arith.index_cast %scan3A_39 : i32 to index
      %swap3A_61 = arith.constant 64 : index
      %swap3A_62 = tpu.vector_load %arg5[%swap3A_60, %swap3A_61] {strides = array<i32>} : memref<128x128xf32, #tpu.memory_space<vmem>>, vector<1x16xf32>,
      %swap3A_63 = vector.shape_cast %swap3A_62 : vector<1x16xf32> to vector<16xf32>
      %swap3A_64 = vector.shape_cast %broadcast_in_dim3A_5 : vector<16xf32> to vector<1x16xf32>
      tpu.vector_store %arg5[%swap3A_60, %swap3A_61], %swap3A_64 {strides = array<i32>} : memref<128x128xf32, #tpu.memory_space<vmem>>, vector<1x16xf32>,
      %swap3A_65 = arith.index_cast %scan3A_39 : i32 to index
      %swap3A_66 = arith.constant 80 : index
      %swap3A_67 = tpu.vector_load %arg5[%swap3A_65, %swap3A_66] {strides = array<i32>} : memref<128x128xf32, #tpu.memory_space<vmem>>, vector<1x16xf32>,
      %swap3A_68 = vector.shape_cast %swap3A_67 : vector<1x16xf32> to vector<16xf32>
      %swap3A_69 = vector.shape_cast %broadcast_in_dim3A_5 : vector<16xf32> to vector<1x16xf32>
      tpu.vector_store %arg5[%swap3A_65, %swap3A_66], %swap3A_69 {strides = array<i32>} : memref<128x128xf32, #tpu.memory_space<vmem>>, vector<1x16xf32>,
      %swap3A_70 = arith.index_cast %scan3A_39 : i32 to index
      %swap3A_71 = arith.constant 96 : index
      %swap3A_72 = tpu.vector_load %arg5[%swap3A_70, %swap3A_71] {strides = array<i32>} : memref<128x128xf32, #tpu.memory_space<vmem>>, vector<1x16xf32>,
      %swap3A_73 = vector.shape_cast %swap3A_72 : vector<1x16xf32> to vector<16xf32>
      %swap3A_74 = vector.shape_cast %broadcast_in_dim3A_5 : vector<16xf32> to vector<1x16xf32>
      tpu.vector_store %arg5[%swap3A_70, %swap3A_71], %swap3A_74 {strides = array<i32>} : memref<128x128xf32, #tpu.memory_space<vmem>>, vector<1x16xf32>,
      %swap3A_75 = arith.index_cast %scan3A_39 : i32 to index
      %swap3A_76 = arith.constant 112 : index
      %swap3A_77 = tpu.vector_load %arg5[%swap3A_75, %swap3A_76] {strides = array<i32>} : memref<128x128xf32, #tpu.memory_space<vmem>>, vector<1x16xf32>,
      %swap3A_78 = vector.shape_cast %swap3A_77 : vector<1x16xf32> to vector<16xf32>
      %swap3A_79 = vector.shape_cast %broadcast_in_dim3A_5 : vector<16xf32> to vector<1x16xf32>
      tpu.vector_store %arg5[%swap3A_75, %swap3A_76], %swap3A_79 {strides = array<i32>} : memref<128x128xf32, #tpu.memory_space<vmem>>, vector<1x16xf32>,
      %scan3A_80 = arith.constant 0 : i32
      scf.yield %scan3A_80 : i32
    }
    %scan3A_11 = arith.constant 128 : i32
    %add3A_12 = arith.constant 0 : i32
    %add3A_13 = arith.addi %mul3A_2, %add3A_12 : i32
    "tpu.region"() ({
      %run_scoped3A = tpu.sem_alloc : memref<!tpu.dma_semaphore, #tpu.memory_space<semaphore_mem>>
      %dma_start3A = arith.constant 0 : i32
      %dma_start3A_39 = tpu.memref_slice %arg6[%add3A_13, %dma_start3A] : memref<10112x128xf32, #tpu.memory_space<vmem_shared>> -> memref<128x128xf32, #tpu.memory_space<vmem_shared>>
      %dma_start3A_40 = arith.constant 0 : i32
      %dma_start3A_41 = tpu.memref_slice %arg6[%add3A_13, %dma_start3A_40] : memref<10112x128xf32, #tpu.memory_space<vmem_shared>> -> memref<128x128xf32, #tpu.memory_space<vmem_shared>>
      tpu.enqueue_dma source(%arg5 : memref<128x128xf32, #tpu.memory_space<vmem>>) target(%dma_start3A_41 : memref<128x128xf32, #tpu.memory_space<vmem_shared>>) target_semaphore(%run_scoped3A : memref<!tpu.dma_semaphore, #tpu.memory_space<semaphore_mem>>)
      %dma_wait3A = arith.constant 0 : i32
      %dma_wait3A_42 = tpu.memref_slice %arg6[%add3A_13, %dma_wait3A] : memref<10112x128xf32, #tpu.memory_space<vmem_shared>> -> memref<128x128xf32, #tpu.memory_space<vmem_shared>>
      %dma_wait3A_43 = arith.constant 0 : i32
      %dma_wait3A_44 = tpu.memref_slice %arg6[%add3A_13, %dma_wait3A_43] : memref<10112x128xf32, #tpu.memory_space<vmem_shared>> -> memref<128x128xf32, #tpu.memory_space<vmem_shared>>
      tpu.wait_dma2 semaphore(%run_scoped3A : memref<!tpu.dma_semaphore, #tpu.memory_space<semaphore_mem>>) src(%arg5 : memref<128x128xf32, #tpu.memory_space<vmem>>) dst(%dma_wait3A_44 : memref<128x128xf32, #tpu.memory_space<vmem_shared>>)
      tpu.yield
    }) : () -> ()
    %add3A_14 = arith.constant 128 : i32
    %add3A_15 = arith.addi %mul3A_2, %add3A_14 : i32
    "tpu.region"() ({
      %run_scoped3A = tpu.sem_alloc : memref<!tpu.dma_semaphore, #tpu.memory_space<semaphore_mem>>
      %dma_start3A = arith.constant 0 : i32
      %dma_start3A_39 = tpu.memref_slice %arg6[%add3A_15, %dma_start3A] : memref<10112x128xf32, #tpu.memory_space<vmem_shared>> -> memref<128x128xf32, #tpu.memory_space<vmem_shared>>
      %dma_start3A_40 = arith.constant 0 : i32
      %dma_start3A_41 = tpu.memref_slice %arg6[%add3A_15, %dma_start3A_40] : memref<10112x128xf32, #tpu.memory_space<vmem_shared>> -> memref<128x128xf32, #tpu.memory_space<vmem_shared>>
      tpu.enqueue_dma source(%arg5 : memref<128x128xf32, #tpu.memory_space<vmem>>) target(%dma_start3A_41 : memref<128x128xf32, #tpu.memory_space<vmem_shared>>) target_semaphore(%run_scoped3A : memref<!tpu.dma_semaphore, #tpu.memory_space<semaphore_mem>>)
      %dma_wait3A = arith.constant 0 : i32
      %dma_wait3A_42 = tpu.memref_slice %arg6[%add3A_15, %dma_wait3A] : memref<10112x128xf32, #tpu.memory_space<vmem_shared>> -> memref<128x128xf32, #tpu.memory_space<vmem_shared>>
      %dma_wait3A_43 = arith.constant 0 : i32
      %dma_wait3A_44 = tpu.memref_slice %arg6[%add3A_15, %dma_wait3A_43] : memref<10112x128xf32, #tpu.memory_space<vmem_shared>> -> memref<128x128xf32, #tpu.memory_space<vmem_shared>>
      tpu.wait_dma2 semaphore(%run_scoped3A : memref<!tpu.dma_semaphore, #tpu.memory_space<semaphore_mem>>) src(%arg5 : memref<128x128xf32, #tpu.memory_space<vmem>>) dst(%dma_wait3A_44 : memref<128x128xf32, #tpu.memory_space<vmem_shared>>)
      tpu.yield
    }) : () -> ()
    %add3A_16 = arith.constant 256 : i32
    %add3A_17 = arith.addi %mul3A_2, %add3A_16 : i32
    "tpu.region"() ({
      %run_scoped3A = tpu.sem_alloc : memref<!tpu.dma_semaphore, #tpu.memory_space<semaphore_mem>>
      %dma_start3A = arith.constant 0 : i32
      %dma_start3A_39 = tpu.memref_slice %arg6[%add3A_17, %dma_start3A] : memref<10112x128xf32, #tpu.memory_space<vmem_shared>> -> memref<128x128xf32, #tpu.memory_space<vmem_shared>>
      %dma_start3A_40 = arith.constant 0 : i32
      %dma_start3A_41 = tpu.memref_slice %arg6[%add3A_17, %dma_start3A_40] : memref<10112x128xf32, #tpu.memory_space<vmem_shared>> -> memref<128x128xf32, #tpu.memory_space<vmem_shared>>
      tpu.enqueue_dma source(%arg5 : memref<128x128xf32, #tpu.memory_space<vmem>>) target(%dma_start3A_41 : memref<128x128xf32, #tpu.memory_space<vmem_shared>>) target_semaphore(%run_scoped3A : memref<!tpu.dma_semaphore, #tpu.memory_space<semaphore_mem>>)
      %dma_wait3A = arith.constant 0 : i32
      %dma_wait3A_42 = tpu.memref_slice %arg6[%add3A_17, %dma_wait3A] : memref<10112x128xf32, #tpu.memory_space<vmem_shared>> -> memref<128x128xf32, #tpu.memory_space<vmem_shared>>
      %dma_wait3A_43 = arith.constant 0 : i32
      %dma_wait3A_44 = tpu.memref_slice %arg6[%add3A_17, %dma_wait3A_43] : memref<10112x128xf32, #tpu.memory_space<vmem_shared>> -> memref<128x128xf32, #tpu.memory_space<vmem_shared>>
      tpu.wait_dma2 semaphore(%run_scoped3A : memref<!tpu.dma_semaphore, #tpu.memory_space<semaphore_mem>>) src(%arg5 : memref<128x128xf32, #tpu.memory_space<vmem>>) dst(%dma_wait3A_44 : memref<128x128xf32, #tpu.memory_space<vmem_shared>>)
      tpu.yield
    }) : () -> ()
    %add3A_18 = arith.constant 384 : i32
    %add3A_19 = arith.addi %mul3A_2, %add3A_18 : i32
    "tpu.region"() ({
      %run_scoped3A = tpu.sem_alloc : memref<!tpu.dma_semaphore, #tpu.memory_space<semaphore_mem>>
      %dma_start3A = arith.constant 0 : i32
      %dma_start3A_39 = tpu.memref_slice %arg6[%add3A_19, %dma_start3A] : memref<10112x128xf32, #tpu.memory_space<vmem_shared>> -> memref<128x128xf32, #tpu.memory_space<vmem_shared>>
      %dma_start3A_40 = arith.constant 0 : i32
      %dma_start3A_41 = tpu.memref_slice %arg6[%add3A_19, %dma_start3A_40] : memref<10112x128xf32, #tpu.memory_space<vmem_shared>> -> memref<128x128xf32, #tpu.memory_space<vmem_shared>>
      tpu.enqueue_dma source(%arg5 : memref<128x128xf32, #tpu.memory_space<vmem>>) target(%dma_start3A_41 : memref<128x128xf32, #tpu.memory_space<vmem_shared>>) target_semaphore(%run_scoped3A : memref<!tpu.dma_semaphore, #tpu.memory_space<semaphore_mem>>)
      %dma_wait3A = arith.constant 0 : i32
      %dma_wait3A_42 = tpu.memref_slice %arg6[%add3A_19, %dma_wait3A] : memref<10112x128xf32, #tpu.memory_space<vmem_shared>> -> memref<128x128xf32, #tpu.memory_space<vmem_shared>>
      %dma_wait3A_43 = arith.constant 0 : i32
      %dma_wait3A_44 = tpu.memref_slice %arg6[%add3A_19, %dma_wait3A_43] : memref<10112x128xf32, #tpu.memory_space<vmem_shared>> -> memref<128x128xf32, #tpu.memory_space<vmem_shared>>
      tpu.wait_dma2 semaphore(%run_scoped3A : memref<!tpu.dma_semaphore, #tpu.memory_space<semaphore_mem>>) src(%arg5 : memref<128x128xf32, #tpu.memory_space<vmem>>) dst(%dma_wait3A_44 : memref<128x128xf32, #tpu.memory_space<vmem_shared>>)
      tpu.yield
    }) : () -> ()
    %add3A_20 = arith.constant 512 : i32
    %add3A_21 = arith.addi %mul3A_2, %add3A_20 : i32
    "tpu.region"() ({
      %run_scoped3A = tpu.sem_alloc : memref<!tpu.dma_semaphore, #tpu.memory_space<semaphore_mem>>
      %dma_start3A = arith.constant 0 : i32
      %dma_start3A_39 = arith.constant 0 : i32
      %dma_start3A_40 = tpu.memref_slice %arg5[%dma_start3A, %dma_start3A_39] : memref<128x128xf32, #tpu.memory_space<vmem>> -> memref<120x128xf32, #tpu.memory_space<vmem>>
      %dma_start3A_41 = arith.constant 0 : i32
      %dma_start3A_42 = tpu.memref_slice %arg6[%add3A_21, %dma_start3A_41] : memref<10112x128xf32, #tpu.memory_space<vmem_shared>> -> memref<120x128xf32, #tpu.memory_space<vmem_shared>>
      %dma_start3A_43 = arith.constant 0 : i32
      %dma_start3A_44 = tpu.memref_slice %arg6[%add3A_21, %dma_start3A_43] : memref<10112x128xf32, #tpu.memory_space<vmem_shared>> -> memref<120x128xf32, #tpu.memory_space<vmem_shared>>
      %dma_start3A_45 = arith.constant 0 : i32
      %dma_start3A_46 = arith.constant 0 : i32
      %dma_start3A_47 = tpu.memref_slice %arg5[%dma_start3A_45, %dma_start3A_46] : memref<128x128xf32, #tpu.memory_space<vmem>> -> memref<120x128xf32, #tpu.memory_space<vmem>>
      tpu.enqueue_dma source(%dma_start3A_47 : memref<120x128xf32, #tpu.memory_space<vmem>>) target(%dma_start3A_44 : memref<120x128xf32, #tpu.memory_space<vmem_shared>>) target_semaphore(%run_scoped3A : memref<!tpu.dma_semaphore, #tpu.memory_space<semaphore_mem>>)
      %dma_wait3A = arith.constant 0 : i32
      %dma_wait3A_48 = arith.constant 0 : i32
      %dma_wait3A_49 = tpu.memref_slice %arg5[%dma_wait3A, %dma_wait3A_48] : memref<128x128xf32, #tpu.memory_space<vmem>> -> memref<120x128xf32, #tpu.memory_space<vmem>>
      %dma_wait3A_50 = arith.constant 0 : i32
      %dma_wait3A_51 = tpu.memref_slice %arg6[%add3A_21, %dma_wait3A_50] : memref<10112x128xf32, #tpu.memory_space<vmem_shared>> -> memref<120x128xf32, #tpu.memory_space<vmem_shared>>
      %dma_wait3A_52 = arith.constant 0 : i32
      %dma_wait3A_53 = tpu.memref_slice %arg6[%add3A_21, %dma_wait3A_52] : memref<10112x128xf32, #tpu.memory_space<vmem_shared>> -> memref<120x128xf32, #tpu.memory_space<vmem_shared>>
      %dma_wait3A_54 = arith.constant 0 : i32
      %dma_wait3A_55 = arith.constant 0 : i32
      %dma_wait3A_56 = tpu.memref_slice %arg5[%dma_wait3A_54, %dma_wait3A_55] : memref<128x128xf32, #tpu.memory_space<vmem>> -> memref<120x128xf32, #tpu.memory_space<vmem>>
      tpu.wait_dma2 semaphore(%run_scoped3A : memref<!tpu.dma_semaphore, #tpu.memory_space<semaphore_mem>>) src(%dma_wait3A_56 : memref<120x128xf32, #tpu.memory_space<vmem>>) dst(%dma_wait3A_53 : memref<120x128xf32, #tpu.memory_space<vmem_shared>>)
      tpu.yield
    }) : () -> ()
    %broadcast_in_dim3A_22 = arith.constant 1.000000e+00 : f32
    %broadcast_in_dim3A_23 = vector.broadcast %broadcast_in_dim3A_22 : f32 to vector<16xf32>
    %scan3A_24 = arith.constant 0 : i32
    %scan3A_25 = arith.constant 0 : i32
    %scan3A_26 = arith.constant 128 : i32
    %scan3A_27 = arith.addi %scan3A_25, %scan3A_26 : i32
    %scan3A_28 = arith.constant 1 : i32
    %scan3A_29 = scf.for %scan3A_39 = %scan3A_25 to %scan3A_27 step %scan3A_28 iter_args(%scan3A_40 = %scan3A_24) -> (i32)  : i32 {
      %swap3A = arith.index_cast %scan3A_39 : i32 to index
      %swap3A_41 = arith.constant 0 : index
      %swap3A_42 = tpu.vector_load %arg5[%swap3A, %swap3A_41] {strides = array<i32>} : memref<128x128xf32, #tpu.memory_space<vmem>>, vector<1x16xf32>,
      %swap3A_43 = vector.shape_cast %swap3A_42 : vector<1x16xf32> to vector<16xf32>
      %swap3A_44 = vector.shape_cast %broadcast_in_dim3A_23 : vector<16xf32> to vector<1x16xf32>
      tpu.vector_store %arg5[%swap3A, %swap3A_41], %swap3A_44 {strides = array<i32>} : memref<128x128xf32, #tpu.memory_space<vmem>>, vector<1x16xf32>,
      %swap3A_45 = arith.index_cast %scan3A_39 : i32 to index
      %swap3A_46 = arith.constant 16 : index
      %swap3A_47 = tpu.vector_load %arg5[%swap3A_45, %swap3A_46] {strides = array<i32>} : memref<128x128xf32, #tpu.memory_space<vmem>>, vector<1x16xf32>,
      %swap3A_48 = vector.shape_cast %swap3A_47 : vector<1x16xf32> to vector<16xf32>
      %swap3A_49 = vector.shape_cast %broadcast_in_dim3A_23 : vector<16xf32> to vector<1x16xf32>
      tpu.vector_store %arg5[%swap3A_45, %swap3A_46], %swap3A_49 {strides = array<i32>} : memref<128x128xf32, #tpu.memory_space<vmem>>, vector<1x16xf32>,
      %swap3A_50 = arith.index_cast %scan3A_39 : i32 to index
      %swap3A_51 = arith.constant 32 : index
      %swap3A_52 = tpu.vector_load %arg5[%swap3A_50, %swap3A_51] {strides = array<i32>} : memref<128x128xf32, #tpu.memory_space<vmem>>, vector<1x16xf32>,
      %swap3A_53 = vector.shape_cast %swap3A_52 : vector<1x16xf32> to vector<16xf32>
      %swap3A_54 = vector.shape_cast %broadcast_in_dim3A_23 : vector<16xf32> to vector<1x16xf32>
      tpu.vector_store %arg5[%swap3A_50, %swap3A_51], %swap3A_54 {strides = array<i32>} : memref<128x128xf32, #tpu.memory_space<vmem>>, vector<1x16xf32>,
      %swap3A_55 = arith.index_cast %scan3A_39 : i32 to index
      %swap3A_56 = arith.constant 48 : index
      %swap3A_57 = tpu.vector_load %arg5[%swap3A_55, %swap3A_56] {strides = array<i32>} : memref<128x128xf32, #tpu.memory_space<vmem>>, vector<1x16xf32>,
      %swap3A_58 = vector.shape_cast %swap3A_57 : vector<1x16xf32> to vector<16xf32>
      %swap3A_59 = vector.shape_cast %broadcast_in_dim3A_23 : vector<16xf32> to vector<1x16xf32>
      tpu.vector_store %arg5[%swap3A_55, %swap3A_56], %swap3A_59 {strides = array<i32>} : memref<128x128xf32, #tpu.memory_space<vmem>>, vector<1x16xf32>,
      %swap3A_60 = arith.index_cast %scan3A_39 : i32 to index
      %swap3A_61 = arith.constant 64 : index
      %swap3A_62 = tpu.vector_load %arg5[%swap3A_60, %swap3A_61] {strides = array<i32>} : memref<128x128xf32, #tpu.memory_space<vmem>>, vector<1x16xf32>,
      %swap3A_63 = vector.shape_cast %swap3A_62 : vector<1x16xf32> to vector<16xf32>
      %swap3A_64 = vector.shape_cast %broadcast_in_dim3A_23 : vector<16xf32> to vector<1x16xf32>
      tpu.vector_store %arg5[%swap3A_60, %swap3A_61], %swap3A_64 {strides = array<i32>} : memref<128x128xf32, #tpu.memory_space<vmem>>, vector<1x16xf32>,
      %swap3A_65 = arith.index_cast %scan3A_39 : i32 to index
      %swap3A_66 = arith.constant 80 : index
      %swap3A_67 = tpu.vector_load %arg5[%swap3A_65, %swap3A_66] {strides = array<i32>} : memref<128x128xf32, #tpu.memory_space<vmem>>, vector<1x16xf32>,
      %swap3A_68 = vector.shape_cast %swap3A_67 : vector<1x16xf32> to vector<16xf32>
      %swap3A_69 = vector.shape_cast %broadcast_in_dim3A_23 : vector<16xf32> to vector<1x16xf32>
      tpu.vector_store %arg5[%swap3A_65, %swap3A_66], %swap3A_69 {strides = array<i32>} : memref<128x128xf32, #tpu.memory_space<vmem>>, vector<1x16xf32>,
      %swap3A_70 = arith.index_cast %scan3A_39 : i32 to index
      %swap3A_71 = arith.constant 96 : index
      %swap3A_72 = tpu.vector_load %arg5[%swap3A_70, %swap3A_71] {strides = array<i32>} : memref<128x128xf32, #tpu.memory_space<vmem>>, vector<1x16xf32>,
      %swap3A_73 = vector.shape_cast %swap3A_72 : vector<1x16xf32> to vector<16xf32>
      %swap3A_74 = vector.shape_cast %broadcast_in_dim3A_23 : vector<16xf32> to vector<1x16xf32>
      tpu.vector_store %arg5[%swap3A_70, %swap3A_71], %swap3A_74 {strides = array<i32>} : memref<128x128xf32, #tpu.memory_space<vmem>>, vector<1x16xf32>,
      %swap3A_75 = arith.index_cast %scan3A_39 : i32 to index
      %swap3A_76 = arith.constant 112 : index
      %swap3A_77 = tpu.vector_load %arg5[%swap3A_75, %swap3A_76] {strides = array<i32>} : memref<128x128xf32, #tpu.memory_space<vmem>>, vector<1x16xf32>,
      %swap3A_78 = vector.shape_cast %swap3A_77 : vector<1x16xf32> to vector<16xf32>
      %swap3A_79 = vector.shape_cast %broadcast_in_dim3A_23 : vector<16xf32> to vector<1x16xf32>
      tpu.vector_store %arg5[%swap3A_75, %swap3A_76], %swap3A_79 {strides = array<i32>} : memref<128x128xf32, #tpu.memory_space<vmem>>, vector<1x16xf32>,
      %scan3A_80 = arith.constant 0 : i32
      scf.yield %scan3A_80 : i32
    }
    %scan3A_30 = arith.constant 128 : i32
    %barrier3A = arith.constant 0 : index
    tpu.barrier barrier_id(%barrier3A)
    %scan3A_31 = arith.constant 0 : i32
    %scan3A_32 = arith.constant 0 : i32
    %scan3A_33 = arith.constant 80 : i32
    %scan3A_34 = arith.addi %scan3A_32, %scan3A_33 : i32
    %scan3A_35 = arith.constant 1 : i32
    %scan3A_36 = scf.for %scan3A_39 = %scan3A_32 to %scan3A_34 step %scan3A_35 iter_args(%scan3A_40 = %scan3A_31) -> (i32)  : i32 {
      "tpu.region"() ({
        %run_scoped3A = tpu.sem_alloc : memref<!tpu.dma_semaphore, #tpu.memory_space<semaphore_mem>>
        %dma_start3A = arith.constant 0 : i32
        %dma_start3A_42 = tpu.memref_slice %arg4[%scan3A_39, %dma_start3A] : memref<80x128xi32, #tpu.memory_space<vmem>> -> memref<1x128xi32, #tpu.memory_space<vmem>>
        %dma_start3A_43 = tpu.memref_squeeze %dma_start3A_42 : memref<1x128xi32, #tpu.memory_space<vmem>> -> memref<128xi32, #tpu.memory_space<vmem>>
        %dma_start3A_44 = arith.constant 0 : i32
        %dma_start3A_45 = arith.constant 0 : i32
        %dma_start3A_46 = tpu.memref_slice %arg6[%dma_start3A_44, %dma_start3A_45] : memref<10112x128xf32, #tpu.memory_space<vmem_shared>> -> memref<10112x128xf32, #tpu.memory_space<vmem_shared>>
        tpu.enqueue_indirect_dma source(%arg5 : memref<128x128xf32, #tpu.memory_space<vmem>>) target(%dma_start3A_46 : memref<10112x128xf32, #tpu.memory_space<vmem_shared>>) offsets(%dma_start3A_43 : memref<128xi32, #tpu.memory_space<vmem>>) semaphore(%run_scoped3A : memref<!tpu.dma_semaphore, #tpu.memory_space<semaphore_mem>>) {add = true}
        %dma_wait3A = arith.constant 0 : i32
        %dma_wait3A_47 = tpu.memref_slice %arg4[%scan3A_39, %dma_wait3A] : memref<80x128xi32, #tpu.memory_space<vmem>> -> memref<1x128xi32, #tpu.memory_space<vmem>>
        %dma_wait3A_48 = tpu.memref_squeeze %dma_wait3A_47 : memref<1x128xi32, #tpu.memory_space<vmem>> -> memref<128xi32, #tpu.memory_space<vmem>>
        %dma_wait3A_49 = arith.constant 0 : i32
        %dma_wait3A_50 = arith.constant 0 : i32
        %dma_wait3A_51 = tpu.memref_slice %arg6[%dma_wait3A_49, %dma_wait3A_50] : memref<10112x128xf32, #tpu.memory_space<vmem_shared>> -> memref<10112x128xf32, #tpu.memory_space<vmem_shared>>
        tpu.wait_indirect_dma semaphore(%run_scoped3A : memref<!tpu.dma_semaphore, #tpu.memory_space<semaphore_mem>>) src(%arg5 : memref<128x128xf32, #tpu.memory_space<vmem>>) dst(%dma_wait3A_51 : memref<10112x128xf32, #tpu.memory_space<vmem_shared>>)
        tpu.yield
      }) : () -> ()
      %scan3A_41 = arith.constant 0 : i32
      scf.yield %scan3A_41 : i32
    }
    %scan3A_37 = arith.constant 80 : i32
    %barrier3A_38 = arith.constant 0 : index
    tpu.barrier barrier_id(%barrier3A_38)
    "tpu.region"() ({
      %run_scoped3A = tpu.sem_alloc : memref<!tpu.dma_semaphore, #tpu.memory_space<semaphore_mem>>
      %dma_start3A = arith.constant 0 : i32
      %dma_start3A_39 = tpu.memref_slice %arg3[%arg0, %mul3A_2, %dma_start3A] : memref<2x10112x128xf32, #tpu.memory_space<hbm>> -> memref<1x632x128xf32, #tpu.memory_space<hbm>>
      %dma_start3A_40 = tpu.memref_squeeze %dma_start3A_39 : memref<1x632x128xf32, #tpu.memory_space<hbm>> -> memref<632x128xf32, #tpu.memory_space<hbm>>
      %dma_start3A_41 = arith.constant 0 : i32
      %dma_start3A_42 = tpu.memref_slice %arg6[%mul3A_2, %dma_start3A_41] : memref<10112x128xf32, #tpu.memory_space<vmem_shared>> -> memref<632x128xf32, #tpu.memory_space<vmem_shared>>
      tpu.enqueue_dma source(%dma_start3A_42 : memref<632x128xf32, #tpu.memory_space<vmem_shared>>) target(%dma_start3A_40 : memref<632x128xf32, #tpu.memory_space<hbm>>) target_semaphore(%run_scoped3A : memref<!tpu.dma_semaphore, #tpu.memory_space<semaphore_mem>>)
      %dma_wait3A = arith.constant 0 : i32
      %dma_wait3A_43 = tpu.memref_slice %arg3[%arg0, %mul3A_2, %dma_wait3A] : memref<2x10112x128xf32, #tpu.memory_space<hbm>> -> memref<1x632x128xf32, #tpu.memory_space<hbm>>
      %dma_wait3A_44 = tpu.memref_squeeze %dma_wait3A_43 : memref<1x632x128xf32, #tpu.memory_space<hbm>> -> memref<632x128xf32, #tpu.memory_space<hbm>>
      %dma_wait3A_45 = arith.constant 0 : i32
      %dma_wait3A_46 = tpu.memref_slice %arg6[%mul3A_2, %dma_wait3A_45] : memref<10112x128xf32, #tpu.memory_space<vmem_shared>> -> memref<632x128xf32, #tpu.memory_space<vmem_shared>>
      tpu.wait_dma2 semaphore(%run_scoped3A : memref<!tpu.dma_semaphore, #tpu.memory_space<semaphore_mem>>) src(%dma_wait3A_46 : memref<632x128xf32, #tpu.memory_space<vmem_shared>>) dst(%dma_wait3A_44 : memref<632x128xf32, #tpu.memory_space<hbm>>)
      tpu.yield
    }) : () -> ()
    return
  }
}

#map = affine_map<(d0, d1) -> (0, 0)>
#map1 = affine_map<(d0, d1) -> (0, 0, 0)>
module attributes {stable_mosaic.version = 14 : i64} {
  func.func @agg_kernel(%arg0: i32, %arg1: i32, %arg2: memref<10000x128xf32, #tpu.memory_space<hbm>>, %arg3: memref<2560x128xi32, #tpu.memory_space<hbm>>, %arg4: memref<2560x128xi32, #tpu.memory_space<hbm>>, %arg5: memref<2x10112x128xf32, #tpu.memory_space<hbm>>, %arg6: memref<2x2x16x128xi32, #tpu.memory_space<vmem>>, %arg7: memref<2x128x128xf32, #tpu.memory_space<vmem>>, %arg8: memref<10112x128xf32, #tpu.memory_space<vmem_shared>>, %arg9: memref<!tpu.dma_semaphore, #tpu.memory_space<semaphore_mem>>, %arg10: memref<!tpu.dma_semaphore, #tpu.memory_space<semaphore_mem>>, %arg11: memref<!tpu.dma_semaphore, #tpu.memory_space<semaphore_mem>>, %arg12: memref<!tpu.dma_semaphore, #tpu.memory_space<semaphore_mem>>, %arg13: memref<!tpu.dma_semaphore, #tpu.memory_space<semaphore_mem>>) attributes {dimension_semantics = [#tpu.dimension_semantics<core_parallel>, #tpu.dimension_semantics<subcore_parallel>], iteration_bounds = array<i64: 2, 16>, scalar_prefetch = 0 : i64, scratch_operands = 8 : i64, tpu.core_type = #tpu.core_type<sc_vector_subcore>, window_params = [{transform_indices = #map}, {transform_indices = #map}, {transform_indices = #map}, {transform_indices = #map1}]} {
    %mul3A = arith.constant 2 : i32
    %mul3A_0 = arith.muli %arg1, %mul3A : i32
    %add3A = arith.addi %mul3A_0, %arg0 : i32
    %mul3A_1 = arith.constant 632 : i32
    %mul3A_2 = arith.muli %arg1, %mul3A_1 : i32
    %mul3A_3 = arith.constant 80 : i32
    %mul3A_4 = arith.muli %add3A, %mul3A_3 : i32
    %add3A_5 = arith.constant 0 : i32
    %add3A_6 = arith.addi %mul3A_4, %add3A_5 : i32
    %dma_start3A = arith.constant 0 : i32
    %dma_start3A_7 = arith.constant 0 : i32
    %dma_start3A_8 = arith.constant 0 : i32
    %dma_start3A_9 = arith.constant 0 : i32
    %dma_start3A_10 = tpu.memref_slice %arg6[%dma_start3A, %dma_start3A_7, %dma_start3A_8, %dma_start3A_9] : memref<2x2x16x128xi32, #tpu.memory_space<vmem>> -> memref<1x1x16x128xi32, #tpu.memory_space<vmem>>
    %dma_start3A_11 = tpu.memref_squeeze %dma_start3A_10 : memref<1x1x16x128xi32, #tpu.memory_space<vmem>> -> memref<16x128xi32, #tpu.memory_space<vmem>>
    %dma_start3A_12 = arith.constant 0 : i32
    %dma_start3A_13 = tpu.memref_slice %arg3[%add3A_6, %dma_start3A_12] : memref<2560x128xi32, #tpu.memory_space<hbm>> -> memref<16x128xi32, #tpu.memory_space<hbm>>
    %dma_start3A_14 = arith.constant 0 : i32
    %dma_start3A_15 = arith.constant 0 : i32
    %dma_start3A_16 = tpu.memref_slice %arg6[%dma_start3A, %dma_start3A_7, %dma_start3A_14, %dma_start3A_15] : memref<2x2x16x128xi32, #tpu.memory_space<vmem>> -> memref<1x1x16x128xi32, #tpu.memory_space<vmem>>
    %dma_start3A_17 = tpu.memref_squeeze %dma_start3A_16 : memref<1x1x16x128xi32, #tpu.memory_space<vmem>> -> memref<16x128xi32, #tpu.memory_space<vmem>>
    %dma_start3A_18 = arith.constant 0 : i32
    %dma_start3A_19 = tpu.memref_slice %arg3[%add3A_6, %dma_start3A_18] : memref<2560x128xi32, #tpu.memory_space<hbm>> -> memref<16x128xi32, #tpu.memory_space<hbm>>
    tpu.enqueue_dma source(%dma_start3A_19 : memref<16x128xi32, #tpu.memory_space<hbm>>) target(%dma_start3A_17 : memref<16x128xi32, #tpu.memory_space<vmem>>) target_semaphore(%arg9 : memref<!tpu.dma_semaphore, #tpu.memory_space<semaphore_mem>>)
    %dma_start3A_20 = arith.constant 0 : i32
    %dma_start3A_21 = arith.constant 1 : i32
    %dma_start3A_22 = arith.constant 0 : i32
    %dma_start3A_23 = arith.constant 0 : i32
    %dma_start3A_24 = tpu.memref_slice %arg6[%dma_start3A_20, %dma_start3A_21, %dma_start3A_22, %dma_start3A_23] : memref<2x2x16x128xi32, #tpu.memory_space<vmem>> -> memref<1x1x16x128xi32, #tpu.memory_space<vmem>>
    %dma_start3A_25 = tpu.memref_squeeze %dma_start3A_24 : memref<1x1x16x128xi32, #tpu.memory_space<vmem>> -> memref<16x128xi32, #tpu.memory_space<vmem>>
    %dma_start3A_26 = arith.constant 0 : i32
    %dma_start3A_27 = tpu.memref_slice %arg4[%add3A_6, %dma_start3A_26] : memref<2560x128xi32, #tpu.memory_space<hbm>> -> memref<16x128xi32, #tpu.memory_space<hbm>>
    %dma_start3A_28 = arith.constant 0 : i32
    %dma_start3A_29 = arith.constant 0 : i32
    %dma_start3A_30 = tpu.memref_slice %arg6[%dma_start3A_20, %dma_start3A_21, %dma_start3A_28, %dma_start3A_29] : memref<2x2x16x128xi32, #tpu.memory_space<vmem>> -> memref<1x1x16x128xi32, #tpu.memory_space<vmem>>
    %dma_start3A_31 = tpu.memref_squeeze %dma_start3A_30 : memref<1x1x16x128xi32, #tpu.memory_space<vmem>> -> memref<16x128xi32, #tpu.memory_space<vmem>>
    %dma_start3A_32 = arith.constant 0 : i32
    %dma_start3A_33 = tpu.memref_slice %arg4[%add3A_6, %dma_start3A_32] : memref<2560x128xi32, #tpu.memory_space<hbm>> -> memref<16x128xi32, #tpu.memory_space<hbm>>
    tpu.enqueue_dma source(%dma_start3A_33 : memref<16x128xi32, #tpu.memory_space<hbm>>) target(%dma_start3A_31 : memref<16x128xi32, #tpu.memory_space<vmem>>) target_semaphore(%arg9 : memref<!tpu.dma_semaphore, #tpu.memory_space<semaphore_mem>>)
    %broadcast_in_dim3A = arith.constant 0.000000e+00 : f32
    %broadcast_in_dim3A_34 = vector.broadcast %broadcast_in_dim3A : f32 to vector<16xf32>
    %scan3A = arith.constant 0 : i32
    %scan3A_35 = arith.constant 0 : i32
    %scan3A_36 = arith.constant 0 : i32
    %scan3A_37 = arith.constant 128 : i32
    %scan3A_38 = arith.addi %scan3A_36, %scan3A_37 : i32
    %scan3A_39 = arith.constant 1 : i32
    %scan3A_40 = scf.for %scan3A_91 = %scan3A_36 to %scan3A_38 step %scan3A_39 iter_args(%scan3A_92 = %scan3A_35) -> (i32)  : i32 {
      %swap3A = arith.constant 0 : i32
      %swap3A_93 = arith.constant 0 : i32
      %swap3A_94 = tpu.memref_slice %arg7[%scan3A, %swap3A, %swap3A_93] : memref<2x128x128xf32, #tpu.memory_space<vmem>> -> memref<1x128x128xf32, #tpu.memory_space<vmem>>
      %swap3A_95 = tpu.memref_squeeze %swap3A_94 : memref<1x128x128xf32, #tpu.memory_space<vmem>> -> memref<128x128xf32, #tpu.memory_space<vmem>>
      %swap3A_96 = arith.index_cast %scan3A_91 : i32 to index
      %swap3A_97 = arith.constant 0 : index
      %swap3A_98 = tpu.vector_load %swap3A_95[%swap3A_96, %swap3A_97] {strides = array<i32>} : memref<128x128xf32, #tpu.memory_space<vmem>>, vector<1x16xf32>,
      %swap3A_99 = vector.shape_cast %swap3A_98 : vector<1x16xf32> to vector<16xf32>
      %swap3A_100 = vector.shape_cast %broadcast_in_dim3A_34 : vector<16xf32> to vector<1x16xf32>
      tpu.vector_store %swap3A_95[%swap3A_96, %swap3A_97], %swap3A_100 {strides = array<i32>} : memref<128x128xf32, #tpu.memory_space<vmem>>, vector<1x16xf32>,
      %swap3A_101 = arith.constant 0 : i32
      %swap3A_102 = arith.constant 0 : i32
      %swap3A_103 = tpu.memref_slice %arg7[%scan3A, %swap3A_101, %swap3A_102] : memref<2x128x128xf32, #tpu.memory_space<vmem>> -> memref<1x128x128xf32, #tpu.memory_space<vmem>>
      %swap3A_104 = tpu.memref_squeeze %swap3A_103 : memref<1x128x128xf32, #tpu.memory_space<vmem>> -> memref<128x128xf32, #tpu.memory_space<vmem>>
      %swap3A_105 = arith.index_cast %scan3A_91 : i32 to index
      %swap3A_106 = arith.constant 16 : index
      %swap3A_107 = tpu.vector_load %swap3A_104[%swap3A_105, %swap3A_106] {strides = array<i32>} : memref<128x128xf32, #tpu.memory_space<vmem>>, vector<1x16xf32>,
      %swap3A_108 = vector.shape_cast %swap3A_107 : vector<1x16xf32> to vector<16xf32>
      %swap3A_109 = vector.shape_cast %broadcast_in_dim3A_34 : vector<16xf32> to vector<1x16xf32>
      tpu.vector_store %swap3A_104[%swap3A_105, %swap3A_106], %swap3A_109 {strides = array<i32>} : memref<128x128xf32, #tpu.memory_space<vmem>>, vector<1x16xf32>,
      %swap3A_110 = arith.constant 0 : i32
      %swap3A_111 = arith.constant 0 : i32
      %swap3A_112 = tpu.memref_slice %arg7[%scan3A, %swap3A_110, %swap3A_111] : memref<2x128x128xf32, #tpu.memory_space<vmem>> -> memref<1x128x128xf32, #tpu.memory_space<vmem>>
      %swap3A_113 = tpu.memref_squeeze %swap3A_112 : memref<1x128x128xf32, #tpu.memory_space<vmem>> -> memref<128x128xf32, #tpu.memory_space<vmem>>
      %swap3A_114 = arith.index_cast %scan3A_91 : i32 to index
      %swap3A_115 = arith.constant 32 : index
      %swap3A_116 = tpu.vector_load %swap3A_113[%swap3A_114, %swap3A_115] {strides = array<i32>} : memref<128x128xf32, #tpu.memory_space<vmem>>, vector<1x16xf32>,
      %swap3A_117 = vector.shape_cast %swap3A_116 : vector<1x16xf32> to vector<16xf32>
      %swap3A_118 = vector.shape_cast %broadcast_in_dim3A_34 : vector<16xf32> to vector<1x16xf32>
      tpu.vector_store %swap3A_113[%swap3A_114, %swap3A_115], %swap3A_118 {strides = array<i32>} : memref<128x128xf32, #tpu.memory_space<vmem>>, vector<1x16xf32>,
      %swap3A_119 = arith.constant 0 : i32
      %swap3A_120 = arith.constant 0 : i32
      %swap3A_121 = tpu.memref_slice %arg7[%scan3A, %swap3A_119, %swap3A_120] : memref<2x128x128xf32, #tpu.memory_space<vmem>> -> memref<1x128x128xf32, #tpu.memory_space<vmem>>
      %swap3A_122 = tpu.memref_squeeze %swap3A_121 : memref<1x128x128xf32, #tpu.memory_space<vmem>> -> memref<128x128xf32, #tpu.memory_space<vmem>>
      %swap3A_123 = arith.index_cast %scan3A_91 : i32 to index
      %swap3A_124 = arith.constant 48 : index
      %swap3A_125 = tpu.vector_load %swap3A_122[%swap3A_123, %swap3A_124] {strides = array<i32>} : memref<128x128xf32, #tpu.memory_space<vmem>>, vector<1x16xf32>,
      %swap3A_126 = vector.shape_cast %swap3A_125 : vector<1x16xf32> to vector<16xf32>
      %swap3A_127 = vector.shape_cast %broadcast_in_dim3A_34 : vector<16xf32> to vector<1x16xf32>
      tpu.vector_store %swap3A_122[%swap3A_123, %swap3A_124], %swap3A_127 {strides = array<i32>} : memref<128x128xf32, #tpu.memory_space<vmem>>, vector<1x16xf32>,
      %swap3A_128 = arith.constant 0 : i32
      %swap3A_129 = arith.constant 0 : i32
      %swap3A_130 = tpu.memref_slice %arg7[%scan3A, %swap3A_128, %swap3A_129] : memref<2x128x128xf32, #tpu.memory_space<vmem>> -> memref<1x128x128xf32, #tpu.memory_space<vmem>>
      %swap3A_131 = tpu.memref_squeeze %swap3A_130 : memref<1x128x128xf32, #tpu.memory_space<vmem>> -> memref<128x128xf32, #tpu.memory_space<vmem>>
      %swap3A_132 = arith.index_cast %scan3A_91 : i32 to index
      %swap3A_133 = arith.constant 64 : index
      %swap3A_134 = tpu.vector_load %swap3A_131[%swap3A_132, %swap3A_133] {strides = array<i32>} : memref<128x128xf32, #tpu.memory_space<vmem>>, vector<1x16xf32>,
      %swap3A_135 = vector.shape_cast %swap3A_134 : vector<1x16xf32> to vector<16xf32>
      %swap3A_136 = vector.shape_cast %broadcast_in_dim3A_34 : vector<16xf32> to vector<1x16xf32>
      tpu.vector_store %swap3A_131[%swap3A_132, %swap3A_133], %swap3A_136 {strides = array<i32>} : memref<128x128xf32, #tpu.memory_space<vmem>>, vector<1x16xf32>,
      %swap3A_137 = arith.constant 0 : i32
      %swap3A_138 = arith.constant 0 : i32
      %swap3A_139 = tpu.memref_slice %arg7[%scan3A, %swap3A_137, %swap3A_138] : memref<2x128x128xf32, #tpu.memory_space<vmem>> -> memref<1x128x128xf32, #tpu.memory_space<vmem>>
      %swap3A_140 = tpu.memref_squeeze %swap3A_139 : memref<1x128x128xf32, #tpu.memory_space<vmem>> -> memref<128x128xf32, #tpu.memory_space<vmem>>
      %swap3A_141 = arith.index_cast %scan3A_91 : i32 to index
      %swap3A_142 = arith.constant 80 : index
      %swap3A_143 = tpu.vector_load %swap3A_140[%swap3A_141, %swap3A_142] {strides = array<i32>} : memref<128x128xf32, #tpu.memory_space<vmem>>, vector<1x16xf32>,
      %swap3A_144 = vector.shape_cast %swap3A_143 : vector<1x16xf32> to vector<16xf32>
      %swap3A_145 = vector.shape_cast %broadcast_in_dim3A_34 : vector<16xf32> to vector<1x16xf32>
      tpu.vector_store %swap3A_140[%swap3A_141, %swap3A_142], %swap3A_145 {strides = array<i32>} : memref<128x128xf32, #tpu.memory_space<vmem>>, vector<1x16xf32>,
      %swap3A_146 = arith.constant 0 : i32
      %swap3A_147 = arith.constant 0 : i32
      %swap3A_148 = tpu.memref_slice %arg7[%scan3A, %swap3A_146, %swap3A_147] : memref<2x128x128xf32, #tpu.memory_space<vmem>> -> memref<1x128x128xf32, #tpu.memory_space<vmem>>
      %swap3A_149 = tpu.memref_squeeze %swap3A_148 : memref<1x128x128xf32, #tpu.memory_space<vmem>> -> memref<128x128xf32, #tpu.memory_space<vmem>>
      %swap3A_150 = arith.index_cast %scan3A_91 : i32 to index
      %swap3A_151 = arith.constant 96 : index
      %swap3A_152 = tpu.vector_load %swap3A_149[%swap3A_150, %swap3A_151] {strides = array<i32>} : memref<128x128xf32, #tpu.memory_space<vmem>>, vector<1x16xf32>,
      %swap3A_153 = vector.shape_cast %swap3A_152 : vector<1x16xf32> to vector<16xf32>
      %swap3A_154 = vector.shape_cast %broadcast_in_dim3A_34 : vector<16xf32> to vector<1x16xf32>
      tpu.vector_store %swap3A_149[%swap3A_150, %swap3A_151], %swap3A_154 {strides = array<i32>} : memref<128x128xf32, #tpu.memory_space<vmem>>, vector<1x16xf32>,
      %swap3A_155 = arith.constant 0 : i32
      %swap3A_156 = arith.constant 0 : i32
      %swap3A_157 = tpu.memref_slice %arg7[%scan3A, %swap3A_155, %swap3A_156] : memref<2x128x128xf32, #tpu.memory_space<vmem>> -> memref<1x128x128xf32, #tpu.memory_space<vmem>>
      %swap3A_158 = tpu.memref_squeeze %swap3A_157 : memref<1x128x128xf32, #tpu.memory_space<vmem>> -> memref<128x128xf32, #tpu.memory_space<vmem>>
      %swap3A_159 = arith.index_cast %scan3A_91 : i32 to index
      %swap3A_160 = arith.constant 112 : index
      %swap3A_161 = tpu.vector_load %swap3A_158[%swap3A_159, %swap3A_160] {strides = array<i32>} : memref<128x128xf32, #tpu.memory_space<vmem>>, vector<1x16xf32>,
      %swap3A_162 = vector.shape_cast %swap3A_161 : vector<1x16xf32> to vector<16xf32>
      %swap3A_163 = vector.shape_cast %broadcast_in_dim3A_34 : vector<16xf32> to vector<1x16xf32>
      tpu.vector_store %swap3A_158[%swap3A_159, %swap3A_160], %swap3A_163 {strides = array<i32>} : memref<128x128xf32, #tpu.memory_space<vmem>>, vector<1x16xf32>,
      %scan3A_164 = arith.constant 0 : i32
      scf.yield %scan3A_164 : i32
    }
    %scan3A_41 = arith.constant 128 : i32
    %add3A_42 = arith.constant 0 : i32
    %add3A_43 = arith.addi %mul3A_2, %add3A_42 : i32
    %run_scoped3A = arith.constant 0 : i32
    "tpu.region"() ({
      %run_scoped3A_91 = tpu.sem_alloc : memref<!tpu.dma_semaphore, #tpu.memory_space<semaphore_mem>>
      %dma_start3A_92 = arith.constant 0 : i32
      %dma_start3A_93 = arith.constant 0 : i32
      %dma_start3A_94 = tpu.memref_slice %arg7[%run_scoped3A, %dma_start3A_92, %dma_start3A_93] : memref<2x128x128xf32, #tpu.memory_space<vmem>> -> memref<1x128x128xf32, #tpu.memory_space<vmem>>
      %dma_start3A_95 = tpu.memref_squeeze %dma_start3A_94 : memref<1x128x128xf32, #tpu.memory_space<vmem>> -> memref<128x128xf32, #tpu.memory_space<vmem>>
      %dma_start3A_96 = arith.constant 0 : i32
      %dma_start3A_97 = tpu.memref_slice %arg8[%add3A_43, %dma_start3A_96] : memref<10112x128xf32, #tpu.memory_space<vmem_shared>> -> memref<128x128xf32, #tpu.memory_space<vmem_shared>>
      %dma_start3A_98 = arith.constant 0 : i32
      %dma_start3A_99 = tpu.memref_slice %arg8[%add3A_43, %dma_start3A_98] : memref<10112x128xf32, #tpu.memory_space<vmem_shared>> -> memref<128x128xf32, #tpu.memory_space<vmem_shared>>
      %dma_start3A_100 = arith.constant 0 : i32
      %dma_start3A_101 = arith.constant 0 : i32
      %dma_start3A_102 = tpu.memref_slice %arg7[%run_scoped3A, %dma_start3A_100, %dma_start3A_101] : memref<2x128x128xf32, #tpu.memory_space<vmem>> -> memref<1x128x128xf32, #tpu.memory_space<vmem>>
      %dma_start3A_103 = tpu.memref_squeeze %dma_start3A_102 : memref<1x128x128xf32, #tpu.memory_space<vmem>> -> memref<128x128xf32, #tpu.memory_space<vmem>>
      tpu.enqueue_dma source(%dma_start3A_103 : memref<128x128xf32, #tpu.memory_space<vmem>>) target(%dma_start3A_99 : memref<128x128xf32, #tpu.memory_space<vmem_shared>>) target_semaphore(%run_scoped3A_91 : memref<!tpu.dma_semaphore, #tpu.memory_space<semaphore_mem>>)
      %dma_wait3A_104 = arith.constant 0 : i32
      %dma_wait3A_105 = arith.constant 0 : i32
      %dma_wait3A_106 = tpu.memref_slice %arg7[%run_scoped3A, %dma_wait3A_104, %dma_wait3A_105] : memref<2x128x128xf32, #tpu.memory_space<vmem>> -> memref<1x128x128xf32, #tpu.memory_space<vmem>>
      %dma_wait3A_107 = tpu.memref_squeeze %dma_wait3A_106 : memref<1x128x128xf32, #tpu.memory_space<vmem>> -> memref<128x128xf32, #tpu.memory_space<vmem>>
      %dma_wait3A_108 = arith.constant 0 : i32
      %dma_wait3A_109 = tpu.memref_slice %arg8[%add3A_43, %dma_wait3A_108] : memref<10112x128xf32, #tpu.memory_space<vmem_shared>> -> memref<128x128xf32, #tpu.memory_space<vmem_shared>>
      %dma_wait3A_110 = arith.constant 0 : i32
      %dma_wait3A_111 = tpu.memref_slice %arg8[%add3A_43, %dma_wait3A_110] : memref<10112x128xf32, #tpu.memory_space<vmem_shared>> -> memref<128x128xf32, #tpu.memory_space<vmem_shared>>
      %dma_wait3A_112 = arith.constant 0 : i32
      %dma_wait3A_113 = arith.constant 0 : i32
      %dma_wait3A_114 = tpu.memref_slice %arg7[%run_scoped3A, %dma_wait3A_112, %dma_wait3A_113] : memref<2x128x128xf32, #tpu.memory_space<vmem>> -> memref<1x128x128xf32, #tpu.memory_space<vmem>>
      %dma_wait3A_115 = tpu.memref_squeeze %dma_wait3A_114 : memref<1x128x128xf32, #tpu.memory_space<vmem>> -> memref<128x128xf32, #tpu.memory_space<vmem>>
      tpu.wait_dma2 semaphore(%run_scoped3A_91 : memref<!tpu.dma_semaphore, #tpu.memory_space<semaphore_mem>>) src(%dma_wait3A_115 : memref<128x128xf32, #tpu.memory_space<vmem>>) dst(%dma_wait3A_111 : memref<128x128xf32, #tpu.memory_space<vmem_shared>>)
      tpu.yield
    }) : () -> ()
    %add3A_44 = arith.constant 128 : i32
    %add3A_45 = arith.addi %mul3A_2, %add3A_44 : i32
    %run_scoped3A_46 = arith.constant 0 : i32
    "tpu.region"() ({
      %run_scoped3A_91 = tpu.sem_alloc : memref<!tpu.dma_semaphore, #tpu.memory_space<semaphore_mem>>
      %dma_start3A_92 = arith.constant 0 : i32
      %dma_start3A_93 = arith.constant 0 : i32
      %dma_start3A_94 = tpu.memref_slice %arg7[%run_scoped3A_46, %dma_start3A_92, %dma_start3A_93] : memref<2x128x128xf32, #tpu.memory_space<vmem>> -> memref<1x128x128xf32, #tpu.memory_space<vmem>>
      %dma_start3A_95 = tpu.memref_squeeze %dma_start3A_94 : memref<1x128x128xf32, #tpu.memory_space<vmem>> -> memref<128x128xf32, #tpu.memory_space<vmem>>
      %dma_start3A_96 = arith.constant 0 : i32
      %dma_start3A_97 = tpu.memref_slice %arg8[%add3A_45, %dma_start3A_96] : memref<10112x128xf32, #tpu.memory_space<vmem_shared>> -> memref<128x128xf32, #tpu.memory_space<vmem_shared>>
      %dma_start3A_98 = arith.constant 0 : i32
      %dma_start3A_99 = tpu.memref_slice %arg8[%add3A_45, %dma_start3A_98] : memref<10112x128xf32, #tpu.memory_space<vmem_shared>> -> memref<128x128xf32, #tpu.memory_space<vmem_shared>>
      %dma_start3A_100 = arith.constant 0 : i32
      %dma_start3A_101 = arith.constant 0 : i32
      %dma_start3A_102 = tpu.memref_slice %arg7[%run_scoped3A_46, %dma_start3A_100, %dma_start3A_101] : memref<2x128x128xf32, #tpu.memory_space<vmem>> -> memref<1x128x128xf32, #tpu.memory_space<vmem>>
      %dma_start3A_103 = tpu.memref_squeeze %dma_start3A_102 : memref<1x128x128xf32, #tpu.memory_space<vmem>> -> memref<128x128xf32, #tpu.memory_space<vmem>>
      tpu.enqueue_dma source(%dma_start3A_103 : memref<128x128xf32, #tpu.memory_space<vmem>>) target(%dma_start3A_99 : memref<128x128xf32, #tpu.memory_space<vmem_shared>>) target_semaphore(%run_scoped3A_91 : memref<!tpu.dma_semaphore, #tpu.memory_space<semaphore_mem>>)
      %dma_wait3A_104 = arith.constant 0 : i32
      %dma_wait3A_105 = arith.constant 0 : i32
      %dma_wait3A_106 = tpu.memref_slice %arg7[%run_scoped3A_46, %dma_wait3A_104, %dma_wait3A_105] : memref<2x128x128xf32, #tpu.memory_space<vmem>> -> memref<1x128x128xf32, #tpu.memory_space<vmem>>
      %dma_wait3A_107 = tpu.memref_squeeze %dma_wait3A_106 : memref<1x128x128xf32, #tpu.memory_space<vmem>> -> memref<128x128xf32, #tpu.memory_space<vmem>>
      %dma_wait3A_108 = arith.constant 0 : i32
      %dma_wait3A_109 = tpu.memref_slice %arg8[%add3A_45, %dma_wait3A_108] : memref<10112x128xf32, #tpu.memory_space<vmem_shared>> -> memref<128x128xf32, #tpu.memory_space<vmem_shared>>
      %dma_wait3A_110 = arith.constant 0 : i32
      %dma_wait3A_111 = tpu.memref_slice %arg8[%add3A_45, %dma_wait3A_110] : memref<10112x128xf32, #tpu.memory_space<vmem_shared>> -> memref<128x128xf32, #tpu.memory_space<vmem_shared>>
      %dma_wait3A_112 = arith.constant 0 : i32
      %dma_wait3A_113 = arith.constant 0 : i32
      %dma_wait3A_114 = tpu.memref_slice %arg7[%run_scoped3A_46, %dma_wait3A_112, %dma_wait3A_113] : memref<2x128x128xf32, #tpu.memory_space<vmem>> -> memref<1x128x128xf32, #tpu.memory_space<vmem>>
      %dma_wait3A_115 = tpu.memref_squeeze %dma_wait3A_114 : memref<1x128x128xf32, #tpu.memory_space<vmem>> -> memref<128x128xf32, #tpu.memory_space<vmem>>
      tpu.wait_dma2 semaphore(%run_scoped3A_91 : memref<!tpu.dma_semaphore, #tpu.memory_space<semaphore_mem>>) src(%dma_wait3A_115 : memref<128x128xf32, #tpu.memory_space<vmem>>) dst(%dma_wait3A_111 : memref<128x128xf32, #tpu.memory_space<vmem_shared>>)
      tpu.yield
    }) : () -> ()
    %add3A_47 = arith.constant 256 : i32
    %add3A_48 = arith.addi %mul3A_2, %add3A_47 : i32
    %run_scoped3A_49 = arith.constant 0 : i32
    "tpu.region"() ({
      %run_scoped3A_91 = tpu.sem_alloc : memref<!tpu.dma_semaphore, #tpu.memory_space<semaphore_mem>>
      %dma_start3A_92 = arith.constant 0 : i32
      %dma_start3A_93 = arith.constant 0 : i32
      %dma_start3A_94 = tpu.memref_slice %arg7[%run_scoped3A_49, %dma_start3A_92, %dma_start3A_93] : memref<2x128x128xf32, #tpu.memory_space<vmem>> -> memref<1x128x128xf32, #tpu.memory_space<vmem>>
      %dma_start3A_95 = tpu.memref_squeeze %dma_start3A_94 : memref<1x128x128xf32, #tpu.memory_space<vmem>> -> memref<128x128xf32, #tpu.memory_space<vmem>>
      %dma_start3A_96 = arith.constant 0 : i32
      %dma_start3A_97 = tpu.memref_slice %arg8[%add3A_48, %dma_start3A_96] : memref<10112x128xf32, #tpu.memory_space<vmem_shared>> -> memref<128x128xf32, #tpu.memory_space<vmem_shared>>
      %dma_start3A_98 = arith.constant 0 : i32
      %dma_start3A_99 = tpu.memref_slice %arg8[%add3A_48, %dma_start3A_98] : memref<10112x128xf32, #tpu.memory_space<vmem_shared>> -> memref<128x128xf32, #tpu.memory_space<vmem_shared>>
      %dma_start3A_100 = arith.constant 0 : i32
      %dma_start3A_101 = arith.constant 0 : i32
      %dma_start3A_102 = tpu.memref_slice %arg7[%run_scoped3A_49, %dma_start3A_100, %dma_start3A_101] : memref<2x128x128xf32, #tpu.memory_space<vmem>> -> memref<1x128x128xf32, #tpu.memory_space<vmem>>
      %dma_start3A_103 = tpu.memref_squeeze %dma_start3A_102 : memref<1x128x128xf32, #tpu.memory_space<vmem>> -> memref<128x128xf32, #tpu.memory_space<vmem>>
      tpu.enqueue_dma source(%dma_start3A_103 : memref<128x128xf32, #tpu.memory_space<vmem>>) target(%dma_start3A_99 : memref<128x128xf32, #tpu.memory_space<vmem_shared>>) target_semaphore(%run_scoped3A_91 : memref<!tpu.dma_semaphore, #tpu.memory_space<semaphore_mem>>)
      %dma_wait3A_104 = arith.constant 0 : i32
      %dma_wait3A_105 = arith.constant 0 : i32
      %dma_wait3A_106 = tpu.memref_slice %arg7[%run_scoped3A_49, %dma_wait3A_104, %dma_wait3A_105] : memref<2x128x128xf32, #tpu.memory_space<vmem>> -> memref<1x128x128xf32, #tpu.memory_space<vmem>>
      %dma_wait3A_107 = tpu.memref_squeeze %dma_wait3A_106 : memref<1x128x128xf32, #tpu.memory_space<vmem>> -> memref<128x128xf32, #tpu.memory_space<vmem>>
      %dma_wait3A_108 = arith.constant 0 : i32
      %dma_wait3A_109 = tpu.memref_slice %arg8[%add3A_48, %dma_wait3A_108] : memref<10112x128xf32, #tpu.memory_space<vmem_shared>> -> memref<128x128xf32, #tpu.memory_space<vmem_shared>>
      %dma_wait3A_110 = arith.constant 0 : i32
      %dma_wait3A_111 = tpu.memref_slice %arg8[%add3A_48, %dma_wait3A_110] : memref<10112x128xf32, #tpu.memory_space<vmem_shared>> -> memref<128x128xf32, #tpu.memory_space<vmem_shared>>
      %dma_wait3A_112 = arith.constant 0 : i32
      %dma_wait3A_113 = arith.constant 0 : i32
      %dma_wait3A_114 = tpu.memref_slice %arg7[%run_scoped3A_49, %dma_wait3A_112, %dma_wait3A_113] : memref<2x128x128xf32, #tpu.memory_space<vmem>> -> memref<1x128x128xf32, #tpu.memory_space<vmem>>
      %dma_wait3A_115 = tpu.memref_squeeze %dma_wait3A_114 : memref<1x128x128xf32, #tpu.memory_space<vmem>> -> memref<128x128xf32, #tpu.memory_space<vmem>>
      tpu.wait_dma2 semaphore(%run_scoped3A_91 : memref<!tpu.dma_semaphore, #tpu.memory_space<semaphore_mem>>) src(%dma_wait3A_115 : memref<128x128xf32, #tpu.memory_space<vmem>>) dst(%dma_wait3A_111 : memref<128x128xf32, #tpu.memory_space<vmem_shared>>)
      tpu.yield
    }) : () -> ()
    %add3A_50 = arith.constant 384 : i32
    %add3A_51 = arith.addi %mul3A_2, %add3A_50 : i32
    %run_scoped3A_52 = arith.constant 0 : i32
    "tpu.region"() ({
      %run_scoped3A_91 = tpu.sem_alloc : memref<!tpu.dma_semaphore, #tpu.memory_space<semaphore_mem>>
      %dma_start3A_92 = arith.constant 0 : i32
      %dma_start3A_93 = arith.constant 0 : i32
      %dma_start3A_94 = tpu.memref_slice %arg7[%run_scoped3A_52, %dma_start3A_92, %dma_start3A_93] : memref<2x128x128xf32, #tpu.memory_space<vmem>> -> memref<1x128x128xf32, #tpu.memory_space<vmem>>
      %dma_start3A_95 = tpu.memref_squeeze %dma_start3A_94 : memref<1x128x128xf32, #tpu.memory_space<vmem>> -> memref<128x128xf32, #tpu.memory_space<vmem>>
      %dma_start3A_96 = arith.constant 0 : i32
      %dma_start3A_97 = tpu.memref_slice %arg8[%add3A_51, %dma_start3A_96] : memref<10112x128xf32, #tpu.memory_space<vmem_shared>> -> memref<128x128xf32, #tpu.memory_space<vmem_shared>>
      %dma_start3A_98 = arith.constant 0 : i32
      %dma_start3A_99 = tpu.memref_slice %arg8[%add3A_51, %dma_start3A_98] : memref<10112x128xf32, #tpu.memory_space<vmem_shared>> -> memref<128x128xf32, #tpu.memory_space<vmem_shared>>
      %dma_start3A_100 = arith.constant 0 : i32
      %dma_start3A_101 = arith.constant 0 : i32
      %dma_start3A_102 = tpu.memref_slice %arg7[%run_scoped3A_52, %dma_start3A_100, %dma_start3A_101] : memref<2x128x128xf32, #tpu.memory_space<vmem>> -> memref<1x128x128xf32, #tpu.memory_space<vmem>>
      %dma_start3A_103 = tpu.memref_squeeze %dma_start3A_102 : memref<1x128x128xf32, #tpu.memory_space<vmem>> -> memref<128x128xf32, #tpu.memory_space<vmem>>
      tpu.enqueue_dma source(%dma_start3A_103 : memref<128x128xf32, #tpu.memory_space<vmem>>) target(%dma_start3A_99 : memref<128x128xf32, #tpu.memory_space<vmem_shared>>) target_semaphore(%run_scoped3A_91 : memref<!tpu.dma_semaphore, #tpu.memory_space<semaphore_mem>>)
      %dma_wait3A_104 = arith.constant 0 : i32
      %dma_wait3A_105 = arith.constant 0 : i32
      %dma_wait3A_106 = tpu.memref_slice %arg7[%run_scoped3A_52, %dma_wait3A_104, %dma_wait3A_105] : memref<2x128x128xf32, #tpu.memory_space<vmem>> -> memref<1x128x128xf32, #tpu.memory_space<vmem>>
      %dma_wait3A_107 = tpu.memref_squeeze %dma_wait3A_106 : memref<1x128x128xf32, #tpu.memory_space<vmem>> -> memref<128x128xf32, #tpu.memory_space<vmem>>
      %dma_wait3A_108 = arith.constant 0 : i32
      %dma_wait3A_109 = tpu.memref_slice %arg8[%add3A_51, %dma_wait3A_108] : memref<10112x128xf32, #tpu.memory_space<vmem_shared>> -> memref<128x128xf32, #tpu.memory_space<vmem_shared>>
      %dma_wait3A_110 = arith.constant 0 : i32
      %dma_wait3A_111 = tpu.memref_slice %arg8[%add3A_51, %dma_wait3A_110] : memref<10112x128xf32, #tpu.memory_space<vmem_shared>> -> memref<128x128xf32, #tpu.memory_space<vmem_shared>>
      %dma_wait3A_112 = arith.constant 0 : i32
      %dma_wait3A_113 = arith.constant 0 : i32
      %dma_wait3A_114 = tpu.memref_slice %arg7[%run_scoped3A_52, %dma_wait3A_112, %dma_wait3A_113] : memref<2x128x128xf32, #tpu.memory_space<vmem>> -> memref<1x128x128xf32, #tpu.memory_space<vmem>>
      %dma_wait3A_115 = tpu.memref_squeeze %dma_wait3A_114 : memref<1x128x128xf32, #tpu.memory_space<vmem>> -> memref<128x128xf32, #tpu.memory_space<vmem>>
      tpu.wait_dma2 semaphore(%run_scoped3A_91 : memref<!tpu.dma_semaphore, #tpu.memory_space<semaphore_mem>>) src(%dma_wait3A_115 : memref<128x128xf32, #tpu.memory_space<vmem>>) dst(%dma_wait3A_111 : memref<128x128xf32, #tpu.memory_space<vmem_shared>>)
      tpu.yield
    }) : () -> ()
    %add3A_53 = arith.constant 512 : i32
    %add3A_54 = arith.addi %mul3A_2, %add3A_53 : i32
    %run_scoped3A_55 = arith.constant 0 : i32
    "tpu.region"() ({
      %run_scoped3A_91 = tpu.sem_alloc : memref<!tpu.dma_semaphore, #tpu.memory_space<semaphore_mem>>
      %dma_start3A_92 = arith.constant 0 : i32
      %dma_start3A_93 = arith.constant 0 : i32
      %dma_start3A_94 = tpu.memref_slice %arg7[%run_scoped3A_55, %dma_start3A_92, %dma_start3A_93] : memref<2x128x128xf32, #tpu.memory_space<vmem>> -> memref<1x128x128xf32, #tpu.memory_space<vmem>>
      %dma_start3A_95 = tpu.memref_squeeze %dma_start3A_94 : memref<1x128x128xf32, #tpu.memory_space<vmem>> -> memref<128x128xf32, #tpu.memory_space<vmem>>
      %dma_start3A_96 = arith.constant 0 : i32
      %dma_start3A_97 = arith.constant 0 : i32
      %dma_start3A_98 = tpu.memref_slice %dma_start3A_95[%dma_start3A_96, %dma_start3A_97] : memref<128x128xf32, #tpu.memory_space<vmem>> -> memref<120x128xf32, #tpu.memory_space<vmem>>
      %dma_start3A_99 = arith.constant 0 : i32
      %dma_start3A_100 = tpu.memref_slice %arg8[%add3A_54, %dma_start3A_99] : memref<10112x128xf32, #tpu.memory_space<vmem_shared>> -> memref<120x128xf32, #tpu.memory_space<vmem_shared>>
      %dma_start3A_101 = arith.constant 0 : i32
      %dma_start3A_102 = tpu.memref_slice %arg8[%add3A_54, %dma_start3A_101] : memref<10112x128xf32, #tpu.memory_space<vmem_shared>> -> memref<120x128xf32, #tpu.memory_space<vmem_shared>>
      %dma_start3A_103 = arith.constant 0 : i32
      %dma_start3A_104 = arith.constant 0 : i32
      %dma_start3A_105 = tpu.memref_slice %arg7[%run_scoped3A_55, %dma_start3A_103, %dma_start3A_104] : memref<2x128x128xf32, #tpu.memory_space<vmem>> -> memref<1x128x128xf32, #tpu.memory_space<vmem>>
      %dma_start3A_106 = tpu.memref_squeeze %dma_start3A_105 : memref<1x128x128xf32, #tpu.memory_space<vmem>> -> memref<128x128xf32, #tpu.memory_space<vmem>>
      %dma_start3A_107 = arith.constant 0 : i32
      %dma_start3A_108 = arith.constant 0 : i32
      %dma_start3A_109 = tpu.memref_slice %dma_start3A_106[%dma_start3A_107, %dma_start3A_108] : memref<128x128xf32, #tpu.memory_space<vmem>> -> memref<120x128xf32, #tpu.memory_space<vmem>>
      tpu.enqueue_dma source(%dma_start3A_109 : memref<120x128xf32, #tpu.memory_space<vmem>>) target(%dma_start3A_102 : memref<120x128xf32, #tpu.memory_space<vmem_shared>>) target_semaphore(%run_scoped3A_91 : memref<!tpu.dma_semaphore, #tpu.memory_space<semaphore_mem>>)
      %dma_wait3A_110 = arith.constant 0 : i32
      %dma_wait3A_111 = arith.constant 0 : i32
      %dma_wait3A_112 = tpu.memref_slice %arg7[%run_scoped3A_55, %dma_wait3A_110, %dma_wait3A_111] : memref<2x128x128xf32, #tpu.memory_space<vmem>> -> memref<1x128x128xf32, #tpu.memory_space<vmem>>
      %dma_wait3A_113 = tpu.memref_squeeze %dma_wait3A_112 : memref<1x128x128xf32, #tpu.memory_space<vmem>> -> memref<128x128xf32, #tpu.memory_space<vmem>>
      %dma_wait3A_114 = arith.constant 0 : i32
      %dma_wait3A_115 = arith.constant 0 : i32
      %dma_wait3A_116 = tpu.memref_slice %dma_wait3A_113[%dma_wait3A_114, %dma_wait3A_115] : memref<128x128xf32, #tpu.memory_space<vmem>> -> memref<120x128xf32, #tpu.memory_space<vmem>>
      %dma_wait3A_117 = arith.constant 0 : i32
      %dma_wait3A_118 = tpu.memref_slice %arg8[%add3A_54, %dma_wait3A_117] : memref<10112x128xf32, #tpu.memory_space<vmem_shared>> -> memref<120x128xf32, #tpu.memory_space<vmem_shared>>
      %dma_wait3A_119 = arith.constant 0 : i32
      %dma_wait3A_120 = tpu.memref_slice %arg8[%add3A_54, %dma_wait3A_119] : memref<10112x128xf32, #tpu.memory_space<vmem_shared>> -> memref<120x128xf32, #tpu.memory_space<vmem_shared>>
      %dma_wait3A_121 = arith.constant 0 : i32
      %dma_wait3A_122 = arith.constant 0 : i32
      %dma_wait3A_123 = tpu.memref_slice %arg7[%run_scoped3A_55, %dma_wait3A_121, %dma_wait3A_122] : memref<2x128x128xf32, #tpu.memory_space<vmem>> -> memref<1x128x128xf32, #tpu.memory_space<vmem>>
      %dma_wait3A_124 = tpu.memref_squeeze %dma_wait3A_123 : memref<1x128x128xf32, #tpu.memory_space<vmem>> -> memref<128x128xf32, #tpu.memory_space<vmem>>
      %dma_wait3A_125 = arith.constant 0 : i32
      %dma_wait3A_126 = arith.constant 0 : i32
      %dma_wait3A_127 = tpu.memref_slice %dma_wait3A_124[%dma_wait3A_125, %dma_wait3A_126] : memref<128x128xf32, #tpu.memory_space<vmem>> -> memref<120x128xf32, #tpu.memory_space<vmem>>
      tpu.wait_dma2 semaphore(%run_scoped3A_91 : memref<!tpu.dma_semaphore, #tpu.memory_space<semaphore_mem>>) src(%dma_wait3A_127 : memref<120x128xf32, #tpu.memory_space<vmem>>) dst(%dma_wait3A_120 : memref<120x128xf32, #tpu.memory_space<vmem_shared>>)
      tpu.yield
    }) : () -> ()
    %barrier3A = arith.constant 0 : index
    tpu.barrier barrier_id(%barrier3A)
    %scan3A_56 = arith.constant 0 : i32
    %scan3A_57 = arith.constant 0 : i32
    %scan3A_58 = arith.constant 5 : i32
    %scan3A_59 = arith.addi %scan3A_57, %scan3A_58 : i32
    %scan3A_60 = arith.constant 1 : i32
    %scan3A_61 = scf.for %scan3A_91 = %scan3A_57 to %scan3A_59 step %scan3A_60 iter_args(%scan3A_92 = %scan3A_56) -> (i32)  : i32 {
      %jit3A = arith.constant 2 : i32
      %eq3A = arith.constant 0 : i32
      %eq3A_93 = arith.cmpi eq, %jit3A, %eq3A : i32
      %jit3A_94 = arith.constant 1 : i32
      %select_n3A = arith.select %eq3A_93, %jit3A_94, %jit3A : i32
      %rem3A = arith.remsi %scan3A_91, %select_n3A : i32
      %ne3A = arith.constant 0 : i32
      %ne3A_95 = arith.cmpi ne, %rem3A, %ne3A : i32
      %lt3A = arith.constant 0 : i32
      %lt3A_96 = arith.cmpi slt, %rem3A, %lt3A : i32
      %lt3A_97 = arith.constant 0 : i32
      %lt3A_98 = arith.cmpi slt, %select_n3A, %lt3A_97 : i32
      %ne3A_99 = arith.xori %lt3A_96, %lt3A_98 : i1
      %and3A = arith.andi %ne3A_99, %ne3A_95 : i1
      %add3A_100 = arith.addi %rem3A, %select_n3A : i32
      %select_n3A_101 = arith.select %and3A, %add3A_100, %rem3A : i32
      %mul3A_102 = arith.constant 80 : i32
      %mul3A_103 = arith.muli %add3A, %mul3A_102 : i32
      %mul3A_104 = arith.constant 16 : i32
      %mul3A_105 = arith.muli %scan3A_91, %mul3A_104 : i32
      %add3A_106 = arith.addi %mul3A_103, %mul3A_105 : i32
      %dma_wait3A_107 = arith.constant 0 : i32
      %dma_wait3A_108 = arith.constant 0 : i32
      %dma_wait3A_109 = arith.constant 0 : i32
      %dma_wait3A_110 = tpu.memref_slice %arg6[%select_n3A_101, %dma_wait3A_107, %dma_wait3A_108, %dma_wait3A_109] : memref<2x2x16x128xi32, #tpu.memory_space<vmem>> -> memref<1x1x16x128xi32, #tpu.memory_space<vmem>>
      %dma_wait3A_111 = tpu.memref_squeeze %dma_wait3A_110 : memref<1x1x16x128xi32, #tpu.memory_space<vmem>> -> memref<16x128xi32, #tpu.memory_space<vmem>>
      %dma_wait3A_112 = arith.constant 0 : i32
      %dma_wait3A_113 = tpu.memref_slice %arg3[%add3A_106, %dma_wait3A_112] : memref<2560x128xi32, #tpu.memory_space<hbm>> -> memref<16x128xi32, #tpu.memory_space<hbm>>
      %dma_wait3A_114 = arith.constant 0 : i32
      %dma_wait3A_115 = arith.constant 0 : i32
      %dma_wait3A_116 = tpu.memref_slice %arg6[%select_n3A_101, %dma_wait3A_107, %dma_wait3A_114, %dma_wait3A_115] : memref<2x2x16x128xi32, #tpu.memory_space<vmem>> -> memref<1x1x16x128xi32, #tpu.memory_space<vmem>>
      %dma_wait3A_117 = tpu.memref_squeeze %dma_wait3A_116 : memref<1x1x16x128xi32, #tpu.memory_space<vmem>> -> memref<16x128xi32, #tpu.memory_space<vmem>>
      %dma_wait3A_118 = arith.constant 0 : i32
      %dma_wait3A_119 = tpu.memref_slice %arg3[%add3A_106, %dma_wait3A_118] : memref<2560x128xi32, #tpu.memory_space<hbm>> -> memref<16x128xi32, #tpu.memory_space<hbm>>
      tpu.wait_dma2 semaphore(%arg9 : memref<!tpu.dma_semaphore, #tpu.memory_space<semaphore_mem>>) src(%dma_wait3A_119 : memref<16x128xi32, #tpu.memory_space<hbm>>) dst(%dma_wait3A_117 : memref<16x128xi32, #tpu.memory_space<vmem>>)
      %dma_wait3A_120 = arith.constant 1 : i32
      %dma_wait3A_121 = arith.constant 0 : i32
      %dma_wait3A_122 = arith.constant 0 : i32
      %dma_wait3A_123 = tpu.memref_slice %arg6[%select_n3A_101, %dma_wait3A_120, %dma_wait3A_121, %dma_wait3A_122] : memref<2x2x16x128xi32, #tpu.memory_space<vmem>> -> memref<1x1x16x128xi32, #tpu.memory_space<vmem>>
      %dma_wait3A_124 = tpu.memref_squeeze %dma_wait3A_123 : memref<1x1x16x128xi32, #tpu.memory_space<vmem>> -> memref<16x128xi32, #tpu.memory_space<vmem>>
      %dma_wait3A_125 = arith.constant 0 : i32
      %dma_wait3A_126 = tpu.memref_slice %arg4[%add3A_106, %dma_wait3A_125] : memref<2560x128xi32, #tpu.memory_space<hbm>> -> memref<16x128xi32, #tpu.memory_space<hbm>>
      %dma_wait3A_127 = arith.constant 0 : i32
      %dma_wait3A_128 = arith.constant 0 : i32
      %dma_wait3A_129 = tpu.memref_slice %arg6[%select_n3A_101, %dma_wait3A_120, %dma_wait3A_127, %dma_wait3A_128] : memref<2x2x16x128xi32, #tpu.memory_space<vmem>> -> memref<1x1x16x128xi32, #tpu.memory_space<vmem>>
      %dma_wait3A_130 = tpu.memref_squeeze %dma_wait3A_129 : memref<1x1x16x128xi32, #tpu.memory_space<vmem>> -> memref<16x128xi32, #tpu.memory_space<vmem>>
      %dma_wait3A_131 = arith.constant 0 : i32
      %dma_wait3A_132 = tpu.memref_slice %arg4[%add3A_106, %dma_wait3A_131] : memref<2560x128xi32, #tpu.memory_space<hbm>> -> memref<16x128xi32, #tpu.memory_space<hbm>>
      tpu.wait_dma2 semaphore(%arg9 : memref<!tpu.dma_semaphore, #tpu.memory_space<semaphore_mem>>) src(%dma_wait3A_132 : memref<16x128xi32, #tpu.memory_space<hbm>>) dst(%dma_wait3A_130 : memref<16x128xi32, #tpu.memory_space<vmem>>)
      %add3A_133 = arith.constant 1 : i32
      %add3A_134 = arith.addi %scan3A_91, %add3A_133 : i32
      %lt3A_135 = arith.constant 5 : i32
      %lt3A_136 = arith.cmpi slt, %add3A_134, %lt3A_135 : i32
      %convert_element_type3A = arith.extui %lt3A_136 : i1 to i32
      %cond3A = arith.constant 0 : i32
      %cond3A_137 = arith.cmpi ne, %convert_element_type3A, %cond3A : i32
      scf.if %cond3A_137 {
        %add3A_968 = arith.constant 1 : i32
        %add3A_969 = arith.addi %scan3A_91, %add3A_968 : i32
        %sub3A = arith.constant 1 : i32
        %sub3A_970 = arith.subi %sub3A, %select_n3A_101 : i32
        %mul3A_971 = arith.constant 80 : i32
        %mul3A_972 = arith.muli %add3A, %mul3A_971 : i32
        %mul3A_973 = arith.constant 16 : i32
        %mul3A_974 = arith.muli %add3A_969, %mul3A_973 : i32
        %add3A_975 = arith.addi %mul3A_972, %mul3A_974 : i32
        %dma_start3A_976 = arith.constant 0 : i32
        %dma_start3A_977 = arith.constant 0 : i32
        %dma_start3A_978 = arith.constant 0 : i32
        %dma_start3A_979 = tpu.memref_slice %arg6[%sub3A_970, %dma_start3A_976, %dma_start3A_977, %dma_start3A_978] : memref<2x2x16x128xi32, #tpu.memory_space<vmem>> -> memref<1x1x16x128xi32, #tpu.memory_space<vmem>>
        %dma_start3A_980 = tpu.memref_squeeze %dma_start3A_979 : memref<1x1x16x128xi32, #tpu.memory_space<vmem>> -> memref<16x128xi32, #tpu.memory_space<vmem>>
        %dma_start3A_981 = arith.constant 0 : i32
        %dma_start3A_982 = tpu.memref_slice %arg3[%add3A_975, %dma_start3A_981] : memref<2560x128xi32, #tpu.memory_space<hbm>> -> memref<16x128xi32, #tpu.memory_space<hbm>>
        %dma_start3A_983 = arith.constant 0 : i32
        %dma_start3A_984 = arith.constant 0 : i32
        %dma_start3A_985 = tpu.memref_slice %arg6[%sub3A_970, %dma_start3A_976, %dma_start3A_983, %dma_start3A_984] : memref<2x2x16x128xi32, #tpu.memory_space<vmem>> -> memref<1x1x16x128xi32, #tpu.memory_space<vmem>>
        %dma_start3A_986 = tpu.memref_squeeze %dma_start3A_985 : memref<1x1x16x128xi32, #tpu.memory_space<vmem>> -> memref<16x128xi32, #tpu.memory_space<vmem>>
        %dma_start3A_987 = arith.constant 0 : i32
        %dma_start3A_988 = tpu.memref_slice %arg3[%add3A_975, %dma_start3A_987] : memref<2560x128xi32, #tpu.memory_space<hbm>> -> memref<16x128xi32, #tpu.memory_space<hbm>>
        tpu.enqueue_dma source(%dma_start3A_988 : memref<16x128xi32, #tpu.memory_space<hbm>>) target(%dma_start3A_986 : memref<16x128xi32, #tpu.memory_space<vmem>>) target_semaphore(%arg9 : memref<!tpu.dma_semaphore, #tpu.memory_space<semaphore_mem>>)
        %dma_start3A_989 = arith.constant 1 : i32
        %dma_start3A_990 = arith.constant 0 : i32
        %dma_start3A_991 = arith.constant 0 : i32
        %dma_start3A_992 = tpu.memref_slice %arg6[%sub3A_970, %dma_start3A_989, %dma_start3A_990, %dma_start3A_991] : memref<2x2x16x128xi32, #tpu.memory_space<vmem>> -> memref<1x1x16x128xi32, #tpu.memory_space<vmem>>
        %dma_start3A_993 = tpu.memref_squeeze %dma_start3A_992 : memref<1x1x16x128xi32, #tpu.memory_space<vmem>> -> memref<16x128xi32, #tpu.memory_space<vmem>>
        %dma_start3A_994 = arith.constant 0 : i32
        %dma_start3A_995 = tpu.memref_slice %arg4[%add3A_975, %dma_start3A_994] : memref<2560x128xi32, #tpu.memory_space<hbm>> -> memref<16x128xi32, #tpu.memory_space<hbm>>
        %dma_start3A_996 = arith.constant 0 : i32
        %dma_start3A_997 = arith.constant 0 : i32
        %dma_start3A_998 = tpu.memref_slice %arg6[%sub3A_970, %dma_start3A_989, %dma_start3A_996, %dma_start3A_997] : memref<2x2x16x128xi32, #tpu.memory_space<vmem>> -> memref<1x1x16x128xi32, #tpu.memory_space<vmem>>
        %dma_start3A_999 = tpu.memref_squeeze %dma_start3A_998 : memref<1x1x16x128xi32, #tpu.memory_space<vmem>> -> memref<16x128xi32, #tpu.memory_space<vmem>>
        %dma_start3A_1000 = arith.constant 0 : i32
        %dma_start3A_1001 = tpu.memref_slice %arg4[%add3A_975, %dma_start3A_1000] : memref<2560x128xi32, #tpu.memory_space<hbm>> -> memref<16x128xi32, #tpu.memory_space<hbm>>
        tpu.enqueue_dma source(%dma_start3A_1001 : memref<16x128xi32, #tpu.memory_space<hbm>>) target(%dma_start3A_999 : memref<16x128xi32, #tpu.memory_space<vmem>>) target_semaphore(%arg9 : memref<!tpu.dma_semaphore, #tpu.memory_space<semaphore_mem>>)
      } else {
      }
      %gt3A = arith.constant 0 : i32
      %gt3A_138 = arith.cmpi sgt, %scan3A_91, %gt3A : i32
      %convert_element_type3A_139 = arith.extui %gt3A_138 : i1 to i32
      %cond3A_140 = arith.constant 0 : i32
      %cond3A_141 = arith.cmpi ne, %convert_element_type3A_139, %cond3A_140 : i32
      scf.if %cond3A_141 {
        %dma_wait3A_968 = arith.constant 0 : i32
        %dma_wait3A_969 = arith.constant 0 : i32
        %dma_wait3A_970 = arith.constant 1 : i32
        %dma_wait3A_971 = arith.constant 0 : i32
        %dma_wait3A_972 = arith.constant 0 : i32
        %dma_wait3A_973 = arith.constant 0 : i32
        %dma_wait3A_974 = tpu.memref_slice %arg7[%dma_wait3A_968, %dma_wait3A_972, %dma_wait3A_973] : memref<2x128x128xf32, #tpu.memory_space<vmem>> -> memref<1x128x128xf32, #tpu.memory_space<vmem>>
        %dma_wait3A_975 = tpu.memref_squeeze %dma_wait3A_974 : memref<1x128x128xf32, #tpu.memory_space<vmem>> -> memref<128x128xf32, #tpu.memory_space<vmem>>
        %dma_wait3A_976 = arith.constant 0 : i32
        %dma_wait3A_977 = tpu.memref_slice %arg6[%dma_wait3A_969, %dma_wait3A_970, %dma_wait3A_971, %dma_wait3A_976] : memref<2x2x16x128xi32, #tpu.memory_space<vmem>> -> memref<1x1x1x128xi32, #tpu.memory_space<vmem>>
        %dma_wait3A_978 = tpu.memref_squeeze %dma_wait3A_977 : memref<1x1x1x128xi32, #tpu.memory_space<vmem>> -> memref<128xi32, #tpu.memory_space<vmem>>
        %dma_wait3A_979 = arith.constant 0 : i32
        %dma_wait3A_980 = arith.constant 0 : i32
        %dma_wait3A_981 = tpu.memref_slice %arg8[%dma_wait3A_979, %dma_wait3A_980] : memref<10112x128xf32, #tpu.memory_space<vmem_shared>> -> memref<10112x128xf32, #tpu.memory_space<vmem_shared>>
        tpu.wait_indirect_dma semaphore(%arg12 : memref<!tpu.dma_semaphore, #tpu.memory_space<semaphore_mem>>) src(%dma_wait3A_975 : memref<128x128xf32, #tpu.memory_space<vmem>>) dst(%dma_wait3A_981 : memref<10112x128xf32, #tpu.memory_space<vmem_shared>>)
      } else {
      }
      %dma_start3A_142 = arith.constant 0 : i32
      %dma_start3A_143 = arith.constant 0 : i32
      %dma_start3A_144 = arith.constant 0 : i32
      %dma_start3A_145 = arith.constant 0 : i32
      %dma_start3A_146 = arith.constant 0 : i32
      %dma_start3A_147 = tpu.memref_slice %arg7[%dma_start3A_144, %dma_start3A_145, %dma_start3A_146] : memref<2x128x128xf32, #tpu.memory_space<vmem>> -> memref<1x128x128xf32, #tpu.memory_space<vmem>>
      %dma_start3A_148 = tpu.memref_squeeze %dma_start3A_147 : memref<1x128x128xf32, #tpu.memory_space<vmem>> -> memref<128x128xf32, #tpu.memory_space<vmem>>
      %dma_start3A_149 = arith.constant 0 : i32
      %dma_start3A_150 = tpu.memref_slice %arg6[%select_n3A_101, %dma_start3A_142, %dma_start3A_143, %dma_start3A_149] : memref<2x2x16x128xi32, #tpu.memory_space<vmem>> -> memref<1x1x1x128xi32, #tpu.memory_space<vmem>>
      %dma_start3A_151 = tpu.memref_squeeze %dma_start3A_150 : memref<1x1x1x128xi32, #tpu.memory_space<vmem>> -> memref<128xi32, #tpu.memory_space<vmem>>
      %dma_start3A_152 = arith.constant 0 : i32
      %dma_start3A_153 = arith.constant 0 : i32
      %dma_start3A_154 = tpu.memref_slice %arg2[%dma_start3A_152, %dma_start3A_153] : memref<10000x128xf32, #tpu.memory_space<hbm>> -> memref<10000x128xf32, #tpu.memory_space<hbm>>
      tpu.enqueue_indirect_dma source(%dma_start3A_154 : memref<10000x128xf32, #tpu.memory_space<hbm>>) target(%dma_start3A_148 : memref<128x128xf32, #tpu.memory_space<vmem>>) offsets(%dma_start3A_151 : memref<128xi32, #tpu.memory_space<vmem>>) semaphore(%arg10 : memref<!tpu.dma_semaphore, #tpu.memory_space<semaphore_mem>>)
      %gt3A_155 = arith.constant 0 : i32
      %gt3A_156 = arith.cmpi sgt, %scan3A_91, %gt3A_155 : i32
      %convert_element_type3A_157 = arith.extui %gt3A_156 : i1 to i32
      %cond3A_158 = arith.constant 0 : i32
      %cond3A_159 = arith.cmpi ne, %convert_element_type3A_157, %cond3A_158 : i32
      scf.if %cond3A_159 {
        %dma_wait3A_968 = arith.constant 1 : i32
        %dma_wait3A_969 = arith.constant 0 : i32
        %dma_wait3A_970 = arith.constant 1 : i32
        %dma_wait3A_971 = arith.constant 0 : i32
        %dma_wait3A_972 = arith.constant 0 : i32
        %dma_wait3A_973 = arith.constant 0 : i32
        %dma_wait3A_974 = tpu.memref_slice %arg7[%dma_wait3A_968, %dma_wait3A_972, %dma_wait3A_973] : memref<2x128x128xf32, #tpu.memory_space<vmem>> -> memref<1x128x128xf32, #tpu.memory_space<vmem>>
        %dma_wait3A_975 = tpu.memref_squeeze %dma_wait3A_974 : memref<1x128x128xf32, #tpu.memory_space<vmem>> -> memref<128x128xf32, #tpu.memory_space<vmem>>
        %dma_wait3A_976 = arith.constant 0 : i32
        %dma_wait3A_977 = tpu.memref_slice %arg6[%dma_wait3A_969, %dma_wait3A_970, %dma_wait3A_971, %dma_wait3A_976] : memref<2x2x16x128xi32, #tpu.memory_space<vmem>> -> memref<1x1x1x128xi32, #tpu.memory_space<vmem>>
        %dma_wait3A_978 = tpu.memref_squeeze %dma_wait3A_977 : memref<1x1x1x128xi32, #tpu.memory_space<vmem>> -> memref<128xi32, #tpu.memory_space<vmem>>
        %dma_wait3A_979 = arith.constant 0 : i32
        %dma_wait3A_980 = arith.constant 0 : i32
        %dma_wait3A_981 = tpu.memref_slice %arg8[%dma_wait3A_979, %dma_wait3A_980] : memref<10112x128xf32, #tpu.memory_space<vmem_shared>> -> memref<10112x128xf32, #tpu.memory_space<vmem_shared>>
        tpu.wait_indirect_dma semaphore(%arg13 : memref<!tpu.dma_semaphore, #tpu.memory_space<semaphore_mem>>) src(%dma_wait3A_975 : memref<128x128xf32, #tpu.memory_space<vmem>>) dst(%dma_wait3A_981 : memref<10112x128xf32, #tpu.memory_space<vmem_shared>>)
      } else {
      }
      %dma_start3A_160 = arith.constant 0 : i32
      %dma_start3A_161 = arith.constant 1 : i32
      %dma_start3A_162 = arith.constant 1 : i32
      %dma_start3A_163 = arith.constant 0 : i32
      %dma_start3A_164 = arith.constant 0 : i32
      %dma_start3A_165 = tpu.memref_slice %arg7[%dma_start3A_162, %dma_start3A_163, %dma_start3A_164] : memref<2x128x128xf32, #tpu.memory_space<vmem>> -> memref<1x128x128xf32, #tpu.memory_space<vmem>>
      %dma_start3A_166 = tpu.memref_squeeze %dma_start3A_165 : memref<1x128x128xf32, #tpu.memory_space<vmem>> -> memref<128x128xf32, #tpu.memory_space<vmem>>
      %dma_start3A_167 = arith.constant 0 : i32
      %dma_start3A_168 = tpu.memref_slice %arg6[%select_n3A_101, %dma_start3A_160, %dma_start3A_161, %dma_start3A_167] : memref<2x2x16x128xi32, #tpu.memory_space<vmem>> -> memref<1x1x1x128xi32, #tpu.memory_space<vmem>>
      %dma_start3A_169 = tpu.memref_squeeze %dma_start3A_168 : memref<1x1x1x128xi32, #tpu.memory_space<vmem>> -> memref<128xi32, #tpu.memory_space<vmem>>
      %dma_start3A_170 = arith.constant 0 : i32
      %dma_start3A_171 = arith.constant 0 : i32
      %dma_start3A_172 = tpu.memref_slice %arg2[%dma_start3A_170, %dma_start3A_171] : memref<10000x128xf32, #tpu.memory_space<hbm>> -> memref<10000x128xf32, #tpu.memory_space<hbm>>
      tpu.enqueue_indirect_dma source(%dma_start3A_172 : memref<10000x128xf32, #tpu.memory_space<hbm>>) target(%dma_start3A_166 : memref<128x128xf32, #tpu.memory_space<vmem>>) offsets(%dma_start3A_169 : memref<128xi32, #tpu.memory_space<vmem>>) semaphore(%arg11 : memref<!tpu.dma_semaphore, #tpu.memory_space<semaphore_mem>>)
      %dma_wait3A_173 = arith.constant 0 : i32
      %dma_wait3A_174 = arith.constant 0 : i32
      %dma_wait3A_175 = arith.constant 0 : i32
      %dma_wait3A_176 = arith.constant 0 : i32
      %dma_wait3A_177 = arith.constant 0 : i32
      %dma_wait3A_178 = tpu.memref_slice %arg7[%dma_wait3A_175, %dma_wait3A_176, %dma_wait3A_177] : memref<2x128x128xf32, #tpu.memory_space<vmem>> -> memref<1x128x128xf32, #tpu.memory_space<vmem>>
      %dma_wait3A_179 = tpu.memref_squeeze %dma_wait3A_178 : memref<1x128x128xf32, #tpu.memory_space<vmem>> -> memref<128x128xf32, #tpu.memory_space<vmem>>
      %dma_wait3A_180 = arith.constant 0 : i32
      %dma_wait3A_181 = tpu.memref_slice %arg6[%select_n3A_101, %dma_wait3A_173, %dma_wait3A_174, %dma_wait3A_180] : memref<2x2x16x128xi32, #tpu.memory_space<vmem>> -> memref<1x1x1x128xi32, #tpu.memory_space<vmem>>
      %dma_wait3A_182 = tpu.memref_squeeze %dma_wait3A_181 : memref<1x1x1x128xi32, #tpu.memory_space<vmem>> -> memref<128xi32, #tpu.memory_space<vmem>>
      %dma_wait3A_183 = arith.constant 0 : i32
      %dma_wait3A_184 = arith.constant 0 : i32
      %dma_wait3A_185 = tpu.memref_slice %arg2[%dma_wait3A_183, %dma_wait3A_184] : memref<10000x128xf32, #tpu.memory_space<hbm>> -> memref<10000x128xf32, #tpu.memory_space<hbm>>
      tpu.wait_indirect_dma semaphore(%arg10 : memref<!tpu.dma_semaphore, #tpu.memory_space<semaphore_mem>>) src(%dma_wait3A_185 : memref<10000x128xf32, #tpu.memory_space<hbm>>) dst(%dma_wait3A_179 : memref<128x128xf32, #tpu.memory_space<vmem>>)
      %dma_start3A_186 = arith.constant 0 : i32
      %dma_start3A_187 = arith.constant 1 : i32
      %dma_start3A_188 = arith.constant 0 : i32
      %dma_start3A_189 = arith.constant 0 : i32
      %dma_start3A_190 = arith.constant 0 : i32
      %dma_start3A_191 = tpu.memref_slice %arg7[%dma_start3A_186, %dma_start3A_189, %dma_start3A_190] : memref<2x128x128xf32, #tpu.memory_space<vmem>> -> memref<1x128x128xf32, #tpu.memory_space<vmem>>
      %dma_start3A_192 = tpu.memref_squeeze %dma_start3A_191 : memref<1x128x128xf32, #tpu.memory_space<vmem>> -> memref<128x128xf32, #tpu.memory_space<vmem>>
      %dma_start3A_193 = arith.constant 0 : i32
      %dma_start3A_194 = tpu.memref_slice %arg6[%select_n3A_101, %dma_start3A_187, %dma_start3A_188, %dma_start3A_193] : memref<2x2x16x128xi32, #tpu.memory_space<vmem>> -> memref<1x1x1x128xi32, #tpu.memory_space<vmem>>
      %dma_start3A_195 = tpu.memref_squeeze %dma_start3A_194 : memref<1x1x1x128xi32, #tpu.memory_space<vmem>> -> memref<128xi32, #tpu.memory_space<vmem>>
      %dma_start3A_196 = arith.constant 0 : i32
      %dma_start3A_197 = arith.constant 0 : i32
      %dma_start3A_198 = tpu.memref_slice %arg8[%dma_start3A_196, %dma_start3A_197] : memref<10112x128xf32, #tpu.memory_space<vmem_shared>> -> memref<10112x128xf32, #tpu.memory_space<vmem_shared>>
      tpu.enqueue_indirect_dma source(%dma_start3A_192 : memref<128x128xf32, #tpu.memory_space<vmem>>) target(%dma_start3A_198 : memref<10112x128xf32, #tpu.memory_space<vmem_shared>>) offsets(%dma_start3A_195 : memref<128xi32, #tpu.memory_space<vmem>>) semaphore(%arg12 : memref<!tpu.dma_semaphore, #tpu.memory_space<semaphore_mem>>) {add = true}
      %dma_wait3A_199 = arith.constant 0 : i32
      %dma_wait3A_200 = arith.constant 0 : i32
      %dma_wait3A_201 = arith.constant 1 : i32
      %dma_wait3A_202 = arith.constant 0 : i32
      %dma_wait3A_203 = arith.constant 0 : i32
      %dma_wait3A_204 = arith.constant 0 : i32
      %dma_wait3A_205 = tpu.memref_slice %arg7[%dma_wait3A_199, %dma_wait3A_203, %dma_wait3A_204] : memref<2x128x128xf32, #tpu.memory_space<vmem>> -> memref<1x128x128xf32, #tpu.memory_space<vmem>>
      %dma_wait3A_206 = tpu.memref_squeeze %dma_wait3A_205 : memref<1x128x128xf32, #tpu.memory_space<vmem>> -> memref<128x128xf32, #tpu.memory_space<vmem>>
      %dma_wait3A_207 = arith.constant 0 : i32
      %dma_wait3A_208 = tpu.memref_slice %arg6[%dma_wait3A_200, %dma_wait3A_201, %dma_wait3A_202, %dma_wait3A_207] : memref<2x2x16x128xi32, #tpu.memory_space<vmem>> -> memref<1x1x1x128xi32, #tpu.memory_space<vmem>>
      %dma_wait3A_209 = tpu.memref_squeeze %dma_wait3A_208 : memref<1x1x1x128xi32, #tpu.memory_space<vmem>> -> memref<128xi32, #tpu.memory_space<vmem>>
      %dma_wait3A_210 = arith.constant 0 : i32
      %dma_wait3A_211 = arith.constant 0 : i32
      %dma_wait3A_212 = tpu.memref_slice %arg8[%dma_wait3A_210, %dma_wait3A_211] : memref<10112x128xf32, #tpu.memory_space<vmem_shared>> -> memref<10112x128xf32, #tpu.memory_space<vmem_shared>>
      tpu.wait_indirect_dma semaphore(%arg12 : memref<!tpu.dma_semaphore, #tpu.memory_space<semaphore_mem>>) src(%dma_wait3A_206 : memref<128x128xf32, #tpu.memory_space<vmem>>) dst(%dma_wait3A_212 : memref<10112x128xf32, #tpu.memory_space<vmem_shared>>)
      %dma_start3A_213 = arith.constant 0 : i32
      %dma_start3A_214 = arith.constant 2 : i32
      %dma_start3A_215 = arith.constant 0 : i32
      %dma_start3A_216 = arith.constant 0 : i32
      %dma_start3A_217 = arith.constant 0 : i32
      %dma_start3A_218 = tpu.memref_slice %arg7[%dma_start3A_215, %dma_start3A_216, %dma_start3A_217] : memref<2x128x128xf32, #tpu.memory_space<vmem>> -> memref<1x128x128xf32, #tpu.memory_space<vmem>>
      %dma_start3A_219 = tpu.memref_squeeze %dma_start3A_218 : memref<1x128x128xf32, #tpu.memory_space<vmem>> -> memref<128x128xf32, #tpu.memory_space<vmem>>
      %dma_start3A_220 = arith.constant 0 : i32
      %dma_start3A_221 = tpu.memref_slice %arg6[%select_n3A_101, %dma_start3A_213, %dma_start3A_214, %dma_start3A_220] : memref<2x2x16x128xi32, #tpu.memory_space<vmem>> -> memref<1x1x1x128xi32, #tpu.memory_space<vmem>>
      %dma_start3A_222 = tpu.memref_squeeze %dma_start3A_221 : memref<1x1x1x128xi32, #tpu.memory_space<vmem>> -> memref<128xi32, #tpu.memory_space<vmem>>
      %dma_start3A_223 = arith.constant 0 : i32
      %dma_start3A_224 = arith.constant 0 : i32
      %dma_start3A_225 = tpu.memref_slice %arg2[%dma_start3A_223, %dma_start3A_224] : memref<10000x128xf32, #tpu.memory_space<hbm>> -> memref<10000x128xf32, #tpu.memory_space<hbm>>
      tpu.enqueue_indirect_dma source(%dma_start3A_225 : memref<10000x128xf32, #tpu.memory_space<hbm>>) target(%dma_start3A_219 : memref<128x128xf32, #tpu.memory_space<vmem>>) offsets(%dma_start3A_222 : memref<128xi32, #tpu.memory_space<vmem>>) semaphore(%arg10 : memref<!tpu.dma_semaphore, #tpu.memory_space<semaphore_mem>>)
      %dma_wait3A_226 = arith.constant 0 : i32
      %dma_wait3A_227 = arith.constant 1 : i32
      %dma_wait3A_228 = arith.constant 1 : i32
      %dma_wait3A_229 = arith.constant 0 : i32
      %dma_wait3A_230 = arith.constant 0 : i32
      %dma_wait3A_231 = tpu.memref_slice %arg7[%dma_wait3A_228, %dma_wait3A_229, %dma_wait3A_230] : memref<2x128x128xf32, #tpu.memory_space<vmem>> -> memref<1x128x128xf32, #tpu.memory_space<vmem>>
      %dma_wait3A_232 = tpu.memref_squeeze %dma_wait3A_231 : memref<1x128x128xf32, #tpu.memory_space<vmem>> -> memref<128x128xf32, #tpu.memory_space<vmem>>
      %dma_wait3A_233 = arith.constant 0 : i32
      %dma_wait3A_234 = tpu.memref_slice %arg6[%select_n3A_101, %dma_wait3A_226, %dma_wait3A_227, %dma_wait3A_233] : memref<2x2x16x128xi32, #tpu.memory_space<vmem>> -> memref<1x1x1x128xi32, #tpu.memory_space<vmem>>
      %dma_wait3A_235 = tpu.memref_squeeze %dma_wait3A_234 : memref<1x1x1x128xi32, #tpu.memory_space<vmem>> -> memref<128xi32, #tpu.memory_space<vmem>>
      %dma_wait3A_236 = arith.constant 0 : i32
      %dma_wait3A_237 = arith.constant 0 : i32
      %dma_wait3A_238 = tpu.memref_slice %arg2[%dma_wait3A_236, %dma_wait3A_237] : memref<10000x128xf32, #tpu.memory_space<hbm>> -> memref<10000x128xf32, #tpu.memory_space<hbm>>
      tpu.wait_indirect_dma semaphore(%arg11 : memref<!tpu.dma_semaphore, #tpu.memory_space<semaphore_mem>>) src(%dma_wait3A_238 : memref<10000x128xf32, #tpu.memory_space<hbm>>) dst(%dma_wait3A_232 : memref<128x128xf32, #tpu.memory_space<vmem>>)
      %dma_start3A_239 = arith.constant 1 : i32
      %dma_start3A_240 = arith.constant 1 : i32
      %dma_start3A_241 = arith.constant 1 : i32
      %dma_start3A_242 = arith.constant 0 : i32
      %dma_start3A_243 = arith.constant 0 : i32
      %dma_start3A_244 = tpu.memref_slice %arg7[%dma_start3A_239, %dma_start3A_242, %dma_start3A_243] : memref<2x128x128xf32, #tpu.memory_space<vmem>> -> memref<1x128x128xf32, #tpu.memory_space<vmem>>
      %dma_start3A_245 = tpu.memref_squeeze %dma_start3A_244 : memref<1x128x128xf32, #tpu.memory_space<vmem>> -> memref<128x128xf32, #tpu.memory_space<vmem>>
      %dma_start3A_246 = arith.constant 0 : i32
      %dma_start3A_247 = tpu.memref_slice %arg6[%select_n3A_101, %dma_start3A_240, %dma_start3A_241, %dma_start3A_246] : memref<2x2x16x128xi32, #tpu.memory_space<vmem>> -> memref<1x1x1x128xi32, #tpu.memory_space<vmem>>
      %dma_start3A_248 = tpu.memref_squeeze %dma_start3A_247 : memref<1x1x1x128xi32, #tpu.memory_space<vmem>> -> memref<128xi32, #tpu.memory_space<vmem>>
      %dma_start3A_249 = arith.constant 0 : i32
      %dma_start3A_250 = arith.constant 0 : i32
      %dma_start3A_251 = tpu.memref_slice %arg8[%dma_start3A_249, %dma_start3A_250] : memref<10112x128xf32, #tpu.memory_space<vmem_shared>> -> memref<10112x128xf32, #tpu.memory_space<vmem_shared>>
      tpu.enqueue_indirect_dma source(%dma_start3A_245 : memref<128x128xf32, #tpu.memory_space<vmem>>) target(%dma_start3A_251 : memref<10112x128xf32, #tpu.memory_space<vmem_shared>>) offsets(%dma_start3A_248 : memref<128xi32, #tpu.memory_space<vmem>>) semaphore(%arg13 : memref<!tpu.dma_semaphore, #tpu.memory_space<semaphore_mem>>) {add = true}
      %dma_wait3A_252 = arith.constant 1 : i32
      %dma_wait3A_253 = arith.constant 0 : i32
      %dma_wait3A_254 = arith.constant 1 : i32
      %dma_wait3A_255 = arith.constant 0 : i32
      %dma_wait3A_256 = arith.constant 0 : i32
      %dma_wait3A_257 = arith.constant 0 : i32
      %dma_wait3A_258 = tpu.memref_slice %arg7[%dma_wait3A_252, %dma_wait3A_256, %dma_wait3A_257] : memref<2x128x128xf32, #tpu.memory_space<vmem>> -> memref<1x128x128xf32, #tpu.memory_space<vmem>>
      %dma_wait3A_259 = tpu.memref_squeeze %dma_wait3A_258 : memref<1x128x128xf32, #tpu.memory_space<vmem>> -> memref<128x128xf32, #tpu.memory_space<vmem>>
      %dma_wait3A_260 = arith.constant 0 : i32
      %dma_wait3A_261 = tpu.memref_slice %arg6[%dma_wait3A_253, %dma_wait3A_254, %dma_wait3A_255, %dma_wait3A_260] : memref<2x2x16x128xi32, #tpu.memory_space<vmem>> -> memref<1x1x1x128xi32, #tpu.memory_space<vmem>>
      %dma_wait3A_262 = tpu.memref_squeeze %dma_wait3A_261 : memref<1x1x1x128xi32, #tpu.memory_space<vmem>> -> memref<128xi32, #tpu.memory_space<vmem>>
      %dma_wait3A_263 = arith.constant 0 : i32
      %dma_wait3A_264 = arith.constant 0 : i32
      %dma_wait3A_265 = tpu.memref_slice %arg8[%dma_wait3A_263, %dma_wait3A_264] : memref<10112x128xf32, #tpu.memory_space<vmem_shared>> -> memref<10112x128xf32, #tpu.memory_space<vmem_shared>>
      tpu.wait_indirect_dma semaphore(%arg13 : memref<!tpu.dma_semaphore, #tpu.memory_space<semaphore_mem>>) src(%dma_wait3A_259 : memref<128x128xf32, #tpu.memory_space<vmem>>) dst(%dma_wait3A_265 : memref<10112x128xf32, #tpu.memory_space<vmem_shared>>)
      %dma_start3A_266 = arith.constant 0 : i32
      %dma_start3A_267 = arith.constant 3 : i32
      %dma_start3A_268 = arith.constant 1 : i32
      %dma_start3A_269 = arith.constant 0 : i32
      %dma_start3A_270 = arith.constant 0 : i32
      %dma_start3A_271 = tpu.memref_slice %arg7[%dma_start3A_268, %dma_start3A_269, %dma_start3A_270] : memref<2x128x128xf32, #tpu.memory_space<vmem>> -> memref<1x128x128xf32, #tpu.memory_space<vmem>>
      %dma_start3A_272 = tpu.memref_squeeze %dma_start3A_271 : memref<1x128x128xf32, #tpu.memory_space<vmem>> -> memref<128x128xf32, #tpu.memory_space<vmem>>
      %dma_start3A_273 = arith.constant 0 : i32
      %dma_start3A_274 = tpu.memref_slice %arg6[%select_n3A_101, %dma_start3A_266, %dma_start3A_267, %dma_start3A_273] : memref<2x2x16x128xi32, #tpu.memory_space<vmem>> -> memref<1x1x1x128xi32, #tpu.memory_space<vmem>>
      %dma_start3A_275 = tpu.memref_squeeze %dma_start3A_274 : memref<1x1x1x128xi32, #tpu.memory_space<vmem>> -> memref<128xi32, #tpu.memory_space<vmem>>
      %dma_start3A_276 = arith.constant 0 : i32
      %dma_start3A_277 = arith.constant 0 : i32
      %dma_start3A_278 = tpu.memref_slice %arg2[%dma_start3A_276, %dma_start3A_277] : memref<10000x128xf32, #tpu.memory_space<hbm>> -> memref<10000x128xf32, #tpu.memory_space<hbm>>
      tpu.enqueue_indirect_dma source(%dma_start3A_278 : memref<10000x128xf32, #tpu.memory_space<hbm>>) target(%dma_start3A_272 : memref<128x128xf32, #tpu.memory_space<vmem>>) offsets(%dma_start3A_275 : memref<128xi32, #tpu.memory_space<vmem>>) semaphore(%arg11 : memref<!tpu.dma_semaphore, #tpu.memory_space<semaphore_mem>>)
      %dma_wait3A_279 = arith.constant 0 : i32
      %dma_wait3A_280 = arith.constant 2 : i32
      %dma_wait3A_281 = arith.constant 0 : i32
      %dma_wait3A_282 = arith.constant 0 : i32
      %dma_wait3A_283 = arith.constant 0 : i32
      %dma_wait3A_284 = tpu.memref_slice %arg7[%dma_wait3A_281, %dma_wait3A_282, %dma_wait3A_283] : memref<2x128x128xf32, #tpu.memory_space<vmem>> -> memref<1x128x128xf32, #tpu.memory_space<vmem>>
      %dma_wait3A_285 = tpu.memref_squeeze %dma_wait3A_284 : memref<1x128x128xf32, #tpu.memory_space<vmem>> -> memref<128x128xf32, #tpu.memory_space<vmem>>
      %dma_wait3A_286 = arith.constant 0 : i32
      %dma_wait3A_287 = tpu.memref_slice %arg6[%select_n3A_101, %dma_wait3A_279, %dma_wait3A_280, %dma_wait3A_286] : memref<2x2x16x128xi32, #tpu.memory_space<vmem>> -> memref<1x1x1x128xi32, #tpu.memory_space<vmem>>
      %dma_wait3A_288 = tpu.memref_squeeze %dma_wait3A_287 : memref<1x1x1x128xi32, #tpu.memory_space<vmem>> -> memref<128xi32, #tpu.memory_space<vmem>>
      %dma_wait3A_289 = arith.constant 0 : i32
      %dma_wait3A_290 = arith.constant 0 : i32
      %dma_wait3A_291 = tpu.memref_slice %arg2[%dma_wait3A_289, %dma_wait3A_290] : memref<10000x128xf32, #tpu.memory_space<hbm>> -> memref<10000x128xf32, #tpu.memory_space<hbm>>
      tpu.wait_indirect_dma semaphore(%arg10 : memref<!tpu.dma_semaphore, #tpu.memory_space<semaphore_mem>>) src(%dma_wait3A_291 : memref<10000x128xf32, #tpu.memory_space<hbm>>) dst(%dma_wait3A_285 : memref<128x128xf32, #tpu.memory_space<vmem>>)
      %dma_start3A_292 = arith.constant 0 : i32
      %dma_start3A_293 = arith.constant 1 : i32
      %dma_start3A_294 = arith.constant 2 : i32
      %dma_start3A_295 = arith.constant 0 : i32
      %dma_start3A_296 = arith.constant 0 : i32
      %dma_start3A_297 = tpu.memref_slice %arg7[%dma_start3A_292, %dma_start3A_295, %dma_start3A_296] : memref<2x128x128xf32, #tpu.memory_space<vmem>> -> memref<1x128x128xf32, #tpu.memory_space<vmem>>
      %dma_start3A_298 = tpu.memref_squeeze %dma_start3A_297 : memref<1x128x128xf32, #tpu.memory_space<vmem>> -> memref<128x128xf32, #tpu.memory_space<vmem>>
      %dma_start3A_299 = arith.constant 0 : i32
      %dma_start3A_300 = tpu.memref_slice %arg6[%select_n3A_101, %dma_start3A_293, %dma_start3A_294, %dma_start3A_299] : memref<2x2x16x128xi32, #tpu.memory_space<vmem>> -> memref<1x1x1x128xi32, #tpu.memory_space<vmem>>
      %dma_start3A_301 = tpu.memref_squeeze %dma_start3A_300 : memref<1x1x1x128xi32, #tpu.memory_space<vmem>> -> memref<128xi32, #tpu.memory_space<vmem>>
      %dma_start3A_302 = arith.constant 0 : i32
      %dma_start3A_303 = arith.constant 0 : i32
      %dma_start3A_304 = tpu.memref_slice %arg8[%dma_start3A_302, %dma_start3A_303] : memref<10112x128xf32, #tpu.memory_space<vmem_shared>> -> memref<10112x128xf32, #tpu.memory_space<vmem_shared>>
      tpu.enqueue_indirect_dma source(%dma_start3A_298 : memref<128x128xf32, #tpu.memory_space<vmem>>) target(%dma_start3A_304 : memref<10112x128xf32, #tpu.memory_space<vmem_shared>>) offsets(%dma_start3A_301 : memref<128xi32, #tpu.memory_space<vmem>>) semaphore(%arg12 : memref<!tpu.dma_semaphore, #tpu.memory_space<semaphore_mem>>) {add = true}
      %dma_wait3A_305 = arith.constant 0 : i32
      %dma_wait3A_306 = arith.constant 0 : i32
      %dma_wait3A_307 = arith.constant 1 : i32
      %dma_wait3A_308 = arith.constant 0 : i32
      %dma_wait3A_309 = arith.constant 0 : i32
      %dma_wait3A_310 = arith.constant 0 : i32
      %dma_wait3A_311 = tpu.memref_slice %arg7[%dma_wait3A_305, %dma_wait3A_309, %dma_wait3A_310] : memref<2x128x128xf32, #tpu.memory_space<vmem>> -> memref<1x128x128xf32, #tpu.memory_space<vmem>>
      %dma_wait3A_312 = tpu.memref_squeeze %dma_wait3A_311 : memref<1x128x128xf32, #tpu.memory_space<vmem>> -> memref<128x128xf32, #tpu.memory_space<vmem>>
      %dma_wait3A_313 = arith.constant 0 : i32
      %dma_wait3A_314 = tpu.memref_slice %arg6[%dma_wait3A_306, %dma_wait3A_307, %dma_wait3A_308, %dma_wait3A_313] : memref<2x2x16x128xi32, #tpu.memory_space<vmem>> -> memref<1x1x1x128xi32, #tpu.memory_space<vmem>>
      %dma_wait3A_315 = tpu.memref_squeeze %dma_wait3A_314 : memref<1x1x1x128xi32, #tpu.memory_space<vmem>> -> memref<128xi32, #tpu.memory_space<vmem>>
      %dma_wait3A_316 = arith.constant 0 : i32
      %dma_wait3A_317 = arith.constant 0 : i32
      %dma_wait3A_318 = tpu.memref_slice %arg8[%dma_wait3A_316, %dma_wait3A_317] : memref<10112x128xf32, #tpu.memory_space<vmem_shared>> -> memref<10112x128xf32, #tpu.memory_space<vmem_shared>>
      tpu.wait_indirect_dma semaphore(%arg12 : memref<!tpu.dma_semaphore, #tpu.memory_space<semaphore_mem>>) src(%dma_wait3A_312 : memref<128x128xf32, #tpu.memory_space<vmem>>) dst(%dma_wait3A_318 : memref<10112x128xf32, #tpu.memory_space<vmem_shared>>)
      %dma_start3A_319 = arith.constant 0 : i32
      %dma_start3A_320 = arith.constant 4 : i32
      %dma_start3A_321 = arith.constant 0 : i32
      %dma_start3A_322 = arith.constant 0 : i32
      %dma_start3A_323 = arith.constant 0 : i32
      %dma_start3A_324 = tpu.memref_slice %arg7[%dma_start3A_321, %dma_start3A_322, %dma_start3A_323] : memref<2x128x128xf32, #tpu.memory_space<vmem>> -> memref<1x128x128xf32, #tpu.memory_space<vmem>>
      %dma_start3A_325 = tpu.memref_squeeze %dma_start3A_324 : memref<1x128x128xf32, #tpu.memory_space<vmem>> -> memref<128x128xf32, #tpu.memory_space<vmem>>
      %dma_start3A_326 = arith.constant 0 : i32
      %dma_start3A_327 = tpu.memref_slice %arg6[%select_n3A_101, %dma_start3A_319, %dma_start3A_320, %dma_start3A_326] : memref<2x2x16x128xi32, #tpu.memory_space<vmem>> -> memref<1x1x1x128xi32, #tpu.memory_space<vmem>>
      %dma_start3A_328 = tpu.memref_squeeze %dma_start3A_327 : memref<1x1x1x128xi32, #tpu.memory_space<vmem>> -> memref<128xi32, #tpu.memory_space<vmem>>
      %dma_start3A_329 = arith.constant 0 : i32
      %dma_start3A_330 = arith.constant 0 : i32
      %dma_start3A_331 = tpu.memref_slice %arg2[%dma_start3A_329, %dma_start3A_330] : memref<10000x128xf32, #tpu.memory_space<hbm>> -> memref<10000x128xf32, #tpu.memory_space<hbm>>
      tpu.enqueue_indirect_dma source(%dma_start3A_331 : memref<10000x128xf32, #tpu.memory_space<hbm>>) target(%dma_start3A_325 : memref<128x128xf32, #tpu.memory_space<vmem>>) offsets(%dma_start3A_328 : memref<128xi32, #tpu.memory_space<vmem>>) semaphore(%arg10 : memref<!tpu.dma_semaphore, #tpu.memory_space<semaphore_mem>>)
      %dma_wait3A_332 = arith.constant 0 : i32
      %dma_wait3A_333 = arith.constant 3 : i32
      %dma_wait3A_334 = arith.constant 1 : i32
      %dma_wait3A_335 = arith.constant 0 : i32
      %dma_wait3A_336 = arith.constant 0 : i32
      %dma_wait3A_337 = tpu.memref_slice %arg7[%dma_wait3A_334, %dma_wait3A_335, %dma_wait3A_336] : memref<2x128x128xf32, #tpu.memory_space<vmem>> -> memref<1x128x128xf32, #tpu.memory_space<vmem>>
      %dma_wait3A_338 = tpu.memref_squeeze %dma_wait3A_337 : memref<1x128x128xf32, #tpu.memory_space<vmem>> -> memref<128x128xf32, #tpu.memory_space<vmem>>
      %dma_wait3A_339 = arith.constant 0 : i32
      %dma_wait3A_340 = tpu.memref_slice %arg6[%select_n3A_101, %dma_wait3A_332, %dma_wait3A_333, %dma_wait3A_339] : memref<2x2x16x128xi32, #tpu.memory_space<vmem>> -> memref<1x1x1x128xi32, #tpu.memory_space<vmem>>
      %dma_wait3A_341 = tpu.memref_squeeze %dma_wait3A_340 : memref<1x1x1x128xi32, #tpu.memory_space<vmem>> -> memref<128xi32, #tpu.memory_space<vmem>>
      %dma_wait3A_342 = arith.constant 0 : i32
      %dma_wait3A_343 = arith.constant 0 : i32
      %dma_wait3A_344 = tpu.memref_slice %arg2[%dma_wait3A_342, %dma_wait3A_343] : memref<10000x128xf32, #tpu.memory_space<hbm>> -> memref<10000x128xf32, #tpu.memory_space<hbm>>
      tpu.wait_indirect_dma semaphore(%arg11 : memref<!tpu.dma_semaphore, #tpu.memory_space<semaphore_mem>>) src(%dma_wait3A_344 : memref<10000x128xf32, #tpu.memory_space<hbm>>) dst(%dma_wait3A_338 : memref<128x128xf32, #tpu.memory_space<vmem>>)
      %dma_start3A_345 = arith.constant 1 : i32
      %dma_start3A_346 = arith.constant 1 : i32
      %dma_start3A_347 = arith.constant 3 : i32
      %dma_start3A_348 = arith.constant 0 : i32
      %dma_start3A_349 = arith.constant 0 : i32
      %dma_start3A_350 = tpu.memref_slice %arg7[%dma_start3A_345, %dma_start3A_348, %dma_start3A_349] : memref<2x128x128xf32, #tpu.memory_space<vmem>> -> memref<1x128x128xf32, #tpu.memory_space<vmem>>
      %dma_start3A_351 = tpu.memref_squeeze %dma_start3A_350 : memref<1x128x128xf32, #tpu.memory_space<vmem>> -> memref<128x128xf32, #tpu.memory_space<vmem>>
      %dma_start3A_352 = arith.constant 0 : i32
      %dma_start3A_353 = tpu.memref_slice %arg6[%select_n3A_101, %dma_start3A_346, %dma_start3A_347, %dma_start3A_352] : memref<2x2x16x128xi32, #tpu.memory_space<vmem>> -> memref<1x1x1x128xi32, #tpu.memory_space<vmem>>
      %dma_start3A_354 = tpu.memref_squeeze %dma_start3A_353 : memref<1x1x1x128xi32, #tpu.memory_space<vmem>> -> memref<128xi32, #tpu.memory_space<vmem>>
      %dma_start3A_355 = arith.constant 0 : i32
      %dma_start3A_356 = arith.constant 0 : i32
      %dma_start3A_357 = tpu.memref_slice %arg8[%dma_start3A_355, %dma_start3A_356] : memref<10112x128xf32, #tpu.memory_space<vmem_shared>> -> memref<10112x128xf32, #tpu.memory_space<vmem_shared>>
      tpu.enqueue_indirect_dma source(%dma_start3A_351 : memref<128x128xf32, #tpu.memory_space<vmem>>) target(%dma_start3A_357 : memref<10112x128xf32, #tpu.memory_space<vmem_shared>>) offsets(%dma_start3A_354 : memref<128xi32, #tpu.memory_space<vmem>>) semaphore(%arg13 : memref<!tpu.dma_semaphore, #tpu.memory_space<semaphore_mem>>) {add = true}
      %dma_wait3A_358 = arith.constant 1 : i32
      %dma_wait3A_359 = arith.constant 0 : i32
      %dma_wait3A_360 = arith.constant 1 : i32
      %dma_wait3A_361 = arith.constant 0 : i32
      %dma_wait3A_362 = arith.constant 0 : i32
      %dma_wait3A_363 = arith.constant 0 : i32
      %dma_wait3A_364 = tpu.memref_slice %arg7[%dma_wait3A_358, %dma_wait3A_362, %dma_wait3A_363] : memref<2x128x128xf32, #tpu.memory_space<vmem>> -> memref<1x128x128xf32, #tpu.memory_space<vmem>>
      %dma_wait3A_365 = tpu.memref_squeeze %dma_wait3A_364 : memref<1x128x128xf32, #tpu.memory_space<vmem>> -> memref<128x128xf32, #tpu.memory_space<vmem>>
      %dma_wait3A_366 = arith.constant 0 : i32
      %dma_wait3A_367 = tpu.memref_slice %arg6[%dma_wait3A_359, %dma_wait3A_360, %dma_wait3A_361, %dma_wait3A_366] : memref<2x2x16x128xi32, #tpu.memory_space<vmem>> -> memref<1x1x1x128xi32, #tpu.memory_space<vmem>>
      %dma_wait3A_368 = tpu.memref_squeeze %dma_wait3A_367 : memref<1x1x1x128xi32, #tpu.memory_space<vmem>> -> memref<128xi32, #tpu.memory_space<vmem>>
      %dma_wait3A_369 = arith.constant 0 : i32
      %dma_wait3A_370 = arith.constant 0 : i32
      %dma_wait3A_371 = tpu.memref_slice %arg8[%dma_wait3A_369, %dma_wait3A_370] : memref<10112x128xf32, #tpu.memory_space<vmem_shared>> -> memref<10112x128xf32, #tpu.memory_space<vmem_shared>>
      tpu.wait_indirect_dma semaphore(%arg13 : memref<!tpu.dma_semaphore, #tpu.memory_space<semaphore_mem>>) src(%dma_wait3A_365 : memref<128x128xf32, #tpu.memory_space<vmem>>) dst(%dma_wait3A_371 : memref<10112x128xf32, #tpu.memory_space<vmem_shared>>)
      %dma_start3A_372 = arith.constant 0 : i32
      %dma_start3A_373 = arith.constant 5 : i32
      %dma_start3A_374 = arith.constant 1 : i32
      %dma_start3A_375 = arith.constant 0 : i32
      %dma_start3A_376 = arith.constant 0 : i32
      %dma_start3A_377 = tpu.memref_slice %arg7[%dma_start3A_374, %dma_start3A_375, %dma_start3A_376] : memref<2x128x128xf32, #tpu.memory_space<vmem>> -> memref<1x128x128xf32, #tpu.memory_space<vmem>>
      %dma_start3A_378 = tpu.memref_squeeze %dma_start3A_377 : memref<1x128x128xf32, #tpu.memory_space<vmem>> -> memref<128x128xf32, #tpu.memory_space<vmem>>
      %dma_start3A_379 = arith.constant 0 : i32
      %dma_start3A_380 = tpu.memref_slice %arg6[%select_n3A_101, %dma_start3A_372, %dma_start3A_373, %dma_start3A_379] : memref<2x2x16x128xi32, #tpu.memory_space<vmem>> -> memref<1x1x1x128xi32, #tpu.memory_space<vmem>>
      %dma_start3A_381 = tpu.memref_squeeze %dma_start3A_380 : memref<1x1x1x128xi32, #tpu.memory_space<vmem>> -> memref<128xi32, #tpu.memory_space<vmem>>
      %dma_start3A_382 = arith.constant 0 : i32
      %dma_start3A_383 = arith.constant 0 : i32
      %dma_start3A_384 = tpu.memref_slice %arg2[%dma_start3A_382, %dma_start3A_383] : memref<10000x128xf32, #tpu.memory_space<hbm>> -> memref<10000x128xf32, #tpu.memory_space<hbm>>
      tpu.enqueue_indirect_dma source(%dma_start3A_384 : memref<10000x128xf32, #tpu.memory_space<hbm>>) target(%dma_start3A_378 : memref<128x128xf32, #tpu.memory_space<vmem>>) offsets(%dma_start3A_381 : memref<128xi32, #tpu.memory_space<vmem>>) semaphore(%arg11 : memref<!tpu.dma_semaphore, #tpu.memory_space<semaphore_mem>>)
      %dma_wait3A_385 = arith.constant 0 : i32
      %dma_wait3A_386 = arith.constant 4 : i32
      %dma_wait3A_387 = arith.constant 0 : i32
      %dma_wait3A_388 = arith.constant 0 : i32
      %dma_wait3A_389 = arith.constant 0 : i32
      %dma_wait3A_390 = tpu.memref_slice %arg7[%dma_wait3A_387, %dma_wait3A_388, %dma_wait3A_389] : memref<2x128x128xf32, #tpu.memory_space<vmem>> -> memref<1x128x128xf32, #tpu.memory_space<vmem>>
      %dma_wait3A_391 = tpu.memref_squeeze %dma_wait3A_390 : memref<1x128x128xf32, #tpu.memory_space<vmem>> -> memref<128x128xf32, #tpu.memory_space<vmem>>
      %dma_wait3A_392 = arith.constant 0 : i32
      %dma_wait3A_393 = tpu.memref_slice %arg6[%select_n3A_101, %dma_wait3A_385, %dma_wait3A_386, %dma_wait3A_392] : memref<2x2x16x128xi32, #tpu.memory_space<vmem>> -> memref<1x1x1x128xi32, #tpu.memory_space<vmem>>
      %dma_wait3A_394 = tpu.memref_squeeze %dma_wait3A_393 : memref<1x1x1x128xi32, #tpu.memory_space<vmem>> -> memref<128xi32, #tpu.memory_space<vmem>>
      %dma_wait3A_395 = arith.constant 0 : i32
      %dma_wait3A_396 = arith.constant 0 : i32
      %dma_wait3A_397 = tpu.memref_slice %arg2[%dma_wait3A_395, %dma_wait3A_396] : memref<10000x128xf32, #tpu.memory_space<hbm>> -> memref<10000x128xf32, #tpu.memory_space<hbm>>
      tpu.wait_indirect_dma semaphore(%arg10 : memref<!tpu.dma_semaphore, #tpu.memory_space<semaphore_mem>>) src(%dma_wait3A_397 : memref<10000x128xf32, #tpu.memory_space<hbm>>) dst(%dma_wait3A_391 : memref<128x128xf32, #tpu.memory_space<vmem>>)
      %dma_start3A_398 = arith.constant 0 : i32
      %dma_start3A_399 = arith.constant 1 : i32
      %dma_start3A_400 = arith.constant 4 : i32
      %dma_start3A_401 = arith.constant 0 : i32
      %dma_start3A_402 = arith.constant 0 : i32
      %dma_start3A_403 = tpu.memref_slice %arg7[%dma_start3A_398, %dma_start3A_401, %dma_start3A_402] : memref<2x128x128xf32, #tpu.memory_space<vmem>> -> memref<1x128x128xf32, #tpu.memory_space<vmem>>
      %dma_start3A_404 = tpu.memref_squeeze %dma_start3A_403 : memref<1x128x128xf32, #tpu.memory_space<vmem>> -> memref<128x128xf32, #tpu.memory_space<vmem>>
      %dma_start3A_405 = arith.constant 0 : i32
      %dma_start3A_406 = tpu.memref_slice %arg6[%select_n3A_101, %dma_start3A_399, %dma_start3A_400, %dma_start3A_405] : memref<2x2x16x128xi32, #tpu.memory_space<vmem>> -> memref<1x1x1x128xi32, #tpu.memory_space<vmem>>
      %dma_start3A_407 = tpu.memref_squeeze %dma_start3A_406 : memref<1x1x1x128xi32, #tpu.memory_space<vmem>> -> memref<128xi32, #tpu.memory_space<vmem>>
      %dma_start3A_408 = arith.constant 0 : i32
      %dma_start3A_409 = arith.constant 0 : i32
      %dma_start3A_410 = tpu.memref_slice %arg8[%dma_start3A_408, %dma_start3A_409] : memref<10112x128xf32, #tpu.memory_space<vmem_shared>> -> memref<10112x128xf32, #tpu.memory_space<vmem_shared>>
      tpu.enqueue_indirect_dma source(%dma_start3A_404 : memref<128x128xf32, #tpu.memory_space<vmem>>) target(%dma_start3A_410 : memref<10112x128xf32, #tpu.memory_space<vmem_shared>>) offsets(%dma_start3A_407 : memref<128xi32, #tpu.memory_space<vmem>>) semaphore(%arg12 : memref<!tpu.dma_semaphore, #tpu.memory_space<semaphore_mem>>) {add = true}
      %dma_wait3A_411 = arith.constant 0 : i32
      %dma_wait3A_412 = arith.constant 0 : i32
      %dma_wait3A_413 = arith.constant 1 : i32
      %dma_wait3A_414 = arith.constant 0 : i32
      %dma_wait3A_415 = arith.constant 0 : i32
      %dma_wait3A_416 = arith.constant 0 : i32
      %dma_wait3A_417 = tpu.memref_slice %arg7[%dma_wait3A_411, %dma_wait3A_415, %dma_wait3A_416] : memref<2x128x128xf32, #tpu.memory_space<vmem>> -> memref<1x128x128xf32, #tpu.memory_space<vmem>>
      %dma_wait3A_418 = tpu.memref_squeeze %dma_wait3A_417 : memref<1x128x128xf32, #tpu.memory_space<vmem>> -> memref<128x128xf32, #tpu.memory_space<vmem>>
      %dma_wait3A_419 = arith.constant 0 : i32
      %dma_wait3A_420 = tpu.memref_slice %arg6[%dma_wait3A_412, %dma_wait3A_413, %dma_wait3A_414, %dma_wait3A_419] : memref<2x2x16x128xi32, #tpu.memory_space<vmem>> -> memref<1x1x1x128xi32, #tpu.memory_space<vmem>>
      %dma_wait3A_421 = tpu.memref_squeeze %dma_wait3A_420 : memref<1x1x1x128xi32, #tpu.memory_space<vmem>> -> memref<128xi32, #tpu.memory_space<vmem>>
      %dma_wait3A_422 = arith.constant 0 : i32
      %dma_wait3A_423 = arith.constant 0 : i32
      %dma_wait3A_424 = tpu.memref_slice %arg8[%dma_wait3A_422, %dma_wait3A_423] : memref<10112x128xf32, #tpu.memory_space<vmem_shared>> -> memref<10112x128xf32, #tpu.memory_space<vmem_shared>>
      tpu.wait_indirect_dma semaphore(%arg12 : memref<!tpu.dma_semaphore, #tpu.memory_space<semaphore_mem>>) src(%dma_wait3A_418 : memref<128x128xf32, #tpu.memory_space<vmem>>) dst(%dma_wait3A_424 : memref<10112x128xf32, #tpu.memory_space<vmem_shared>>)
      %dma_start3A_425 = arith.constant 0 : i32
      %dma_start3A_426 = arith.constant 6 : i32
      %dma_start3A_427 = arith.constant 0 : i32
      %dma_start3A_428 = arith.constant 0 : i32
      %dma_start3A_429 = arith.constant 0 : i32
      %dma_start3A_430 = tpu.memref_slice %arg7[%dma_start3A_427, %dma_start3A_428, %dma_start3A_429] : memref<2x128x128xf32, #tpu.memory_space<vmem>> -> memref<1x128x128xf32, #tpu.memory_space<vmem>>
      %dma_start3A_431 = tpu.memref_squeeze %dma_start3A_430 : memref<1x128x128xf32, #tpu.memory_space<vmem>> -> memref<128x128xf32, #tpu.memory_space<vmem>>
      %dma_start3A_432 = arith.constant 0 : i32
      %dma_start3A_433 = tpu.memref_slice %arg6[%select_n3A_101, %dma_start3A_425, %dma_start3A_426, %dma_start3A_432] : memref<2x2x16x128xi32, #tpu.memory_space<vmem>> -> memref<1x1x1x128xi32, #tpu.memory_space<vmem>>
      %dma_start3A_434 = tpu.memref_squeeze %dma_start3A_433 : memref<1x1x1x128xi32, #tpu.memory_space<vmem>> -> memref<128xi32, #tpu.memory_space<vmem>>
      %dma_start3A_435 = arith.constant 0 : i32
      %dma_start3A_436 = arith.constant 0 : i32
      %dma_start3A_437 = tpu.memref_slice %arg2[%dma_start3A_435, %dma_start3A_436] : memref<10000x128xf32, #tpu.memory_space<hbm>> -> memref<10000x128xf32, #tpu.memory_space<hbm>>
      tpu.enqueue_indirect_dma source(%dma_start3A_437 : memref<10000x128xf32, #tpu.memory_space<hbm>>) target(%dma_start3A_431 : memref<128x128xf32, #tpu.memory_space<vmem>>) offsets(%dma_start3A_434 : memref<128xi32, #tpu.memory_space<vmem>>) semaphore(%arg10 : memref<!tpu.dma_semaphore, #tpu.memory_space<semaphore_mem>>)
      %dma_wait3A_438 = arith.constant 0 : i32
      %dma_wait3A_439 = arith.constant 5 : i32
      %dma_wait3A_440 = arith.constant 1 : i32
      %dma_wait3A_441 = arith.constant 0 : i32
      %dma_wait3A_442 = arith.constant 0 : i32
      %dma_wait3A_443 = tpu.memref_slice %arg7[%dma_wait3A_440, %dma_wait3A_441, %dma_wait3A_442] : memref<2x128x128xf32, #tpu.memory_space<vmem>> -> memref<1x128x128xf32, #tpu.memory_space<vmem>>
      %dma_wait3A_444 = tpu.memref_squeeze %dma_wait3A_443 : memref<1x128x128xf32, #tpu.memory_space<vmem>> -> memref<128x128xf32, #tpu.memory_space<vmem>>
      %dma_wait3A_445 = arith.constant 0 : i32
      %dma_wait3A_446 = tpu.memref_slice %arg6[%select_n3A_101, %dma_wait3A_438, %dma_wait3A_439, %dma_wait3A_445] : memref<2x2x16x128xi32, #tpu.memory_space<vmem>> -> memref<1x1x1x128xi32, #tpu.memory_space<vmem>>
      %dma_wait3A_447 = tpu.memref_squeeze %dma_wait3A_446 : memref<1x1x1x128xi32, #tpu.memory_space<vmem>> -> memref<128xi32, #tpu.memory_space<vmem>>
      %dma_wait3A_448 = arith.constant 0 : i32
      %dma_wait3A_449 = arith.constant 0 : i32
      %dma_wait3A_450 = tpu.memref_slice %arg2[%dma_wait3A_448, %dma_wait3A_449] : memref<10000x128xf32, #tpu.memory_space<hbm>> -> memref<10000x128xf32, #tpu.memory_space<hbm>>
      tpu.wait_indirect_dma semaphore(%arg11 : memref<!tpu.dma_semaphore, #tpu.memory_space<semaphore_mem>>) src(%dma_wait3A_450 : memref<10000x128xf32, #tpu.memory_space<hbm>>) dst(%dma_wait3A_444 : memref<128x128xf32, #tpu.memory_space<vmem>>)
      %dma_start3A_451 = arith.constant 1 : i32
      %dma_start3A_452 = arith.constant 1 : i32
      %dma_start3A_453 = arith.constant 5 : i32
      %dma_start3A_454 = arith.constant 0 : i32
      %dma_start3A_455 = arith.constant 0 : i32
      %dma_start3A_456 = tpu.memref_slice %arg7[%dma_start3A_451, %dma_start3A_454, %dma_start3A_455] : memref<2x128x128xf32, #tpu.memory_space<vmem>> -> memref<1x128x128xf32, #tpu.memory_space<vmem>>
      %dma_start3A_457 = tpu.memref_squeeze %dma_start3A_456 : memref<1x128x128xf32, #tpu.memory_space<vmem>> -> memref<128x128xf32, #tpu.memory_space<vmem>>
      %dma_start3A_458 = arith.constant 0 : i32
      %dma_start3A_459 = tpu.memref_slice %arg6[%select_n3A_101, %dma_start3A_452, %dma_start3A_453, %dma_start3A_458] : memref<2x2x16x128xi32, #tpu.memory_space<vmem>> -> memref<1x1x1x128xi32, #tpu.memory_space<vmem>>
      %dma_start3A_460 = tpu.memref_squeeze %dma_start3A_459 : memref<1x1x1x128xi32, #tpu.memory_space<vmem>> -> memref<128xi32, #tpu.memory_space<vmem>>
      %dma_start3A_461 = arith.constant 0 : i32
      %dma_start3A_462 = arith.constant 0 : i32
      %dma_start3A_463 = tpu.memref_slice %arg8[%dma_start3A_461, %dma_start3A_462] : memref<10112x128xf32, #tpu.memory_space<vmem_shared>> -> memref<10112x128xf32, #tpu.memory_space<vmem_shared>>
      tpu.enqueue_indirect_dma source(%dma_start3A_457 : memref<128x128xf32, #tpu.memory_space<vmem>>) target(%dma_start3A_463 : memref<10112x128xf32, #tpu.memory_space<vmem_shared>>) offsets(%dma_start3A_460 : memref<128xi32, #tpu.memory_space<vmem>>) semaphore(%arg13 : memref<!tpu.dma_semaphore, #tpu.memory_space<semaphore_mem>>) {add = true}
      %dma_wait3A_464 = arith.constant 1 : i32
      %dma_wait3A_465 = arith.constant 0 : i32
      %dma_wait3A_466 = arith.constant 1 : i32
      %dma_wait3A_467 = arith.constant 0 : i32
      %dma_wait3A_468 = arith.constant 0 : i32
      %dma_wait3A_469 = arith.constant 0 : i32
      %dma_wait3A_470 = tpu.memref_slice %arg7[%dma_wait3A_464, %dma_wait3A_468, %dma_wait3A_469] : memref<2x128x128xf32, #tpu.memory_space<vmem>> -> memref<1x128x128xf32, #tpu.memory_space<vmem>>
      %dma_wait3A_471 = tpu.memref_squeeze %dma_wait3A_470 : memref<1x128x128xf32, #tpu.memory_space<vmem>> -> memref<128x128xf32, #tpu.memory_space<vmem>>
      %dma_wait3A_472 = arith.constant 0 : i32
      %dma_wait3A_473 = tpu.memref_slice %arg6[%dma_wait3A_465, %dma_wait3A_466, %dma_wait3A_467, %dma_wait3A_472] : memref<2x2x16x128xi32, #tpu.memory_space<vmem>> -> memref<1x1x1x128xi32, #tpu.memory_space<vmem>>
      %dma_wait3A_474 = tpu.memref_squeeze %dma_wait3A_473 : memref<1x1x1x128xi32, #tpu.memory_space<vmem>> -> memref<128xi32, #tpu.memory_space<vmem>>
      %dma_wait3A_475 = arith.constant 0 : i32
      %dma_wait3A_476 = arith.constant 0 : i32
      %dma_wait3A_477 = tpu.memref_slice %arg8[%dma_wait3A_475, %dma_wait3A_476] : memref<10112x128xf32, #tpu.memory_space<vmem_shared>> -> memref<10112x128xf32, #tpu.memory_space<vmem_shared>>
      tpu.wait_indirect_dma semaphore(%arg13 : memref<!tpu.dma_semaphore, #tpu.memory_space<semaphore_mem>>) src(%dma_wait3A_471 : memref<128x128xf32, #tpu.memory_space<vmem>>) dst(%dma_wait3A_477 : memref<10112x128xf32, #tpu.memory_space<vmem_shared>>)
      %dma_start3A_478 = arith.constant 0 : i32
      %dma_start3A_479 = arith.constant 7 : i32
      %dma_start3A_480 = arith.constant 1 : i32
      %dma_start3A_481 = arith.constant 0 : i32
      %dma_start3A_482 = arith.constant 0 : i32
      %dma_start3A_483 = tpu.memref_slice %arg7[%dma_start3A_480, %dma_start3A_481, %dma_start3A_482] : memref<2x128x128xf32, #tpu.memory_space<vmem>> -> memref<1x128x128xf32, #tpu.memory_space<vmem>>
      %dma_start3A_484 = tpu.memref_squeeze %dma_start3A_483 : memref<1x128x128xf32, #tpu.memory_space<vmem>> -> memref<128x128xf32, #tpu.memory_space<vmem>>
      %dma_start3A_485 = arith.constant 0 : i32
      %dma_start3A_486 = tpu.memref_slice %arg6[%select_n3A_101, %dma_start3A_478, %dma_start3A_479, %dma_start3A_485] : memref<2x2x16x128xi32, #tpu.memory_space<vmem>> -> memref<1x1x1x128xi32, #tpu.memory_space<vmem>>
      %dma_start3A_487 = tpu.memref_squeeze %dma_start3A_486 : memref<1x1x1x128xi32, #tpu.memory_space<vmem>> -> memref<128xi32, #tpu.memory_space<vmem>>
      %dma_start3A_488 = arith.constant 0 : i32
      %dma_start3A_489 = arith.constant 0 : i32
      %dma_start3A_490 = tpu.memref_slice %arg2[%dma_start3A_488, %dma_start3A_489] : memref<10000x128xf32, #tpu.memory_space<hbm>> -> memref<10000x128xf32, #tpu.memory_space<hbm>>
      tpu.enqueue_indirect_dma source(%dma_start3A_490 : memref<10000x128xf32, #tpu.memory_space<hbm>>) target(%dma_start3A_484 : memref<128x128xf32, #tpu.memory_space<vmem>>) offsets(%dma_start3A_487 : memref<128xi32, #tpu.memory_space<vmem>>) semaphore(%arg11 : memref<!tpu.dma_semaphore, #tpu.memory_space<semaphore_mem>>)
      %dma_wait3A_491 = arith.constant 0 : i32
      %dma_wait3A_492 = arith.constant 6 : i32
      %dma_wait3A_493 = arith.constant 0 : i32
      %dma_wait3A_494 = arith.constant 0 : i32
      %dma_wait3A_495 = arith.constant 0 : i32
      %dma_wait3A_496 = tpu.memref_slice %arg7[%dma_wait3A_493, %dma_wait3A_494, %dma_wait3A_495] : memref<2x128x128xf32, #tpu.memory_space<vmem>> -> memref<1x128x128xf32, #tpu.memory_space<vmem>>
      %dma_wait3A_497 = tpu.memref_squeeze %dma_wait3A_496 : memref<1x128x128xf32, #tpu.memory_space<vmem>> -> memref<128x128xf32, #tpu.memory_space<vmem>>
      %dma_wait3A_498 = arith.constant 0 : i32
      %dma_wait3A_499 = tpu.memref_slice %arg6[%select_n3A_101, %dma_wait3A_491, %dma_wait3A_492, %dma_wait3A_498] : memref<2x2x16x128xi32, #tpu.memory_space<vmem>> -> memref<1x1x1x128xi32, #tpu.memory_space<vmem>>
      %dma_wait3A_500 = tpu.memref_squeeze %dma_wait3A_499 : memref<1x1x1x128xi32, #tpu.memory_space<vmem>> -> memref<128xi32, #tpu.memory_space<vmem>>
      %dma_wait3A_501 = arith.constant 0 : i32
      %dma_wait3A_502 = arith.constant 0 : i32
      %dma_wait3A_503 = tpu.memref_slice %arg2[%dma_wait3A_501, %dma_wait3A_502] : memref<10000x128xf32, #tpu.memory_space<hbm>> -> memref<10000x128xf32, #tpu.memory_space<hbm>>
      tpu.wait_indirect_dma semaphore(%arg10 : memref<!tpu.dma_semaphore, #tpu.memory_space<semaphore_mem>>) src(%dma_wait3A_503 : memref<10000x128xf32, #tpu.memory_space<hbm>>) dst(%dma_wait3A_497 : memref<128x128xf32, #tpu.memory_space<vmem>>)
      %dma_start3A_504 = arith.constant 0 : i32
      %dma_start3A_505 = arith.constant 1 : i32
      %dma_start3A_506 = arith.constant 6 : i32
      %dma_start3A_507 = arith.constant 0 : i32
      %dma_start3A_508 = arith.constant 0 : i32
      %dma_start3A_509 = tpu.memref_slice %arg7[%dma_start3A_504, %dma_start3A_507, %dma_start3A_508] : memref<2x128x128xf32, #tpu.memory_space<vmem>> -> memref<1x128x128xf32, #tpu.memory_space<vmem>>
      %dma_start3A_510 = tpu.memref_squeeze %dma_start3A_509 : memref<1x128x128xf32, #tpu.memory_space<vmem>> -> memref<128x128xf32, #tpu.memory_space<vmem>>
      %dma_start3A_511 = arith.constant 0 : i32
      %dma_start3A_512 = tpu.memref_slice %arg6[%select_n3A_101, %dma_start3A_505, %dma_start3A_506, %dma_start3A_511] : memref<2x2x16x128xi32, #tpu.memory_space<vmem>> -> memref<1x1x1x128xi32, #tpu.memory_space<vmem>>
      %dma_start3A_513 = tpu.memref_squeeze %dma_start3A_512 : memref<1x1x1x128xi32, #tpu.memory_space<vmem>> -> memref<128xi32, #tpu.memory_space<vmem>>
      %dma_start3A_514 = arith.constant 0 : i32
      %dma_start3A_515 = arith.constant 0 : i32
      %dma_start3A_516 = tpu.memref_slice %arg8[%dma_start3A_514, %dma_start3A_515] : memref<10112x128xf32, #tpu.memory_space<vmem_shared>> -> memref<10112x128xf32, #tpu.memory_space<vmem_shared>>
      tpu.enqueue_indirect_dma source(%dma_start3A_510 : memref<128x128xf32, #tpu.memory_space<vmem>>) target(%dma_start3A_516 : memref<10112x128xf32, #tpu.memory_space<vmem_shared>>) offsets(%dma_start3A_513 : memref<128xi32, #tpu.memory_space<vmem>>) semaphore(%arg12 : memref<!tpu.dma_semaphore, #tpu.memory_space<semaphore_mem>>) {add = true}
      %dma_wait3A_517 = arith.constant 0 : i32
      %dma_wait3A_518 = arith.constant 0 : i32
      %dma_wait3A_519 = arith.constant 1 : i32
      %dma_wait3A_520 = arith.constant 0 : i32
      %dma_wait3A_521 = arith.constant 0 : i32
      %dma_wait3A_522 = arith.constant 0 : i32
      %dma_wait3A_523 = tpu.memref_slice %arg7[%dma_wait3A_517, %dma_wait3A_521, %dma_wait3A_522] : memref<2x128x128xf32, #tpu.memory_space<vmem>> -> memref<1x128x128xf32, #tpu.memory_space<vmem>>
      %dma_wait3A_524 = tpu.memref_squeeze %dma_wait3A_523 : memref<1x128x128xf32, #tpu.memory_space<vmem>> -> memref<128x128xf32, #tpu.memory_space<vmem>>
      %dma_wait3A_525 = arith.constant 0 : i32
      %dma_wait3A_526 = tpu.memref_slice %arg6[%dma_wait3A_518, %dma_wait3A_519, %dma_wait3A_520, %dma_wait3A_525] : memref<2x2x16x128xi32, #tpu.memory_space<vmem>> -> memref<1x1x1x128xi32, #tpu.memory_space<vmem>>
      %dma_wait3A_527 = tpu.memref_squeeze %dma_wait3A_526 : memref<1x1x1x128xi32, #tpu.memory_space<vmem>> -> memref<128xi32, #tpu.memory_space<vmem>>
      %dma_wait3A_528 = arith.constant 0 : i32
      %dma_wait3A_529 = arith.constant 0 : i32
      %dma_wait3A_530 = tpu.memref_slice %arg8[%dma_wait3A_528, %dma_wait3A_529] : memref<10112x128xf32, #tpu.memory_space<vmem_shared>> -> memref<10112x128xf32, #tpu.memory_space<vmem_shared>>
      tpu.wait_indirect_dma semaphore(%arg12 : memref<!tpu.dma_semaphore, #tpu.memory_space<semaphore_mem>>) src(%dma_wait3A_524 : memref<128x128xf32, #tpu.memory_space<vmem>>) dst(%dma_wait3A_530 : memref<10112x128xf32, #tpu.memory_space<vmem_shared>>)
      %dma_start3A_531 = arith.constant 0 : i32
      %dma_start3A_532 = arith.constant 8 : i32
      %dma_start3A_533 = arith.constant 0 : i32
      %dma_start3A_534 = arith.constant 0 : i32
      %dma_start3A_535 = arith.constant 0 : i32
      %dma_start3A_536 = tpu.memref_slice %arg7[%dma_start3A_533, %dma_start3A_534, %dma_start3A_535] : memref<2x128x128xf32, #tpu.memory_space<vmem>> -> memref<1x128x128xf32, #tpu.memory_space<vmem>>
      %dma_start3A_537 = tpu.memref_squeeze %dma_start3A_536 : memref<1x128x128xf32, #tpu.memory_space<vmem>> -> memref<128x128xf32, #tpu.memory_space<vmem>>
      %dma_start3A_538 = arith.constant 0 : i32
      %dma_start3A_539 = tpu.memref_slice %arg6[%select_n3A_101, %dma_start3A_531, %dma_start3A_532, %dma_start3A_538] : memref<2x2x16x128xi32, #tpu.memory_space<vmem>> -> memref<1x1x1x128xi32, #tpu.memory_space<vmem>>
      %dma_start3A_540 = tpu.memref_squeeze %dma_start3A_539 : memref<1x1x1x128xi32, #tpu.memory_space<vmem>> -> memref<128xi32, #tpu.memory_space<vmem>>
      %dma_start3A_541 = arith.constant 0 : i32
      %dma_start3A_542 = arith.constant 0 : i32
      %dma_start3A_543 = tpu.memref_slice %arg2[%dma_start3A_541, %dma_start3A_542] : memref<10000x128xf32, #tpu.memory_space<hbm>> -> memref<10000x128xf32, #tpu.memory_space<hbm>>
      tpu.enqueue_indirect_dma source(%dma_start3A_543 : memref<10000x128xf32, #tpu.memory_space<hbm>>) target(%dma_start3A_537 : memref<128x128xf32, #tpu.memory_space<vmem>>) offsets(%dma_start3A_540 : memref<128xi32, #tpu.memory_space<vmem>>) semaphore(%arg10 : memref<!tpu.dma_semaphore, #tpu.memory_space<semaphore_mem>>)
      %dma_wait3A_544 = arith.constant 0 : i32
      %dma_wait3A_545 = arith.constant 7 : i32
      %dma_wait3A_546 = arith.constant 1 : i32
      %dma_wait3A_547 = arith.constant 0 : i32
      %dma_wait3A_548 = arith.constant 0 : i32
      %dma_wait3A_549 = tpu.memref_slice %arg7[%dma_wait3A_546, %dma_wait3A_547, %dma_wait3A_548] : memref<2x128x128xf32, #tpu.memory_space<vmem>> -> memref<1x128x128xf32, #tpu.memory_space<vmem>>
      %dma_wait3A_550 = tpu.memref_squeeze %dma_wait3A_549 : memref<1x128x128xf32, #tpu.memory_space<vmem>> -> memref<128x128xf32, #tpu.memory_space<vmem>>
      %dma_wait3A_551 = arith.constant 0 : i32
      %dma_wait3A_552 = tpu.memref_slice %arg6[%select_n3A_101, %dma_wait3A_544, %dma_wait3A_545, %dma_wait3A_551] : memref<2x2x16x128xi32, #tpu.memory_space<vmem>> -> memref<1x1x1x128xi32, #tpu.memory_space<vmem>>
      %dma_wait3A_553 = tpu.memref_squeeze %dma_wait3A_552 : memref<1x1x1x128xi32, #tpu.memory_space<vmem>> -> memref<128xi32, #tpu.memory_space<vmem>>
      %dma_wait3A_554 = arith.constant 0 : i32
      %dma_wait3A_555 = arith.constant 0 : i32
      %dma_wait3A_556 = tpu.memref_slice %arg2[%dma_wait3A_554, %dma_wait3A_555] : memref<10000x128xf32, #tpu.memory_space<hbm>> -> memref<10000x128xf32, #tpu.memory_space<hbm>>
      tpu.wait_indirect_dma semaphore(%arg11 : memref<!tpu.dma_semaphore, #tpu.memory_space<semaphore_mem>>) src(%dma_wait3A_556 : memref<10000x128xf32, #tpu.memory_space<hbm>>) dst(%dma_wait3A_550 : memref<128x128xf32, #tpu.memory_space<vmem>>)
      %dma_start3A_557 = arith.constant 1 : i32
      %dma_start3A_558 = arith.constant 1 : i32
      %dma_start3A_559 = arith.constant 7 : i32
      %dma_start3A_560 = arith.constant 0 : i32
      %dma_start3A_561 = arith.constant 0 : i32
      %dma_start3A_562 = tpu.memref_slice %arg7[%dma_start3A_557, %dma_start3A_560, %dma_start3A_561] : memref<2x128x128xf32, #tpu.memory_space<vmem>> -> memref<1x128x128xf32, #tpu.memory_space<vmem>>
      %dma_start3A_563 = tpu.memref_squeeze %dma_start3A_562 : memref<1x128x128xf32, #tpu.memory_space<vmem>> -> memref<128x128xf32, #tpu.memory_space<vmem>>
      %dma_start3A_564 = arith.constant 0 : i32
      %dma_start3A_565 = tpu.memref_slice %arg6[%select_n3A_101, %dma_start3A_558, %dma_start3A_559, %dma_start3A_564] : memref<2x2x16x128xi32, #tpu.memory_space<vmem>> -> memref<1x1x1x128xi32, #tpu.memory_space<vmem>>
      %dma_start3A_566 = tpu.memref_squeeze %dma_start3A_565 : memref<1x1x1x128xi32, #tpu.memory_space<vmem>> -> memref<128xi32, #tpu.memory_space<vmem>>
      %dma_start3A_567 = arith.constant 0 : i32
      %dma_start3A_568 = arith.constant 0 : i32
      %dma_start3A_569 = tpu.memref_slice %arg8[%dma_start3A_567, %dma_start3A_568] : memref<10112x128xf32, #tpu.memory_space<vmem_shared>> -> memref<10112x128xf32, #tpu.memory_space<vmem_shared>>
      tpu.enqueue_indirect_dma source(%dma_start3A_563 : memref<128x128xf32, #tpu.memory_space<vmem>>) target(%dma_start3A_569 : memref<10112x128xf32, #tpu.memory_space<vmem_shared>>) offsets(%dma_start3A_566 : memref<128xi32, #tpu.memory_space<vmem>>) semaphore(%arg13 : memref<!tpu.dma_semaphore, #tpu.memory_space<semaphore_mem>>) {add = true}
      %dma_wait3A_570 = arith.constant 1 : i32
      %dma_wait3A_571 = arith.constant 0 : i32
      %dma_wait3A_572 = arith.constant 1 : i32
      %dma_wait3A_573 = arith.constant 0 : i32
      %dma_wait3A_574 = arith.constant 0 : i32
      %dma_wait3A_575 = arith.constant 0 : i32
      %dma_wait3A_576 = tpu.memref_slice %arg7[%dma_wait3A_570, %dma_wait3A_574, %dma_wait3A_575] : memref<2x128x128xf32, #tpu.memory_space<vmem>> -> memref<1x128x128xf32, #tpu.memory_space<vmem>>
      %dma_wait3A_577 = tpu.memref_squeeze %dma_wait3A_576 : memref<1x128x128xf32, #tpu.memory_space<vmem>> -> memref<128x128xf32, #tpu.memory_space<vmem>>
      %dma_wait3A_578 = arith.constant 0 : i32
      %dma_wait3A_579 = tpu.memref_slice %arg6[%dma_wait3A_571, %dma_wait3A_572, %dma_wait3A_573, %dma_wait3A_578] : memref<2x2x16x128xi32, #tpu.memory_space<vmem>> -> memref<1x1x1x128xi32, #tpu.memory_space<vmem>>
      %dma_wait3A_580 = tpu.memref_squeeze %dma_wait3A_579 : memref<1x1x1x128xi32, #tpu.memory_space<vmem>> -> memref<128xi32, #tpu.memory_space<vmem>>
      %dma_wait3A_581 = arith.constant 0 : i32
      %dma_wait3A_582 = arith.constant 0 : i32
      %dma_wait3A_583 = tpu.memref_slice %arg8[%dma_wait3A_581, %dma_wait3A_582] : memref<10112x128xf32, #tpu.memory_space<vmem_shared>> -> memref<10112x128xf32, #tpu.memory_space<vmem_shared>>
      tpu.wait_indirect_dma semaphore(%arg13 : memref<!tpu.dma_semaphore, #tpu.memory_space<semaphore_mem>>) src(%dma_wait3A_577 : memref<128x128xf32, #tpu.memory_space<vmem>>) dst(%dma_wait3A_583 : memref<10112x128xf32, #tpu.memory_space<vmem_shared>>)
      %dma_start3A_584 = arith.constant 0 : i32
      %dma_start3A_585 = arith.constant 9 : i32
      %dma_start3A_586 = arith.constant 1 : i32
      %dma_start3A_587 = arith.constant 0 : i32
      %dma_start3A_588 = arith.constant 0 : i32
      %dma_start3A_589 = tpu.memref_slice %arg7[%dma_start3A_586, %dma_start3A_587, %dma_start3A_588] : memref<2x128x128xf32, #tpu.memory_space<vmem>> -> memref<1x128x128xf32, #tpu.memory_space<vmem>>
      %dma_start3A_590 = tpu.memref_squeeze %dma_start3A_589 : memref<1x128x128xf32, #tpu.memory_space<vmem>> -> memref<128x128xf32, #tpu.memory_space<vmem>>
      %dma_start3A_591 = arith.constant 0 : i32
      %dma_start3A_592 = tpu.memref_slice %arg6[%select_n3A_101, %dma_start3A_584, %dma_start3A_585, %dma_start3A_591] : memref<2x2x16x128xi32, #tpu.memory_space<vmem>> -> memref<1x1x1x128xi32, #tpu.memory_space<vmem>>
      %dma_start3A_593 = tpu.memref_squeeze %dma_start3A_592 : memref<1x1x1x128xi32, #tpu.memory_space<vmem>> -> memref<128xi32, #tpu.memory_space<vmem>>
      %dma_start3A_594 = arith.constant 0 : i32
      %dma_start3A_595 = arith.constant 0 : i32
      %dma_start3A_596 = tpu.memref_slice %arg2[%dma_start3A_594, %dma_start3A_595] : memref<10000x128xf32, #tpu.memory_space<hbm>> -> memref<10000x128xf32, #tpu.memory_space<hbm>>
      tpu.enqueue_indirect_dma source(%dma_start3A_596 : memref<10000x128xf32, #tpu.memory_space<hbm>>) target(%dma_start3A_590 : memref<128x128xf32, #tpu.memory_space<vmem>>) offsets(%dma_start3A_593 : memref<128xi32, #tpu.memory_space<vmem>>) semaphore(%arg11 : memref<!tpu.dma_semaphore, #tpu.memory_space<semaphore_mem>>)
      %dma_wait3A_597 = arith.constant 0 : i32
      %dma_wait3A_598 = arith.constant 8 : i32
      %dma_wait3A_599 = arith.constant 0 : i32
      %dma_wait3A_600 = arith.constant 0 : i32
      %dma_wait3A_601 = arith.constant 0 : i32
      %dma_wait3A_602 = tpu.memref_slice %arg7[%dma_wait3A_599, %dma_wait3A_600, %dma_wait3A_601] : memref<2x128x128xf32, #tpu.memory_space<vmem>> -> memref<1x128x128xf32, #tpu.memory_space<vmem>>
      %dma_wait3A_603 = tpu.memref_squeeze %dma_wait3A_602 : memref<1x128x128xf32, #tpu.memory_space<vmem>> -> memref<128x128xf32, #tpu.memory_space<vmem>>
      %dma_wait3A_604 = arith.constant 0 : i32
      %dma_wait3A_605 = tpu.memref_slice %arg6[%select_n3A_101, %dma_wait3A_597, %dma_wait3A_598, %dma_wait3A_604] : memref<2x2x16x128xi32, #tpu.memory_space<vmem>> -> memref<1x1x1x128xi32, #tpu.memory_space<vmem>>
      %dma_wait3A_606 = tpu.memref_squeeze %dma_wait3A_605 : memref<1x1x1x128xi32, #tpu.memory_space<vmem>> -> memref<128xi32, #tpu.memory_space<vmem>>
      %dma_wait3A_607 = arith.constant 0 : i32
      %dma_wait3A_608 = arith.constant 0 : i32
      %dma_wait3A_609 = tpu.memref_slice %arg2[%dma_wait3A_607, %dma_wait3A_608] : memref<10000x128xf32, #tpu.memory_space<hbm>> -> memref<10000x128xf32, #tpu.memory_space<hbm>>
      tpu.wait_indirect_dma semaphore(%arg10 : memref<!tpu.dma_semaphore, #tpu.memory_space<semaphore_mem>>) src(%dma_wait3A_609 : memref<10000x128xf32, #tpu.memory_space<hbm>>) dst(%dma_wait3A_603 : memref<128x128xf32, #tpu.memory_space<vmem>>)
      %dma_start3A_610 = arith.constant 0 : i32
      %dma_start3A_611 = arith.constant 1 : i32
      %dma_start3A_612 = arith.constant 8 : i32
      %dma_start3A_613 = arith.constant 0 : i32
      %dma_start3A_614 = arith.constant 0 : i32
      %dma_start3A_615 = tpu.memref_slice %arg7[%dma_start3A_610, %dma_start3A_613, %dma_start3A_614] : memref<2x128x128xf32, #tpu.memory_space<vmem>> -> memref<1x128x128xf32, #tpu.memory_space<vmem>>
      %dma_start3A_616 = tpu.memref_squeeze %dma_start3A_615 : memref<1x128x128xf32, #tpu.memory_space<vmem>> -> memref<128x128xf32, #tpu.memory_space<vmem>>
      %dma_start3A_617 = arith.constant 0 : i32
      %dma_start3A_618 = tpu.memref_slice %arg6[%select_n3A_101, %dma_start3A_611, %dma_start3A_612, %dma_start3A_617] : memref<2x2x16x128xi32, #tpu.memory_space<vmem>> -> memref<1x1x1x128xi32, #tpu.memory_space<vmem>>
      %dma_start3A_619 = tpu.memref_squeeze %dma_start3A_618 : memref<1x1x1x128xi32, #tpu.memory_space<vmem>> -> memref<128xi32, #tpu.memory_space<vmem>>
      %dma_start3A_620 = arith.constant 0 : i32
      %dma_start3A_621 = arith.constant 0 : i32
      %dma_start3A_622 = tpu.memref_slice %arg8[%dma_start3A_620, %dma_start3A_621] : memref<10112x128xf32, #tpu.memory_space<vmem_shared>> -> memref<10112x128xf32, #tpu.memory_space<vmem_shared>>
      tpu.enqueue_indirect_dma source(%dma_start3A_616 : memref<128x128xf32, #tpu.memory_space<vmem>>) target(%dma_start3A_622 : memref<10112x128xf32, #tpu.memory_space<vmem_shared>>) offsets(%dma_start3A_619 : memref<128xi32, #tpu.memory_space<vmem>>) semaphore(%arg12 : memref<!tpu.dma_semaphore, #tpu.memory_space<semaphore_mem>>) {add = true}
      %dma_wait3A_623 = arith.constant 0 : i32
      %dma_wait3A_624 = arith.constant 0 : i32
      %dma_wait3A_625 = arith.constant 1 : i32
      %dma_wait3A_626 = arith.constant 0 : i32
      %dma_wait3A_627 = arith.constant 0 : i32
      %dma_wait3A_628 = arith.constant 0 : i32
      %dma_wait3A_629 = tpu.memref_slice %arg7[%dma_wait3A_623, %dma_wait3A_627, %dma_wait3A_628] : memref<2x128x128xf32, #tpu.memory_space<vmem>> -> memref<1x128x128xf32, #tpu.memory_space<vmem>>
      %dma_wait3A_630 = tpu.memref_squeeze %dma_wait3A_629 : memref<1x128x128xf32, #tpu.memory_space<vmem>> -> memref<128x128xf32, #tpu.memory_space<vmem>>
      %dma_wait3A_631 = arith.constant 0 : i32
      %dma_wait3A_632 = tpu.memref_slice %arg6[%dma_wait3A_624, %dma_wait3A_625, %dma_wait3A_626, %dma_wait3A_631] : memref<2x2x16x128xi32, #tpu.memory_space<vmem>> -> memref<1x1x1x128xi32, #tpu.memory_space<vmem>>
      %dma_wait3A_633 = tpu.memref_squeeze %dma_wait3A_632 : memref<1x1x1x128xi32, #tpu.memory_space<vmem>> -> memref<128xi32, #tpu.memory_space<vmem>>
      %dma_wait3A_634 = arith.constant 0 : i32
      %dma_wait3A_635 = arith.constant 0 : i32
      %dma_wait3A_636 = tpu.memref_slice %arg8[%dma_wait3A_634, %dma_wait3A_635] : memref<10112x128xf32, #tpu.memory_space<vmem_shared>> -> memref<10112x128xf32, #tpu.memory_space<vmem_shared>>
      tpu.wait_indirect_dma semaphore(%arg12 : memref<!tpu.dma_semaphore, #tpu.memory_space<semaphore_mem>>) src(%dma_wait3A_630 : memref<128x128xf32, #tpu.memory_space<vmem>>) dst(%dma_wait3A_636 : memref<10112x128xf32, #tpu.memory_space<vmem_shared>>)
      %dma_start3A_637 = arith.constant 0 : i32
      %dma_start3A_638 = arith.constant 10 : i32
      %dma_start3A_639 = arith.constant 0 : i32
      %dma_start3A_640 = arith.constant 0 : i32
      %dma_start3A_641 = arith.constant 0 : i32
      %dma_start3A_642 = tpu.memref_slice %arg7[%dma_start3A_639, %dma_start3A_640, %dma_start3A_641] : memref<2x128x128xf32, #tpu.memory_space<vmem>> -> memref<1x128x128xf32, #tpu.memory_space<vmem>>
      %dma_start3A_643 = tpu.memref_squeeze %dma_start3A_642 : memref<1x128x128xf32, #tpu.memory_space<vmem>> -> memref<128x128xf32, #tpu.memory_space<vmem>>
      %dma_start3A_644 = arith.constant 0 : i32
      %dma_start3A_645 = tpu.memref_slice %arg6[%select_n3A_101, %dma_start3A_637, %dma_start3A_638, %dma_start3A_644] : memref<2x2x16x128xi32, #tpu.memory_space<vmem>> -> memref<1x1x1x128xi32, #tpu.memory_space<vmem>>
      %dma_start3A_646 = tpu.memref_squeeze %dma_start3A_645 : memref<1x1x1x128xi32, #tpu.memory_space<vmem>> -> memref<128xi32, #tpu.memory_space<vmem>>
      %dma_start3A_647 = arith.constant 0 : i32
      %dma_start3A_648 = arith.constant 0 : i32
      %dma_start3A_649 = tpu.memref_slice %arg2[%dma_start3A_647, %dma_start3A_648] : memref<10000x128xf32, #tpu.memory_space<hbm>> -> memref<10000x128xf32, #tpu.memory_space<hbm>>
      tpu.enqueue_indirect_dma source(%dma_start3A_649 : memref<10000x128xf32, #tpu.memory_space<hbm>>) target(%dma_start3A_643 : memref<128x128xf32, #tpu.memory_space<vmem>>) offsets(%dma_start3A_646 : memref<128xi32, #tpu.memory_space<vmem>>) semaphore(%arg10 : memref<!tpu.dma_semaphore, #tpu.memory_space<semaphore_mem>>)
      %dma_wait3A_650 = arith.constant 0 : i32
      %dma_wait3A_651 = arith.constant 9 : i32
      %dma_wait3A_652 = arith.constant 1 : i32
      %dma_wait3A_653 = arith.constant 0 : i32
      %dma_wait3A_654 = arith.constant 0 : i32
      %dma_wait3A_655 = tpu.memref_slice %arg7[%dma_wait3A_652, %dma_wait3A_653, %dma_wait3A_654] : memref<2x128x128xf32, #tpu.memory_space<vmem>> -> memref<1x128x128xf32, #tpu.memory_space<vmem>>
      %dma_wait3A_656 = tpu.memref_squeeze %dma_wait3A_655 : memref<1x128x128xf32, #tpu.memory_space<vmem>> -> memref<128x128xf32, #tpu.memory_space<vmem>>
      %dma_wait3A_657 = arith.constant 0 : i32
      %dma_wait3A_658 = tpu.memref_slice %arg6[%select_n3A_101, %dma_wait3A_650, %dma_wait3A_651, %dma_wait3A_657] : memref<2x2x16x128xi32, #tpu.memory_space<vmem>> -> memref<1x1x1x128xi32, #tpu.memory_space<vmem>>
      %dma_wait3A_659 = tpu.memref_squeeze %dma_wait3A_658 : memref<1x1x1x128xi32, #tpu.memory_space<vmem>> -> memref<128xi32, #tpu.memory_space<vmem>>
      %dma_wait3A_660 = arith.constant 0 : i32
      %dma_wait3A_661 = arith.constant 0 : i32
      %dma_wait3A_662 = tpu.memref_slice %arg2[%dma_wait3A_660, %dma_wait3A_661] : memref<10000x128xf32, #tpu.memory_space<hbm>> -> memref<10000x128xf32, #tpu.memory_space<hbm>>
      tpu.wait_indirect_dma semaphore(%arg11 : memref<!tpu.dma_semaphore, #tpu.memory_space<semaphore_mem>>) src(%dma_wait3A_662 : memref<10000x128xf32, #tpu.memory_space<hbm>>) dst(%dma_wait3A_656 : memref<128x128xf32, #tpu.memory_space<vmem>>)
      %dma_start3A_663 = arith.constant 1 : i32
      %dma_start3A_664 = arith.constant 1 : i32
      %dma_start3A_665 = arith.constant 9 : i32
      %dma_start3A_666 = arith.constant 0 : i32
      %dma_start3A_667 = arith.constant 0 : i32
      %dma_start3A_668 = tpu.memref_slice %arg7[%dma_start3A_663, %dma_start3A_666, %dma_start3A_667] : memref<2x128x128xf32, #tpu.memory_space<vmem>> -> memref<1x128x128xf32, #tpu.memory_space<vmem>>
      %dma_start3A_669 = tpu.memref_squeeze %dma_start3A_668 : memref<1x128x128xf32, #tpu.memory_space<vmem>> -> memref<128x128xf32, #tpu.memory_space<vmem>>
      %dma_start3A_670 = arith.constant 0 : i32
      %dma_start3A_671 = tpu.memref_slice %arg6[%select_n3A_101, %dma_start3A_664, %dma_start3A_665, %dma_start3A_670] : memref<2x2x16x128xi32, #tpu.memory_space<vmem>> -> memref<1x1x1x128xi32, #tpu.memory_space<vmem>>
      %dma_start3A_672 = tpu.memref_squeeze %dma_start3A_671 : memref<1x1x1x128xi32, #tpu.memory_space<vmem>> -> memref<128xi32, #tpu.memory_space<vmem>>
      %dma_start3A_673 = arith.constant 0 : i32
      %dma_start3A_674 = arith.constant 0 : i32
      %dma_start3A_675 = tpu.memref_slice %arg8[%dma_start3A_673, %dma_start3A_674] : memref<10112x128xf32, #tpu.memory_space<vmem_shared>> -> memref<10112x128xf32, #tpu.memory_space<vmem_shared>>
      tpu.enqueue_indirect_dma source(%dma_start3A_669 : memref<128x128xf32, #tpu.memory_space<vmem>>) target(%dma_start3A_675 : memref<10112x128xf32, #tpu.memory_space<vmem_shared>>) offsets(%dma_start3A_672 : memref<128xi32, #tpu.memory_space<vmem>>) semaphore(%arg13 : memref<!tpu.dma_semaphore, #tpu.memory_space<semaphore_mem>>) {add = true}
      %dma_wait3A_676 = arith.constant 1 : i32
      %dma_wait3A_677 = arith.constant 0 : i32
      %dma_wait3A_678 = arith.constant 1 : i32
      %dma_wait3A_679 = arith.constant 0 : i32
      %dma_wait3A_680 = arith.constant 0 : i32
      %dma_wait3A_681 = arith.constant 0 : i32
      %dma_wait3A_682 = tpu.memref_slice %arg7[%dma_wait3A_676, %dma_wait3A_680, %dma_wait3A_681] : memref<2x128x128xf32, #tpu.memory_space<vmem>> -> memref<1x128x128xf32, #tpu.memory_space<vmem>>
      %dma_wait3A_683 = tpu.memref_squeeze %dma_wait3A_682 : memref<1x128x128xf32, #tpu.memory_space<vmem>> -> memref<128x128xf32, #tpu.memory_space<vmem>>
      %dma_wait3A_684 = arith.constant 0 : i32
      %dma_wait3A_685 = tpu.memref_slice %arg6[%dma_wait3A_677, %dma_wait3A_678, %dma_wait3A_679, %dma_wait3A_684] : memref<2x2x16x128xi32, #tpu.memory_space<vmem>> -> memref<1x1x1x128xi32, #tpu.memory_space<vmem>>
      %dma_wait3A_686 = tpu.memref_squeeze %dma_wait3A_685 : memref<1x1x1x128xi32, #tpu.memory_space<vmem>> -> memref<128xi32, #tpu.memory_space<vmem>>
      %dma_wait3A_687 = arith.constant 0 : i32
      %dma_wait3A_688 = arith.constant 0 : i32
      %dma_wait3A_689 = tpu.memref_slice %arg8[%dma_wait3A_687, %dma_wait3A_688] : memref<10112x128xf32, #tpu.memory_space<vmem_shared>> -> memref<10112x128xf32, #tpu.memory_space<vmem_shared>>
      tpu.wait_indirect_dma semaphore(%arg13 : memref<!tpu.dma_semaphore, #tpu.memory_space<semaphore_mem>>) src(%dma_wait3A_683 : memref<128x128xf32, #tpu.memory_space<vmem>>) dst(%dma_wait3A_689 : memref<10112x128xf32, #tpu.memory_space<vmem_shared>>)
      %dma_start3A_690 = arith.constant 0 : i32
      %dma_start3A_691 = arith.constant 11 : i32
      %dma_start3A_692 = arith.constant 1 : i32
      %dma_start3A_693 = arith.constant 0 : i32
      %dma_start3A_694 = arith.constant 0 : i32
      %dma_start3A_695 = tpu.memref_slice %arg7[%dma_start3A_692, %dma_start3A_693, %dma_start3A_694] : memref<2x128x128xf32, #tpu.memory_space<vmem>> -> memref<1x128x128xf32, #tpu.memory_space<vmem>>
      %dma_start3A_696 = tpu.memref_squeeze %dma_start3A_695 : memref<1x128x128xf32, #tpu.memory_space<vmem>> -> memref<128x128xf32, #tpu.memory_space<vmem>>
      %dma_start3A_697 = arith.constant 0 : i32
      %dma_start3A_698 = tpu.memref_slice %arg6[%select_n3A_101, %dma_start3A_690, %dma_start3A_691, %dma_start3A_697] : memref<2x2x16x128xi32, #tpu.memory_space<vmem>> -> memref<1x1x1x128xi32, #tpu.memory_space<vmem>>
      %dma_start3A_699 = tpu.memref_squeeze %dma_start3A_698 : memref<1x1x1x128xi32, #tpu.memory_space<vmem>> -> memref<128xi32, #tpu.memory_space<vmem>>
      %dma_start3A_700 = arith.constant 0 : i32
      %dma_start3A_701 = arith.constant 0 : i32
      %dma_start3A_702 = tpu.memref_slice %arg2[%dma_start3A_700, %dma_start3A_701] : memref<10000x128xf32, #tpu.memory_space<hbm>> -> memref<10000x128xf32, #tpu.memory_space<hbm>>
      tpu.enqueue_indirect_dma source(%dma_start3A_702 : memref<10000x128xf32, #tpu.memory_space<hbm>>) target(%dma_start3A_696 : memref<128x128xf32, #tpu.memory_space<vmem>>) offsets(%dma_start3A_699 : memref<128xi32, #tpu.memory_space<vmem>>) semaphore(%arg11 : memref<!tpu.dma_semaphore, #tpu.memory_space<semaphore_mem>>)
      %dma_wait3A_703 = arith.constant 0 : i32
      %dma_wait3A_704 = arith.constant 10 : i32
      %dma_wait3A_705 = arith.constant 0 : i32
      %dma_wait3A_706 = arith.constant 0 : i32
      %dma_wait3A_707 = arith.constant 0 : i32
      %dma_wait3A_708 = tpu.memref_slice %arg7[%dma_wait3A_705, %dma_wait3A_706, %dma_wait3A_707] : memref<2x128x128xf32, #tpu.memory_space<vmem>> -> memref<1x128x128xf32, #tpu.memory_space<vmem>>
      %dma_wait3A_709 = tpu.memref_squeeze %dma_wait3A_708 : memref<1x128x128xf32, #tpu.memory_space<vmem>> -> memref<128x128xf32, #tpu.memory_space<vmem>>
      %dma_wait3A_710 = arith.constant 0 : i32
      %dma_wait3A_711 = tpu.memref_slice %arg6[%select_n3A_101, %dma_wait3A_703, %dma_wait3A_704, %dma_wait3A_710] : memref<2x2x16x128xi32, #tpu.memory_space<vmem>> -> memref<1x1x1x128xi32, #tpu.memory_space<vmem>>
      %dma_wait3A_712 = tpu.memref_squeeze %dma_wait3A_711 : memref<1x1x1x128xi32, #tpu.memory_space<vmem>> -> memref<128xi32, #tpu.memory_space<vmem>>
      %dma_wait3A_713 = arith.constant 0 : i32
      %dma_wait3A_714 = arith.constant 0 : i32
      %dma_wait3A_715 = tpu.memref_slice %arg2[%dma_wait3A_713, %dma_wait3A_714] : memref<10000x128xf32, #tpu.memory_space<hbm>> -> memref<10000x128xf32, #tpu.memory_space<hbm>>
      tpu.wait_indirect_dma semaphore(%arg10 : memref<!tpu.dma_semaphore, #tpu.memory_space<semaphore_mem>>) src(%dma_wait3A_715 : memref<10000x128xf32, #tpu.memory_space<hbm>>) dst(%dma_wait3A_709 : memref<128x128xf32, #tpu.memory_space<vmem>>)
      %dma_start3A_716 = arith.constant 0 : i32
      %dma_start3A_717 = arith.constant 1 : i32
      %dma_start3A_718 = arith.constant 10 : i32
      %dma_start3A_719 = arith.constant 0 : i32
      %dma_start3A_720 = arith.constant 0 : i32
      %dma_start3A_721 = tpu.memref_slice %arg7[%dma_start3A_716, %dma_start3A_719, %dma_start3A_720] : memref<2x128x128xf32, #tpu.memory_space<vmem>> -> memref<1x128x128xf32, #tpu.memory_space<vmem>>
      %dma_start3A_722 = tpu.memref_squeeze %dma_start3A_721 : memref<1x128x128xf32, #tpu.memory_space<vmem>> -> memref<128x128xf32, #tpu.memory_space<vmem>>
      %dma_start3A_723 = arith.constant 0 : i32
      %dma_start3A_724 = tpu.memref_slice %arg6[%select_n3A_101, %dma_start3A_717, %dma_start3A_718, %dma_start3A_723] : memref<2x2x16x128xi32, #tpu.memory_space<vmem>> -> memref<1x1x1x128xi32, #tpu.memory_space<vmem>>
      %dma_start3A_725 = tpu.memref_squeeze %dma_start3A_724 : memref<1x1x1x128xi32, #tpu.memory_space<vmem>> -> memref<128xi32, #tpu.memory_space<vmem>>
      %dma_start3A_726 = arith.constant 0 : i32
      %dma_start3A_727 = arith.constant 0 : i32
      %dma_start3A_728 = tpu.memref_slice %arg8[%dma_start3A_726, %dma_start3A_727] : memref<10112x128xf32, #tpu.memory_space<vmem_shared>> -> memref<10112x128xf32, #tpu.memory_space<vmem_shared>>
      tpu.enqueue_indirect_dma source(%dma_start3A_722 : memref<128x128xf32, #tpu.memory_space<vmem>>) target(%dma_start3A_728 : memref<10112x128xf32, #tpu.memory_space<vmem_shared>>) offsets(%dma_start3A_725 : memref<128xi32, #tpu.memory_space<vmem>>) semaphore(%arg12 : memref<!tpu.dma_semaphore, #tpu.memory_space<semaphore_mem>>) {add = true}
      %dma_wait3A_729 = arith.constant 0 : i32
      %dma_wait3A_730 = arith.constant 0 : i32
      %dma_wait3A_731 = arith.constant 1 : i32
      %dma_wait3A_732 = arith.constant 0 : i32
      %dma_wait3A_733 = arith.constant 0 : i32
      %dma_wait3A_734 = arith.constant 0 : i32
      %dma_wait3A_735 = tpu.memref_slice %arg7[%dma_wait3A_729, %dma_wait3A_733, %dma_wait3A_734] : memref<2x128x128xf32, #tpu.memory_space<vmem>> -> memref<1x128x128xf32, #tpu.memory_space<vmem>>
      %dma_wait3A_736 = tpu.memref_squeeze %dma_wait3A_735 : memref<1x128x128xf32, #tpu.memory_space<vmem>> -> memref<128x128xf32, #tpu.memory_space<vmem>>
      %dma_wait3A_737 = arith.constant 0 : i32
      %dma_wait3A_738 = tpu.memref_slice %arg6[%dma_wait3A_730, %dma_wait3A_731, %dma_wait3A_732, %dma_wait3A_737] : memref<2x2x16x128xi32, #tpu.memory_space<vmem>> -> memref<1x1x1x128xi32, #tpu.memory_space<vmem>>
      %dma_wait3A_739 = tpu.memref_squeeze %dma_wait3A_738 : memref<1x1x1x128xi32, #tpu.memory_space<vmem>> -> memref<128xi32, #tpu.memory_space<vmem>>
      %dma_wait3A_740 = arith.constant 0 : i32
      %dma_wait3A_741 = arith.constant 0 : i32
      %dma_wait3A_742 = tpu.memref_slice %arg8[%dma_wait3A_740, %dma_wait3A_741] : memref<10112x128xf32, #tpu.memory_space<vmem_shared>> -> memref<10112x128xf32, #tpu.memory_space<vmem_shared>>
      tpu.wait_indirect_dma semaphore(%arg12 : memref<!tpu.dma_semaphore, #tpu.memory_space<semaphore_mem>>) src(%dma_wait3A_736 : memref<128x128xf32, #tpu.memory_space<vmem>>) dst(%dma_wait3A_742 : memref<10112x128xf32, #tpu.memory_space<vmem_shared>>)
      %dma_start3A_743 = arith.constant 0 : i32
      %dma_start3A_744 = arith.constant 12 : i32
      %dma_start3A_745 = arith.constant 0 : i32
      %dma_start3A_746 = arith.constant 0 : i32
      %dma_start3A_747 = arith.constant 0 : i32
      %dma_start3A_748 = tpu.memref_slice %arg7[%dma_start3A_745, %dma_start3A_746, %dma_start3A_747] : memref<2x128x128xf32, #tpu.memory_space<vmem>> -> memref<1x128x128xf32, #tpu.memory_space<vmem>>
      %dma_start3A_749 = tpu.memref_squeeze %dma_start3A_748 : memref<1x128x128xf32, #tpu.memory_space<vmem>> -> memref<128x128xf32, #tpu.memory_space<vmem>>
      %dma_start3A_750 = arith.constant 0 : i32
      %dma_start3A_751 = tpu.memref_slice %arg6[%select_n3A_101, %dma_start3A_743, %dma_start3A_744, %dma_start3A_750] : memref<2x2x16x128xi32, #tpu.memory_space<vmem>> -> memref<1x1x1x128xi32, #tpu.memory_space<vmem>>
      %dma_start3A_752 = tpu.memref_squeeze %dma_start3A_751 : memref<1x1x1x128xi32, #tpu.memory_space<vmem>> -> memref<128xi32, #tpu.memory_space<vmem>>
      %dma_start3A_753 = arith.constant 0 : i32
      %dma_start3A_754 = arith.constant 0 : i32
      %dma_start3A_755 = tpu.memref_slice %arg2[%dma_start3A_753, %dma_start3A_754] : memref<10000x128xf32, #tpu.memory_space<hbm>> -> memref<10000x128xf32, #tpu.memory_space<hbm>>
      tpu.enqueue_indirect_dma source(%dma_start3A_755 : memref<10000x128xf32, #tpu.memory_space<hbm>>) target(%dma_start3A_749 : memref<128x128xf32, #tpu.memory_space<vmem>>) offsets(%dma_start3A_752 : memref<128xi32, #tpu.memory_space<vmem>>) semaphore(%arg10 : memref<!tpu.dma_semaphore, #tpu.memory_space<semaphore_mem>>)
      %dma_wait3A_756 = arith.constant 0 : i32
      %dma_wait3A_757 = arith.constant 11 : i32
      %dma_wait3A_758 = arith.constant 1 : i32
      %dma_wait3A_759 = arith.constant 0 : i32
      %dma_wait3A_760 = arith.constant 0 : i32
      %dma_wait3A_761 = tpu.memref_slice %arg7[%dma_wait3A_758, %dma_wait3A_759, %dma_wait3A_760] : memref<2x128x128xf32, #tpu.memory_space<vmem>> -> memref<1x128x128xf32, #tpu.memory_space<vmem>>
      %dma_wait3A_762 = tpu.memref_squeeze %dma_wait3A_761 : memref<1x128x128xf32, #tpu.memory_space<vmem>> -> memref<128x128xf32, #tpu.memory_space<vmem>>
      %dma_wait3A_763 = arith.constant 0 : i32
      %dma_wait3A_764 = tpu.memref_slice %arg6[%select_n3A_101, %dma_wait3A_756, %dma_wait3A_757, %dma_wait3A_763] : memref<2x2x16x128xi32, #tpu.memory_space<vmem>> -> memref<1x1x1x128xi32, #tpu.memory_space<vmem>>
      %dma_wait3A_765 = tpu.memref_squeeze %dma_wait3A_764 : memref<1x1x1x128xi32, #tpu.memory_space<vmem>> -> memref<128xi32, #tpu.memory_space<vmem>>
      %dma_wait3A_766 = arith.constant 0 : i32
      %dma_wait3A_767 = arith.constant 0 : i32
      %dma_wait3A_768 = tpu.memref_slice %arg2[%dma_wait3A_766, %dma_wait3A_767] : memref<10000x128xf32, #tpu.memory_space<hbm>> -> memref<10000x128xf32, #tpu.memory_space<hbm>>
      tpu.wait_indirect_dma semaphore(%arg11 : memref<!tpu.dma_semaphore, #tpu.memory_space<semaphore_mem>>) src(%dma_wait3A_768 : memref<10000x128xf32, #tpu.memory_space<hbm>>) dst(%dma_wait3A_762 : memref<128x128xf32, #tpu.memory_space<vmem>>)
      %dma_start3A_769 = arith.constant 1 : i32
      %dma_start3A_770 = arith.constant 1 : i32
      %dma_start3A_771 = arith.constant 11 : i32
      %dma_start3A_772 = arith.constant 0 : i32
      %dma_start3A_773 = arith.constant 0 : i32
      %dma_start3A_774 = tpu.memref_slice %arg7[%dma_start3A_769, %dma_start3A_772, %dma_start3A_773] : memref<2x128x128xf32, #tpu.memory_space<vmem>> -> memref<1x128x128xf32, #tpu.memory_space<vmem>>
      %dma_start3A_775 = tpu.memref_squeeze %dma_start3A_774 : memref<1x128x128xf32, #tpu.memory_space<vmem>> -> memref<128x128xf32, #tpu.memory_space<vmem>>
      %dma_start3A_776 = arith.constant 0 : i32
      %dma_start3A_777 = tpu.memref_slice %arg6[%select_n3A_101, %dma_start3A_770, %dma_start3A_771, %dma_start3A_776] : memref<2x2x16x128xi32, #tpu.memory_space<vmem>> -> memref<1x1x1x128xi32, #tpu.memory_space<vmem>>
      %dma_start3A_778 = tpu.memref_squeeze %dma_start3A_777 : memref<1x1x1x128xi32, #tpu.memory_space<vmem>> -> memref<128xi32, #tpu.memory_space<vmem>>
      %dma_start3A_779 = arith.constant 0 : i32
      %dma_start3A_780 = arith.constant 0 : i32
      %dma_start3A_781 = tpu.memref_slice %arg8[%dma_start3A_779, %dma_start3A_780] : memref<10112x128xf32, #tpu.memory_space<vmem_shared>> -> memref<10112x128xf32, #tpu.memory_space<vmem_shared>>
      tpu.enqueue_indirect_dma source(%dma_start3A_775 : memref<128x128xf32, #tpu.memory_space<vmem>>) target(%dma_start3A_781 : memref<10112x128xf32, #tpu.memory_space<vmem_shared>>) offsets(%dma_start3A_778 : memref<128xi32, #tpu.memory_space<vmem>>) semaphore(%arg13 : memref<!tpu.dma_semaphore, #tpu.memory_space<semaphore_mem>>) {add = true}
      %dma_wait3A_782 = arith.constant 1 : i32
      %dma_wait3A_783 = arith.constant 0 : i32
      %dma_wait3A_784 = arith.constant 1 : i32
      %dma_wait3A_785 = arith.constant 0 : i32
      %dma_wait3A_786 = arith.constant 0 : i32
      %dma_wait3A_787 = arith.constant 0 : i32
      %dma_wait3A_788 = tpu.memref_slice %arg7[%dma_wait3A_782, %dma_wait3A_786, %dma_wait3A_787] : memref<2x128x128xf32, #tpu.memory_space<vmem>> -> memref<1x128x128xf32, #tpu.memory_space<vmem>>
      %dma_wait3A_789 = tpu.memref_squeeze %dma_wait3A_788 : memref<1x128x128xf32, #tpu.memory_space<vmem>> -> memref<128x128xf32, #tpu.memory_space<vmem>>
      %dma_wait3A_790 = arith.constant 0 : i32
      %dma_wait3A_791 = tpu.memref_slice %arg6[%dma_wait3A_783, %dma_wait3A_784, %dma_wait3A_785, %dma_wait3A_790] : memref<2x2x16x128xi32, #tpu.memory_space<vmem>> -> memref<1x1x1x128xi32, #tpu.memory_space<vmem>>
      %dma_wait3A_792 = tpu.memref_squeeze %dma_wait3A_791 : memref<1x1x1x128xi32, #tpu.memory_space<vmem>> -> memref<128xi32, #tpu.memory_space<vmem>>
      %dma_wait3A_793 = arith.constant 0 : i32
      %dma_wait3A_794 = arith.constant 0 : i32
      %dma_wait3A_795 = tpu.memref_slice %arg8[%dma_wait3A_793, %dma_wait3A_794] : memref<10112x128xf32, #tpu.memory_space<vmem_shared>> -> memref<10112x128xf32, #tpu.memory_space<vmem_shared>>
      tpu.wait_indirect_dma semaphore(%arg13 : memref<!tpu.dma_semaphore, #tpu.memory_space<semaphore_mem>>) src(%dma_wait3A_789 : memref<128x128xf32, #tpu.memory_space<vmem>>) dst(%dma_wait3A_795 : memref<10112x128xf32, #tpu.memory_space<vmem_shared>>)
      %dma_start3A_796 = arith.constant 0 : i32
      %dma_start3A_797 = arith.constant 13 : i32
      %dma_start3A_798 = arith.constant 1 : i32
      %dma_start3A_799 = arith.constant 0 : i32
      %dma_start3A_800 = arith.constant 0 : i32
      %dma_start3A_801 = tpu.memref_slice %arg7[%dma_start3A_798, %dma_start3A_799, %dma_start3A_800] : memref<2x128x128xf32, #tpu.memory_space<vmem>> -> memref<1x128x128xf32, #tpu.memory_space<vmem>>
      %dma_start3A_802 = tpu.memref_squeeze %dma_start3A_801 : memref<1x128x128xf32, #tpu.memory_space<vmem>> -> memref<128x128xf32, #tpu.memory_space<vmem>>
      %dma_start3A_803 = arith.constant 0 : i32
      %dma_start3A_804 = tpu.memref_slice %arg6[%select_n3A_101, %dma_start3A_796, %dma_start3A_797, %dma_start3A_803] : memref<2x2x16x128xi32, #tpu.memory_space<vmem>> -> memref<1x1x1x128xi32, #tpu.memory_space<vmem>>
      %dma_start3A_805 = tpu.memref_squeeze %dma_start3A_804 : memref<1x1x1x128xi32, #tpu.memory_space<vmem>> -> memref<128xi32, #tpu.memory_space<vmem>>
      %dma_start3A_806 = arith.constant 0 : i32
      %dma_start3A_807 = arith.constant 0 : i32
      %dma_start3A_808 = tpu.memref_slice %arg2[%dma_start3A_806, %dma_start3A_807] : memref<10000x128xf32, #tpu.memory_space<hbm>> -> memref<10000x128xf32, #tpu.memory_space<hbm>>
      tpu.enqueue_indirect_dma source(%dma_start3A_808 : memref<10000x128xf32, #tpu.memory_space<hbm>>) target(%dma_start3A_802 : memref<128x128xf32, #tpu.memory_space<vmem>>) offsets(%dma_start3A_805 : memref<128xi32, #tpu.memory_space<vmem>>) semaphore(%arg11 : memref<!tpu.dma_semaphore, #tpu.memory_space<semaphore_mem>>)
      %dma_wait3A_809 = arith.constant 0 : i32
      %dma_wait3A_810 = arith.constant 12 : i32
      %dma_wait3A_811 = arith.constant 0 : i32
      %dma_wait3A_812 = arith.constant 0 : i32
      %dma_wait3A_813 = arith.constant 0 : i32
      %dma_wait3A_814 = tpu.memref_slice %arg7[%dma_wait3A_811, %dma_wait3A_812, %dma_wait3A_813] : memref<2x128x128xf32, #tpu.memory_space<vmem>> -> memref<1x128x128xf32, #tpu.memory_space<vmem>>
      %dma_wait3A_815 = tpu.memref_squeeze %dma_wait3A_814 : memref<1x128x128xf32, #tpu.memory_space<vmem>> -> memref<128x128xf32, #tpu.memory_space<vmem>>
      %dma_wait3A_816 = arith.constant 0 : i32
      %dma_wait3A_817 = tpu.memref_slice %arg6[%select_n3A_101, %dma_wait3A_809, %dma_wait3A_810, %dma_wait3A_816] : memref<2x2x16x128xi32, #tpu.memory_space<vmem>> -> memref<1x1x1x128xi32, #tpu.memory_space<vmem>>
      %dma_wait3A_818 = tpu.memref_squeeze %dma_wait3A_817 : memref<1x1x1x128xi32, #tpu.memory_space<vmem>> -> memref<128xi32, #tpu.memory_space<vmem>>
      %dma_wait3A_819 = arith.constant 0 : i32
      %dma_wait3A_820 = arith.constant 0 : i32
      %dma_wait3A_821 = tpu.memref_slice %arg2[%dma_wait3A_819, %dma_wait3A_820] : memref<10000x128xf32, #tpu.memory_space<hbm>> -> memref<10000x128xf32, #tpu.memory_space<hbm>>
      tpu.wait_indirect_dma semaphore(%arg10 : memref<!tpu.dma_semaphore, #tpu.memory_space<semaphore_mem>>) src(%dma_wait3A_821 : memref<10000x128xf32, #tpu.memory_space<hbm>>) dst(%dma_wait3A_815 : memref<128x128xf32, #tpu.memory_space<vmem>>)
      %dma_start3A_822 = arith.constant 0 : i32
      %dma_start3A_823 = arith.constant 1 : i32
      %dma_start3A_824 = arith.constant 12 : i32
      %dma_start3A_825 = arith.constant 0 : i32
      %dma_start3A_826 = arith.constant 0 : i32
      %dma_start3A_827 = tpu.memref_slice %arg7[%dma_start3A_822, %dma_start3A_825, %dma_start3A_826] : memref<2x128x128xf32, #tpu.memory_space<vmem>> -> memref<1x128x128xf32, #tpu.memory_space<vmem>>
      %dma_start3A_828 = tpu.memref_squeeze %dma_start3A_827 : memref<1x128x128xf32, #tpu.memory_space<vmem>> -> memref<128x128xf32, #tpu.memory_space<vmem>>
      %dma_start3A_829 = arith.constant 0 : i32
      %dma_start3A_830 = tpu.memref_slice %arg6[%select_n3A_101, %dma_start3A_823, %dma_start3A_824, %dma_start3A_829] : memref<2x2x16x128xi32, #tpu.memory_space<vmem>> -> memref<1x1x1x128xi32, #tpu.memory_space<vmem>>
      %dma_start3A_831 = tpu.memref_squeeze %dma_start3A_830 : memref<1x1x1x128xi32, #tpu.memory_space<vmem>> -> memref<128xi32, #tpu.memory_space<vmem>>
      %dma_start3A_832 = arith.constant 0 : i32
      %dma_start3A_833 = arith.constant 0 : i32
      %dma_start3A_834 = tpu.memref_slice %arg8[%dma_start3A_832, %dma_start3A_833] : memref<10112x128xf32, #tpu.memory_space<vmem_shared>> -> memref<10112x128xf32, #tpu.memory_space<vmem_shared>>
      tpu.enqueue_indirect_dma source(%dma_start3A_828 : memref<128x128xf32, #tpu.memory_space<vmem>>) target(%dma_start3A_834 : memref<10112x128xf32, #tpu.memory_space<vmem_shared>>) offsets(%dma_start3A_831 : memref<128xi32, #tpu.memory_space<vmem>>) semaphore(%arg12 : memref<!tpu.dma_semaphore, #tpu.memory_space<semaphore_mem>>) {add = true}
      %dma_wait3A_835 = arith.constant 0 : i32
      %dma_wait3A_836 = arith.constant 0 : i32
      %dma_wait3A_837 = arith.constant 1 : i32
      %dma_wait3A_838 = arith.constant 0 : i32
      %dma_wait3A_839 = arith.constant 0 : i32
      %dma_wait3A_840 = arith.constant 0 : i32
      %dma_wait3A_841 = tpu.memref_slice %arg7[%dma_wait3A_835, %dma_wait3A_839, %dma_wait3A_840] : memref<2x128x128xf32, #tpu.memory_space<vmem>> -> memref<1x128x128xf32, #tpu.memory_space<vmem>>
      %dma_wait3A_842 = tpu.memref_squeeze %dma_wait3A_841 : memref<1x128x128xf32, #tpu.memory_space<vmem>> -> memref<128x128xf32, #tpu.memory_space<vmem>>
      %dma_wait3A_843 = arith.constant 0 : i32
      %dma_wait3A_844 = tpu.memref_slice %arg6[%dma_wait3A_836, %dma_wait3A_837, %dma_wait3A_838, %dma_wait3A_843] : memref<2x2x16x128xi32, #tpu.memory_space<vmem>> -> memref<1x1x1x128xi32, #tpu.memory_space<vmem>>
      %dma_wait3A_845 = tpu.memref_squeeze %dma_wait3A_844 : memref<1x1x1x128xi32, #tpu.memory_space<vmem>> -> memref<128xi32, #tpu.memory_space<vmem>>
      %dma_wait3A_846 = arith.constant 0 : i32
      %dma_wait3A_847 = arith.constant 0 : i32
      %dma_wait3A_848 = tpu.memref_slice %arg8[%dma_wait3A_846, %dma_wait3A_847] : memref<10112x128xf32, #tpu.memory_space<vmem_shared>> -> memref<10112x128xf32, #tpu.memory_space<vmem_shared>>
      tpu.wait_indirect_dma semaphore(%arg12 : memref<!tpu.dma_semaphore, #tpu.memory_space<semaphore_mem>>) src(%dma_wait3A_842 : memref<128x128xf32, #tpu.memory_space<vmem>>) dst(%dma_wait3A_848 : memref<10112x128xf32, #tpu.memory_space<vmem_shared>>)
      %dma_start3A_849 = arith.constant 0 : i32
      %dma_start3A_850 = arith.constant 14 : i32
      %dma_start3A_851 = arith.constant 0 : i32
      %dma_start3A_852 = arith.constant 0 : i32
      %dma_start3A_853 = arith.constant 0 : i32
      %dma_start3A_854 = tpu.memref_slice %arg7[%dma_start3A_851, %dma_start3A_852, %dma_start3A_853] : memref<2x128x128xf32, #tpu.memory_space<vmem>> -> memref<1x128x128xf32, #tpu.memory_space<vmem>>
      %dma_start3A_855 = tpu.memref_squeeze %dma_start3A_854 : memref<1x128x128xf32, #tpu.memory_space<vmem>> -> memref<128x128xf32, #tpu.memory_space<vmem>>
      %dma_start3A_856 = arith.constant 0 : i32
      %dma_start3A_857 = tpu.memref_slice %arg6[%select_n3A_101, %dma_start3A_849, %dma_start3A_850, %dma_start3A_856] : memref<2x2x16x128xi32, #tpu.memory_space<vmem>> -> memref<1x1x1x128xi32, #tpu.memory_space<vmem>>
      %dma_start3A_858 = tpu.memref_squeeze %dma_start3A_857 : memref<1x1x1x128xi32, #tpu.memory_space<vmem>> -> memref<128xi32, #tpu.memory_space<vmem>>
      %dma_start3A_859 = arith.constant 0 : i32
      %dma_start3A_860 = arith.constant 0 : i32
      %dma_start3A_861 = tpu.memref_slice %arg2[%dma_start3A_859, %dma_start3A_860] : memref<10000x128xf32, #tpu.memory_space<hbm>> -> memref<10000x128xf32, #tpu.memory_space<hbm>>
      tpu.enqueue_indirect_dma source(%dma_start3A_861 : memref<10000x128xf32, #tpu.memory_space<hbm>>) target(%dma_start3A_855 : memref<128x128xf32, #tpu.memory_space<vmem>>) offsets(%dma_start3A_858 : memref<128xi32, #tpu.memory_space<vmem>>) semaphore(%arg10 : memref<!tpu.dma_semaphore, #tpu.memory_space<semaphore_mem>>)
      %dma_wait3A_862 = arith.constant 0 : i32
      %dma_wait3A_863 = arith.constant 13 : i32
      %dma_wait3A_864 = arith.constant 1 : i32
      %dma_wait3A_865 = arith.constant 0 : i32
      %dma_wait3A_866 = arith.constant 0 : i32
      %dma_wait3A_867 = tpu.memref_slice %arg7[%dma_wait3A_864, %dma_wait3A_865, %dma_wait3A_866] : memref<2x128x128xf32, #tpu.memory_space<vmem>> -> memref<1x128x128xf32, #tpu.memory_space<vmem>>
      %dma_wait3A_868 = tpu.memref_squeeze %dma_wait3A_867 : memref<1x128x128xf32, #tpu.memory_space<vmem>> -> memref<128x128xf32, #tpu.memory_space<vmem>>
      %dma_wait3A_869 = arith.constant 0 : i32
      %dma_wait3A_870 = tpu.memref_slice %arg6[%select_n3A_101, %dma_wait3A_862, %dma_wait3A_863, %dma_wait3A_869] : memref<2x2x16x128xi32, #tpu.memory_space<vmem>> -> memref<1x1x1x128xi32, #tpu.memory_space<vmem>>
      %dma_wait3A_871 = tpu.memref_squeeze %dma_wait3A_870 : memref<1x1x1x128xi32, #tpu.memory_space<vmem>> -> memref<128xi32, #tpu.memory_space<vmem>>
      %dma_wait3A_872 = arith.constant 0 : i32
      %dma_wait3A_873 = arith.constant 0 : i32
      %dma_wait3A_874 = tpu.memref_slice %arg2[%dma_wait3A_872, %dma_wait3A_873] : memref<10000x128xf32, #tpu.memory_space<hbm>> -> memref<10000x128xf32, #tpu.memory_space<hbm>>
      tpu.wait_indirect_dma semaphore(%arg11 : memref<!tpu.dma_semaphore, #tpu.memory_space<semaphore_mem>>) src(%dma_wait3A_874 : memref<10000x128xf32, #tpu.memory_space<hbm>>) dst(%dma_wait3A_868 : memref<128x128xf32, #tpu.memory_space<vmem>>)
      %dma_start3A_875 = arith.constant 1 : i32
      %dma_start3A_876 = arith.constant 1 : i32
      %dma_start3A_877 = arith.constant 13 : i32
      %dma_start3A_878 = arith.constant 0 : i32
      %dma_start3A_879 = arith.constant 0 : i32
      %dma_start3A_880 = tpu.memref_slice %arg7[%dma_start3A_875, %dma_start3A_878, %dma_start3A_879] : memref<2x128x128xf32, #tpu.memory_space<vmem>> -> memref<1x128x128xf32, #tpu.memory_space<vmem>>
      %dma_start3A_881 = tpu.memref_squeeze %dma_start3A_880 : memref<1x128x128xf32, #tpu.memory_space<vmem>> -> memref<128x128xf32, #tpu.memory_space<vmem>>
      %dma_start3A_882 = arith.constant 0 : i32
      %dma_start3A_883 = tpu.memref_slice %arg6[%select_n3A_101, %dma_start3A_876, %dma_start3A_877, %dma_start3A_882] : memref<2x2x16x128xi32, #tpu.memory_space<vmem>> -> memref<1x1x1x128xi32, #tpu.memory_space<vmem>>
      %dma_start3A_884 = tpu.memref_squeeze %dma_start3A_883 : memref<1x1x1x128xi32, #tpu.memory_space<vmem>> -> memref<128xi32, #tpu.memory_space<vmem>>
      %dma_start3A_885 = arith.constant 0 : i32
      %dma_start3A_886 = arith.constant 0 : i32
      %dma_start3A_887 = tpu.memref_slice %arg8[%dma_start3A_885, %dma_start3A_886] : memref<10112x128xf32, #tpu.memory_space<vmem_shared>> -> memref<10112x128xf32, #tpu.memory_space<vmem_shared>>
      tpu.enqueue_indirect_dma source(%dma_start3A_881 : memref<128x128xf32, #tpu.memory_space<vmem>>) target(%dma_start3A_887 : memref<10112x128xf32, #tpu.memory_space<vmem_shared>>) offsets(%dma_start3A_884 : memref<128xi32, #tpu.memory_space<vmem>>) semaphore(%arg13 : memref<!tpu.dma_semaphore, #tpu.memory_space<semaphore_mem>>) {add = true}
      %dma_wait3A_888 = arith.constant 1 : i32
      %dma_wait3A_889 = arith.constant 0 : i32
      %dma_wait3A_890 = arith.constant 1 : i32
      %dma_wait3A_891 = arith.constant 0 : i32
      %dma_wait3A_892 = arith.constant 0 : i32
      %dma_wait3A_893 = arith.constant 0 : i32
      %dma_wait3A_894 = tpu.memref_slice %arg7[%dma_wait3A_888, %dma_wait3A_892, %dma_wait3A_893] : memref<2x128x128xf32, #tpu.memory_space<vmem>> -> memref<1x128x128xf32, #tpu.memory_space<vmem>>
      %dma_wait3A_895 = tpu.memref_squeeze %dma_wait3A_894 : memref<1x128x128xf32, #tpu.memory_space<vmem>> -> memref<128x128xf32, #tpu.memory_space<vmem>>
      %dma_wait3A_896 = arith.constant 0 : i32
      %dma_wait3A_897 = tpu.memref_slice %arg6[%dma_wait3A_889, %dma_wait3A_890, %dma_wait3A_891, %dma_wait3A_896] : memref<2x2x16x128xi32, #tpu.memory_space<vmem>> -> memref<1x1x1x128xi32, #tpu.memory_space<vmem>>
      %dma_wait3A_898 = tpu.memref_squeeze %dma_wait3A_897 : memref<1x1x1x128xi32, #tpu.memory_space<vmem>> -> memref<128xi32, #tpu.memory_space<vmem>>
      %dma_wait3A_899 = arith.constant 0 : i32
      %dma_wait3A_900 = arith.constant 0 : i32
      %dma_wait3A_901 = tpu.memref_slice %arg8[%dma_wait3A_899, %dma_wait3A_900] : memref<10112x128xf32, #tpu.memory_space<vmem_shared>> -> memref<10112x128xf32, #tpu.memory_space<vmem_shared>>
      tpu.wait_indirect_dma semaphore(%arg13 : memref<!tpu.dma_semaphore, #tpu.memory_space<semaphore_mem>>) src(%dma_wait3A_895 : memref<128x128xf32, #tpu.memory_space<vmem>>) dst(%dma_wait3A_901 : memref<10112x128xf32, #tpu.memory_space<vmem_shared>>)
      %dma_start3A_902 = arith.constant 0 : i32
      %dma_start3A_903 = arith.constant 15 : i32
      %dma_start3A_904 = arith.constant 1 : i32
      %dma_start3A_905 = arith.constant 0 : i32
      %dma_start3A_906 = arith.constant 0 : i32
      %dma_start3A_907 = tpu.memref_slice %arg7[%dma_start3A_904, %dma_start3A_905, %dma_start3A_906] : memref<2x128x128xf32, #tpu.memory_space<vmem>> -> memref<1x128x128xf32, #tpu.memory_space<vmem>>
      %dma_start3A_908 = tpu.memref_squeeze %dma_start3A_907 : memref<1x128x128xf32, #tpu.memory_space<vmem>> -> memref<128x128xf32, #tpu.memory_space<vmem>>
      %dma_start3A_909 = arith.constant 0 : i32
      %dma_start3A_910 = tpu.memref_slice %arg6[%select_n3A_101, %dma_start3A_902, %dma_start3A_903, %dma_start3A_909] : memref<2x2x16x128xi32, #tpu.memory_space<vmem>> -> memref<1x1x1x128xi32, #tpu.memory_space<vmem>>
      %dma_start3A_911 = tpu.memref_squeeze %dma_start3A_910 : memref<1x1x1x128xi32, #tpu.memory_space<vmem>> -> memref<128xi32, #tpu.memory_space<vmem>>
      %dma_start3A_912 = arith.constant 0 : i32
      %dma_start3A_913 = arith.constant 0 : i32
      %dma_start3A_914 = tpu.memref_slice %arg2[%dma_start3A_912, %dma_start3A_913] : memref<10000x128xf32, #tpu.memory_space<hbm>> -> memref<10000x128xf32, #tpu.memory_space<hbm>>
      tpu.enqueue_indirect_dma source(%dma_start3A_914 : memref<10000x128xf32, #tpu.memory_space<hbm>>) target(%dma_start3A_908 : memref<128x128xf32, #tpu.memory_space<vmem>>) offsets(%dma_start3A_911 : memref<128xi32, #tpu.memory_space<vmem>>) semaphore(%arg11 : memref<!tpu.dma_semaphore, #tpu.memory_space<semaphore_mem>>)
      %dma_wait3A_915 = arith.constant 0 : i32
      %dma_wait3A_916 = arith.constant 14 : i32
      %dma_wait3A_917 = arith.constant 0 : i32
      %dma_wait3A_918 = arith.constant 0 : i32
      %dma_wait3A_919 = arith.constant 0 : i32
      %dma_wait3A_920 = tpu.memref_slice %arg7[%dma_wait3A_917, %dma_wait3A_918, %dma_wait3A_919] : memref<2x128x128xf32, #tpu.memory_space<vmem>> -> memref<1x128x128xf32, #tpu.memory_space<vmem>>
      %dma_wait3A_921 = tpu.memref_squeeze %dma_wait3A_920 : memref<1x128x128xf32, #tpu.memory_space<vmem>> -> memref<128x128xf32, #tpu.memory_space<vmem>>
      %dma_wait3A_922 = arith.constant 0 : i32
      %dma_wait3A_923 = tpu.memref_slice %arg6[%select_n3A_101, %dma_wait3A_915, %dma_wait3A_916, %dma_wait3A_922] : memref<2x2x16x128xi32, #tpu.memory_space<vmem>> -> memref<1x1x1x128xi32, #tpu.memory_space<vmem>>
      %dma_wait3A_924 = tpu.memref_squeeze %dma_wait3A_923 : memref<1x1x1x128xi32, #tpu.memory_space<vmem>> -> memref<128xi32, #tpu.memory_space<vmem>>
      %dma_wait3A_925 = arith.constant 0 : i32
      %dma_wait3A_926 = arith.constant 0 : i32
      %dma_wait3A_927 = tpu.memref_slice %arg2[%dma_wait3A_925, %dma_wait3A_926] : memref<10000x128xf32, #tpu.memory_space<hbm>> -> memref<10000x128xf32, #tpu.memory_space<hbm>>
      tpu.wait_indirect_dma semaphore(%arg10 : memref<!tpu.dma_semaphore, #tpu.memory_space<semaphore_mem>>) src(%dma_wait3A_927 : memref<10000x128xf32, #tpu.memory_space<hbm>>) dst(%dma_wait3A_921 : memref<128x128xf32, #tpu.memory_space<vmem>>)
      %dma_start3A_928 = arith.constant 0 : i32
      %dma_start3A_929 = arith.constant 1 : i32
      %dma_start3A_930 = arith.constant 14 : i32
      %dma_start3A_931 = arith.constant 0 : i32
      %dma_start3A_932 = arith.constant 0 : i32
      %dma_start3A_933 = tpu.memref_slice %arg7[%dma_start3A_928, %dma_start3A_931, %dma_start3A_932] : memref<2x128x128xf32, #tpu.memory_space<vmem>> -> memref<1x128x128xf32, #tpu.memory_space<vmem>>
      %dma_start3A_934 = tpu.memref_squeeze %dma_start3A_933 : memref<1x128x128xf32, #tpu.memory_space<vmem>> -> memref<128x128xf32, #tpu.memory_space<vmem>>
      %dma_start3A_935 = arith.constant 0 : i32
      %dma_start3A_936 = tpu.memref_slice %arg6[%select_n3A_101, %dma_start3A_929, %dma_start3A_930, %dma_start3A_935] : memref<2x2x16x128xi32, #tpu.memory_space<vmem>> -> memref<1x1x1x128xi32, #tpu.memory_space<vmem>>
      %dma_start3A_937 = tpu.memref_squeeze %dma_start3A_936 : memref<1x1x1x128xi32, #tpu.memory_space<vmem>> -> memref<128xi32, #tpu.memory_space<vmem>>
      %dma_start3A_938 = arith.constant 0 : i32
      %dma_start3A_939 = arith.constant 0 : i32
      %dma_start3A_940 = tpu.memref_slice %arg8[%dma_start3A_938, %dma_start3A_939] : memref<10112x128xf32, #tpu.memory_space<vmem_shared>> -> memref<10112x128xf32, #tpu.memory_space<vmem_shared>>
      tpu.enqueue_indirect_dma source(%dma_start3A_934 : memref<128x128xf32, #tpu.memory_space<vmem>>) target(%dma_start3A_940 : memref<10112x128xf32, #tpu.memory_space<vmem_shared>>) offsets(%dma_start3A_937 : memref<128xi32, #tpu.memory_space<vmem>>) semaphore(%arg12 : memref<!tpu.dma_semaphore, #tpu.memory_space<semaphore_mem>>) {add = true}
      %dma_wait3A_941 = arith.constant 0 : i32
      %dma_wait3A_942 = arith.constant 15 : i32
      %dma_wait3A_943 = arith.constant 1 : i32
      %dma_wait3A_944 = arith.constant 0 : i32
      %dma_wait3A_945 = arith.constant 0 : i32
      %dma_wait3A_946 = tpu.memref_slice %arg7[%dma_wait3A_943, %dma_wait3A_944, %dma_wait3A_945] : memref<2x128x128xf32, #tpu.memory_space<vmem>> -> memref<1x128x128xf32, #tpu.memory_space<vmem>>
      %dma_wait3A_947 = tpu.memref_squeeze %dma_wait3A_946 : memref<1x128x128xf32, #tpu.memory_space<vmem>> -> memref<128x128xf32, #tpu.memory_space<vmem>>
      %dma_wait3A_948 = arith.constant 0 : i32
      %dma_wait3A_949 = tpu.memref_slice %arg6[%select_n3A_101, %dma_wait3A_941, %dma_wait3A_942, %dma_wait3A_948] : memref<2x2x16x128xi32, #tpu.memory_space<vmem>> -> memref<1x1x1x128xi32, #tpu.memory_space<vmem>>
      %dma_wait3A_950 = tpu.memref_squeeze %dma_wait3A_949 : memref<1x1x1x128xi32, #tpu.memory_space<vmem>> -> memref<128xi32, #tpu.memory_space<vmem>>
      %dma_wait3A_951 = arith.constant 0 : i32
      %dma_wait3A_952 = arith.constant 0 : i32
      %dma_wait3A_953 = tpu.memref_slice %arg2[%dma_wait3A_951, %dma_wait3A_952] : memref<10000x128xf32, #tpu.memory_space<hbm>> -> memref<10000x128xf32, #tpu.memory_space<hbm>>
      tpu.wait_indirect_dma semaphore(%arg11 : memref<!tpu.dma_semaphore, #tpu.memory_space<semaphore_mem>>) src(%dma_wait3A_953 : memref<10000x128xf32, #tpu.memory_space<hbm>>) dst(%dma_wait3A_947 : memref<128x128xf32, #tpu.memory_space<vmem>>)
      %dma_start3A_954 = arith.constant 1 : i32
      %dma_start3A_955 = arith.constant 1 : i32
      %dma_start3A_956 = arith.constant 15 : i32
      %dma_start3A_957 = arith.constant 0 : i32
      %dma_start3A_958 = arith.constant 0 : i32
      %dma_start3A_959 = tpu.memref_slice %arg7[%dma_start3A_954, %dma_start3A_957, %dma_start3A_958] : memref<2x128x128xf32, #tpu.memory_space<vmem>> -> memref<1x128x128xf32, #tpu.memory_space<vmem>>
      %dma_start3A_960 = tpu.memref_squeeze %dma_start3A_959 : memref<1x128x128xf32, #tpu.memory_space<vmem>> -> memref<128x128xf32, #tpu.memory_space<vmem>>
      %dma_start3A_961 = arith.constant 0 : i32
      %dma_start3A_962 = tpu.memref_slice %arg6[%select_n3A_101, %dma_start3A_955, %dma_start3A_956, %dma_start3A_961] : memref<2x2x16x128xi32, #tpu.memory_space<vmem>> -> memref<1x1x1x128xi32, #tpu.memory_space<vmem>>
      %dma_start3A_963 = tpu.memref_squeeze %dma_start3A_962 : memref<1x1x1x128xi32, #tpu.memory_space<vmem>> -> memref<128xi32, #tpu.memory_space<vmem>>
      %dma_start3A_964 = arith.constant 0 : i32
      %dma_start3A_965 = arith.constant 0 : i32
      %dma_start3A_966 = tpu.memref_slice %arg8[%dma_start3A_964, %dma_start3A_965] : memref<10112x128xf32, #tpu.memory_space<vmem_shared>> -> memref<10112x128xf32, #tpu.memory_space<vmem_shared>>
      tpu.enqueue_indirect_dma source(%dma_start3A_960 : memref<128x128xf32, #tpu.memory_space<vmem>>) target(%dma_start3A_966 : memref<10112x128xf32, #tpu.memory_space<vmem_shared>>) offsets(%dma_start3A_963 : memref<128xi32, #tpu.memory_space<vmem>>) semaphore(%arg13 : memref<!tpu.dma_semaphore, #tpu.memory_space<semaphore_mem>>) {add = true}
      %scan3A_967 = arith.constant 0 : i32
      scf.yield %scan3A_967 : i32
    }
    %scan3A_62 = arith.constant 5 : i32
    %dma_wait3A = arith.constant 0 : i32
    %dma_wait3A_63 = arith.constant 0 : i32
    %dma_wait3A_64 = arith.constant 1 : i32
    %dma_wait3A_65 = arith.constant 0 : i32
    %dma_wait3A_66 = arith.constant 0 : i32
    %dma_wait3A_67 = arith.constant 0 : i32
    %dma_wait3A_68 = tpu.memref_slice %arg7[%dma_wait3A, %dma_wait3A_66, %dma_wait3A_67] : memref<2x128x128xf32, #tpu.memory_space<vmem>> -> memref<1x128x128xf32, #tpu.memory_space<vmem>>
    %dma_wait3A_69 = tpu.memref_squeeze %dma_wait3A_68 : memref<1x128x128xf32, #tpu.memory_space<vmem>> -> memref<128x128xf32, #tpu.memory_space<vmem>>
    %dma_wait3A_70 = arith.constant 0 : i32
    %dma_wait3A_71 = tpu.memref_slice %arg6[%dma_wait3A_63, %dma_wait3A_64, %dma_wait3A_65, %dma_wait3A_70] : memref<2x2x16x128xi32, #tpu.memory_space<vmem>> -> memref<1x1x1x128xi32, #tpu.memory_space<vmem>>
    %dma_wait3A_72 = tpu.memref_squeeze %dma_wait3A_71 : memref<1x1x1x128xi32, #tpu.memory_space<vmem>> -> memref<128xi32, #tpu.memory_space<vmem>>
    %dma_wait3A_73 = arith.constant 0 : i32
    %dma_wait3A_74 = arith.constant 0 : i32
    %dma_wait3A_75 = tpu.memref_slice %arg8[%dma_wait3A_73, %dma_wait3A_74] : memref<10112x128xf32, #tpu.memory_space<vmem_shared>> -> memref<10112x128xf32, #tpu.memory_space<vmem_shared>>
    tpu.wait_indirect_dma semaphore(%arg12 : memref<!tpu.dma_semaphore, #tpu.memory_space<semaphore_mem>>) src(%dma_wait3A_69 : memref<128x128xf32, #tpu.memory_space<vmem>>) dst(%dma_wait3A_75 : memref<10112x128xf32, #tpu.memory_space<vmem_shared>>)
    %dma_wait3A_76 = arith.constant 1 : i32
    %dma_wait3A_77 = arith.constant 0 : i32
    %dma_wait3A_78 = arith.constant 1 : i32
    %dma_wait3A_79 = arith.constant 0 : i32
    %dma_wait3A_80 = arith.constant 0 : i32
    %dma_wait3A_81 = arith.constant 0 : i32
    %dma_wait3A_82 = tpu.memref_slice %arg7[%dma_wait3A_76, %dma_wait3A_80, %dma_wait3A_81] : memref<2x128x128xf32, #tpu.memory_space<vmem>> -> memref<1x128x128xf32, #tpu.memory_space<vmem>>
    %dma_wait3A_83 = tpu.memref_squeeze %dma_wait3A_82 : memref<1x128x128xf32, #tpu.memory_space<vmem>> -> memref<128x128xf32, #tpu.memory_space<vmem>>
    %dma_wait3A_84 = arith.constant 0 : i32
    %dma_wait3A_85 = tpu.memref_slice %arg6[%dma_wait3A_77, %dma_wait3A_78, %dma_wait3A_79, %dma_wait3A_84] : memref<2x2x16x128xi32, #tpu.memory_space<vmem>> -> memref<1x1x1x128xi32, #tpu.memory_space<vmem>>
    %dma_wait3A_86 = tpu.memref_squeeze %dma_wait3A_85 : memref<1x1x1x128xi32, #tpu.memory_space<vmem>> -> memref<128xi32, #tpu.memory_space<vmem>>
    %dma_wait3A_87 = arith.constant 0 : i32
    %dma_wait3A_88 = arith.constant 0 : i32
    %dma_wait3A_89 = tpu.memref_slice %arg8[%dma_wait3A_87, %dma_wait3A_88] : memref<10112x128xf32, #tpu.memory_space<vmem_shared>> -> memref<10112x128xf32, #tpu.memory_space<vmem_shared>>
    tpu.wait_indirect_dma semaphore(%arg13 : memref<!tpu.dma_semaphore, #tpu.memory_space<semaphore_mem>>) src(%dma_wait3A_83 : memref<128x128xf32, #tpu.memory_space<vmem>>) dst(%dma_wait3A_89 : memref<10112x128xf32, #tpu.memory_space<vmem_shared>>)
    %barrier3A_90 = arith.constant 0 : index
    tpu.barrier barrier_id(%barrier3A_90)
    "tpu.region"() ({
      %run_scoped3A_91 = tpu.sem_alloc : memref<!tpu.dma_semaphore, #tpu.memory_space<semaphore_mem>>
      %dma_start3A_92 = arith.constant 0 : i32
      %dma_start3A_93 = tpu.memref_slice %arg5[%arg0, %mul3A_2, %dma_start3A_92] : memref<2x10112x128xf32, #tpu.memory_space<hbm>> -> memref<1x632x128xf32, #tpu.memory_space<hbm>>
      %dma_start3A_94 = tpu.memref_squeeze %dma_start3A_93 : memref<1x632x128xf32, #tpu.memory_space<hbm>> -> memref<632x128xf32, #tpu.memory_space<hbm>>
      %dma_start3A_95 = arith.constant 0 : i32
      %dma_start3A_96 = tpu.memref_slice %arg8[%mul3A_2, %dma_start3A_95] : memref<10112x128xf32, #tpu.memory_space<vmem_shared>> -> memref<632x128xf32, #tpu.memory_space<vmem_shared>>
      tpu.enqueue_dma source(%dma_start3A_96 : memref<632x128xf32, #tpu.memory_space<vmem_shared>>) target(%dma_start3A_94 : memref<632x128xf32, #tpu.memory_space<hbm>>) target_semaphore(%run_scoped3A_91 : memref<!tpu.dma_semaphore, #tpu.memory_space<semaphore_mem>>)
      %dma_wait3A_97 = arith.constant 0 : i32
      %dma_wait3A_98 = tpu.memref_slice %arg5[%arg0, %mul3A_2, %dma_wait3A_97] : memref<2x10112x128xf32, #tpu.memory_space<hbm>> -> memref<1x632x128xf32, #tpu.memory_space<hbm>>
      %dma_wait3A_99 = tpu.memref_squeeze %dma_wait3A_98 : memref<1x632x128xf32, #tpu.memory_space<hbm>> -> memref<632x128xf32, #tpu.memory_space<hbm>>
      %dma_wait3A_100 = arith.constant 0 : i32
      %dma_wait3A_101 = tpu.memref_slice %arg8[%mul3A_2, %dma_wait3A_100] : memref<10112x128xf32, #tpu.memory_space<vmem_shared>> -> memref<632x128xf32, #tpu.memory_space<vmem_shared>>
      tpu.wait_dma2 semaphore(%run_scoped3A_91 : memref<!tpu.dma_semaphore, #tpu.memory_space<semaphore_mem>>) src(%dma_wait3A_101 : memref<632x128xf32, #tpu.memory_space<vmem_shared>>) dst(%dma_wait3A_99 : memref<632x128xf32, #tpu.memory_space<hbm>>)
      tpu.yield
    }) : () -> ()
    return
  }
}

module attributes {stable_mosaic.version = 14 : i64} {
  func.func @_mm_body(%arg0: memref<10000x128xf32, #tpu.memory_space<vmem>>, %arg1: memref<128x128xf32, #tpu.memory_space<vmem>>, %arg2: memref<10000x128xf32, #tpu.memory_space<vmem>>) attributes {dimension_semantics = [], scalar_prefetch = 0 : i64, scratch_operands = 0 : i64, tpu.core_type = #tpu.core_type<tc>} {
    %get3A = arith.constant 0 : index
    %get3A_0 = arith.constant 0 : index
    %get3A_1 = vector.load %arg0[%get3A, %get3A_0] : memref<10000x128xf32, #tpu.memory_space<vmem>>, vector<10000x128xf32>
    %get3A_2 = arith.constant 0 : index
    %get3A_3 = arith.constant 0 : index
    %get3A_4 = vector.load %arg1[%get3A_2, %get3A_3] : memref<128x128xf32, #tpu.memory_space<vmem>>, vector<128x128xf32>
    %dot_general3A = arith.constant dense<0.000000e+00> : vector<10000x128xf32>
    %dot_general3A_5 = tpu.matmul %get3A_1, %get3A_4, %dot_general3A {dimension_numbers = #tpu.dot_dimension_numbers<[1], [0], [0], [1], [0, 0, 1, 1], [], []>, transpose_lhs_hint = false} : vector<10000x128xf32>, vector<128x128xf32>, vector<10000x128xf32> -> vector<10000x128xf32>
    %swap3A = arith.constant 0 : index
    %swap3A_6 = arith.constant 0 : index
    %swap3A_7 = vector.load %arg2[%swap3A, %swap3A_6] : memref<10000x128xf32, #tpu.memory_space<vmem>>, vector<10000x128xf32>
    tpu.vector_store %arg2[%swap3A, %swap3A_6], %dot_general3A_5 {strides = array<i32>} : memref<10000x128xf32, #tpu.memory_space<vmem>>, vector<10000x128xf32>,
    return
  }
}

module attributes {stable_mosaic.version = 14 : i64} {
  func.func @_scale_body(%arg0: memref<10000x128xf32, #tpu.memory_space<vmem>>, %arg1: memref<2x10112x128xf32, #tpu.memory_space<vmem>>, %arg2: memref<10000x128xf32, #tpu.memory_space<vmem>>, %arg3: memref<10000x1xf32, #tpu.memory_space<vmem>>) attributes {dimension_semantics = [], scalar_prefetch = 0 : i64, scratch_operands = 0 : i64, tpu.core_type = #tpu.core_type<tc>} {
    %get3A = arith.constant 0 : index
    %get3A_0 = arith.constant 0 : index
    %get3A_1 = arith.constant 0 : index
    %get3A_2 = vector.load %arg1[%get3A, %get3A_0, %get3A_1] : memref<2x10112x128xf32, #tpu.memory_space<vmem>>, vector<1x10112x1xf32>
    %get3A_3 = vector.shape_cast %get3A_2 : vector<1x10112x1xf32> to vector<10112x1xf32>
    %get3A_4 = arith.constant 1 : index
    %get3A_5 = arith.constant 0 : index
    %get3A_6 = arith.constant 0 : index
    %get3A_7 = vector.load %arg1[%get3A_4, %get3A_5, %get3A_6] : memref<2x10112x128xf32, #tpu.memory_space<vmem>>, vector<1x10112x1xf32>
    %get3A_8 = vector.shape_cast %get3A_7 : vector<1x10112x1xf32> to vector<10112x1xf32>
    %add3A = arith.addf %get3A_3, %get3A_8 : vector<10112x1xf32>
    %add3A_9 = arith.constant 1.000000e+00 : f32
    %add3A_10 = vector.broadcast %add3A_9 : f32 to vector<10112x1xf32>
    %add3A_11 = arith.addf %add3A, %add3A_10 : vector<10112x1xf32>
    %rsqrt3A = math.rsqrt %add3A_11 : vector<10112x1xf32>
    %slice3A = vector.extract_strided_slice %rsqrt3A {offsets = [0, 0], sizes = [10000, 1], strides = [1, 1]} : vector<10112x1xf32> to vector<10000x1xf32>
    %swap3A = arith.constant 0 : index
    %swap3A_12 = arith.constant 0 : index
    %swap3A_13 = vector.load %arg3[%swap3A, %swap3A_12] : memref<10000x1xf32, #tpu.memory_space<vmem>>, vector<10000x1xf32>
    tpu.vector_store %arg3[%swap3A, %swap3A_12], %slice3A {strides = array<i32>} : memref<10000x1xf32, #tpu.memory_space<vmem>>, vector<10000x1xf32>,
    %get3A_14 = arith.constant 0 : index
    %get3A_15 = arith.constant 0 : index
    %get3A_16 = vector.load %arg0[%get3A_14, %get3A_15] : memref<10000x128xf32, #tpu.memory_space<vmem>>, vector<10000x128xf32>
    %mul3A = vector.broadcast %slice3A : vector<10000x1xf32> to vector<10000x128xf32>
    %mul3A_17 = arith.mulf %get3A_16, %mul3A : vector<10000x128xf32>
    %swap3A_18 = arith.constant 0 : index
    %swap3A_19 = arith.constant 0 : index
    %swap3A_20 = vector.load %arg2[%swap3A_18, %swap3A_19] : memref<10000x128xf32, #tpu.memory_space<vmem>>, vector<10000x128xf32>
    tpu.vector_store %arg2[%swap3A_18, %swap3A_19], %mul3A_17 {strides = array<i32>} : memref<10000x128xf32, #tpu.memory_space<vmem>>, vector<10000x128xf32>,
    return
  }
}

module attributes {stable_mosaic.version = 14 : i64} {
  func.func @_mid_body(%arg0: memref<2x10112x128xf32, #tpu.memory_space<vmem>>, %arg1: memref<10000x128xf32, #tpu.memory_space<vmem>>, %arg2: memref<10000x1xf32, #tpu.memory_space<vmem>>, %arg3: memref<128x128xf32, #tpu.memory_space<vmem>>, %arg4: memref<1x128xf32, #tpu.memory_space<vmem>>, %arg5: memref<10000x128xf32, #tpu.memory_space<vmem>>) attributes {dimension_semantics = [], scalar_prefetch = 0 : i64, scratch_operands = 0 : i64, tpu.core_type = #tpu.core_type<tc>} {
    %get3A = arith.constant 0 : index
    %get3A_0 = arith.constant 0 : index
    %get3A_1 = vector.load %arg2[%get3A, %get3A_0] : memref<10000x1xf32, #tpu.memory_space<vmem>>, vector<10000x1xf32>
    %get3A_2 = arith.constant 0 : index
    %get3A_3 = arith.constant 0 : index
    %get3A_4 = arith.constant 0 : index
    %get3A_5 = vector.load %arg0[%get3A_2, %get3A_3, %get3A_4] : memref<2x10112x128xf32, #tpu.memory_space<vmem>>, vector<1x10000x128xf32>
    %get3A_6 = vector.shape_cast %get3A_5 : vector<1x10000x128xf32> to vector<10000x128xf32>
    %get3A_7 = arith.constant 1 : index
    %get3A_8 = arith.constant 0 : index
    %get3A_9 = arith.constant 0 : index
    %get3A_10 = vector.load %arg0[%get3A_7, %get3A_8, %get3A_9] : memref<2x10112x128xf32, #tpu.memory_space<vmem>>, vector<1x10000x128xf32>
    %get3A_11 = vector.shape_cast %get3A_10 : vector<1x10000x128xf32> to vector<10000x128xf32>
    %add3A = arith.addf %get3A_6, %get3A_11 : vector<10000x128xf32>
    %get3A_12 = arith.constant 0 : index
    %get3A_13 = arith.constant 0 : index
    %get3A_14 = vector.load %arg1[%get3A_12, %get3A_13] : memref<10000x128xf32, #tpu.memory_space<vmem>>, vector<10000x128xf32>
    %add3A_15 = arith.addf %add3A, %get3A_14 : vector<10000x128xf32>
    %mul3A = vector.broadcast %get3A_1 : vector<10000x1xf32> to vector<10000x128xf32>
    %mul3A_16 = arith.mulf %add3A_15, %mul3A : vector<10000x128xf32>
    %get3A_17 = arith.constant 0 : index
    %get3A_18 = arith.constant 0 : index
    %get3A_19 = vector.load %arg4[%get3A_17, %get3A_18] : memref<1x128xf32, #tpu.memory_space<vmem>>, vector<1x128xf32>
    %add3A_20 = vector.broadcast %get3A_19 : vector<1x128xf32> to vector<10000x128xf32>
    %add3A_21 = arith.addf %mul3A_16, %add3A_20 : vector<10000x128xf32>
    %max3A = arith.constant 0.000000e+00 : f32
    %max3A_22 = vector.broadcast %max3A : f32 to vector<10000x128xf32>
    %max3A_23 = arith.maximumf %add3A_21, %max3A_22 : vector<10000x128xf32>
    %get3A_24 = arith.constant 0 : index
    %get3A_25 = arith.constant 0 : index
    %get3A_26 = vector.load %arg3[%get3A_24, %get3A_25] : memref<128x128xf32, #tpu.memory_space<vmem>>, vector<128x128xf32>
    %dot_general3A = arith.constant dense<0.000000e+00> : vector<10000x128xf32>
    %dot_general3A_27 = tpu.matmul %max3A_23, %get3A_26, %dot_general3A {dimension_numbers = #tpu.dot_dimension_numbers<[1], [0], [0], [1], [0, 0, 1, 1], [], []>, transpose_lhs_hint = false} : vector<10000x128xf32>, vector<128x128xf32>, vector<10000x128xf32> -> vector<10000x128xf32>
    %mul3A_28 = vector.broadcast %get3A_1 : vector<10000x1xf32> to vector<10000x128xf32>
    %mul3A_29 = arith.mulf %dot_general3A_27, %mul3A_28 : vector<10000x128xf32>
    %swap3A = arith.constant 0 : index
    %swap3A_30 = arith.constant 0 : index
    %swap3A_31 = vector.load %arg5[%swap3A, %swap3A_30] : memref<10000x128xf32, #tpu.memory_space<vmem>>, vector<10000x128xf32>
    tpu.vector_store %arg5[%swap3A, %swap3A_30], %mul3A_29 {strides = array<i32>} : memref<10000x128xf32, #tpu.memory_space<vmem>>, vector<10000x128xf32>,
    return
  }
}

module attributes {stable_mosaic.version = 14 : i64} {
  func.func @_fin_body(%arg0: memref<2x10112x128xf32, #tpu.memory_space<vmem>>, %arg1: memref<10000x128xf32, #tpu.memory_space<vmem>>, %arg2: memref<10000x1xf32, #tpu.memory_space<vmem>>, %arg3: memref<1x128xf32, #tpu.memory_space<vmem>>, %arg4: memref<10000x128xf32, #tpu.memory_space<vmem>>) attributes {dimension_semantics = [], scalar_prefetch = 0 : i64, scratch_operands = 0 : i64, tpu.core_type = #tpu.core_type<tc>} {
    %get3A = arith.constant 0 : index
    %get3A_0 = arith.constant 0 : index
    %get3A_1 = arith.constant 0 : index
    %get3A_2 = vector.load %arg0[%get3A, %get3A_0, %get3A_1] : memref<2x10112x128xf32, #tpu.memory_space<vmem>>, vector<1x10000x128xf32>
    %get3A_3 = vector.shape_cast %get3A_2 : vector<1x10000x128xf32> to vector<10000x128xf32>
    %get3A_4 = arith.constant 1 : index
    %get3A_5 = arith.constant 0 : index
    %get3A_6 = arith.constant 0 : index
    %get3A_7 = vector.load %arg0[%get3A_4, %get3A_5, %get3A_6] : memref<2x10112x128xf32, #tpu.memory_space<vmem>>, vector<1x10000x128xf32>
    %get3A_8 = vector.shape_cast %get3A_7 : vector<1x10000x128xf32> to vector<10000x128xf32>
    %add3A = arith.addf %get3A_3, %get3A_8 : vector<10000x128xf32>
    %get3A_9 = arith.constant 0 : index
    %get3A_10 = arith.constant 0 : index
    %get3A_11 = vector.load %arg1[%get3A_9, %get3A_10] : memref<10000x128xf32, #tpu.memory_space<vmem>>, vector<10000x128xf32>
    %add3A_12 = arith.addf %add3A, %get3A_11 : vector<10000x128xf32>
    %get3A_13 = arith.constant 0 : index
    %get3A_14 = arith.constant 0 : index
    %get3A_15 = vector.load %arg2[%get3A_13, %get3A_14] : memref<10000x1xf32, #tpu.memory_space<vmem>>, vector<10000x1xf32>
    %mul3A = vector.broadcast %get3A_15 : vector<10000x1xf32> to vector<10000x128xf32>
    %mul3A_16 = arith.mulf %add3A_12, %mul3A : vector<10000x128xf32>
    %get3A_17 = arith.constant 0 : index
    %get3A_18 = arith.constant 0 : index
    %get3A_19 = vector.load %arg3[%get3A_17, %get3A_18] : memref<1x128xf32, #tpu.memory_space<vmem>>, vector<1x128xf32>
    %add3A_20 = vector.broadcast %get3A_19 : vector<1x128xf32> to vector<10000x128xf32>
    %add3A_21 = arith.addf %mul3A_16, %add3A_20 : vector<10000x128xf32>
    %swap3A = arith.constant 0 : index
    %swap3A_22 = arith.constant 0 : index
    %swap3A_23 = vector.load %arg4[%swap3A, %swap3A_22] : memref<10000x128xf32, #tpu.memory_space<vmem>>, vector<10000x128xf32>
    tpu.vector_store %arg4[%swap3A, %swap3A_22], %add3A_21 {strides = array<i32>} : memref<10000x128xf32, #tpu.memory_space<vmem>>, vector<10000x128xf32>,
    return
  }
}

</mosaic_0001>

<sc_bundles>
// kernel: kernel.12.cloned.1.call-start
scs
__scs_entry_jumppad:
0x0: {  	(pc) =	sbr.rel $0x88, $3  }
0x1: {  	(tag) =	ssettag $0x0;
	lr =	simm.s32 $0x1  }
0x2: {  	[smem:$0x3F9B] =	sst lr;
	_ =	strace $0xD0000000  }
0x3: {  	_ = 	snop  }
0x4: {  	_ = 	snop  }
0x5: {  	_ = 	snop  }
0x6: {  	_ = 	snop  }
0x7: {  	_ = 	snop  }
__scs_overlays_trampoline_lowered:
0x8: {  	[smem:$0x3FAA] =	sst s0  }
0x9: {  	[smem:$0x3FAB] =	sst s1  }
0xa: {  	[smem:$0x3FAC] =	sst s2  }
0xb: {  	[smem:$0x3FAD] =	sst s3  }
0xc: {  	[smem:$0x3FAE] =	sst s4  }
0xd: {  	[smem:$0x3FAF] =	sst s5  }
0xe: {  	[smem:$0x3FB0] =	sst s6  }
0xf: {  	[smem:$0x3FB1] =	sst s7  }
0x10: {  	[smem:$0x3FB2] =	sst s8  }
0x11: {  	[smem:$0x3FB3] =	sst s9;
	s0 =	simm.s32 @!p0 $0x0  }
0x12: {  	s1 =	sld [smem:$0x3F99];
	s0 =	simm.s32 @p0 $0x1  }
0x13: {  	[smem:$0x3FB4] =	sst s0;
	s0 =	simm.s32 @!p1 $0x0  }
0x14: {  	s2 =	sld [smem:$0x3F98];
	s0 =	simm.s32 @p1 $0x1  }
0x15: {  	[smem:$0x3FB5] =	sst s0;
	s0 =	simm.s32 @!p2 $0x0  }
0x16: {  	s3 =	sld [smem:$0x3FDB];
	s0 =	simm.s32 @p2 $0x1  }
0x17: {  	s4 =	simm.s32 $0x1BF5;
	[smem:$0x3FB7] =	sst s0  }
0x18: {  	s0 =	sld [smem:$0x3F9A];
	_ =	swait.ge [sflag:s4], $0x0  }
0x19: {  	s7 =	sld [smem:$0x3F9B]  }
0x1a: {  	s8 =	sadd.s32 $0xFFFFE003, lr  }
0x1b: {  	s9 =	sadd.s32 $0xFFFFFEF7, lr;
	s5 =	simm.s32 $0xFFFFFFFF;
	p2 =	slt.u32 s8, $0xFFFFF086  }
0x1c: {  	p1 =	slt.u32 s9, $0xF7A;
	s5 =	simm.s32 @!p2 $0x0  }
0x1d: {  	s5 =	simm.s32 @p1 $0x1;
	p0 =	seq.s32 s7, s2  }
0x1e: {  	s7 =	smul.u32 @!p0 $0xF7A, s2;
	p2 =	seq.s32 @!p0 s5, $0x0  }
0x1f: {  	s9 =	smul.u32 $0xF7A, s1;
	s8 =	simm.s32 @!p0 $0x1BF5;
	p2 =	por !p2, p0  }
0x20: {  	[sflag:s8] =	ssyncset.s32 @!p0 $0xFFFFF086;
	s6 =	sadd.s32 @!p0 s3, s7;
	s7 =	simm.s32 @!p0 $0x108  }
0x21: {  	s3 =	sadd.s32 s3, s9;
	s6 =	sadd.s32 @!p0 $0x88, s6;
	s7 =	simm.s32 @p2 $0x1082  }
0x22: {  	[simem:s7], [sflag:s8] =	dma.local @!p0 [hbm:s6], $0xF7A  }
0x23: {  	s9 =	sor.u32 $0xD0000000, s2;
	s6 =	simm.s32 $0x108;
	_ =	swait.ge @!p0 [sflag:s8], $0x0  }
0x24: {  	s3 =	sadd.s32 $0x88, s3;
	s6 =	simm.s32 @!p1 $0x1082;
	[sflag:s4] =	ssyncset.s32 $0xFFFFF086  }
0x25: {  	[simem:s6], [sflag:s4] =	dma.local [hbm:s3], $0xF7A  }
0x26: {  	[smem:$0x3F9B] =	sst s1;
	(tag) =	ssettag s2;
	_ =	strace s9  }
0x27: {  	s1 =	sld [smem:$0x3FAB]  }
0x28: {  	s2 =	sld [smem:$0x3FAC]  }
0x29: {  	s4 =	sld [smem:$0x3FAE]  }
0x2a: {  	p0 =	seq.s32 s5, $0x0;
	s5 =	sld [smem:$0x3FAF]  }
0x2b: {  	s6 =	sld [smem:$0x3FB0]  }
0x2c: {  	s7 =	sld [smem:$0x3FB1]  }
0x2d: {  	s3 =	simm.s32 $0x108;
	s8 =	sld [smem:$0x3FB2]  }
0x2e: {  	s3 =	simm.s32 @!p0 $0x1082;
	s9 =	sld [smem:$0x3FB3]  }
0x2f: {  	lr =	sadd.s32 s0, s3;
	s0 =	sld [smem:$0x3FAA]  }
0x30: {  	s3 =	sld [smem:$0x3FAD]  }
0x31: {  	[smem:$0x3FB6] =	sst s10  }
0x32: {  	s10 =	sld [smem:$0x3FB4];
	_ =	sdelay $0x3  }
0x33: {  	p0 =	seq.s32 s10, $0x1;
	s10 =	sld [smem:$0x3FB6];
	_ =	sdelay $0x3  }
0x34: {  	[smem:$0x3FB6] =	sst s10  }
0x35: {  	s10 =	sld [smem:$0x3FB5];
	_ =	sdelay $0x3  }
0x36: {  	p1 =	seq.s32 s10, $0x1;
	s10 =	sld [smem:$0x3FB6];
	_ =	sdelay $0x3  }
0x37: {  	[smem:$0x3FB6] =	sst s10  }
0x38: {  	s10 =	sld [smem:$0x3FB7]  }
0x39: {  	_ = 	snop;
	(pc) =	sbr.ind lr, $3  }
0x3a: {  	_ = 	snop  }
0x3b: {  	_ = 	snop  }
0x3c: {  	p2 =	seq.s32 s10, $0x1;
	s10 =	sld [smem:$0x3FB6]  }
0x3d: {  	_ =	shalt  }
0x3e: {  	_ =	shalt  }
0x3f: {  	_ =	shalt  }
0x40: {  	_ =	shalt  }
0x41: {  	_ =	shalt  }
0x42: {  	_ =	shalt  }
0x43: {  	_ =	shalt  }
0x44: {  	_ =	shalt  }
0x45: {  	_ =	shalt  }
0x46: {  	_ =	shalt  }
0x47: {  	_ =	shalt  }
0x48: {  	_ =	shalt  }
0x49: {  	_ =	shalt  }
0x4a: {  	_ =	shalt  }
0x4b: {  	_ =	shalt  }
0x4c: {  	_ =	shalt  }
0x4d: {  	_ =	shalt  }
0x4e: {  	_ =	shalt  }
0x4f: {  	_ =	shalt  }
0x50: {  	_ =	shalt  }
0x51: {  	_ =	shalt  }
0x52: {  	_ =	shalt  }
0x53: {  	_ =	shalt  }
0x54: {  	_ =	shalt  }
0x55: {  	_ =	shalt  }
0x56: {  	_ =	shalt  }
0x57: {  	_ =	shalt  }
0x58: {  	_ =	shalt  }
0x59: {  	_ =	shalt  }
0x5a: {  	_ =	shalt  }
0x5b: {  	_ =	shalt  }
0x5c: {  	_ =	shalt  }
0x5d: {  	_ =	shalt  }
0x5e: {  	_ =	shalt  }
0x5f: {  	_ =	shalt  }
0x60: {  	_ =	shalt  }
0x61: {  	_ =	shalt  }
0x62: {  	_ =	shalt  }
0x63: {  	_ =	shalt  }
0x64: {  	_ =	shalt  }
0x65: {  	_ =	shalt  }
0x66: {  	_ =	shalt  }
0x67: {  	_ =	shalt  }
0x68: {  	_ =	shalt  }
0x69: {  	_ =	shalt  }
0x6a: {  	_ =	shalt  }
0x6b: {  	_ =	shalt  }
0x6c: {  	_ =	shalt  }
0x6d: {  	_ =	shalt  }
0x6e: {  	_ =	shalt  }
0x6f: {  	_ =	shalt  }
0x70: {  	_ =	shalt  }
0x71: {  	_ =	shalt  }
0x72: {  	_ =	shalt  }
0x73: {  	_ =	shalt  }
0x74: {  	_ =	shalt  }
0x75: {  	_ =	shalt  }
0x76: {  	_ =	shalt  }
0x77: {  	_ =	shalt  }
0x78: {  	_ =	shalt  }
0x79: {  	_ =	shalt  }
0x7a: {  	_ =	shalt  }
0x7b: {  	_ =	shalt  }
0x7c: {  	_ =	shalt  }
0x7d: {  	_ =	shalt  }
0x7e: {  	_ =	shalt  }
0x7f: {  	_ =	shalt  }
0x80: {  	_ =	shalt  }
0x81: {  	_ =	shalt  }
0x82: {  	_ =	shalt  }
0x83: {  	_ =	shalt  }
0x84: {  	_ =	shalt  }
0x85: {  	_ =	shalt  }
0x86: {  	_ =	shalt  }
0x87: {  	_ =	shalt  }
.Lfunc_end0:
.L_simem_size_0:
called_computation.1_lowered:
.L_overlay_start_0:
0x88: {  	s2 =	sld [smem:$0x3FD9]  }
0x89: {  	s3 =	sld [smem:$0x3FFE];
	_ =	sdelay $0x1  }
0x8a: {  	s1 =	srdreg.scid  }
0x8b: {  	s0 =	sand.u32 $0x1, s1  }
0x8c: {  	s17 =	sshll.u32 s0, $0xA;
	s2 =	sadd.s32 s3, s2  }
0x8d: {  	s2 =	sadd.s32 s2, s17  }
0x8e: {  	[smem:$0x3FC2] =	sst s2  }
0x8f: {  	_ = 	snop  }
0x90: {  	s2 =	sld [smem:$0x3FD0];
	(tm) =	ssettm $0x1  }
0x91: {  	s18 =	sld [smem:$0x3FFB];
	_ =	sdelay $0x3  }
0x92: {  	_ =	strace s18  }
0x93: {  	s3 =	sld [smem:$0x3FFC];
	_ =	sdelay $0x3  }
0x94: {  	_ =	strace s3  }
0x95: {  	s3 =	sld [smem:$0x3FFD];
	_ =	sdelay $0x3  }
0x96: {  	_ =	strace s3  }
0x97: {  	_ =	strace $0x8FFFFFFF  }
0x98: {  	s19 =	sld [smem:$0x3FDB];
	_ =	sdelay $0x1  }
0x99: {  	s4 =	simm.s32 $_scs_section_size  }
0x9a: {  	s5 =	simm.s32 $_size__tile_overlayer_lowered;
	s6 =	simm.s32 $_tile_overlayer_lowered  }
0x9b: {  	s22 =	simm.s32 $0x1BFF;
	s21 =	sshll.u32 s6, $0x1;
	s3 =	sadd.s32 s4, s19  }
0x9c: {  	s7 =	simm.s32 $0x0;
	s20 =	sshll.u32 s5, $0x1;
	s5 =	sadd.s32 s21, s3  }
0x9d: {  	[timem:s7], [sflag:s22] =	dma.local [hbm:s5], s20  }
0x9e: {  	_ =	swait.ge [sflag:s22], s20  }
0x9f: {  	s4 =	ssub.s32 $0x0, s20;
	[sflag:s22] =	ssyncset.done $0x0  }
0xa0: {  	[sflag:s22] =	ssyncadd.s32 s4;
	_ =	sdelay $0x1  }
0xa1: {  	s23 =	simm.s32 $0x1B8B  }
0xa2: {  	_ =	swait.ge [sflag:s23], $0x1  }
0xa3: {  	[sflag:s23] =	ssyncset.done $0x0  }
0xa4: {  	s25 =	simm.s32 $0x1B8E;
	s24 =	sld [smem:$0x3FFE];
	[sflag:s23] =	ssyncadd.s32 $0xFFFFFFFF  }
0xa5: {  	s26 =	simm.s32 $execute0_lowered;
	[smem:$0x3FD2] =	sst s25  }
0xa6: {  	s5 =	sshll.u32 s26, $0x1;
	_ =	strace $0x80000049;
	[dreg:$0x1] =	wrdreg $0xFFFFFFFF  }
0xa7: {  	s28 =	simm.s32 $_size_execute0_lowered;
	s3 =	sadd.s32 s3, s5;
	[dreg:$0x0] =	wrdreg $0x0  }
0xa8: {  	s5 =	sshll.u32 s28, $0x1;
	[dreg:$0x2] =	wrdreg s3  }
0xa9: {  	[dreg:$0x3] =	wrdreg s5  }
0xaa: {  	[dreg:$0x4] =	wrdreg $0xC0  }
0xab: {  	_ =	task [dreg:s7], $0x5FFFF  }
0xac: {  	[dreg:$0x1] =	wrdreg $0xFFFFFFFF  }
0xad: {  	[dreg:$0x0] =	wrdreg $0x60  }
0xae: {  	[dreg:$0x2] =	wrdreg s2  }
0xaf: {  	[dreg:$0x3] =	wrdreg s24  }
0xb0: {  	[dreg:$0x4] =	wrdreg $0xA0000  }
0xb1: {  	[dreg:$0x5] =	wrdreg $0x9  }
0xb2: {  	_ =	task.clear_ibuf [dreg:s7], $0x6FFFF;
	_ =	strace $0x90000049  }
0xb3: {  	s29 =	simm.s32 $0x9;
	_ =	strace $0x8000004B  }
0xb4: {  	_ =	swait.ge [sflag:s29], $0x1  }
0xb5: {  	[sflag:s29] =	ssyncadd.s32 $0xFFFFFFFF  }
0xb6: {  	_ =	strace $0x9000004B  }
0xb7: {  	_ =	sfence  }
0xb8: {  	s30 =	sld [smem:$0x0];
	_ =	sdelay $0x2  }
0xb9: {  	s31 =	sshll.u32 s1, $0xD;
	s1 =	sshrl.u32 s1, $0x2  }
0xba: {  	s3 =	sand.u32 $0x4000, s31;
	s1 =	sadd.s32 s1, s30  }
0xbb: {  	s0 =	sor.u32 s3, s0;
	s1 =	sshll.u32 s1, $0x11  }
0xbc: {  	s0 =	sor.u32 s1, s0  }
0xbd: {  	s0 =	sadd.s32 $0x8F2B, s0  }
0xbe: {  	[sflag:s0] =	ssyncadd.remote.s32 $0x1  }
0xbf: {  	_ =	sfence.sel $0xFFFF  }
0xc0: {  	[dreg:$0x0] =	wrdreg $0xFFFFFFFF;
	(pc) =	sbr.abs _section_cstart, $3  }
0xc1: {  	[dreg:$0x1] =	wrdreg $0xFFFFFFFF  }
0xc2: {  	_ =	task.clear_ibuf [dreg:s7], $0x2FFFF;
	_ =	strace $0x9FFFFFFF  }
0xc3: {  	(tm) =	ssettm $0x7FFFFFFF  }
tec
execute0_lowered:
.L_overlay_start_1:
0x0: {  	(tag) =	ssettag $0x1  }
0x1: {  	s1 =	rddreg [dreg:$0x0]  }
0x2: {  	s7 =	rddreg [dreg:$0x1]  }
0x3: {  	s2 =	rddreg [dreg:$0x2]  }
0x4: {  	s3 =	srdreg.scid;
	s26 =	simm.s32 $0x0;
	s0 =	stileid.u32  }
0x5: {  	s18 =	simm.s32 $0x2000;
	s19 =	simm.s32 $0x6;
	s20 =	simm.s32 $0x1  }
0x6: {  	s21 =	simm.s32 $0x80;
	s22 =	simm.s32 $0x6000;
	s23 =	simm.s32 $0x2  }
0x7: {  	s24 =	simm.s32 $0x4;
	s25 =	simm.s32 $0x3;
	s28 =	simm.s32 $0x0  }
0x8: {  	s11 =	sand.u32 $0x1, s3;
	[smem:$0x7FF] =	sst s26;
	s9 =	smul.u32 $0x13C00, s0  }
0x9: {  	s5 =	sadd.s32 $0xC800, s7;
	s6 =	sadd.s32 $0x2800, s7;
	s12 =	smul.u32 $0x4F000, s0  }
0xa: {  	s29 =	sshll.u32 s0, $0x1;
	s16 =	smul.u32 $0x5000, s0;
	s26 =	simm.s32 $0x5  }
0xb: {  	s8 =	smul.u32 $0x13C000, s11;
	_ =	strace $0x8000004A;
	s10 =	ssub.s32 $0x2, s11  }
0xc: {  	s17 =	smul.u32 $0x2800, s11;
	s13 =	sshrl.u32 s10, $0x1;
	s30 =	sshrl.u32 s12, $0x2  }
0xd: {  	s8 =	sadd.s32 s9, s8;
	s9 =	sor.u32 s11, s29;
	s15 =	ssub.s32 s10, s13  }
0xe: {  	s16 =	sadd.s32 s17, s16;
	s8 =	sshrl.u32 s8, $0x3;
	s9 =	smul.u32 $0x500, s9  }
0xf: {  	s15 =	smax.u32 s15, $0x1;
	s16 =	sadd.s32 $0x800, s16;
	s14 =	sadd.s32 s8, s7  }
0x10: {  	s8 =	sadd.s32 s30, s2;
	s31 =	sadd.s32 s5, s9;
	s9 =	sadd.s32 s6, s9  }
0x11: {  	s10 =	sadd.s32 $0x4000, s8;
	s11 =	sadd.s32 $0x8000, s8;
	s12 =	sadd.s32 $0xC000, s8  }
0x12: {  	v0 =	vimm.f32 $0.0e+00;
	s13 =	sadd.s32 $0x10000, s8;
	s14 =	sadd.s32 $0x16800, s14;
	[dreg:$0x4] =	wrdreg s31  }
.LBB2_1:
0x13: {  	s0 =	simm.s32 $0x0;
	s3 =	rddreg [dreg:$0x4]  }
0x14: {  	[tilespmem:s0], [sflag:$0x1] =	stream.linear.gather [hbm4b:s3+s0], $0x800, $0x38;
	[tilespmem:$0x1DC00] =	vst v63  }
0x15: {  	s31 =	simm.s32 $0x800;
	s29 =	simm.s32 $0x0;
	s30 =	simm.s32 $0x200  }
0x16: {  	[tilespmem:s31], [sflag:$0x1] =	stream.linear.gather [hbm4b:s9+s0], $0x800, $0x38;
	[tilespmem:$0x1DC00] =	vst v63  }
.LBB2_2:
0x17: {  	p0 =	sne.s32 s30, $0xFE00;
	[tilespmem:s29+$0x2070] =	vst v0  }
0x18: {  	[tilespmem:s29+$0x2000] =	vst v0  }
0x19: {  	[tilespmem:s29+$0x2010] =	vst v0  }
.Ltmp0:
0x1a: {  	[tilespmem:s29+$0x2020] =	vst v0;
	(pc) =	sbr.rel @p0 .LBB2_2-.Ltmp0, $4  }
0x1b: {  	[tilespmem:s29+$0x2030] =	vst v0  }
0x1c: {  	[tilespmem:s29+$0x2040] =	vst v0  }
0x1d: {  	[tilespmem:s29+$0x2050] =	vst v0  }
0x1e: {  	[tilespmem:s29+$0x2060] =	vst v0;
	s29 =	sshra.s32 s30, $0x2;
	s30 =	sadd.s32 $0x200, s30  }
0x1f: {  	[tilespmem:s29+$0x2070] =	vst v0  }
0x20: {  	[tilespmem:s29+$0x2000] =	vst v0  }
0x21: {  	[tilespmem:s29+$0x2010] =	vst v0  }
0x22: {  	[tilespmem:s29+$0x2020] =	vst v0  }
0x23: {  	[tilespmem:s29+$0x2030] =	vst v0  }
0x24: {  	[tilespmem:s29+$0x2040] =	vst v0  }
0x25: {  	[tilespmem:s29+$0x2050] =	vst v0  }
0x26: {  	[tilespmem:s29+$0x2060] =	vst v0  }
0x27: {  	[spmem:s8] =	stream.linear.scatter [tilespmem:s18], [sflag:$0x6], $0x4000, $0x38;
	[tilespmem:$0x1DC00] =	vst v63  }
0x28: {  	_ =	swait.ge [sflag:s19], $0x4000  }
0x29: {  	[sflag:s19] =	ssyncset.done $0x0  }
0x2a: {  	[sflag:s19] =	ssyncadd.s32 $0xFFFFC000  }
0x2b: {  	[spmem:s10] =	stream.linear.scatter [tilespmem:s18], [sflag:$0x6], $0x4000, $0x38;
	[tilespmem:$0x1DC00] =	vst v63  }
0x2c: {  	_ =	swait.ge [sflag:s19], $0x4000  }
0x2d: {  	[sflag:s19] =	ssyncset.done $0x0  }
0x2e: {  	[sflag:s19] =	ssyncadd.s32 $0xFFFFC000  }
0x2f: {  	[spmem:s11] =	stream.linear.scatter [tilespmem:s18], [sflag:$0x6], $0x4000, $0x38;
	[tilespmem:$0x1DC00] =	vst v63  }
0x30: {  	_ =	swait.ge [sflag:s19], $0x4000  }
0x31: {  	[sflag:s19] =	ssyncset.done $0x0  }
0x32: {  	[sflag:s19] =	ssyncadd.s32 $0xFFFFC000  }
0x33: {  	[spmem:s12] =	stream.linear.scatter [tilespmem:s18], [sflag:$0x6], $0x4000, $0x38;
	[tilespmem:$0x1DC00] =	vst v63  }
0x34: {  	_ =	swait.ge [sflag:s19], $0x4000  }
0x35: {  	[sflag:s19] =	ssyncset.done $0x0  }
0x36: {  	[sflag:s19] =	ssyncadd.s32 $0xFFFFC000  }
0x37: {  	[spmem:s13] =	stream.linear.scatter [tilespmem:s18], [sflag:$0x6], $0x3C00, $0x38;
	[tilespmem:$0x1DC00] =	vst v63  }
0x38: {  	_ =	swait.ge [sflag:s19], $0x3C00  }
0x39: {  	[sflag:s19] =	ssyncset.done $0x0  }
0x3a: {  	[sflag:s19] =	ssyncadd.s32 $0xFFFFC400  }
0x3b: {  	s29 =	simm.s32 $0x0;
	s30 =	smov.u32 s16;
	[bflag:$0x0] =	sbarrier.arrive $0xFFFF  }
.LBB2_4:
0x3c: {  	_ =	swait.ge [sflag:s20], $0x800  }
0x3d: {  	[sflag:s20] =	ssyncset.done $0x0  }
0x3e: {  	s31 =	sand.u32 $0x1, s29;
	p0 =	seq.s32 s29, $0x4;
	[sflag:s20] =	ssyncadd.s32 $0xFFFFF800  }
0x3f: {  	s0 =	sshll.u32 @!p0 s31, $0xC;
	_ =	swait.ge [sflag:s20], $0x800  }
0x40: {  	s17 =	sshrl.u32 @!p0 s30, $0x3;
	s7 =	simm.s32 @!p0 $0x0;
	[sflag:s20] =	ssyncset.done $0x0  }
0x41: {  	s3 =	sxor.u32 @!p0 $0x1000, s0;
	s4 =	sadd.s32 @!p0 s5, s17;
	[sflag:s20] =	ssyncadd.s32 $0xFFFFF800  }
0x42: {  	[tilespmem:s3], [sflag:$0x1] =	stream.linear.gather @!p0 [hbm4b:s4+s7], $0x800, $0x38;
	[tilespmem:$0x1DC00] =	vst v63  }
0x43: {  	p1 =	sne.s32 @!p0 s29, $0x0;
	s0 =	sxor.u32 @!p0 $0x1800, s0;
	s3 =	sadd.s32 @!p0 s6, s17  }
0x44: {  	[tilespmem:s0], [sflag:$0x1] =	stream.linear.gather @!p0 [hbm4b:s3+s7], $0x800, $0x38;
	[tilespmem:$0x1DC00] =	vst v63  }
0x45: {  	p0 =	por p0, p1  }
0x46: {  	s31 =	simm.s32 @!p0 $0x0  }
0x47: {  	[tilespmem:s18], [sflag:$0x2] =	stream.indirect.gather @!p0 [hbm4b:s1+s21], $0x80, s31, s21, $0xb8;
	[tilespmem:$0x1DC00] =	vst v63  }
0x48: {  	_ =	swait.ge @p0 [sflag:s24], $0x4000  }
0x49: {  	[sflag:s24] =	ssyncset.done @p0 $0x0  }
0x4a: {  	s31 =	sshll.u32 @p0 s31, $0xC;
	[sflag:s24] =	ssyncadd.s32 @p0 $0xFFFFC000  }
0x4b: {  	[tilespmem:s18], [sflag:$0x2] =	stream.indirect.gather @p0 [hbm4b:s1+s21], $0x80, s31, s21, $0xb8;
	[tilespmem:$0x1DC00] =	vst v63  }
0x4c: {  	_ =	swait.ge @p0 [sflag:s26], $0x4000  }
0x4d: {  	[sflag:s26] =	ssyncset.done @p0 $0x0  }
0x4e: {  	s7 =	sadd.s32 $0x80, s31;
	[sflag:s26] =	ssyncadd.s32 @p0 $0xFFFFC000  }
0x4f: {  	[tilespmem:s22], [sflag:$0x3] =	stream.indirect.gather [hbm4b:s1+s21], $0x80, s7, s21, $0xb8;
	[tilespmem:$0x1DC00] =	vst v63  }
0x50: {  	_ =	swait.ge [sflag:s23], $0x4000  }
0x51: {  	[sflag:s23] =	ssyncset.done $0x0  }
0x52: {  	s17 =	sadd.s32 $0x800, s31;
	[sflag:s23] =	ssyncadd.s32 $0xFFFFC000  }
0x53: {  	[spmem:s2] =	stream.indirect.scatter.add.f32 [tilespmem:s18], [sflag:$0x4], $0x80, s17, s21, $0xb8;
	[tilespmem:$0x1DC00] =	vst v63  }
0x54: {  	_ =	swait.ge [sflag:s24], $0x4000  }
0x55: {  	[sflag:s24] =	ssyncset.done $0x0  }
0x56: {  	s3 =	sadd.s32 $0x100, s31;
	[sflag:s24] =	ssyncadd.s32 $0xFFFFC000  }
0x57: {  	[tilespmem:s18], [sflag:$0x2] =	stream.indirect.gather [hbm4b:s1+s21], $0x80, s3, s21, $0xb8;
	[tilespmem:$0x1DC00] =	vst v63  }
0x58: {  	_ =	swait.ge [sflag:s25], $0x4000  }
0x59: {  	[sflag:s25] =	ssyncset.done $0x0  }
0x5a: {  	s4 =	sadd.s32 $0x880, s31;
	[sflag:s25] =	ssyncadd.s32 $0xFFFFC000  }
0x5b: {  	[spmem:s2] =	stream.indirect.scatter.add.f32 [tilespmem:s22], [sflag:$0x5], $0x80, s4, s21, $0xb8;
	[tilespmem:$0x1DC00] =	vst v63  }
0x5c: {  	_ =	swait.ge [sflag:s26], $0x4000  }
0x5d: {  	[sflag:s26] =	ssyncset.done $0x0  }
0x5e: {  	s7 =	sadd.s32 $0x180, s31;
	[sflag:s26] =	ssyncadd.s32 $0xFFFFC000  }
0x5f: {  	[tilespmem:s22], [sflag:$0x3] =	stream.indirect.gather [hbm4b:s1+s21], $0x80, s7, s21, $0xb8;
	[tilespmem:$0x1DC00] =	vst v63  }
0x60: {  	_ =	swait.ge [sflag:s23], $0x4000  }
0x61: {  	[sflag:s23] =	ssyncset.done $0x0  }
0x62: {  	s17 =	sadd.s32 $0x900, s31;
	[sflag:s23] =	ssyncadd.s32 $0xFFFFC000  }
0x63: {  	[spmem:s2] =	stream.indirect.scatter.add.f32 [tilespmem:s18], [sflag:$0x4], $0x80, s17, s21, $0xb8;
	[tilespmem:$0x1DC00] =	vst v63  }
0x64: {  	_ =	swait.ge [sflag:s24], $0x4000  }
0x65: {  	[sflag:s24] =	ssyncset.done $0x0  }
0x66: {  	s3 =	sadd.s32 $0x200, s31;
	[sflag:s24] =	ssyncadd.s32 $0xFFFFC000  }
0x67: {  	[tilespmem:s18], [sflag:$0x2] =	stream.indirect.gather [hbm4b:s1+s21], $0x80, s3, s21, $0xb8;
	[tilespmem:$0x1DC00] =	vst v63  }
0x68: {  	_ =	swait.ge [sflag:s25], $0x4000  }
0x69: {  	[sflag:s25] =	ssyncset.done $0x0  }
0x6a: {  	s4 =	sadd.s32 $0x980, s31;
	[sflag:s25] =	ssyncadd.s32 $0xFFFFC000  }
0x6b: {  	[spmem:s2] =	stream.indirect.scatter.add.f32 [tilespmem:s22], [sflag:$0x5], $0x80, s4, s21, $0xb8;
	[tilespmem:$0x1DC00] =	vst v63  }
0x6c: {  	_ =	swait.ge [sflag:s26], $0x4000  }
0x6d: {  	[sflag:s26] =	ssyncset.done $0x0  }
0x6e: {  	s7 =	sadd.s32 $0x280, s31;
	[sflag:s26] =	ssyncadd.s32 $0xFFFFC000  }
0x6f: {  	[tilespmem:s22], [sflag:$0x3] =	stream.indirect.gather [hbm4b:s1+s21], $0x80, s7, s21, $0xb8;
	[tilespmem:$0x1DC00] =	vst v63  }
0x70: {  	_ =	swait.ge [sflag:s23], $0x4000  }
0x71: {  	[sflag:s23] =	ssyncset.done $0x0  }
0x72: {  	s17 =	sadd.s32 $0xA00, s31;
	[sflag:s23] =	ssyncadd.s32 $0xFFFFC000  }
0x73: {  	[spmem:s2] =	stream.indirect.scatter.add.f32 [tilespmem:s18], [sflag:$0x4], $0x80, s17, s21, $0xb8;
	[tilespmem:$0x1DC00] =	vst v63  }
0x74: {  	_ =	swait.ge [sflag:s24], $0x4000  }
0x75: {  	[sflag:s24] =	ssyncset.done $0x0  }
0x76: {  	s3 =	sadd.s32 $0x300, s31;
	[sflag:s24] =	ssyncadd.s32 $0xFFFFC000  }
0x77: {  	[tilespmem:s18], [sflag:$0x2] =	stream.indirect.gather [hbm4b:s1+s21], $0x80, s3, s21, $0xb8;
	[tilespmem:$0x1DC00] =	vst v63  }
0x78: {  	_ =	swait.ge [sflag:s25], $0x4000  }
0x79: {  	[sflag:s25] =	ssyncset.done $0x0  }
0x7a: {  	s4 =	sadd.s32 $0xA80, s31;
	[sflag:s25] =	ssyncadd.s32 $0xFFFFC000  }
0x7b: {  	[spmem:s2] =	stream.indirect.scatter.add.f32 [tilespmem:s22], [sflag:$0x5], $0x80, s4, s21, $0xb8;
	[tilespmem:$0x1DC00] =	vst v63  }
0x7c: {  	_ =	swait.ge [sflag:s26], $0x4000  }
0x7d: {  	[sflag:s26] =	ssyncset.done $0x0  }
0x7e: {  	s7 =	sadd.s32 $0x380, s31;
	[sflag:s26] =	ssyncadd.s32 $0xFFFFC000  }
0x7f: {  	[tilespmem:s22], [sflag:$0x3] =	stream.indirect.gather [hbm4b:s1+s21], $0x80, s7, s21, $0xb8;
	[tilespmem:$0x1DC00] =	vst v63  }
0x80: {  	_ =	swait.ge [sflag:s23], $0x4000  }
0x81: {  	[sflag:s23] =	ssyncset.done $0x0  }
0x82: {  	s17 =	sadd.s32 $0xB00, s31;
	[sflag:s23] =	ssyncadd.s32 $0xFFFFC000  }
0x83: {  	[spmem:s2] =	stream.indirect.scatter.add.f32 [tilespmem:s18], [sflag:$0x4], $0x80, s17, s21, $0xb8;
	[tilespmem:$0x1DC00] =	vst v63  }
0x84: {  	_ =	swait.ge [sflag:s24], $0x4000  }
0x85: {  	[sflag:s24] =	ssyncset.done $0x0  }
0x86: {  	s3 =	sadd.s32 $0x400, s31;
	[sflag:s24] =	ssyncadd.s32 $0xFFFFC000  }
0x87: {  	[tilespmem:s18], [sflag:$0x2] =	stream.indirect.gather [hbm4b:s1+s21], $0x80, s3, s21, $0xb8;
	[tilespmem:$0x1DC00] =	vst v63  }
0x88: {  	_ =	swait.ge [sflag:s25], $0x4000  }
0x89: {  	[sflag:s25] =	ssyncset.done $0x0  }
0x8a: {  	s4 =	sadd.s32 $0xB80, s31;
	[sflag:s25] =	ssyncadd.s32 $0xFFFFC000  }
0x8b: {  	[spmem:s2] =	stream.indirect.scatter.add.f32 [tilespmem:s22], [sflag:$0x5], $0x80, s4, s21, $0xb8;
	[tilespmem:$0x1DC00] =	vst v63  }
0x8c: {  	_ =	swait.ge [sflag:s26], $0x4000  }
0x8d: {  	[sflag:s26] =	ssyncset.done $0x0  }
0x8e: {  	s7 =	sadd.s32 $0x480, s31;
	[sflag:s26] =	ssyncadd.s32 $0xFFFFC000  }
0x8f: {  	[tilespmem:s22], [sflag:$0x3] =	stream.indirect.gather [hbm4b:s1+s21], $0x80, s7, s21, $0xb8;
	[tilespmem:$0x1DC00] =	vst v63  }
0x90: {  	_ =	swait.ge [sflag:s23], $0x4000  }
0x91: {  	[sflag:s23] =	ssyncset.done $0x0  }
0x92: {  	s17 =	sadd.s32 $0xC00, s31;
	[sflag:s23] =	ssyncadd.s32 $0xFFFFC000  }
0x93: {  	[spmem:s2] =	stream.indirect.scatter.add.f32 [tilespmem:s18], [sflag:$0x4], $0x80, s17, s21, $0xb8;
	[tilespmem:$0x1DC00] =	vst v63  }
0x94: {  	_ =	swait.ge [sflag:s24], $0x4000  }
0x95: {  	[sflag:s24] =	ssyncset.done $0x0  }
0x96: {  	s3 =	sadd.s32 $0x500, s31;
	[sflag:s24] =	ssyncadd.s32 $0xFFFFC000  }
0x97: {  	[tilespmem:s18], [sflag:$0x2] =	stream.indirect.gather [hbm4b:s1+s21], $0x80, s3, s21, $0xb8;
	[tilespmem:$0x1DC00] =	vst v63  }
0x98: {  	_ =	swait.ge [sflag:s25], $0x4000  }
0x99: {  	[sflag:s25] =	ssyncset.done $0x0  }
0x9a: {  	s4 =	sadd.s32 $0xC80, s31;
	[sflag:s25] =	ssyncadd.s32 $0xFFFFC000  }
0x9b: {  	[spmem:s2] =	stream.indirect.scatter.add.f32 [tilespmem:s22], [sflag:$0x5], $0x80, s4, s21, $0xb8;
	[tilespmem:$0x1DC00] =	vst v63  }
0x9c: {  	_ =	swait.ge [sflag:s26], $0x4000  }
0x9d: {  	[sflag:s26] =	ssyncset.done $0x0  }
0x9e: {  	s7 =	sadd.s32 $0x580, s31;
	[sflag:s26] =	ssyncadd.s32 $0xFFFFC000  }
0x9f: {  	[tilespmem:s22], [sflag:$0x3] =	stream.indirect.gather [hbm4b:s1+s21], $0x80, s7, s21, $0xb8;
	[tilespmem:$0x1DC00] =	vst v63  }
0xa0: {  	_ =	swait.ge [sflag:s23], $0x4000  }
0xa1: {  	[sflag:s23] =	ssyncset.done $0x0  }
0xa2: {  	s17 =	sadd.s32 $0xD00, s31;
	[sflag:s23] =	ssyncadd.s32 $0xFFFFC000  }
0xa3: {  	[spmem:s2] =	stream.indirect.scatter.add.f32 [tilespmem:s18], [sflag:$0x4], $0x80, s17, s21, $0xb8;
	[tilespmem:$0x1DC00] =	vst v63  }
0xa4: {  	_ =	swait.ge [sflag:s24], $0x4000  }
0xa5: {  	[sflag:s24] =	ssyncset.done $0x0  }
0xa6: {  	s3 =	sadd.s32 $0x600, s31;
	[sflag:s24] =	ssyncadd.s32 $0xFFFFC000  }
0xa7: {  	[tilespmem:s18], [sflag:$0x2] =	stream.indirect.gather [hbm4b:s1+s21], $0x80, s3, s21, $0xb8;
	[tilespmem:$0x1DC00] =	vst v63  }
0xa8: {  	_ =	swait.ge [sflag:s25], $0x4000  }
0xa9: {  	[sflag:s25] =	ssyncset.done $0x0  }
0xaa: {  	s4 =	sadd.s32 $0xD80, s31;
	[sflag:s25] =	ssyncadd.s32 $0xFFFFC000  }
0xab: {  	[spmem:s2] =	stream.indirect.scatter.add.f32 [tilespmem:s22], [sflag:$0x5], $0x80, s4, s21, $0xb8;
	[tilespmem:$0x1DC00] =	vst v63  }
0xac: {  	_ =	swait.ge [sflag:s26], $0x4000  }
0xad: {  	[sflag:s26] =	ssyncset.done $0x0  }
0xae: {  	s7 =	sadd.s32 $0x680, s31;
	[sflag:s26] =	ssyncadd.s32 $0xFFFFC000  }
0xaf: {  	[tilespmem:s22], [sflag:$0x3] =	stream.indirect.gather [hbm4b:s1+s21], $0x80, s7, s21, $0xb8;
	[tilespmem:$0x1DC00] =	vst v63  }
0xb0: {  	_ =	swait.ge [sflag:s23], $0x4000  }
0xb1: {  	[sflag:s23] =	ssyncset.done $0x0  }
0xb2: {  	s17 =	sadd.s32 $0xE00, s31;
	[sflag:s23] =	ssyncadd.s32 $0xFFFFC000  }
0xb3: {  	[spmem:s2] =	stream.indirect.scatter.add.f32 [tilespmem:s18], [sflag:$0x4], $0x80, s17, s21, $0xb8;
	[tilespmem:$0x1DC00] =	vst v63  }
0xb4: {  	_ =	swait.ge [sflag:s24], $0x4000  }
0xb5: {  	[sflag:s24] =	ssyncset.done $0x0  }
0xb6: {  	s3 =	sadd.s32 $0x700, s31;
	[sflag:s24] =	ssyncadd.s32 $0xFFFFC000  }
0xb7: {  	[tilespmem:s18], [sflag:$0x2] =	stream.indirect.gather [hbm4b:s1+s21], $0x80, s3, s21, $0xb8;
	[tilespmem:$0x1DC00] =	vst v63  }
0xb8: {  	_ =	swait.ge [sflag:s25], $0x4000  }
0xb9: {  	[sflag:s25] =	ssyncset.done $0x0  }
0xba: {  	s4 =	sadd.s32 $0xE80, s31;
	[sflag:s25] =	ssyncadd.s32 $0xFFFFC000  }
0xbb: {  	[spmem:s2] =	stream.indirect.scatter.add.f32 [tilespmem:s22], [sflag:$0x5], $0x80, s4, s21, $0xb8;
	[tilespmem:$0x1DC00] =	vst v63  }
0xbc: {  	_ =	swait.ge [sflag:s26], $0x4000  }
0xbd: {  	[sflag:s26] =	ssyncset.done $0x0  }
0xbe: {  	s7 =	sadd.s32 $0x780, s31;
	[sflag:s26] =	ssyncadd.s32 $0xFFFFC000  }
0xbf: {  	[tilespmem:s22], [sflag:$0x3] =	stream.indirect.gather [hbm4b:s1+s21], $0x80, s7, s21, $0xb8;
	[tilespmem:$0x1DC00] =	vst v63  }
0xc0: {  	_ =	swait.ge [sflag:s23], $0x4000  }
0xc1: {  	s29 =	sadd.s32 $0x1, s29;
	[sflag:s23] =	ssyncset.done $0x0  }
0xc2: {  	p0 =	sne.s32 s29, $0x5;
	s17 =	sadd.s32 $0xF00, s31;
	[sflag:s23] =	ssyncadd.s32 $0xFFFFC000  }
0xc3: {  	[spmem:s2] =	stream.indirect.scatter.add.f32 [tilespmem:s18], [sflag:$0x4], $0x80, s17, s21, $0xb8;
	[tilespmem:$0x1DC00] =	vst v63  }
.Ltmp1:
0xc4: {  	_ = 	snop;
	(pc) =	sbr.rel @p0 .LBB2_4-.Ltmp1, $4  }
0xc5: {  	_ =	swait.ge [sflag:s25], $0x4000  }
0xc6: {  	[sflag:s25] =	ssyncset.done $0x0  }
0xc7: {  	s30 =	sadd.s32 $0x800, s30;
	s31 =	sadd.s32 $0xF80, s31;
	[sflag:s25] =	ssyncadd.s32 $0xFFFFC000  }
0xc8: {  	[spmem:s2] =	stream.indirect.scatter.add.f32 [tilespmem:s22], [sflag:$0x5], $0x80, s31, s21, $0xb8;
	[tilespmem:$0x1DC00] =	vst v63  }
0xc9: {  	_ =	swait.ge [sflag:s24], $0x4000  }
0xca: {  	[sflag:s24] =	ssyncset.done $0x0  }
0xcb: {  	[sflag:s24] =	ssyncadd.s32 $0xFFFFC000  }
0xcc: {  	s0 =	stileid.u32;
	_ =	swait.ge [sflag:s26], $0x4000  }
0xcd: {  	s3 =	sshrl.u32 s8, $0x3;
	s28 =	sadd.s32 $0x1, s28;
	[sflag:s26] =	ssyncset.done $0x0  }
0xce: {  	s0 =	sshll.u32 s0, $0x6;
	p0 =	sne.s32 s28, s15;
	[sflag:s26] =	ssyncadd.s32 $0xFFFFC000  }
.Ltmp2:
0xcf: {  	s0 =	sor.u32 $0x1C06, s0;
	[bflag:$0x0] =	sbarrier.arrive $0xFFFF;
	(pc) =	sbr.rel @p0 .LBB2_1-.Ltmp2, $4  }
0xd0: {  	[hbm:s14], [sflag:s0] =	dma.local [spmem:s3], $0x2780  }
0xd1: {  	_ =	swait.ge [sflag:s19], $0x2780  }
0xd2: {  	[sflag:s19] =	ssyncset.done $0x0  }
0xd3: {  	[sflag:s19] =	ssyncadd.s32 $0xFFFFD880  }
0xd4: {  	_ =	sfence.sel $0x180000  }
0xd5: {  	[bflag:$0x0] =	sbarrier.arrive $0xFFFF  }
0xd6: {  	_ =	strace $0x9000004A  }
0xd7: {  	s0 =	stileid.u32;
	[bflag:$0x2] =	sbarrier.arrive $0xFFFF  }
0xd8: {  	p0 =	sne.s32 s0, $0x0;
	s0 =	rddreg [dreg:$0x3]  }
0xd9: {  	s0 =	sadd.s32 @!p0 $0x100000, s0  }
0xda: {  	[sflag:s0] =	ssyncadd.tile.s32 @!p0 $0x1;
	_ =	shalt  }
.Lfunc_end2:
_tile_overlayer_lowered:
.L_overlay_start_2:
0xdb: {  	(tag) =	ssettag $0x2  }
0xdc: {  	s0 =	rddreg [dreg:$0x0];
	s2 =	stileid.u32  }
0xdd: {  	s1 =	rddreg [dreg:$0x1];
	p0 =	sne.s32 s2, $0x0  }
0xde: {  	s3 =	rddreg [dreg:$0x2];
	[bflag:$0x3] =	sbarrier.arrive $0xFFFF;
	s2 =	simm.s32 @!p0 $0x1C06  }
0xdf: {  	[timem:s3], [sflag:s2] =	dma.local @!p0 [hbm:s0], s1  }
0xe0: {  	s0 =	simm.s32 @!p0 $0x6  }
0xe1: {  	_ =	swait.ge @!p0 [sflag:s0], s1  }
0xe2: {  	s1 =	ssub.s32 @!p0 $0x0, s1;
	[sflag:s0] =	ssyncset.done @!p0 $0x0  }
0xe3: {  	[sflag:s0] =	ssyncadd.s32 @!p0 s1  }
0xe4: {  	[bflag:$0x3] =	sbarrier.arrive $0xFFFF  }
0xe5: {  	_ =	shalt  }

// kernel: kernel.15.cloned.1.call-start
scs
__scs_entry_jumppad:
0x0: {  	(pc) =	sbr.rel $0x88, $3  }
0x1: {  	(tag) =	ssettag $0x0;
	lr =	simm.s32 $0x1  }
0x2: {  	[smem:$0x3F9B] =	sst lr;
	_ =	strace $0xD0000000  }
0x3: {  	_ = 	snop  }
0x4: {  	_ = 	snop  }
0x5: {  	_ = 	snop  }
0x6: {  	_ = 	snop  }
0x7: {  	_ = 	snop  }
__scs_overlays_trampoline_lowered:
0x8: {  	[smem:$0x3FAA] =	sst s0  }
0x9: {  	[smem:$0x3FAB] =	sst s1  }
0xa: {  	[smem:$0x3FAC] =	sst s2  }
0xb: {  	[smem:$0x3FAD] =	sst s3  }
0xc: {  	[smem:$0x3FAE] =	sst s4  }
0xd: {  	[smem:$0x3FAF] =	sst s5  }
0xe: {  	[smem:$0x3FB0] =	sst s6  }
0xf: {  	[smem:$0x3FB1] =	sst s7  }
0x10: {  	[smem:$0x3FB2] =	sst s8  }
0x11: {  	[smem:$0x3FB3] =	sst s9;
	s0 =	simm.s32 @!p0 $0x0  }
0x12: {  	s1 =	sld [smem:$0x3F99];
	s0 =	simm.s32 @p0 $0x1  }
0x13: {  	[smem:$0x3FB4] =	sst s0;
	s0 =	simm.s32 @!p1 $0x0  }
0x14: {  	s2 =	sld [smem:$0x3F98];
	s0 =	simm.s32 @p1 $0x1  }
0x15: {  	[smem:$0x3FB5] =	sst s0;
	s0 =	simm.s32 @!p2 $0x0  }
0x16: {  	s3 =	sld [smem:$0x3FDB];
	s0 =	simm.s32 @p2 $0x1  }
0x17: {  	s4 =	simm.s32 $0x1BF5;
	[smem:$0x3FB7] =	sst s0  }
0x18: {  	s0 =	sld [smem:$0x3F9A];
	_ =	swait.ge [sflag:s4], $0x0  }
0x19: {  	s7 =	sld [smem:$0x3F9B]  }
0x1a: {  	s8 =	sadd.s32 $0xFFFFE003, lr  }
0x1b: {  	s9 =	sadd.s32 $0xFFFFFEF7, lr;
	s5 =	simm.s32 $0xFFFFFFFF;
	p2 =	slt.u32 s8, $0xFFFFF086  }
0x1c: {  	p1 =	slt.u32 s9, $0xF7A;
	s5 =	simm.s32 @!p2 $0x0  }
0x1d: {  	s5 =	simm.s32 @p1 $0x1;
	p0 =	seq.s32 s7, s2  }
0x1e: {  	s7 =	smul.u32 @!p0 $0xF7A, s2;
	p2 =	seq.s32 @!p0 s5, $0x0  }
0x1f: {  	s9 =	smul.u32 $0xF7A, s1;
	s8 =	simm.s32 @!p0 $0x1BF5;
	p2 =	por !p2, p0  }
0x20: {  	[sflag:s8] =	ssyncset.s32 @!p0 $0xFFFFF086;
	s6 =	sadd.s32 @!p0 s3, s7;
	s7 =	simm.s32 @!p0 $0x108  }
0x21: {  	s3 =	sadd.s32 s3, s9;
	s6 =	sadd.s32 @!p0 $0x88, s6;
	s7 =	simm.s32 @p2 $0x1082  }
0x22: {  	[simem:s7], [sflag:s8] =	dma.local @!p0 [hbm:s6], $0xF7A  }
0x23: {  	s9 =	sor.u32 $0xD0000000, s2;
	s6 =	simm.s32 $0x108;
	_ =	swait.ge @!p0 [sflag:s8], $0x0  }
0x24: {  	s3 =	sadd.s32 $0x88, s3;
	s6 =	simm.s32 @!p1 $0x1082;
	[sflag:s4] =	ssyncset.s32 $0xFFFFF086  }
0x25: {  	[simem:s6], [sflag:s4] =	dma.local [hbm:s3], $0xF7A  }
0x26: {  	[smem:$0x3F9B] =	sst s1;
	(tag) =	ssettag s2;
	_ =	strace s9  }
0x27: {  	s1 =	sld [smem:$0x3FAB]  }
0x28: {  	s2 =	sld [smem:$0x3FAC]  }
0x29: {  	s4 =	sld [smem:$0x3FAE]  }
0x2a: {  	p0 =	seq.s32 s5, $0x0;
	s5 =	sld [smem:$0x3FAF]  }
0x2b: {  	s6 =	sld [smem:$0x3FB0]  }
0x2c: {  	s7 =	sld [smem:$0x3FB1]  }
0x2d: {  	s3 =	simm.s32 $0x108;
	s8 =	sld [smem:$0x3FB2]  }
0x2e: {  	s3 =	simm.s32 @!p0 $0x1082;
	s9 =	sld [smem:$0x3FB3]  }
0x2f: {  	lr =	sadd.s32 s0, s3;
	s0 =	sld [smem:$0x3FAA]  }
0x30: {  	s3 =	sld [smem:$0x3FAD]  }
0x31: {  	[smem:$0x3FB6] =	sst s10  }
0x32: {  	s10 =	sld [smem:$0x3FB4];
	_ =	sdelay $0x3  }
0x33: {  	p0 =	seq.s32 s10, $0x1;
	s10 =	sld [smem:$0x3FB6];
	_ =	sdelay $0x3  }
0x34: {  	[smem:$0x3FB6] =	sst s10  }
0x35: {  	s10 =	sld [smem:$0x3FB5];
	_ =	sdelay $0x3  }
0x36: {  	p1 =	seq.s32 s10, $0x1;
	s10 =	sld [smem:$0x3FB6];
	_ =	sdelay $0x3  }
0x37: {  	[smem:$0x3FB6] =	sst s10  }
0x38: {  	s10 =	sld [smem:$0x3FB7]  }
0x39: {  	_ = 	snop;
	(pc) =	sbr.ind lr, $3  }
0x3a: {  	_ = 	snop  }
0x3b: {  	_ = 	snop  }
0x3c: {  	p2 =	seq.s32 s10, $0x1;
	s10 =	sld [smem:$0x3FB6]  }
0x3d: {  	_ =	shalt  }
0x3e: {  	_ =	shalt  }
0x3f: {  	_ =	shalt  }
0x40: {  	_ =	shalt  }
0x41: {  	_ =	shalt  }
0x42: {  	_ =	shalt  }
0x43: {  	_ =	shalt  }
0x44: {  	_ =	shalt  }
0x45: {  	_ =	shalt  }
0x46: {  	_ =	shalt  }
0x47: {  	_ =	shalt  }
0x48: {  	_ =	shalt  }
0x49: {  	_ =	shalt  }
0x4a: {  	_ =	shalt  }
0x4b: {  	_ =	shalt  }
0x4c: {  	_ =	shalt  }
0x4d: {  	_ =	shalt  }
0x4e: {  	_ =	shalt  }
0x4f: {  	_ =	shalt  }
0x50: {  	_ =	shalt  }
0x51: {  	_ =	shalt  }
0x52: {  	_ =	shalt  }
0x53: {  	_ =	shalt  }
0x54: {  	_ =	shalt  }
0x55: {  	_ =	shalt  }
0x56: {  	_ =	shalt  }
0x57: {  	_ =	shalt  }
0x58: {  	_ =	shalt  }
0x59: {  	_ =	shalt  }
0x5a: {  	_ =	shalt  }
0x5b: {  	_ =	shalt  }
0x5c: {  	_ =	shalt  }
0x5d: {  	_ =	shalt  }
0x5e: {  	_ =	shalt  }
0x5f: {  	_ =	shalt  }
0x60: {  	_ =	shalt  }
0x61: {  	_ =	shalt  }
0x62: {  	_ =	shalt  }
0x63: {  	_ =	shalt  }
0x64: {  	_ =	shalt  }
0x65: {  	_ =	shalt  }
0x66: {  	_ =	shalt  }
0x67: {  	_ =	shalt  }
0x68: {  	_ =	shalt  }
0x69: {  	_ =	shalt  }
0x6a: {  	_ =	shalt  }
0x6b: {  	_ =	shalt  }
0x6c: {  	_ =	shalt  }
0x6d: {  	_ =	shalt  }
0x6e: {  	_ =	shalt  }
0x6f: {  	_ =	shalt  }
0x70: {  	_ =	shalt  }
0x71: {  	_ =	shalt  }
0x72: {  	_ =	shalt  }
0x73: {  	_ =	shalt  }
0x74: {  	_ =	shalt  }
0x75: {  	_ =	shalt  }
0x76: {  	_ =	shalt  }
0x77: {  	_ =	shalt  }
0x78: {  	_ =	shalt  }
0x79: {  	_ =	shalt  }
0x7a: {  	_ =	shalt  }
0x7b: {  	_ =	shalt  }
0x7c: {  	_ =	shalt  }
0x7d: {  	_ =	shalt  }
0x7e: {  	_ =	shalt  }
0x7f: {  	_ =	shalt  }
0x80: {  	_ =	shalt  }
0x81: {  	_ =	shalt  }
0x82: {  	_ =	shalt  }
0x83: {  	_ =	shalt  }
0x84: {  	_ =	shalt  }
0x85: {  	_ =	shalt  }
0x86: {  	_ =	shalt  }
0x87: {  	_ =	shalt  }
.Lfunc_end0:
.L_simem_size_0:
called_computation.2_lowered:
.L_overlay_start_0:
0x88: {  	s2 =	sld [smem:$0x3FD9]  }
0x89: {  	s3 =	sld [smem:$0x3FFE];
	_ =	sdelay $0x1  }
0x8a: {  	s1 =	srdreg.scid  }
0x8b: {  	s0 =	sand.u32 $0x1, s1  }
0x8c: {  	s17 =	sshll.u32 s0, $0xA;
	s2 =	sadd.s32 s3, s2  }
0x8d: {  	s2 =	sadd.s32 s2, s17  }
0x8e: {  	[smem:$0x3FC2] =	sst s2  }
0x8f: {  	_ = 	snop  }
0x90: {  	s2 =	sld [smem:$0x3FD0];
	(tm) =	ssettm $0x1  }
0x91: {  	s18 =	sld [smem:$0x3FFB];
	_ =	sdelay $0x3  }
0x92: {  	_ =	strace s18  }
0x93: {  	s3 =	sld [smem:$0x3FFC];
	_ =	sdelay $0x3  }
0x94: {  	_ =	strace s3  }
0x95: {  	s3 =	sld [smem:$0x3FFD];
	_ =	sdelay $0x3  }
0x96: {  	_ =	strace s3  }
0x97: {  	_ =	strace $0x8FFFFFFF  }
0x98: {  	s19 =	sld [smem:$0x3FDB];
	_ =	sdelay $0x1  }
0x99: {  	s4 =	simm.s32 $_scs_section_size  }
0x9a: {  	s5 =	simm.s32 $_size__tile_overlayer_lowered;
	s6 =	simm.s32 $_tile_overlayer_lowered  }
0x9b: {  	s22 =	simm.s32 $0x1BFF;
	s21 =	sshll.u32 s6, $0x1;
	s3 =	sadd.s32 s4, s19  }
0x9c: {  	s7 =	simm.s32 $0x0;
	s20 =	sshll.u32 s5, $0x1;
	s5 =	sadd.s32 s21, s3  }
0x9d: {  	[timem:s7], [sflag:s22] =	dma.local [hbm:s5], s20  }
0x9e: {  	_ =	swait.ge [sflag:s22], s20  }
0x9f: {  	s4 =	ssub.s32 $0x0, s20;
	[sflag:s22] =	ssyncset.done $0x0  }
0xa0: {  	[sflag:s22] =	ssyncadd.s32 s4;
	_ =	sdelay $0x1  }
0xa1: {  	s23 =	simm.s32 $0x1B8B  }
0xa2: {  	_ =	swait.ge [sflag:s23], $0x1  }
0xa3: {  	[sflag:s23] =	ssyncset.done $0x0  }
0xa4: {  	s25 =	simm.s32 $0x1B8E;
	s24 =	sld [smem:$0x3FFE];
	[sflag:s23] =	ssyncadd.s32 $0xFFFFFFFF  }
0xa5: {  	s26 =	simm.s32 $execute0_lowered;
	[smem:$0x3FD2] =	sst s25  }
0xa6: {  	s5 =	sshll.u32 s26, $0x1;
	_ =	strace $0x8000004C;
	[dreg:$0x1] =	wrdreg $0xFFFFFFFF  }
0xa7: {  	s28 =	simm.s32 $_size_execute0_lowered;
	s3 =	sadd.s32 s3, s5;
	[dreg:$0x0] =	wrdreg $0x0  }
0xa8: {  	s5 =	sshll.u32 s28, $0x1;
	[dreg:$0x2] =	wrdreg s3  }
0xa9: {  	[dreg:$0x3] =	wrdreg s5  }
0xaa: {  	[dreg:$0x4] =	wrdreg $0xC0  }
0xab: {  	_ =	task [dreg:s7], $0x5FFFF  }
0xac: {  	[dreg:$0x1] =	wrdreg $0xFFFFFFFF  }
0xad: {  	[dreg:$0x0] =	wrdreg $0x60  }
0xae: {  	[dreg:$0x2] =	wrdreg s2  }
0xaf: {  	[dreg:$0x3] =	wrdreg s24  }
0xb0: {  	[dreg:$0x4] =	wrdreg $0xA0000  }
0xb1: {  	[dreg:$0x5] =	wrdreg $0x9  }
0xb2: {  	_ =	task.clear_ibuf [dreg:s7], $0x6FFFF;
	_ =	strace $0x9000004C  }
0xb3: {  	s29 =	simm.s32 $0x9;
	_ =	strace $0x8000004E  }
0xb4: {  	_ =	swait.ge [sflag:s29], $0x1  }
0xb5: {  	[sflag:s29] =	ssyncadd.s32 $0xFFFFFFFF  }
0xb6: {  	_ =	strace $0x9000004E  }
0xb7: {  	_ =	sfence  }
0xb8: {  	s30 =	sld [smem:$0x0];
	_ =	sdelay $0x2  }
0xb9: {  	s31 =	sshll.u32 s1, $0xD;
	s1 =	sshrl.u32 s1, $0x2  }
0xba: {  	s3 =	sand.u32 $0x4000, s31;
	s1 =	sadd.s32 s1, s30  }
0xbb: {  	s0 =	sor.u32 s3, s0;
	s1 =	sshll.u32 s1, $0x11  }
0xbc: {  	s0 =	sor.u32 s1, s0  }
0xbd: {  	s0 =	sadd.s32 $0x8F2B, s0  }
0xbe: {  	[sflag:s0] =	ssyncadd.remote.s32 $0x1  }
0xbf: {  	_ =	sfence.sel $0xFFFF  }
0xc0: {  	[dreg:$0x0] =	wrdreg $0xFFFFFFFF;
	(pc) =	sbr.abs _section_cstart, $3  }
0xc1: {  	[dreg:$0x1] =	wrdreg $0xFFFFFFFF  }
0xc2: {  	_ =	task.clear_ibuf [dreg:s7], $0x2FFFF;
	_ =	strace $0x9FFFFFFF  }
0xc3: {  	(tm) =	ssettm $0x7FFFFFFF  }
tec
execute0_lowered:
.L_overlay_start_1:
0x0: {  	(tag) =	ssettag $0x1  }
0x1: {  	s1 =	rddreg [dreg:$0x0]  }
0x2: {  	s7 =	rddreg [dreg:$0x1]  }
0x3: {  	s2 =	rddreg [dreg:$0x2]  }
0x4: {  	s3 =	srdreg.scid;
	s26 =	simm.s32 $0x0;
	s0 =	stileid.u32  }
0x5: {  	s18 =	simm.s32 $0x2000;
	s19 =	simm.s32 $0x6;
	s20 =	simm.s32 $0x1  }
0x6: {  	s21 =	simm.s32 $0x80;
	s22 =	simm.s32 $0x6000;
	s23 =	simm.s32 $0x2  }
0x7: {  	s24 =	simm.s32 $0x4;
	s25 =	simm.s32 $0x3;
	s28 =	simm.s32 $0x0  }
0x8: {  	s11 =	sand.u32 $0x1, s3;
	[smem:$0x7FF] =	sst s26;
	s9 =	smul.u32 $0x13C00, s0  }
0x9: {  	s5 =	sadd.s32 $0xC800, s7;
	s6 =	sadd.s32 $0x2800, s7;
	s12 =	smul.u32 $0x4F000, s0  }
0xa: {  	s29 =	sshll.u32 s0, $0x1;
	s16 =	smul.u32 $0x5000, s0;
	s26 =	simm.s32 $0x5  }
0xb: {  	s8 =	smul.u32 $0x13C000, s11;
	_ =	strace $0x8000004D;
	s10 =	ssub.s32 $0x2, s11  }
0xc: {  	s17 =	smul.u32 $0x2800, s11;
	s13 =	sshrl.u32 s10, $0x1;
	s30 =	sshrl.u32 s12, $0x2  }
0xd: {  	s8 =	sadd.s32 s9, s8;
	s9 =	sor.u32 s11, s29;
	s15 =	ssub.s32 s10, s13  }
0xe: {  	s16 =	sadd.s32 s17, s16;
	s8 =	sshrl.u32 s8, $0x3;
	s9 =	smul.u32 $0x500, s9  }
0xf: {  	s15 =	smax.u32 s15, $0x1;
	s16 =	sadd.s32 $0x800, s16;
	s14 =	sadd.s32 s8, s7  }
0x10: {  	s8 =	sadd.s32 s30, s2;
	s31 =	sadd.s32 s5, s9;
	s9 =	sadd.s32 s6, s9  }
0x11: {  	s10 =	sadd.s32 $0x4000, s8;
	s11 =	sadd.s32 $0x8000, s8;
	s12 =	sadd.s32 $0xC000, s8  }
0x12: {  	v0 =	vimm.f32 $0.0e+00;
	s13 =	sadd.s32 $0x10000, s8;
	s14 =	sadd.s32 $0x16800, s14;
	[dreg:$0x4] =	wrdreg s31  }
.LBB2_1:
0x13: {  	s0 =	simm.s32 $0x0;
	s3 =	rddreg [dreg:$0x4]  }
0x14: {  	[tilespmem:s0], [sflag:$0x1] =	stream.linear.gather [hbm4b:s3+s0], $0x800, $0x38;
	[tilespmem:$0x1DC00] =	vst v63  }
0x15: {  	s31 =	simm.s32 $0x800;
	s29 =	simm.s32 $0x0;
	s30 =	simm.s32 $0x200  }
0x16: {  	[tilespmem:s31], [sflag:$0x1] =	stream.linear.gather [hbm4b:s9+s0], $0x800, $0x38;
	[tilespmem:$0x1DC00] =	vst v63  }
.LBB2_2:
0x17: {  	p0 =	sne.s32 s30, $0xFE00;
	[tilespmem:s29+$0x2070] =	vst v0  }
0x18: {  	[tilespmem:s29+$0x2000] =	vst v0  }
0x19: {  	[tilespmem:s29+$0x2010] =	vst v0  }
.Ltmp0:
0x1a: {  	[tilespmem:s29+$0x2020] =	vst v0;
	(pc) =	sbr.rel @p0 .LBB2_2-.Ltmp0, $4  }
0x1b: {  	[tilespmem:s29+$0x2030] =	vst v0  }
0x1c: {  	[tilespmem:s29+$0x2040] =	vst v0  }
0x1d: {  	[tilespmem:s29+$0x2050] =	vst v0  }
0x1e: {  	[tilespmem:s29+$0x2060] =	vst v0;
	s29 =	sshra.s32 s30, $0x2;
	s30 =	sadd.s32 $0x200, s30  }
0x1f: {  	[tilespmem:s29+$0x2070] =	vst v0  }
0x20: {  	[tilespmem:s29+$0x2000] =	vst v0  }
0x21: {  	[tilespmem:s29+$0x2010] =	vst v0  }
0x22: {  	[tilespmem:s29+$0x2020] =	vst v0  }
0x23: {  	[tilespmem:s29+$0x2030] =	vst v0  }
0x24: {  	[tilespmem:s29+$0x2040] =	vst v0  }
0x25: {  	[tilespmem:s29+$0x2050] =	vst v0  }
0x26: {  	[tilespmem:s29+$0x2060] =	vst v0  }
0x27: {  	[spmem:s8] =	stream.linear.scatter [tilespmem:s18], [sflag:$0x6], $0x4000, $0x38;
	[tilespmem:$0x1DC00] =	vst v63  }
0x28: {  	_ =	swait.ge [sflag:s19], $0x4000  }
0x29: {  	[sflag:s19] =	ssyncset.done $0x0  }
0x2a: {  	[sflag:s19] =	ssyncadd.s32 $0xFFFFC000  }
0x2b: {  	[spmem:s10] =	stream.linear.scatter [tilespmem:s18], [sflag:$0x6], $0x4000, $0x38;
	[tilespmem:$0x1DC00] =	vst v63  }
0x2c: {  	_ =	swait.ge [sflag:s19], $0x4000  }
0x2d: {  	[sflag:s19] =	ssyncset.done $0x0  }
0x2e: {  	[sflag:s19] =	ssyncadd.s32 $0xFFFFC000  }
0x2f: {  	[spmem:s11] =	stream.linear.scatter [tilespmem:s18], [sflag:$0x6], $0x4000, $0x38;
	[tilespmem:$0x1DC00] =	vst v63  }
0x30: {  	_ =	swait.ge [sflag:s19], $0x4000  }
0x31: {  	[sflag:s19] =	ssyncset.done $0x0  }
0x32: {  	[sflag:s19] =	ssyncadd.s32 $0xFFFFC000  }
0x33: {  	[spmem:s12] =	stream.linear.scatter [tilespmem:s18], [sflag:$0x6], $0x4000, $0x38;
	[tilespmem:$0x1DC00] =	vst v63  }
0x34: {  	_ =	swait.ge [sflag:s19], $0x4000  }
0x35: {  	[sflag:s19] =	ssyncset.done $0x0  }
0x36: {  	[sflag:s19] =	ssyncadd.s32 $0xFFFFC000  }
0x37: {  	[spmem:s13] =	stream.linear.scatter [tilespmem:s18], [sflag:$0x6], $0x3C00, $0x38;
	[tilespmem:$0x1DC00] =	vst v63  }
0x38: {  	_ =	swait.ge [sflag:s19], $0x3C00  }
0x39: {  	[sflag:s19] =	ssyncset.done $0x0  }
0x3a: {  	[sflag:s19] =	ssyncadd.s32 $0xFFFFC400  }
0x3b: {  	s29 =	simm.s32 $0x0;
	s30 =	smov.u32 s16;
	[bflag:$0x0] =	sbarrier.arrive $0xFFFF  }
.LBB2_4:
0x3c: {  	_ =	swait.ge [sflag:s20], $0x800  }
0x3d: {  	[sflag:s20] =	ssyncset.done $0x0  }
0x3e: {  	s31 =	sand.u32 $0x1, s29;
	p0 =	seq.s32 s29, $0x4;
	[sflag:s20] =	ssyncadd.s32 $0xFFFFF800  }
0x3f: {  	s0 =	sshll.u32 @!p0 s31, $0xC;
	_ =	swait.ge [sflag:s20], $0x800  }
0x40: {  	s17 =	sshrl.u32 @!p0 s30, $0x3;
	s7 =	simm.s32 @!p0 $0x0;
	[sflag:s20] =	ssyncset.done $0x0  }
0x41: {  	s3 =	sxor.u32 @!p0 $0x1000, s0;
	s4 =	sadd.s32 @!p0 s5, s17;
	[sflag:s20] =	ssyncadd.s32 $0xFFFFF800  }
0x42: {  	[tilespmem:s3], [sflag:$0x1] =	stream.linear.gather @!p0 [hbm4b:s4+s7], $0x800, $0x38;
	[tilespmem:$0x1DC00] =	vst v63  }
0x43: {  	p1 =	sne.s32 @!p0 s29, $0x0;
	s0 =	sxor.u32 @!p0 $0x1800, s0;
	s3 =	sadd.s32 @!p0 s6, s17  }
0x44: {  	[tilespmem:s0], [sflag:$0x1] =	stream.linear.gather @!p0 [hbm4b:s3+s7], $0x800, $0x38;
	[tilespmem:$0x1DC00] =	vst v63  }
0x45: {  	p0 =	por p0, p1  }
0x46: {  	s31 =	simm.s32 @!p0 $0x0  }
0x47: {  	[tilespmem:s18], [sflag:$0x2] =	stream.indirect.gather @!p0 [hbm4b:s1+s21], $0x80, s31, s21, $0xb8;
	[tilespmem:$0x1DC00] =	vst v63  }
0x48: {  	_ =	swait.ge @p0 [sflag:s24], $0x4000  }
0x49: {  	[sflag:s24] =	ssyncset.done @p0 $0x0  }
0x4a: {  	s31 =	sshll.u32 @p0 s31, $0xC;
	[sflag:s24] =	ssyncadd.s32 @p0 $0xFFFFC000  }
0x4b: {  	[tilespmem:s18], [sflag:$0x2] =	stream.indirect.gather @p0 [hbm4b:s1+s21], $0x80, s31, s21, $0xb8;
	[tilespmem:$0x1DC00] =	vst v63  }
0x4c: {  	_ =	swait.ge @p0 [sflag:s26], $0x4000  }
0x4d: {  	[sflag:s26] =	ssyncset.done @p0 $0x0  }
0x4e: {  	s7 =	sadd.s32 $0x80, s31;
	[sflag:s26] =	ssyncadd.s32 @p0 $0xFFFFC000  }
0x4f: {  	[tilespmem:s22], [sflag:$0x3] =	stream.indirect.gather [hbm4b:s1+s21], $0x80, s7, s21, $0xb8;
	[tilespmem:$0x1DC00] =	vst v63  }
0x50: {  	_ =	swait.ge [sflag:s23], $0x4000  }
0x51: {  	[sflag:s23] =	ssyncset.done $0x0  }
0x52: {  	s17 =	sadd.s32 $0x800, s31;
	[sflag:s23] =	ssyncadd.s32 $0xFFFFC000  }
0x53: {  	[spmem:s2] =	stream.indirect.scatter.add.f32 [tilespmem:s18], [sflag:$0x4], $0x80, s17, s21, $0xb8;
	[tilespmem:$0x1DC00] =	vst v63  }
0x54: {  	_ =	swait.ge [sflag:s24], $0x4000  }
0x55: {  	[sflag:s24] =	ssyncset.done $0x0  }
0x56: {  	s3 =	sadd.s32 $0x100, s31;
	[sflag:s24] =	ssyncadd.s32 $0xFFFFC000  }
0x57: {  	[tilespmem:s18], [sflag:$0x2] =	stream.indirect.gather [hbm4b:s1+s21], $0x80, s3, s21, $0xb8;
	[tilespmem:$0x1DC00] =	vst v63  }
0x58: {  	_ =	swait.ge [sflag:s25], $0x4000  }
0x59: {  	[sflag:s25] =	ssyncset.done $0x0  }
0x5a: {  	s4 =	sadd.s32 $0x880, s31;
	[sflag:s25] =	ssyncadd.s32 $0xFFFFC000  }
0x5b: {  	[spmem:s2] =	stream.indirect.scatter.add.f32 [tilespmem:s22], [sflag:$0x5], $0x80, s4, s21, $0xb8;
	[tilespmem:$0x1DC00] =	vst v63  }
0x5c: {  	_ =	swait.ge [sflag:s26], $0x4000  }
0x5d: {  	[sflag:s26] =	ssyncset.done $0x0  }
0x5e: {  	s7 =	sadd.s32 $0x180, s31;
	[sflag:s26] =	ssyncadd.s32 $0xFFFFC000  }
0x5f: {  	[tilespmem:s22], [sflag:$0x3] =	stream.indirect.gather [hbm4b:s1+s21], $0x80, s7, s21, $0xb8;
	[tilespmem:$0x1DC00] =	vst v63  }
0x60: {  	_ =	swait.ge [sflag:s23], $0x4000  }
0x61: {  	[sflag:s23] =	ssyncset.done $0x0  }
0x62: {  	s17 =	sadd.s32 $0x900, s31;
	[sflag:s23] =	ssyncadd.s32 $0xFFFFC000  }
0x63: {  	[spmem:s2] =	stream.indirect.scatter.add.f32 [tilespmem:s18], [sflag:$0x4], $0x80, s17, s21, $0xb8;
	[tilespmem:$0x1DC00] =	vst v63  }
0x64: {  	_ =	swait.ge [sflag:s24], $0x4000  }
0x65: {  	[sflag:s24] =	ssyncset.done $0x0  }
0x66: {  	s3 =	sadd.s32 $0x200, s31;
	[sflag:s24] =	ssyncadd.s32 $0xFFFFC000  }
0x67: {  	[tilespmem:s18], [sflag:$0x2] =	stream.indirect.gather [hbm4b:s1+s21], $0x80, s3, s21, $0xb8;
	[tilespmem:$0x1DC00] =	vst v63  }
0x68: {  	_ =	swait.ge [sflag:s25], $0x4000  }
0x69: {  	[sflag:s25] =	ssyncset.done $0x0  }
0x6a: {  	s4 =	sadd.s32 $0x980, s31;
	[sflag:s25] =	ssyncadd.s32 $0xFFFFC000  }
0x6b: {  	[spmem:s2] =	stream.indirect.scatter.add.f32 [tilespmem:s22], [sflag:$0x5], $0x80, s4, s21, $0xb8;
	[tilespmem:$0x1DC00] =	vst v63  }
0x6c: {  	_ =	swait.ge [sflag:s26], $0x4000  }
0x6d: {  	[sflag:s26] =	ssyncset.done $0x0  }
0x6e: {  	s7 =	sadd.s32 $0x280, s31;
	[sflag:s26] =	ssyncadd.s32 $0xFFFFC000  }
0x6f: {  	[tilespmem:s22], [sflag:$0x3] =	stream.indirect.gather [hbm4b:s1+s21], $0x80, s7, s21, $0xb8;
	[tilespmem:$0x1DC00] =	vst v63  }
0x70: {  	_ =	swait.ge [sflag:s23], $0x4000  }
0x71: {  	[sflag:s23] =	ssyncset.done $0x0  }
0x72: {  	s17 =	sadd.s32 $0xA00, s31;
	[sflag:s23] =	ssyncadd.s32 $0xFFFFC000  }
0x73: {  	[spmem:s2] =	stream.indirect.scatter.add.f32 [tilespmem:s18], [sflag:$0x4], $0x80, s17, s21, $0xb8;
	[tilespmem:$0x1DC00] =	vst v63  }
0x74: {  	_ =	swait.ge [sflag:s24], $0x4000  }
0x75: {  	[sflag:s24] =	ssyncset.done $0x0  }
0x76: {  	s3 =	sadd.s32 $0x300, s31;
	[sflag:s24] =	ssyncadd.s32 $0xFFFFC000  }
0x77: {  	[tilespmem:s18], [sflag:$0x2] =	stream.indirect.gather [hbm4b:s1+s21], $0x80, s3, s21, $0xb8;
	[tilespmem:$0x1DC00] =	vst v63  }
0x78: {  	_ =	swait.ge [sflag:s25], $0x4000  }
0x79: {  	[sflag:s25] =	ssyncset.done $0x0  }
0x7a: {  	s4 =	sadd.s32 $0xA80, s31;
	[sflag:s25] =	ssyncadd.s32 $0xFFFFC000  }
0x7b: {  	[spmem:s2] =	stream.indirect.scatter.add.f32 [tilespmem:s22], [sflag:$0x5], $0x80, s4, s21, $0xb8;
	[tilespmem:$0x1DC00] =	vst v63  }
0x7c: {  	_ =	swait.ge [sflag:s26], $0x4000  }
0x7d: {  	[sflag:s26] =	ssyncset.done $0x0  }
0x7e: {  	s7 =	sadd.s32 $0x380, s31;
	[sflag:s26] =	ssyncadd.s32 $0xFFFFC000  }
0x7f: {  	[tilespmem:s22], [sflag:$0x3] =	stream.indirect.gather [hbm4b:s1+s21], $0x80, s7, s21, $0xb8;
	[tilespmem:$0x1DC00] =	vst v63  }
0x80: {  	_ =	swait.ge [sflag:s23], $0x4000  }
0x81: {  	[sflag:s23] =	ssyncset.done $0x0  }
0x82: {  	s17 =	sadd.s32 $0xB00, s31;
	[sflag:s23] =	ssyncadd.s32 $0xFFFFC000  }
0x83: {  	[spmem:s2] =	stream.indirect.scatter.add.f32 [tilespmem:s18], [sflag:$0x4], $0x80, s17, s21, $0xb8;
	[tilespmem:$0x1DC00] =	vst v63  }
0x84: {  	_ =	swait.ge [sflag:s24], $0x4000  }
0x85: {  	[sflag:s24] =	ssyncset.done $0x0  }
0x86: {  	s3 =	sadd.s32 $0x400, s31;
	[sflag:s24] =	ssyncadd.s32 $0xFFFFC000  }
0x87: {  	[tilespmem:s18], [sflag:$0x2] =	stream.indirect.gather [hbm4b:s1+s21], $0x80, s3, s21, $0xb8;
	[tilespmem:$0x1DC00] =	vst v63  }
0x88: {  	_ =	swait.ge [sflag:s25], $0x4000  }
0x89: {  	[sflag:s25] =	ssyncset.done $0x0  }
0x8a: {  	s4 =	sadd.s32 $0xB80, s31;
	[sflag:s25] =	ssyncadd.s32 $0xFFFFC000  }
0x8b: {  	[spmem:s2] =	stream.indirect.scatter.add.f32 [tilespmem:s22], [sflag:$0x5], $0x80, s4, s21, $0xb8;
	[tilespmem:$0x1DC00] =	vst v63  }
0x8c: {  	_ =	swait.ge [sflag:s26], $0x4000  }
0x8d: {  	[sflag:s26] =	ssyncset.done $0x0  }
0x8e: {  	s7 =	sadd.s32 $0x480, s31;
	[sflag:s26] =	ssyncadd.s32 $0xFFFFC000  }
0x8f: {  	[tilespmem:s22], [sflag:$0x3] =	stream.indirect.gather [hbm4b:s1+s21], $0x80, s7, s21, $0xb8;
	[tilespmem:$0x1DC00] =	vst v63  }
0x90: {  	_ =	swait.ge [sflag:s23], $0x4000  }
0x91: {  	[sflag:s23] =	ssyncset.done $0x0  }
0x92: {  	s17 =	sadd.s32 $0xC00, s31;
	[sflag:s23] =	ssyncadd.s32 $0xFFFFC000  }
0x93: {  	[spmem:s2] =	stream.indirect.scatter.add.f32 [tilespmem:s18], [sflag:$0x4], $0x80, s17, s21, $0xb8;
	[tilespmem:$0x1DC00] =	vst v63  }
0x94: {  	_ =	swait.ge [sflag:s24], $0x4000  }
0x95: {  	[sflag:s24] =	ssyncset.done $0x0  }
0x96: {  	s3 =	sadd.s32 $0x500, s31;
	[sflag:s24] =	ssyncadd.s32 $0xFFFFC000  }
0x97: {  	[tilespmem:s18], [sflag:$0x2] =	stream.indirect.gather [hbm4b:s1+s21], $0x80, s3, s21, $0xb8;
	[tilespmem:$0x1DC00] =	vst v63  }
0x98: {  	_ =	swait.ge [sflag:s25], $0x4000  }
0x99: {  	[sflag:s25] =	ssyncset.done $0x0  }
0x9a: {  	s4 =	sadd.s32 $0xC80, s31;
	[sflag:s25] =	ssyncadd.s32 $0xFFFFC000  }
0x9b: {  	[spmem:s2] =	stream.indirect.scatter.add.f32 [tilespmem:s22], [sflag:$0x5], $0x80, s4, s21, $0xb8;
	[tilespmem:$0x1DC00] =	vst v63  }
0x9c: {  	_ =	swait.ge [sflag:s26], $0x4000  }
0x9d: {  	[sflag:s26] =	ssyncset.done $0x0  }
0x9e: {  	s7 =	sadd.s32 $0x580, s31;
	[sflag:s26] =	ssyncadd.s32 $0xFFFFC000  }
0x9f: {  	[tilespmem:s22], [sflag:$0x3] =	stream.indirect.gather [hbm4b:s1+s21], $0x80, s7, s21, $0xb8;
	[tilespmem:$0x1DC00] =	vst v63  }
0xa0: {  	_ =	swait.ge [sflag:s23], $0x4000  }
0xa1: {  	[sflag:s23] =	ssyncset.done $0x0  }
0xa2: {  	s17 =	sadd.s32 $0xD00, s31;
	[sflag:s23] =	ssyncadd.s32 $0xFFFFC000  }
0xa3: {  	[spmem:s2] =	stream.indirect.scatter.add.f32 [tilespmem:s18], [sflag:$0x4], $0x80, s17, s21, $0xb8;
	[tilespmem:$0x1DC00] =	vst v63  }
0xa4: {  	_ =	swait.ge [sflag:s24], $0x4000  }
0xa5: {  	[sflag:s24] =	ssyncset.done $0x0  }
0xa6: {  	s3 =	sadd.s32 $0x600, s31;
	[sflag:s24] =	ssyncadd.s32 $0xFFFFC000  }
0xa7: {  	[tilespmem:s18], [sflag:$0x2] =	stream.indirect.gather [hbm4b:s1+s21], $0x80, s3, s21, $0xb8;
	[tilespmem:$0x1DC00] =	vst v63  }
0xa8: {  	_ =	swait.ge [sflag:s25], $0x4000  }
0xa9: {  	[sflag:s25] =	ssyncset.done $0x0  }
0xaa: {  	s4 =	sadd.s32 $0xD80, s31;
	[sflag:s25] =	ssyncadd.s32 $0xFFFFC000  }
0xab: {  	[spmem:s2] =	stream.indirect.scatter.add.f32 [tilespmem:s22], [sflag:$0x5], $0x80, s4, s21, $0xb8;
	[tilespmem:$0x1DC00] =	vst v63  }
0xac: {  	_ =	swait.ge [sflag:s26], $0x4000  }
0xad: {  	[sflag:s26] =	ssyncset.done $0x0  }
0xae: {  	s7 =	sadd.s32 $0x680, s31;
	[sflag:s26] =	ssyncadd.s32 $0xFFFFC000  }
0xaf: {  	[tilespmem:s22], [sflag:$0x3] =	stream.indirect.gather [hbm4b:s1+s21], $0x80, s7, s21, $0xb8;
	[tilespmem:$0x1DC00] =	vst v63  }
0xb0: {  	_ =	swait.ge [sflag:s23], $0x4000  }
0xb1: {  	[sflag:s23] =	ssyncset.done $0x0  }
0xb2: {  	s17 =	sadd.s32 $0xE00, s31;
	[sflag:s23] =	ssyncadd.s32 $0xFFFFC000  }
0xb3: {  	[spmem:s2] =	stream.indirect.scatter.add.f32 [tilespmem:s18], [sflag:$0x4], $0x80, s17, s21, $0xb8;
	[tilespmem:$0x1DC00] =	vst v63  }
0xb4: {  	_ =	swait.ge [sflag:s24], $0x4000  }
0xb5: {  	[sflag:s24] =	ssyncset.done $0x0  }
0xb6: {  	s3 =	sadd.s32 $0x700, s31;
	[sflag:s24] =	ssyncadd.s32 $0xFFFFC000  }
0xb7: {  	[tilespmem:s18], [sflag:$0x2] =	stream.indirect.gather [hbm4b:s1+s21], $0x80, s3, s21, $0xb8;
	[tilespmem:$0x1DC00] =	vst v63  }
0xb8: {  	_ =	swait.ge [sflag:s25], $0x4000  }
0xb9: {  	[sflag:s25] =	ssyncset.done $0x0  }
0xba: {  	s4 =	sadd.s32 $0xE80, s31;
	[sflag:s25] =	ssyncadd.s32 $0xFFFFC000  }
0xbb: {  	[spmem:s2] =	stream.indirect.scatter.add.f32 [tilespmem:s22], [sflag:$0x5], $0x80, s4, s21, $0xb8;
	[tilespmem:$0x1DC00] =	vst v63  }
0xbc: {  	_ =	swait.ge [sflag:s26], $0x4000  }
0xbd: {  	[sflag:s26] =	ssyncset.done $0x0  }
0xbe: {  	s7 =	sadd.s32 $0x780, s31;
	[sflag:s26] =	ssyncadd.s32 $0xFFFFC000  }
0xbf: {  	[tilespmem:s22], [sflag:$0x3] =	stream.indirect.gather [hbm4b:s1+s21], $0x80, s7, s21, $0xb8;
	[tilespmem:$0x1DC00] =	vst v63  }
0xc0: {  	_ =	swait.ge [sflag:s23], $0x4000  }
0xc1: {  	s29 =	sadd.s32 $0x1, s29;
	[sflag:s23] =	ssyncset.done $0x0  }
0xc2: {  	p0 =	sne.s32 s29, $0x5;
	s17 =	sadd.s32 $0xF00, s31;
	[sflag:s23] =	ssyncadd.s32 $0xFFFFC000  }
0xc3: {  	[spmem:s2] =	stream.indirect.scatter.add.f32 [tilespmem:s18], [sflag:$0x4], $0x80, s17, s21, $0xb8;
	[tilespmem:$0x1DC00] =	vst v63  }
.Ltmp1:
0xc4: {  	_ = 	snop;
	(pc) =	sbr.rel @p0 .LBB2_4-.Ltmp1, $4  }
0xc5: {  	_ =	swait.ge [sflag:s25], $0x4000  }
0xc6: {  	[sflag:s25] =	ssyncset.done $0x0  }
0xc7: {  	s30 =	sadd.s32 $0x800, s30;
	s31 =	sadd.s32 $0xF80, s31;
	[sflag:s25] =	ssyncadd.s32 $0xFFFFC000  }
0xc8: {  	[spmem:s2] =	stream.indirect.scatter.add.f32 [tilespmem:s22], [sflag:$0x5], $0x80, s31, s21, $0xb8;
	[tilespmem:$0x1DC00] =	vst v63  }
0xc9: {  	_ =	swait.ge [sflag:s24], $0x4000  }
0xca: {  	[sflag:s24] =	ssyncset.done $0x0  }
0xcb: {  	[sflag:s24] =	ssyncadd.s32 $0xFFFFC000  }
0xcc: {  	s0 =	stileid.u32;
	_ =	swait.ge [sflag:s26], $0x4000  }
0xcd: {  	s3 =	sshrl.u32 s8, $0x3;
	s28 =	sadd.s32 $0x1, s28;
	[sflag:s26] =	ssyncset.done $0x0  }
0xce: {  	s0 =	sshll.u32 s0, $0x6;
	p0 =	sne.s32 s28, s15;
	[sflag:s26] =	ssyncadd.s32 $0xFFFFC000  }
.Ltmp2:
0xcf: {  	s0 =	sor.u32 $0x1C06, s0;
	[bflag:$0x0] =	sbarrier.arrive $0xFFFF;
	(pc) =	sbr.rel @p0 .LBB2_1-.Ltmp2, $4  }
0xd0: {  	[hbm:s14], [sflag:s0] =	dma.local [spmem:s3], $0x2780  }
0xd1: {  	_ =	swait.ge [sflag:s19], $0x2780  }
0xd2: {  	[sflag:s19] =	ssyncset.done $0x0  }
0xd3: {  	[sflag:s19] =	ssyncadd.s32 $0xFFFFD880  }
0xd4: {  	_ =	sfence.sel $0x180000  }
0xd5: {  	[bflag:$0x0] =	sbarrier.arrive $0xFFFF  }
0xd6: {  	_ =	strace $0x9000004D  }
0xd7: {  	s0 =	stileid.u32;
	[bflag:$0x2] =	sbarrier.arrive $0xFFFF  }
0xd8: {  	p0 =	sne.s32 s0, $0x0;
	s0 =	rddreg [dreg:$0x3]  }
0xd9: {  	s0 =	sadd.s32 @!p0 $0x100000, s0  }
0xda: {  	[sflag:s0] =	ssyncadd.tile.s32 @!p0 $0x1;
	_ =	shalt  }
.Lfunc_end2:
_tile_overlayer_lowered:
.L_overlay_start_2:
0xdb: {  	(tag) =	ssettag $0x2  }
0xdc: {  	s0 =	rddreg [dreg:$0x0];
	s2 =	stileid.u32  }
0xdd: {  	s1 =	rddreg [dreg:$0x1];
	p0 =	sne.s32 s2, $0x0  }
0xde: {  	s3 =	rddreg [dreg:$0x2];
	[bflag:$0x3] =	sbarrier.arrive $0xFFFF;
	s2 =	simm.s32 @!p0 $0x1C06  }
0xdf: {  	[timem:s3], [sflag:s2] =	dma.local @!p0 [hbm:s0], s1  }
0xe0: {  	s0 =	simm.s32 @!p0 $0x6  }
0xe1: {  	_ =	swait.ge @!p0 [sflag:s0], s1  }
0xe2: {  	s1 =	ssub.s32 @!p0 $0x0, s1;
	[sflag:s0] =	ssyncset.done @!p0 $0x0  }
0xe3: {  	[sflag:s0] =	ssyncadd.s32 @!p0 s1  }
0xe4: {  	[bflag:$0x3] =	sbarrier.arrive $0xFFFF  }
0xe5: {  	_ =	shalt  }

// kernel: kernel.9.cloned.1.call-start
scs
__scs_entry_jumppad:
0x0: {  	(pc) =	sbr.rel $0x88, $3  }
0x1: {  	(tag) =	ssettag $0x0;
	lr =	simm.s32 $0x1  }
0x2: {  	[smem:$0x3F9B] =	sst lr;
	_ =	strace $0xD0000000  }
0x3: {  	_ = 	snop  }
0x4: {  	_ = 	snop  }
0x5: {  	_ = 	snop  }
0x6: {  	_ = 	snop  }
0x7: {  	_ = 	snop  }
__scs_overlays_trampoline_lowered:
0x8: {  	[smem:$0x3FAA] =	sst s0  }
0x9: {  	[smem:$0x3FAB] =	sst s1  }
0xa: {  	[smem:$0x3FAC] =	sst s2  }
0xb: {  	[smem:$0x3FAD] =	sst s3  }
0xc: {  	[smem:$0x3FAE] =	sst s4  }
0xd: {  	[smem:$0x3FAF] =	sst s5  }
0xe: {  	[smem:$0x3FB0] =	sst s6  }
0xf: {  	[smem:$0x3FB1] =	sst s7  }
0x10: {  	[smem:$0x3FB2] =	sst s8  }
0x11: {  	[smem:$0x3FB3] =	sst s9;
	s0 =	simm.s32 @!p0 $0x0  }
0x12: {  	s1 =	sld [smem:$0x3F99];
	s0 =	simm.s32 @p0 $0x1  }
0x13: {  	[smem:$0x3FB4] =	sst s0;
	s0 =	simm.s32 @!p1 $0x0  }
0x14: {  	s2 =	sld [smem:$0x3F98];
	s0 =	simm.s32 @p1 $0x1  }
0x15: {  	[smem:$0x3FB5] =	sst s0;
	s0 =	simm.s32 @!p2 $0x0  }
0x16: {  	s3 =	sld [smem:$0x3FDB];
	s0 =	simm.s32 @p2 $0x1  }
0x17: {  	s4 =	simm.s32 $0x1BF5;
	[smem:$0x3FB7] =	sst s0  }
0x18: {  	s0 =	sld [smem:$0x3F9A];
	_ =	swait.ge [sflag:s4], $0x0  }
0x19: {  	s7 =	sld [smem:$0x3F9B]  }
0x1a: {  	s8 =	sadd.s32 $0xFFFFE003, lr  }
0x1b: {  	s9 =	sadd.s32 $0xFFFFFEF7, lr;
	s5 =	simm.s32 $0xFFFFFFFF;
	p2 =	slt.u32 s8, $0xFFFFF086  }
0x1c: {  	p1 =	slt.u32 s9, $0xF7A;
	s5 =	simm.s32 @!p2 $0x0  }
0x1d: {  	s5 =	simm.s32 @p1 $0x1;
	p0 =	seq.s32 s7, s2  }
0x1e: {  	s7 =	smul.u32 @!p0 $0xF7A, s2;
	p2 =	seq.s32 @!p0 s5, $0x0  }
0x1f: {  	s9 =	smul.u32 $0xF7A, s1;
	s8 =	simm.s32 @!p0 $0x1BF5;
	p2 =	por !p2, p0  }
0x20: {  	[sflag:s8] =	ssyncset.s32 @!p0 $0xFFFFF086;
	s6 =	sadd.s32 @!p0 s3, s7;
	s7 =	simm.s32 @!p0 $0x108  }
0x21: {  	s3 =	sadd.s32 s3, s9;
	s6 =	sadd.s32 @!p0 $0x88, s6;
	s7 =	simm.s32 @p2 $0x1082  }
0x22: {  	[simem:s7], [sflag:s8] =	dma.local @!p0 [hbm:s6], $0xF7A  }
0x23: {  	s9 =	sor.u32 $0xD0000000, s2;
	s6 =	simm.s32 $0x108;
	_ =	swait.ge @!p0 [sflag:s8], $0x0  }
0x24: {  	s3 =	sadd.s32 $0x88, s3;
	s6 =	simm.s32 @!p1 $0x1082;
	[sflag:s4] =	ssyncset.s32 $0xFFFFF086  }
0x25: {  	[simem:s6], [sflag:s4] =	dma.local [hbm:s3], $0xF7A  }
0x26: {  	[smem:$0x3F9B] =	sst s1;
	(tag) =	ssettag s2;
	_ =	strace s9  }
0x27: {  	s1 =	sld [smem:$0x3FAB]  }
0x28: {  	s2 =	sld [smem:$0x3FAC]  }
0x29: {  	s4 =	sld [smem:$0x3FAE]  }
0x2a: {  	p0 =	seq.s32 s5, $0x0;
	s5 =	sld [smem:$0x3FAF]  }
0x2b: {  	s6 =	sld [smem:$0x3FB0]  }
0x2c: {  	s7 =	sld [smem:$0x3FB1]  }
0x2d: {  	s3 =	simm.s32 $0x108;
	s8 =	sld [smem:$0x3FB2]  }
0x2e: {  	s3 =	simm.s32 @!p0 $0x1082;
	s9 =	sld [smem:$0x3FB3]  }
0x2f: {  	lr =	sadd.s32 s0, s3;
	s0 =	sld [smem:$0x3FAA]  }
0x30: {  	s3 =	sld [smem:$0x3FAD]  }
0x31: {  	[smem:$0x3FB6] =	sst s10  }
0x32: {  	s10 =	sld [smem:$0x3FB4];
	_ =	sdelay $0x3  }
0x33: {  	p0 =	seq.s32 s10, $0x1;
	s10 =	sld [smem:$0x3FB6];
	_ =	sdelay $0x3  }
0x34: {  	[smem:$0x3FB6] =	sst s10  }
0x35: {  	s10 =	sld [smem:$0x3FB5];
	_ =	sdelay $0x3  }
0x36: {  	p1 =	seq.s32 s10, $0x1;
	s10 =	sld [smem:$0x3FB6];
	_ =	sdelay $0x3  }
0x37: {  	[smem:$0x3FB6] =	sst s10  }
0x38: {  	s10 =	sld [smem:$0x3FB7]  }
0x39: {  	_ = 	snop;
	(pc) =	sbr.ind lr, $3  }
0x3a: {  	_ = 	snop  }
0x3b: {  	_ = 	snop  }
0x3c: {  	p2 =	seq.s32 s10, $0x1;
	s10 =	sld [smem:$0x3FB6]  }
0x3d: {  	_ =	shalt  }
0x3e: {  	_ =	shalt  }
0x3f: {  	_ =	shalt  }
0x40: {  	_ =	shalt  }
0x41: {  	_ =	shalt  }
0x42: {  	_ =	shalt  }
0x43: {  	_ =	shalt  }
0x44: {  	_ =	shalt  }
0x45: {  	_ =	shalt  }
0x46: {  	_ =	shalt  }
0x47: {  	_ =	shalt  }
0x48: {  	_ =	shalt  }
0x49: {  	_ =	shalt  }
0x4a: {  	_ =	shalt  }
0x4b: {  	_ =	shalt  }
0x4c: {  	_ =	shalt  }
0x4d: {  	_ =	shalt  }
0x4e: {  	_ =	shalt  }
0x4f: {  	_ =	shalt  }
0x50: {  	_ =	shalt  }
0x51: {  	_ =	shalt  }
0x52: {  	_ =	shalt  }
0x53: {  	_ =	shalt  }
0x54: {  	_ =	shalt  }
0x55: {  	_ =	shalt  }
0x56: {  	_ =	shalt  }
0x57: {  	_ =	shalt  }
0x58: {  	_ =	shalt  }
0x59: {  	_ =	shalt  }
0x5a: {  	_ =	shalt  }
0x5b: {  	_ =	shalt  }
0x5c: {  	_ =	shalt  }
0x5d: {  	_ =	shalt  }
0x5e: {  	_ =	shalt  }
0x5f: {  	_ =	shalt  }
0x60: {  	_ =	shalt  }
0x61: {  	_ =	shalt  }
0x62: {  	_ =	shalt  }
0x63: {  	_ =	shalt  }
0x64: {  	_ =	shalt  }
0x65: {  	_ =	shalt  }
0x66: {  	_ =	shalt  }
0x67: {  	_ =	shalt  }
0x68: {  	_ =	shalt  }
0x69: {  	_ =	shalt  }
0x6a: {  	_ =	shalt  }
0x6b: {  	_ =	shalt  }
0x6c: {  	_ =	shalt  }
0x6d: {  	_ =	shalt  }
0x6e: {  	_ =	shalt  }
0x6f: {  	_ =	shalt  }
0x70: {  	_ =	shalt  }
0x71: {  	_ =	shalt  }
0x72: {  	_ =	shalt  }
0x73: {  	_ =	shalt  }
0x74: {  	_ =	shalt  }
0x75: {  	_ =	shalt  }
0x76: {  	_ =	shalt  }
0x77: {  	_ =	shalt  }
0x78: {  	_ =	shalt  }
0x79: {  	_ =	shalt  }
0x7a: {  	_ =	shalt  }
0x7b: {  	_ =	shalt  }
0x7c: {  	_ =	shalt  }
0x7d: {  	_ =	shalt  }
0x7e: {  	_ =	shalt  }
0x7f: {  	_ =	shalt  }
0x80: {  	_ =	shalt  }
0x81: {  	_ =	shalt  }
0x82: {  	_ =	shalt  }
0x83: {  	_ =	shalt  }
0x84: {  	_ =	shalt  }
0x85: {  	_ =	shalt  }
0x86: {  	_ =	shalt  }
0x87: {  	_ =	shalt  }
.Lfunc_end0:
.L_simem_size_0:
called_computation_lowered:
.L_overlay_start_0:
0x88: {  	s2 =	sld [smem:$0x3FD9]  }
0x89: {  	s3 =	sld [smem:$0x3FFE];
	_ =	sdelay $0x1  }
0x8a: {  	s1 =	srdreg.scid  }
0x8b: {  	s0 =	sand.u32 $0x1, s1  }
0x8c: {  	s16 =	sshll.u32 s0, $0xA;
	s2 =	sadd.s32 s3, s2  }
0x8d: {  	s2 =	sadd.s32 s2, s16  }
0x8e: {  	[smem:$0x3FC2] =	sst s2  }
0x8f: {  	_ = 	snop  }
0x90: {  	(tm) =	ssettm $0x1  }
0x91: {  	s17 =	sld [smem:$0x3FFB];
	_ =	sdelay $0x3  }
0x92: {  	_ =	strace s17  }
0x93: {  	s2 =	sld [smem:$0x3FFC];
	_ =	sdelay $0x3  }
0x94: {  	_ =	strace s2  }
0x95: {  	s2 =	sld [smem:$0x3FFD];
	_ =	sdelay $0x3  }
0x96: {  	_ =	strace s2  }
0x97: {  	_ =	strace $0x8FFFFFFF  }
0x98: {  	s18 =	sld [smem:$0x3FDB];
	_ =	sdelay $0x1  }
0x99: {  	s19 =	simm.s32 $_scs_section_size  }
0x9a: {  	s4 =	simm.s32 $_size__tile_overlayer_lowered;
	s5 =	simm.s32 $_tile_overlayer_lowered  }
0x9b: {  	s22 =	simm.s32 $0x1BFF;
	s21 =	sshll.u32 s5, $0x1;
	s2 =	sadd.s32 s19, s18  }
0x9c: {  	s6 =	simm.s32 $0x0;
	s20 =	sshll.u32 s4, $0x1;
	s4 =	sadd.s32 s21, s2  }
0x9d: {  	[timem:s6], [sflag:s22] =	dma.local [hbm:s4], s20  }
0x9e: {  	_ =	swait.ge [sflag:s22], s20  }
0x9f: {  	s3 =	ssub.s32 $0x0, s20;
	[sflag:s22] =	ssyncset.done $0x0  }
0xa0: {  	[sflag:s22] =	ssyncadd.s32 s3;
	_ =	sdelay $0x1  }
0xa1: {  	s23 =	simm.s32 $0x1B8B  }
0xa2: {  	_ =	swait.ge [sflag:s23], $0x1  }
0xa3: {  	[sflag:s23] =	ssyncset.done $0x0  }
0xa4: {  	s25 =	simm.s32 $0x1B8E;
	s24 =	sld [smem:$0x3FFE];
	[sflag:s23] =	ssyncadd.s32 $0xFFFFFFFF  }
0xa5: {  	s26 =	simm.s32 $execute0_lowered;
	[smem:$0x3FD2] =	sst s25  }
0xa6: {  	s4 =	sshll.u32 s26, $0x1;
	_ =	strace $0x80000046;
	[dreg:$0x1] =	wrdreg $0xFFFFFFFF  }
0xa7: {  	s28 =	simm.s32 $_size_execute0_lowered;
	s2 =	sadd.s32 s2, s4;
	[dreg:$0x0] =	wrdreg $0x0  }
0xa8: {  	s4 =	sshll.u32 s28, $0x1;
	[dreg:$0x2] =	wrdreg s2  }
0xa9: {  	[dreg:$0x3] =	wrdreg s4  }
0xaa: {  	[dreg:$0x4] =	wrdreg $0xC0  }
0xab: {  	_ =	task [dreg:s6], $0x5FFFF  }
0xac: {  	[dreg:$0x1] =	wrdreg $0xFFFFFFFF  }
0xad: {  	[dreg:$0x0] =	wrdreg $0x60  }
0xae: {  	[dreg:$0x2] =	wrdreg s24  }
0xaf: {  	[dreg:$0x3] =	wrdreg $0x68000  }
0xb0: {  	[dreg:$0x4] =	wrdreg $0x9  }
0xb1: {  	_ =	task.clear_ibuf [dreg:s6], $0x5FFFF;
	_ =	strace $0x90000046  }
0xb2: {  	s29 =	simm.s32 $0x9;
	_ =	strace $0x80000048  }
0xb3: {  	_ =	swait.ge [sflag:s29], $0x1  }
0xb4: {  	[sflag:s29] =	ssyncadd.s32 $0xFFFFFFFF  }
0xb5: {  	_ =	strace $0x90000048  }
0xb6: {  	_ =	sfence  }
0xb7: {  	s30 =	sld [smem:$0x0];
	_ =	sdelay $0x2  }
0xb8: {  	s31 =	sshll.u32 s1, $0xD;
	s1 =	sshrl.u32 s1, $0x2  }
0xb9: {  	s3 =	sand.u32 $0x4000, s31;
	s1 =	sadd.s32 s1, s30  }
0xba: {  	s0 =	sor.u32 s3, s0;
	s1 =	sshll.u32 s1, $0x11  }
0xbb: {  	s0 =	sor.u32 s1, s0  }
0xbc: {  	s0 =	sadd.s32 $0x8F2B, s0  }
0xbd: {  	[sflag:s0] =	ssyncadd.remote.s32 $0x1  }
0xbe: {  	_ =	sfence.sel $0xFFFF  }
0xbf: {  	[dreg:$0x0] =	wrdreg $0xFFFFFFFF;
	(pc) =	sbr.abs _section_cstart, $3  }
0xc0: {  	[dreg:$0x1] =	wrdreg $0xFFFFFFFF  }
0xc1: {  	_ =	task.clear_ibuf [dreg:s6], $0x2FFFF;
	_ =	strace $0x9FFFFFFF  }
0xc2: {  	(tm) =	ssettm $0x7FFFFFFF  }
0xc3: {  	_ =	shalt  }
tec
execute0_lowered:
.L_overlay_start_1:
0x0: {  	(tag) =	ssettag $0x1  }
0x1: {  	s1 =	srdreg.scid;
	s5 =	rddreg [dreg:$0x0]  }
0x2: {  	s0 =	stileid.u32;
	s2 =	rddreg [dreg:$0x1];
	s3 =	simm.s32 $0x0  }
0x3: {  	s12 =	simm.s32 $0x1;
	s13 =	simm.s32 $0x2800;
	s14 =	simm.s32 $0x80  }
0x4: {  	s17 =	simm.s32 $0x0;
	s4 =	sand.u32 $0x1, s1;
	s8 =	smul.u32 $0x13C00, s0  }
0x5: {  	s28 =	sshll.u32 s0, $0x1;
	[smem:$0x7FF] =	sst s3;
	s9 =	smul.u32 $0x4F000, s0  }
0x6: {  	s15 =	sshll.u32 s0, $0x6;
	s1 =	sor.u32 s4, s28;
	s7 =	smul.u32 $0x13C000, s4  }
0x7: {  	s29 =	ssub.s32 $0x2, s4;
	s15 =	sor.u32 $0x1C01, s15;
	s6 =	smul.u32 $0x500, s1  }
0x8: {  	s1 =	rddreg [dreg:$0x2];
	_ =	strace $0x80000047;
	s30 =	sshrl.u32 s9, $0x2  }
0x9: {  	s31 =	sshrl.u32 s29, $0x1;
	s7 =	sadd.s32 s8, s7;
	s4 =	sadd.s32 s30, s2  }
0xa: {  	s11 =	ssub.s32 s29, s31;
	s6 =	sadd.s32 s6, s5;
	s7 =	sshrl.u32 s7, $0x3  }
0xb: {  	s8 =	sadd.s32 $0xC000, s4;
	s9 =	sadd.s32 $0x10000, s4;
	s11 =	smax.u32 s11, $0x1  }
0xc: {  	s16 =	sshrl.u32 s4, $0x3;
	s10 =	sadd.s32 s7, s5;
	s5 =	sadd.s32 $0x2800, s6  }
0xd: {  	v0 =	vimm.f32 $0.0e+00;
	v1 =	vimm.f32 $1.000000000e+00;
	s6 =	sadd.s32 $0x4000, s4;
	s7 =	sadd.s32 $0x8000, s4;
	s10 =	sadd.s32 $0x16800, s10  }
.LBB2_1:
0xe: {  	[tilespmem:s3], [sflag:$0x1] =	stream.linear.gather [hbm4b:s5+s3], $0x2800, $0x38;
	[tilespmem:$0x1A400] =	vst v63  }
0xf: {  	_ =	swait.ge [sflag:s12], $0x2800  }
0x10: {  	[sflag:s12] =	ssyncset.done $0x0  }
0x11: {  	s18 =	simm.s32 $0x0;
	s19 =	simm.s32 $0x200;
	[sflag:s12] =	ssyncadd.s32 $0xFFFFD800  }
.LBB2_2:
0x12: {  	p0 =	sne.s32 s19, $0xFE00;
	[tilespmem:s18+$0x2870] =	vst v0  }
0x13: {  	[tilespmem:s18+$0x2800] =	vst v0  }
0x14: {  	[tilespmem:s18+$0x2810] =	vst v0  }
.Ltmp0:
0x15: {  	[tilespmem:s18+$0x2820] =	vst v0;
	(pc) =	sbr.rel @p0 .LBB2_2-.Ltmp0, $4  }
0x16: {  	[tilespmem:s18+$0x2830] =	vst v0  }
0x17: {  	[tilespmem:s18+$0x2840] =	vst v0  }
0x18: {  	[tilespmem:s18+$0x2850] =	vst v0  }
0x19: {  	[tilespmem:s18+$0x2860] =	vst v0;
	s18 =	sshra.s32 s19, $0x2;
	s19 =	sadd.s32 $0x200, s19  }
0x1a: {  	[tilespmem:s18+$0x2870] =	vst v0  }
0x1b: {  	[tilespmem:s18+$0x2800] =	vst v0  }
0x1c: {  	[tilespmem:s18+$0x2810] =	vst v0  }
0x1d: {  	[tilespmem:s18+$0x2820] =	vst v0  }
0x1e: {  	[tilespmem:s18+$0x2830] =	vst v0  }
0x1f: {  	[tilespmem:s18+$0x2840] =	vst v0  }
0x20: {  	[tilespmem:s18+$0x2850] =	vst v0  }
0x21: {  	[tilespmem:s18+$0x2860] =	vst v0  }
0x22: {  	[spmem:s4] =	stream.linear.scatter [tilespmem:s13], [sflag:$0x1], $0x4000, $0x38;
	[tilespmem:$0x1A400] =	vst v63  }
0x23: {  	_ =	swait.ge [sflag:s12], $0x4000  }
0x24: {  	[sflag:s12] =	ssyncset.done $0x0  }
0x25: {  	[sflag:s12] =	ssyncadd.s32 $0xFFFFC000  }
0x26: {  	[spmem:s6] =	stream.linear.scatter [tilespmem:s13], [sflag:$0x1], $0x4000, $0x38;
	[tilespmem:$0x1A400] =	vst v63  }
0x27: {  	_ =	swait.ge [sflag:s12], $0x4000  }
0x28: {  	[sflag:s12] =	ssyncset.done $0x0  }
0x29: {  	[sflag:s12] =	ssyncadd.s32 $0xFFFFC000  }
0x2a: {  	[spmem:s7] =	stream.linear.scatter [tilespmem:s13], [sflag:$0x1], $0x4000, $0x38;
	[tilespmem:$0x1A400] =	vst v63  }
0x2b: {  	_ =	swait.ge [sflag:s12], $0x4000  }
0x2c: {  	[sflag:s12] =	ssyncset.done $0x0  }
0x2d: {  	[sflag:s12] =	ssyncadd.s32 $0xFFFFC000  }
0x2e: {  	[spmem:s8] =	stream.linear.scatter [tilespmem:s13], [sflag:$0x1], $0x4000, $0x38;
	[tilespmem:$0x1A400] =	vst v63  }
0x2f: {  	_ =	swait.ge [sflag:s12], $0x4000  }
0x30: {  	[sflag:s12] =	ssyncset.done $0x0  }
0x31: {  	[sflag:s12] =	ssyncadd.s32 $0xFFFFC000  }
0x32: {  	[spmem:s9] =	stream.linear.scatter [tilespmem:s13], [sflag:$0x1], $0x3C00, $0x38;
	[tilespmem:$0x1A400] =	vst v63  }
0x33: {  	_ =	swait.ge [sflag:s12], $0x3C00  }
0x34: {  	[sflag:s12] =	ssyncset.done $0x0  }
0x35: {  	s18 =	simm.s32 $0x0;
	s19 =	simm.s32 $0x200;
	[sflag:s12] =	ssyncadd.s32 $0xFFFFC400  }
.LBB2_4:
0x36: {  	p0 =	sne.s32 s19, $0xFE00;
	[tilespmem:s18+$0x2870] =	vst v1  }
0x37: {  	[tilespmem:s18+$0x2800] =	vst v1  }
0x38: {  	[tilespmem:s18+$0x2810] =	vst v1  }
.Ltmp1:
0x39: {  	[tilespmem:s18+$0x2820] =	vst v1;
	(pc) =	sbr.rel @p0 .LBB2_4-.Ltmp1, $4  }
0x3a: {  	[tilespmem:s18+$0x2830] =	vst v1  }
0x3b: {  	[tilespmem:s18+$0x2840] =	vst v1  }
0x3c: {  	[tilespmem:s18+$0x2850] =	vst v1  }
0x3d: {  	[tilespmem:s18+$0x2860] =	vst v1;
	s18 =	sshra.s32 s19, $0x2;
	s19 =	sadd.s32 $0x200, s19  }
0x3e: {  	[tilespmem:s18+$0x2870] =	vst v1  }
0x3f: {  	[tilespmem:s18+$0x2800] =	vst v1  }
0x40: {  	[tilespmem:s18+$0x2810] =	vst v1  }
0x41: {  	[tilespmem:s18+$0x2820] =	vst v1  }
0x42: {  	[tilespmem:s18+$0x2830] =	vst v1  }
0x43: {  	[tilespmem:s18+$0x2840] =	vst v1  }
0x44: {  	[tilespmem:s18+$0x2850] =	vst v1  }
0x45: {  	[tilespmem:s18+$0x2860] =	vst v1  }
0x46: {  	s31 =	simm.s32 $0x0;
	[bflag:$0x0] =	sbarrier.arrive $0xFFFF  }
0x47: {  	[spmem:s2] =	stream.indirect.scatter.add.f32 [tilespmem:s13], [sflag:$0x1], $0x80, s31, s14, $0xb8;
	[tilespmem:$0x1A400] =	vst v63  }
0x48: {  	_ =	swait.ge [sflag:s12], $0x4000  }
0x49: {  	s18 =	simm.s32 $0x200;
	[sflag:s12] =	ssyncset.done $0x0  }
.LBB2_6:
0x4a: {  	s19 =	sshra.s32 s18, $0x2;
	[sflag:s12] =	ssyncadd.s32 $0xFFFFC000;
	p0 =	sne.s32 s18, $0x9E00  }
0x4b: {  	[spmem:s2] =	stream.indirect.scatter.add.f32 [tilespmem:s13], [sflag:$0x1], $0x80, s19, s14, $0xb8;
	[tilespmem:$0x1A400] =	vst v63  }
.Ltmp2:
0x4c: {  	_ = 	snop;
	(pc) =	sbr.rel @p0 .LBB2_6-.Ltmp2, $4  }
0x4d: {  	_ = 	snop  }
0x4e: {  	s18 =	sadd.s32 $0x200, s18  }
0x4f: {  	_ =	swait.ge [sflag:s12], $0x4000  }
0x50: {  	[sflag:s12] =	ssyncset.done $0x0  }
0x51: {  	s17 =	sadd.s32 $0x1, s17  }
0x52: {  	[sflag:s12] =	ssyncadd.s32 $0xFFFFC000;
	p0 =	sne.s32 s17, s11  }
.Ltmp3:
0x53: {  	[bflag:$0x0] =	sbarrier.arrive $0xFFFF;
	(pc) =	sbr.rel @p0 .LBB2_1-.Ltmp3, $4  }
0x54: {  	[hbm:s10], [sflag:s15] =	dma.local [spmem:s16], $0x2780  }
0x55: {  	_ =	swait.ge [sflag:s12], $0x2780  }
0x56: {  	[sflag:s12] =	ssyncset.done $0x0  }
0x57: {  	[sflag:s12] =	ssyncadd.s32 $0xFFFFD880  }
0x58: {  	_ =	sfence.sel $0x180000  }
0x59: {  	[bflag:$0x0] =	sbarrier.arrive $0xFFFF  }
0x5a: {  	p0 =	sne.s32 s0, $0x0;
	_ =	strace $0x90000047  }
0x5b: {  	s0 =	sadd.s32 @!p0 $0x100000, s1;
	[bflag:$0x2] =	sbarrier.arrive $0xFFFF  }
0x5c: {  	[sflag:s0] =	ssyncadd.tile.s32 @!p0 $0x1;
	_ =	shalt  }
.Lfunc_end2:
_tile_overlayer_lowered:
.L_overlay_start_2:
0x5d: {  	(tag) =	ssettag $0x2  }
0x5e: {  	s0 =	rddreg [dreg:$0x0];
	s2 =	stileid.u32  }
0x5f: {  	s1 =	rddreg [dreg:$0x1];
	p0 =	sne.s32 s2, $0x0  }
0x60: {  	s3 =	rddreg [dreg:$0x2];
	[bflag:$0x3] =	sbarrier.arrive $0xFFFF;
	s2 =	simm.s32 @!p0 $0x1C01  }
0x61: {  	[timem:s3], [sflag:s2] =	dma.local @!p0 [hbm:s0], s1  }
0x62: {  	s0 =	simm.s32 @!p0 $0x1  }
0x63: {  	_ =	swait.ge @!p0 [sflag:s0], s1  }
0x64: {  	s1 =	ssub.s32 @!p0 $0x0, s1;
	[sflag:s0] =	ssyncset.done @!p0 $0x0  }
0x65: {  	[sflag:s0] =	ssyncadd.s32 @!p0 s1  }
0x66: {  	[bflag:$0x3] =	sbarrier.arrive $0xFFFF  }
0x67: {  	_ =	shalt  }

</sc_bundles>
